<compile_context>
chip_gen: v7x
topology: tpu7x:2x2x1
jax: 0.10.2.dev20260603
libtpu: 0.0.44.dev20260713+nightly
codegen_flags: <defaults>
</compile_context>

<pallas_src>
import functools

import jax
import jax.numpy as jnp
from jax import lax
from jax.experimental import pallas as pl
from jax.experimental.pallas import tpu as pltpu
from jax.experimental.pallas import tpu_sc as plsc

N_NODES = 10000
N_PAD = 10240
N_EDGES = 320000
D_IN = 128
D_LAT = 64

NC, NS, L = 2, 16, 16
NW = NC * NS

E_PER_TILE = 10240
E_PAD = NW * E_PER_TILE
C = 80
NBUF = 2
E_BLOCK = 2 * E_PER_TILE
N_CHUNK0 = 208
N_CHUNK1 = E_BLOCK // C - N_CHUNK0

DEG_G = 128
DEG_CHUNK = 2000
E_PER_TILE_DEG = N_EDGES // NS

_mesh = functools.partial(
    plsc.VectorSubcoreMesh, core_axis_name="c", subcore_axis_name="s",
    num_cores=NC, num_subcores=NS)


@functools.partial(
    pl.kernel,
    out_type=jax.ShapeDtypeStruct((N_PAD,), jnp.float32),
    mesh=_mesh(),
    compiler_params=pltpu.CompilerParams(needs_layout_passes=False),
    scratch_types=[
        pltpu.VMEM((N_PAD,), jnp.float32),
        pltpu.VMEM((DEG_CHUNK,), jnp.int32),
        pltpu.VMEM((N_PAD // DEG_G, DEG_G), jnp.int32),
        pltpu.VMEM((N_PAD // NW,), jnp.float32),
        pltpu.VMEM_SHARED((N_PAD,), jnp.float32),
    ],
)
def _deg_dinv(dst_hbm, dinv_hbm, deg_v, stage_v, idx_v, slice_v, shared):
    c = lax.axis_index("c")
    s = lax.axis_index("s")
    zeros16 = jnp.zeros((L,), jnp.float32)
    ones16 = jnp.ones((L,), jnp.float32)
    iota16 = lax.iota(jnp.int32, L)
    n_slice = N_PAD // NW

    def zero_body(i, _):
        deg_v[pl.ds(i * L, L)] = zeros16
        return 0
    lax.fori_loop(0, N_PAD // L, zero_body, 0)
    def iota_body(i, _):
        idx_v[i >> 3, pl.ds((i & 7) * L, L)] = iota16 + i * L
        return 0
    lax.fori_loop(0, N_PAD // L, iota_body, 0)

    @pl.when(s == 0)
    def _():
        pltpu.sync_copy(deg_v, shared)
    plsc.subcore_barrier()

    def chunk_body(k, _):
        pltpu.sync_copy(
            dst_hbm.at[pl.ds(s * E_PER_TILE_DEG + k * DEG_CHUNK, DEG_CHUNK)],
            stage_v)
        def vec_body(j, _):
            d = stage_v[pl.ds(j * L, L)]
            plsc.addupdate_scatter(deg_v, [d], ones16)
            return 0
        lax.fori_loop(0, DEG_CHUNK // L, vec_body, 0)
        return 0
    lax.fori_loop(0, E_PER_TILE_DEG // DEG_CHUNK, chunk_body, 0)

    for g in range(N_PAD // DEG_G):
        pltpu.sync_copy(deg_v.at[pl.ds(g * DEG_G, DEG_G)],
                        shared.at[idx_v.at[g]], add=True)
    plsc.subcore_barrier()

    w = c * NS + s
    pltpu.sync_copy(shared.at[pl.ds(w * n_slice, n_slice)], slice_v)
    def newton_body(j, _):
        d = slice_v[pl.ds(j * L, L)] + 1.0
        i = plsc.bitcast(d, jnp.int32)
        i = jnp.int32(0x5F3759DF) - lax.shift_right_logical(i, 1)
        y = plsc.bitcast(i, jnp.float32)
        for _ in range(4):
            y = y * (1.5 - 0.5 * d * y * y)
        slice_v[pl.ds(j * L, L)] = y
        return 0
    lax.fori_loop(0, n_slice // L, newton_body, 0)
    pltpu.sync_copy(slice_v, dinv_hbm.at[pl.ds(w * n_slice, n_slice)])


def _make_agg(D):
    rows_per_tile = N_PAD // NS

    @functools.partial(
        pl.kernel,
        out_type=jax.ShapeDtypeStruct((NC * N_PAD, D), jnp.float32),
        mesh=_mesh(),
        compiler_params=pltpu.CompilerParams(
            needs_layout_passes=False, use_tc_tiling_on_sc=False),
        scratch_types=(
            [pltpu.VMEM((N_CHUNK0 * C,), jnp.int32)]
            + [pltpu.VMEM((C,), jnp.int32) for _ in range(NBUF)]
            + [pltpu.VMEM((C, D), jnp.float32) for _ in range(NBUF)]
            + [pltpu.VMEM_SHARED((N_PAD, D), jnp.float32)]
            + [pltpu.SemaphoreType.DMA for _ in range(2 * NBUF)]
        ),
    )
    def agg(q_hbm, src_hbm, dst_hbm, out_hbm, srcall_v, *rest):
        dst_bufs = rest[:NBUF]
        row_bufs = rest[NBUF:2 * NBUF]
        acc = rest[2 * NBUF]
        isems = rest[2 * NBUF + 1:2 * NBUF + 1 + NBUF]
        gsems = rest[2 * NBUF + 1 + NBUF:]
        c = lax.axis_index("c")
        s = lax.axis_index("s")
        zeros16 = jnp.zeros((L,), jnp.float32)

        def zero_body(i, _):
            row_bufs[0][i >> 3, pl.ds((i & 7) * L, L)] = zeros16
            return 0
        lax.fori_loop(0, C * D // L, zero_body, 0)
        def zacc_body(j, _):
            pltpu.sync_copy(
                row_bufs[0], acc.at[pl.ds(s * rows_per_tile + j * C, C), :])
            return 0
        lax.fori_loop(0, rows_per_tile // C, zacc_body, 0)
        plsc.subcore_barrier()

        def pipeline(base, n_chunks):
            pltpu.sync_copy(src_hbm.at[pl.ds(base, n_chunks * C)],
                            srcall_v.at[pl.ds(0, n_chunks * C)])
            for b in range(NBUF):
                pltpu.async_copy(
                    dst_hbm.at[pl.ds(base + b * C, C)], dst_bufs[b], isems[b])
                pltpu.async_copy(
                    q_hbm.at[srcall_v.at[pl.ds(b * C, C)]],
                    row_bufs[b], gsems[b])

            def group_body(p, _):
                for b in range(NBUF):
                    k = NBUF * p + b
                    pltpu.make_async_copy(
                        dst_hbm.at[pl.ds(base + k * C, C)],
                        dst_bufs[b], isems[b]).wait()
                    pltpu.make_async_copy(
                        q_hbm.at[srcall_v.at[pl.ds(k * C, C)]],
                        row_bufs[b], gsems[b]).wait()
                    pltpu.sync_copy(row_bufs[b], acc.at[dst_bufs[b]],
                                    add=True)
                    @pl.when(k + NBUF < n_chunks)
                    def _():
                        pltpu.async_copy(
                            dst_hbm.at[pl.ds(base + (k + NBUF) * C, C)],
                            dst_bufs[b], isems[b])
                        pltpu.async_copy(
                            q_hbm.at[srcall_v.at[pl.ds((k + NBUF) * C, C)]],
                            row_bufs[b], gsems[b])
                return 0
            lax.fori_loop(0, n_chunks // NBUF, group_body, 0)

        @pl.when(c == 0)
        def _():
            pipeline(s * E_BLOCK, N_CHUNK0)
        @pl.when(c == 1)
        def _():
            pipeline(s * E_BLOCK + N_CHUNK0 * C, N_CHUNK1)
        plsc.subcore_barrier()

        pltpu.sync_copy(
            acc.at[pl.ds(s * rows_per_tile, rows_per_tile), :],
            out_hbm.at[pl.ds(c * N_PAD + s * rows_per_tile, rows_per_tile), :])

    return agg


_agg_128 = _make_agg(2 * D_LAT)


BLK = 512
_GRID = N_PAD // BLK


def _tc_lin1(x, W1, dinv):
    def body(x_ref, w_ref, dv_ref, o_ref):
        p = jnp.dot(x_ref[...], w_ref[...],
                    preferred_element_type=jnp.float32)
        o_ref[...] = p * dv_ref[...]
    return pl.pallas_call(
        body,
        grid=(_GRID,),
        in_specs=[
            pl.BlockSpec((BLK, D_IN), lambda i: (i, 0)),
            pl.BlockSpec((D_IN, 2 * D_LAT), lambda i: (0, 0)),
            pl.BlockSpec((BLK, 1), lambda i: (i, 0)),
        ],
        out_specs=pl.BlockSpec((BLK, 2 * D_LAT), lambda i: (i, 0)),
        out_shape=jax.ShapeDtypeStruct((N_PAD, 2 * D_LAT), jnp.float32),
    )(x, W1, dinv)


def _tc_mid(S1, Q1, dinv, b1, W2):
    def body(s_ref, q_ref, dv_ref, b_ref, w_ref, o_ref):
        h = (s_ref[0] + s_ref[1] + q_ref[...]) * dv_ref[...] + b_ref[...]
        h = jnp.maximum(h, 0.0)
        p = jnp.dot(h, w_ref[...], preferred_element_type=jnp.float32)
        o_ref[...] = jnp.concatenate(
            [p * dv_ref[...], jnp.zeros((BLK, D_LAT), jnp.float32)], axis=1)
    return pl.pallas_call(
        body,
        grid=(_GRID,),
        in_specs=[
            pl.BlockSpec((NC, BLK, 2 * D_LAT), lambda i: (0, i, 0)),
            pl.BlockSpec((BLK, 2 * D_LAT), lambda i: (i, 0)),
            pl.BlockSpec((BLK, 1), lambda i: (i, 0)),
            pl.BlockSpec((1, 2 * D_LAT), lambda i: (0, 0)),
            pl.BlockSpec((2 * D_LAT, D_LAT), lambda i: (0, 0)),
        ],
        out_specs=pl.BlockSpec((BLK, 2 * D_LAT), lambda i: (i, 0)),
        out_shape=jax.ShapeDtypeStruct((N_PAD, 2 * D_LAT), jnp.float32),
    )(S1, Q1, dinv, b1, W2)


def _tc_fin(S2, Q2, dinv, b2, Wlin, blin):
    def body(s_ref, q_ref, dv_ref, b_ref, w_ref, bl_ref, o_ref):
        agg = (s_ref[0] + s_ref[1] + q_ref[...])[:, :D_LAT]
        h = agg * dv_ref[...] + b_ref[...]
        h = jnp.maximum(h, 0.0)
        o_ref[...] = jnp.dot(h, w_ref[...],
                             preferred_element_type=jnp.float32) + bl_ref[...]
    return pl.pallas_call(
        body,
        grid=(_GRID,),
        in_specs=[
            pl.BlockSpec((NC, BLK, 2 * D_LAT), lambda i: (0, i, 0)),
            pl.BlockSpec((BLK, 2 * D_LAT), lambda i: (i, 0)),
            pl.BlockSpec((BLK, 1), lambda i: (i, 0)),
            pl.BlockSpec((1, D_LAT), lambda i: (0, 0)),
            pl.BlockSpec((D_LAT, D_IN), lambda i: (0, 0)),
            pl.BlockSpec((1, D_IN), lambda i: (0, 0)),
        ],
        out_specs=pl.BlockSpec((BLK, D_IN), lambda i: (i, 0)),
        out_shape=jax.ShapeDtypeStruct((N_PAD, D_IN), jnp.float32),
    )(S2, Q2, dinv, b2, Wlin, blin)


@jax.jit
def kernel(x, edge_index, W1, b1, W2, b2, Wlin, blin):
    src = edge_index[0].astype(jnp.int32)
    dst = edge_index[1].astype(jnp.int32)
    pad_e = E_PAD - N_EDGES
    src_p = jnp.pad(src, (0, pad_e), constant_values=N_PAD - 1)
    pad_dst = N_NODES + (jnp.arange(pad_e, dtype=jnp.int32) % (N_PAD - N_NODES))
    dst_p = jnp.concatenate([dst, pad_dst])
    x_p = jnp.pad(x, ((0, N_PAD - N_NODES), (0, 0)))

    dinv = _deg_dinv(dst).reshape(N_PAD, 1)

    q1 = _tc_lin1(x_p, W1, dinv)
    s1 = _agg_128(q1, src_p, dst_p).reshape(NC, N_PAD, 2 * D_LAT)
    q2 = _tc_mid(s1, q1, dinv, b1.reshape(1, -1), W2)
    s2 = _agg_128(q2, src_p, dst_p).reshape(NC, N_PAD, 2 * D_LAT)
    out = _tc_fin(s2, q2, dinv, b2.reshape(1, -1), Wlin, blin.reshape(1, -1))
    return out[:N_NODES]

# --- scband reference (transcript-rebuilt; emitter-appended) ---
"""Pipeline reference for scband-graph-model-32152125177955 (READ-ONLY COPY).

The authoritative reference and input builder live on the scoring server;
editing this copy changes nothing except your own understanding.
"""

import jax, jax.numpy as jnp
import numpy as np

N_NODES = 10000
N_EDGES = 320000
D_IN = 128
D_LAT = 64

def setup_inputs(seed: int = 0) -> dict:
    key = jax.random.key(seed)
    ks = jax.random.split(key, 8)
    x = jax.random.normal(ks[0], (N_NODES, D_IN), dtype=jnp.float32)
    edge_index = jax.random.randint(ks[1], (2, N_EDGES), 0, N_NODES, dtype=jnp.int64)
    W1 = jax.random.normal(ks[2], (D_IN, 2 * D_LAT), dtype=jnp.float32) * (1.0 / np.sqrt(D_IN))
    b1 = jnp.zeros((2 * D_LAT,), dtype=jnp.float32)
    W2 = jax.random.normal(ks[3], (2 * D_LAT, D_LAT), dtype=jnp.float32) * (1.0 / np.sqrt(2 * D_LAT))
    b2 = jnp.zeros((D_LAT,), dtype=jnp.float32)
    Wlin = jax.random.normal(ks[4], (D_LAT, D_IN), dtype=jnp.float32) * (1.0 / np.sqrt(D_LAT))
    blin = jnp.zeros((D_IN,), dtype=jnp.float32)
    return {"x": x, "edge_index": edge_index, "W1": W1, "b1": b1, "W2": W2, "b2": b2, "Wlin": Wlin, "blin": blin}

def _gcn_conv(x, edge_index, W, b, num_nodes):
    # PyG GCNConv: linear transform, add self-loops, symmetric norm, scatter-add, + bias
    x = x @ W
    loop = jnp.arange(num_nodes, dtype=edge_index.dtype)
    src = jnp.concatenate([edge_index[0], loop])
    dst = jnp.concatenate([edge_index[1], loop])
    deg = jnp.zeros((num_nodes,), dtype=x.dtype).at[dst].add(1.0)
    dinv = jnp.where(deg > 0, deg ** -0.5, 0.0)
    norm = dinv[src] * dinv[dst]
    msg = x[src] * norm[:, None]
    out = jnp.zeros((num_nodes, x.shape[1]), dtype=x.dtype).at[dst].add(msg)
    return out + b

def reference(x, edge_index, W1, b1, W2, b2, Wlin, blin):
    n = x.shape[0]
    h = _gcn_conv(x, edge_index, W1, b1, n)
    h = jax.nn.relu(h)
    # dropout p=0.0 / eval mode -> identity
    h = _gcn_conv(h, edge_index, W2, b2, n)
    h = jax.nn.relu(h)
    out = h @ Wlin + blin
    return out

if __name__ == "__main__":
    import jax
    _d = setup_inputs()
    print(jax.jit(kernel)(*tuple(_d.values())))

</pallas_src>

<mosaic_0001>
#map = affine_map<(d0, d1) -> (0, 0)>
#map1 = affine_map<(d0, d1) -> (0)>
module attributes {stable_mosaic.version = 14 : i64} {
  func.func @agg(%arg0: i32, %arg1: i32, %arg2: memref<10240x128xf32, #tpu.memory_space<hbm>>, %arg3: memref<327680xi32, #tpu.memory_space<hbm>>, %arg4: memref<327680xi32, #tpu.memory_space<hbm>>, %arg5: memref<20480x128xf32, #tpu.memory_space<hbm>>, %arg6: memref<16640xi32, #tpu.memory_space<vmem>>, %arg7: memref<80xi32, #tpu.memory_space<vmem>>, %arg8: memref<80xi32, #tpu.memory_space<vmem>>, %arg9: memref<80x128xf32, #tpu.memory_space<vmem>>, %arg10: memref<80x128xf32, #tpu.memory_space<vmem>>, %arg11: memref<10240x128xf32, #tpu.memory_space<vmem_shared>>, %arg12: memref<!tpu.dma_semaphore, #tpu.memory_space<semaphore_mem>>, %arg13: memref<!tpu.dma_semaphore, #tpu.memory_space<semaphore_mem>>, %arg14: memref<!tpu.dma_semaphore, #tpu.memory_space<semaphore_mem>>, %arg15: memref<!tpu.dma_semaphore, #tpu.memory_space<semaphore_mem>>) attributes {dimension_semantics = [#tpu.dimension_semantics<core_parallel>, #tpu.dimension_semantics<subcore_parallel>], iteration_bounds = array<i64: 2, 16>, scalar_prefetch = 0 : i64, scratch_operands = 10 : i64, tpu.core_type = #tpu.core_type<sc_vector_subcore>, window_params = [{transform_indices = #map}, {transform_indices = #map1}, {transform_indices = #map1}, {transform_indices = #map}]} {
    %broadcast_in_dim3A = arith.constant 0.000000e+00 : f32
    %broadcast_in_dim3A_0 = vector.broadcast %broadcast_in_dim3A : f32 to vector<16xf32>
    %scan3A = arith.constant 0 : i32
    %scan3A_1 = arith.constant 0 : i32
    %scan3A_2 = arith.constant 640 : i32
    %scan3A_3 = arith.addi %scan3A_1, %scan3A_2 : i32
    %scan3A_4 = arith.constant 1 : i32
    %scan3A_5 = scf.for %scan3A_27 = %scan3A_1 to %scan3A_3 step %scan3A_4 iter_args(%scan3A_28 = %scan3A) -> (i32)  : i32 {
      %shift_right_arithmetic3A = arith.constant 3 : i32
      %shift_right_arithmetic3A_29 = arith.shrsi %scan3A_27, %shift_right_arithmetic3A : i32
      %and3A = arith.constant 7 : i32
      %and3A_30 = arith.andi %scan3A_27, %and3A : i32
      %mul3A_31 = arith.constant 16 : i32
      %mul3A_32 = arith.muli %and3A_30, %mul3A_31 : i32
      %swap3A = arith.index_cast %shift_right_arithmetic3A_29 : i32 to index
      %swap3A_33 = arith.index_cast %mul3A_32 : i32 to index
      %swap3A_34 = tpu.vector_load %arg9[%swap3A, %swap3A_33] {strides = array<i32>} : memref<80x128xf32, #tpu.memory_space<vmem>>, vector<16xf32>,
      tpu.vector_store %arg9[%swap3A, %swap3A_33], %broadcast_in_dim3A_0 {strides = array<i32>} : memref<80x128xf32, #tpu.memory_space<vmem>>, vector<16xf32>,
      %scan3A_35 = arith.constant 0 : i32
      scf.yield %scan3A_35 : i32
    }
    %scan3A_6 = arith.constant 640 : i32
    %scan3A_7 = arith.constant 0 : i32
    %scan3A_8 = arith.constant 0 : i32
    %scan3A_9 = arith.constant 8 : i32
    %scan3A_10 = arith.addi %scan3A_8, %scan3A_9 : i32
    %scan3A_11 = arith.constant 1 : i32
    %scan3A_12 = scf.for %scan3A_27 = %scan3A_8 to %scan3A_10 step %scan3A_11 iter_args(%scan3A_28 = %scan3A_7) -> (i32)  : i32 {
      %mul3A_29 = arith.constant 640 : i32
      %mul3A_30 = arith.muli %arg1, %mul3A_29 : i32
      %mul3A_31 = arith.constant 80 : i32
      %mul3A_32 = arith.muli %scan3A_27, %mul3A_31 : i32
      %add3A_33 = arith.addi %mul3A_30, %mul3A_32 : i32
      "tpu.region"() ({
        %run_scoped3A = tpu.sem_alloc : memref<!tpu.dma_semaphore, #tpu.memory_space<semaphore_mem>>
        %dma_start3A = arith.constant 0 : i32
        %dma_start3A_35 = tpu.memref_slice %arg11[%add3A_33, %dma_start3A] : memref<10240x128xf32, #tpu.memory_space<vmem_shared>> -> memref<80x128xf32, #tpu.memory_space<vmem_shared>>
        %dma_start3A_36 = arith.constant 0 : i32
        %dma_start3A_37 = tpu.memref_slice %arg11[%add3A_33, %dma_start3A_36] : memref<10240x128xf32, #tpu.memory_space<vmem_shared>> -> memref<80x128xf32, #tpu.memory_space<vmem_shared>>
        tpu.enqueue_dma source(%arg9 : memref<80x128xf32, #tpu.memory_space<vmem>>) target(%dma_start3A_37 : memref<80x128xf32, #tpu.memory_space<vmem_shared>>) target_semaphore(%run_scoped3A : memref<!tpu.dma_semaphore, #tpu.memory_space<semaphore_mem>>)
        %dma_wait3A = arith.constant 0 : i32
        %dma_wait3A_38 = tpu.memref_slice %arg11[%add3A_33, %dma_wait3A] : memref<10240x128xf32, #tpu.memory_space<vmem_shared>> -> memref<80x128xf32, #tpu.memory_space<vmem_shared>>
        %dma_wait3A_39 = arith.constant 0 : i32
        %dma_wait3A_40 = tpu.memref_slice %arg11[%add3A_33, %dma_wait3A_39] : memref<10240x128xf32, #tpu.memory_space<vmem_shared>> -> memref<80x128xf32, #tpu.memory_space<vmem_shared>>
        tpu.wait_dma2 semaphore(%run_scoped3A : memref<!tpu.dma_semaphore, #tpu.memory_space<semaphore_mem>>) src(%arg9 : memref<80x128xf32, #tpu.memory_space<vmem>>) dst(%dma_wait3A_40 : memref<80x128xf32, #tpu.memory_space<vmem_shared>>)
        tpu.yield
      }) : () -> ()
      %scan3A_34 = arith.constant 0 : i32
      scf.yield %scan3A_34 : i32
    }
    %scan3A_13 = arith.constant 8 : i32
    %barrier3A = arith.constant 0 : index
    tpu.barrier barrier_id(%barrier3A)
    %eq3A = arith.constant 0 : i32
    %eq3A_14 = arith.cmpi eq, %arg0, %eq3A : i32
    %convert_element_type3A = arith.extui %eq3A_14 : i1 to i32
    %cond3A = arith.constant 0 : i32
    %cond3A_15 = arith.cmpi ne, %convert_element_type3A, %cond3A : i32
    scf.if %cond3A_15 {
      %mul3A_27 = arith.constant 20480 : i32
      %mul3A_28 = arith.muli %arg1, %mul3A_27 : i32
      "tpu.region"() ({
        %run_scoped3A = tpu.sem_alloc : memref<!tpu.dma_semaphore, #tpu.memory_space<semaphore_mem>>
        %dma_start3A_53 = arith.constant 0 : i32
        %dma_start3A_54 = tpu.memref_slice %arg6[%dma_start3A_53] : memref<16640xi32, #tpu.memory_space<vmem>> -> memref<16640xi32, #tpu.memory_space<vmem>>
        %dma_start3A_55 = tpu.memref_slice %arg3[%mul3A_28] : memref<327680xi32, #tpu.memory_space<hbm>> -> memref<16640xi32, #tpu.memory_space<hbm>>
        %dma_start3A_56 = arith.constant 0 : i32
        %dma_start3A_57 = tpu.memref_slice %arg6[%dma_start3A_56] : memref<16640xi32, #tpu.memory_space<vmem>> -> memref<16640xi32, #tpu.memory_space<vmem>>
        %dma_start3A_58 = tpu.memref_slice %arg3[%mul3A_28] : memref<327680xi32, #tpu.memory_space<hbm>> -> memref<16640xi32, #tpu.memory_space<hbm>>
        tpu.enqueue_dma source(%dma_start3A_58 : memref<16640xi32, #tpu.memory_space<hbm>>) target(%dma_start3A_57 : memref<16640xi32, #tpu.memory_space<vmem>>) target_semaphore(%run_scoped3A : memref<!tpu.dma_semaphore, #tpu.memory_space<semaphore_mem>>)
        %dma_wait3A = arith.constant 0 : i32
        %dma_wait3A_59 = tpu.memref_slice %arg6[%dma_wait3A] : memref<16640xi32, #tpu.memory_space<vmem>> -> memref<16640xi32, #tpu.memory_space<vmem>>
        %dma_wait3A_60 = tpu.memref_slice %arg3[%mul3A_28] : memref<327680xi32, #tpu.memory_space<hbm>> -> memref<16640xi32, #tpu.memory_space<hbm>>
        %dma_wait3A_61 = arith.constant 0 : i32
        %dma_wait3A_62 = tpu.memref_slice %arg6[%dma_wait3A_61] : memref<16640xi32, #tpu.memory_space<vmem>> -> memref<16640xi32, #tpu.memory_space<vmem>>
        %dma_wait3A_63 = tpu.memref_slice %arg3[%mul3A_28] : memref<327680xi32, #tpu.memory_space<hbm>> -> memref<16640xi32, #tpu.memory_space<hbm>>
        tpu.wait_dma2 semaphore(%run_scoped3A : memref<!tpu.dma_semaphore, #tpu.memory_space<semaphore_mem>>) src(%dma_wait3A_63 : memref<16640xi32, #tpu.memory_space<hbm>>) dst(%dma_wait3A_62 : memref<16640xi32, #tpu.memory_space<vmem>>)
        tpu.yield
      }) : () -> ()
      %add3A_29 = arith.constant 0 : i32
      %add3A_30 = arith.addi %mul3A_28, %add3A_29 : i32
      %dma_start3A = tpu.memref_slice %arg4[%add3A_30] : memref<327680xi32, #tpu.memory_space<hbm>> -> memref<80xi32, #tpu.memory_space<hbm>>
      %dma_start3A_31 = tpu.memref_slice %arg4[%add3A_30] : memref<327680xi32, #tpu.memory_space<hbm>> -> memref<80xi32, #tpu.memory_space<hbm>>
      tpu.enqueue_dma source(%dma_start3A_31 : memref<80xi32, #tpu.memory_space<hbm>>) target(%arg7 : memref<80xi32, #tpu.memory_space<vmem>>) target_semaphore(%arg12 : memref<!tpu.dma_semaphore, #tpu.memory_space<semaphore_mem>>)
      %dma_start3A_32 = arith.constant 0 : i32
      %dma_start3A_33 = tpu.memref_slice %arg6[%dma_start3A_32] : memref<16640xi32, #tpu.memory_space<vmem>> -> memref<80xi32, #tpu.memory_space<vmem>>
      %dma_start3A_34 = arith.constant 0 : i32
      %dma_start3A_35 = arith.constant 0 : i32
      %dma_start3A_36 = tpu.memref_slice %arg2[%dma_start3A_34, %dma_start3A_35] : memref<10240x128xf32, #tpu.memory_space<hbm>> -> memref<10240x128xf32, #tpu.memory_space<hbm>>
      tpu.enqueue_indirect_dma source(%dma_start3A_36 : memref<10240x128xf32, #tpu.memory_space<hbm>>) target(%arg9 : memref<80x128xf32, #tpu.memory_space<vmem>>) offsets(%dma_start3A_33 : memref<80xi32, #tpu.memory_space<vmem>>) semaphore(%arg14 : memref<!tpu.dma_semaphore, #tpu.memory_space<semaphore_mem>>)
      %add3A_37 = arith.constant 80 : i32
      %add3A_38 = arith.addi %mul3A_28, %add3A_37 : i32
      %dma_start3A_39 = tpu.memref_slice %arg4[%add3A_38] : memref<327680xi32, #tpu.memory_space<hbm>> -> memref<80xi32, #tpu.memory_space<hbm>>
      %dma_start3A_40 = tpu.memref_slice %arg4[%add3A_38] : memref<327680xi32, #tpu.memory_space<hbm>> -> memref<80xi32, #tpu.memory_space<hbm>>
      tpu.enqueue_dma source(%dma_start3A_40 : memref<80xi32, #tpu.memory_space<hbm>>) target(%arg8 : memref<80xi32, #tpu.memory_space<vmem>>) target_semaphore(%arg13 : memref<!tpu.dma_semaphore, #tpu.memory_space<semaphore_mem>>)
      %dma_start3A_41 = arith.constant 80 : i32
      %dma_start3A_42 = tpu.memref_slice %arg6[%dma_start3A_41] : memref<16640xi32, #tpu.memory_space<vmem>> -> memref<80xi32, #tpu.memory_space<vmem>>
      %dma_start3A_43 = arith.constant 0 : i32
      %dma_start3A_44 = arith.constant 0 : i32
      %dma_start3A_45 = tpu.memref_slice %arg2[%dma_start3A_43, %dma_start3A_44] : memref<10240x128xf32, #tpu.memory_space<hbm>> -> memref<10240x128xf32, #tpu.memory_space<hbm>>
      tpu.enqueue_indirect_dma source(%dma_start3A_45 : memref<10240x128xf32, #tpu.memory_space<hbm>>) target(%arg10 : memref<80x128xf32, #tpu.memory_space<vmem>>) offsets(%dma_start3A_42 : memref<80xi32, #tpu.memory_space<vmem>>) semaphore(%arg15 : memref<!tpu.dma_semaphore, #tpu.memory_space<semaphore_mem>>)
      %scan3A_46 = arith.constant 0 : i32
      %scan3A_47 = arith.constant 0 : i32
      %scan3A_48 = arith.constant 104 : i32
      %scan3A_49 = arith.addi %scan3A_47, %scan3A_48 : i32
      %scan3A_50 = arith.constant 1 : i32
      %scan3A_51 = scf.for %scan3A_53 = %scan3A_47 to %scan3A_49 step %scan3A_50 iter_args(%scan3A_54 = %scan3A_46) -> (i32)  : i32 {
        %mul3A_55 = arith.constant 2 : i32
        %mul3A_56 = arith.muli %mul3A_55, %scan3A_53 : i32
        %add3A_57 = arith.constant 0 : i32
        %add3A_58 = arith.addi %mul3A_56, %add3A_57 : i32
        %mul3A_59 = arith.constant 80 : i32
        %mul3A_60 = arith.muli %add3A_58, %mul3A_59 : i32
        %add3A_61 = arith.addi %mul3A_28, %mul3A_60 : i32
        %dma_wait3A = tpu.memref_slice %arg4[%add3A_61] : memref<327680xi32, #tpu.memory_space<hbm>> -> memref<80xi32, #tpu.memory_space<hbm>>
        %dma_wait3A_62 = tpu.memref_slice %arg4[%add3A_61] : memref<327680xi32, #tpu.memory_space<hbm>> -> memref<80xi32, #tpu.memory_space<hbm>>
        tpu.wait_dma2 semaphore(%arg12 : memref<!tpu.dma_semaphore, #tpu.memory_space<semaphore_mem>>) src(%dma_wait3A_62 : memref<80xi32, #tpu.memory_space<hbm>>) dst(%arg7 : memref<80xi32, #tpu.memory_space<vmem>>)
        %mul3A_63 = arith.constant 80 : i32
        %mul3A_64 = arith.muli %add3A_58, %mul3A_63 : i32
        %dma_wait3A_65 = tpu.memref_slice %arg6[%mul3A_64] : memref<16640xi32, #tpu.memory_space<vmem>> -> memref<80xi32, #tpu.memory_space<vmem>>
        %dma_wait3A_66 = arith.constant 0 : i32
        %dma_wait3A_67 = arith.constant 0 : i32
        %dma_wait3A_68 = tpu.memref_slice %arg2[%dma_wait3A_66, %dma_wait3A_67] : memref<10240x128xf32, #tpu.memory_space<hbm>> -> memref<10240x128xf32, #tpu.memory_space<hbm>>
        tpu.wait_indirect_dma semaphore(%arg14 : memref<!tpu.dma_semaphore, #tpu.memory_space<semaphore_mem>>) src(%dma_wait3A_68 : memref<10240x128xf32, #tpu.memory_space<hbm>>) dst(%arg9 : memref<80x128xf32, #tpu.memory_space<vmem>>)
        "tpu.region"() ({
          %run_scoped3A = tpu.sem_alloc : memref<!tpu.dma_semaphore, #tpu.memory_space<semaphore_mem>>
          %dma_start3A_98 = arith.constant 0 : i32
          %dma_start3A_99 = arith.constant 0 : i32
          %dma_start3A_100 = tpu.memref_slice %arg11[%dma_start3A_98, %dma_start3A_99] : memref<10240x128xf32, #tpu.memory_space<vmem_shared>> -> memref<10240x128xf32, #tpu.memory_space<vmem_shared>>
          tpu.enqueue_indirect_dma source(%arg9 : memref<80x128xf32, #tpu.memory_space<vmem>>) target(%dma_start3A_100 : memref<10240x128xf32, #tpu.memory_space<vmem_shared>>) offsets(%arg7 : memref<80xi32, #tpu.memory_space<vmem>>) semaphore(%run_scoped3A : memref<!tpu.dma_semaphore, #tpu.memory_space<semaphore_mem>>) {add = true}
          %dma_wait3A_101 = arith.constant 0 : i32
          %dma_wait3A_102 = arith.constant 0 : i32
          %dma_wait3A_103 = tpu.memref_slice %arg11[%dma_wait3A_101, %dma_wait3A_102] : memref<10240x128xf32, #tpu.memory_space<vmem_shared>> -> memref<10240x128xf32, #tpu.memory_space<vmem_shared>>
          tpu.wait_indirect_dma semaphore(%run_scoped3A : memref<!tpu.dma_semaphore, #tpu.memory_space<semaphore_mem>>) src(%arg9 : memref<80x128xf32, #tpu.memory_space<vmem>>) dst(%dma_wait3A_103 : memref<10240x128xf32, #tpu.memory_space<vmem_shared>>)
          tpu.yield
        }) : () -> ()
        %add3A_69 = arith.constant 2 : i32
        %add3A_70 = arith.addi %add3A_58, %add3A_69 : i32
        %lt3A = arith.constant 208 : i32
        %lt3A_71 = arith.cmpi slt, %add3A_70, %lt3A : i32
        %convert_element_type3A_72 = arith.extui %lt3A_71 : i1 to i32
        %cond3A_73 = arith.constant 0 : i32
        %cond3A_74 = arith.cmpi ne, %convert_element_type3A_72, %cond3A_73 : i32
        scf.if %cond3A_74 {
          %add3A_98 = arith.constant 2 : i32
          %add3A_99 = arith.addi %add3A_58, %add3A_98 : i32
          %mul3A_100 = arith.constant 80 : i32
          %mul3A_101 = arith.muli %add3A_99, %mul3A_100 : i32
          %add3A_102 = arith.addi %mul3A_28, %mul3A_101 : i32
          %dma_start3A_103 = tpu.memref_slice %arg4[%add3A_102] : memref<327680xi32, #tpu.memory_space<hbm>> -> memref<80xi32, #tpu.memory_space<hbm>>
          %dma_start3A_104 = tpu.memref_slice %arg4[%add3A_102] : memref<327680xi32, #tpu.memory_space<hbm>> -> memref<80xi32, #tpu.memory_space<hbm>>
          tpu.enqueue_dma source(%dma_start3A_104 : memref<80xi32, #tpu.memory_space<hbm>>) target(%arg7 : memref<80xi32, #tpu.memory_space<vmem>>) target_semaphore(%arg12 : memref<!tpu.dma_semaphore, #tpu.memory_space<semaphore_mem>>)
          %add3A_105 = arith.constant 2 : i32
          %add3A_106 = arith.addi %add3A_58, %add3A_105 : i32
          %mul3A_107 = arith.constant 80 : i32
          %mul3A_108 = arith.muli %add3A_106, %mul3A_107 : i32
          %dma_start3A_109 = tpu.memref_slice %arg6[%mul3A_108] : memref<16640xi32, #tpu.memory_space<vmem>> -> memref<80xi32, #tpu.memory_space<vmem>>
          %dma_start3A_110 = arith.constant 0 : i32
          %dma_start3A_111 = arith.constant 0 : i32
          %dma_start3A_112 = tpu.memref_slice %arg2[%dma_start3A_110, %dma_start3A_111] : memref<10240x128xf32, #tpu.memory_space<hbm>> -> memref<10240x128xf32, #tpu.memory_space<hbm>>
          tpu.enqueue_indirect_dma source(%dma_start3A_112 : memref<10240x128xf32, #tpu.memory_space<hbm>>) target(%arg9 : memref<80x128xf32, #tpu.memory_space<vmem>>) offsets(%dma_start3A_109 : memref<80xi32, #tpu.memory_space<vmem>>) semaphore(%arg14 : memref<!tpu.dma_semaphore, #tpu.memory_space<semaphore_mem>>)
        } else {
        }
        %mul3A_75 = arith.constant 2 : i32
        %mul3A_76 = arith.muli %mul3A_75, %scan3A_53 : i32
        %add3A_77 = arith.constant 1 : i32
        %add3A_78 = arith.addi %mul3A_76, %add3A_77 : i32
        %mul3A_79 = arith.constant 80 : i32
        %mul3A_80 = arith.muli %add3A_78, %mul3A_79 : i32
        %add3A_81 = arith.addi %mul3A_28, %mul3A_80 : i32
        %dma_wait3A_82 = tpu.memref_slice %arg4[%add3A_81] : memref<327680xi32, #tpu.memory_space<hbm>> -> memref<80xi32, #tpu.memory_space<hbm>>
        %dma_wait3A_83 = tpu.memref_slice %arg4[%add3A_81] : memref<327680xi32, #tpu.memory_space<hbm>> -> memref<80xi32, #tpu.memory_space<hbm>>
        tpu.wait_dma2 semaphore(%arg13 : memref<!tpu.dma_semaphore, #tpu.memory_space<semaphore_mem>>) src(%dma_wait3A_83 : memref<80xi32, #tpu.memory_space<hbm>>) dst(%arg8 : memref<80xi32, #tpu.memory_space<vmem>>)
        %mul3A_84 = arith.constant 80 : i32
        %mul3A_85 = arith.muli %add3A_78, %mul3A_84 : i32
        %dma_wait3A_86 = tpu.memref_slice %arg6[%mul3A_85] : memref<16640xi32, #tpu.memory_space<vmem>> -> memref<80xi32, #tpu.memory_space<vmem>>
        %dma_wait3A_87 = arith.constant 0 : i32
        %dma_wait3A_88 = arith.constant 0 : i32
        %dma_wait3A_89 = tpu.memref_slice %arg2[%dma_wait3A_87, %dma_wait3A_88] : memref<10240x128xf32, #tpu.memory_space<hbm>> -> memref<10240x128xf32, #tpu.memory_space<hbm>>
        tpu.wait_indirect_dma semaphore(%arg15 : memref<!tpu.dma_semaphore, #tpu.memory_space<semaphore_mem>>) src(%dma_wait3A_89 : memref<10240x128xf32, #tpu.memory_space<hbm>>) dst(%arg10 : memref<80x128xf32, #tpu.memory_space<vmem>>)
        "tpu.region"() ({
          %run_scoped3A = tpu.sem_alloc : memref<!tpu.dma_semaphore, #tpu.memory_space<semaphore_mem>>
          %dma_start3A_98 = arith.constant 0 : i32
          %dma_start3A_99 = arith.constant 0 : i32
          %dma_start3A_100 = tpu.memref_slice %arg11[%dma_start3A_98, %dma_start3A_99] : memref<10240x128xf32, #tpu.memory_space<vmem_shared>> -> memref<10240x128xf32, #tpu.memory_space<vmem_shared>>
          tpu.enqueue_indirect_dma source(%arg10 : memref<80x128xf32, #tpu.memory_space<vmem>>) target(%dma_start3A_100 : memref<10240x128xf32, #tpu.memory_space<vmem_shared>>) offsets(%arg8 : memref<80xi32, #tpu.memory_space<vmem>>) semaphore(%run_scoped3A : memref<!tpu.dma_semaphore, #tpu.memory_space<semaphore_mem>>) {add = true}
          %dma_wait3A_101 = arith.constant 0 : i32
          %dma_wait3A_102 = arith.constant 0 : i32
          %dma_wait3A_103 = tpu.memref_slice %arg11[%dma_wait3A_101, %dma_wait3A_102] : memref<10240x128xf32, #tpu.memory_space<vmem_shared>> -> memref<10240x128xf32, #tpu.memory_space<vmem_shared>>
          tpu.wait_indirect_dma semaphore(%run_scoped3A : memref<!tpu.dma_semaphore, #tpu.memory_space<semaphore_mem>>) src(%arg10 : memref<80x128xf32, #tpu.memory_space<vmem>>) dst(%dma_wait3A_103 : memref<10240x128xf32, #tpu.memory_space<vmem_shared>>)
          tpu.yield
        }) : () -> ()
        %add3A_90 = arith.constant 2 : i32
        %add3A_91 = arith.addi %add3A_78, %add3A_90 : i32
        %lt3A_92 = arith.constant 208 : i32
        %lt3A_93 = arith.cmpi slt, %add3A_91, %lt3A_92 : i32
        %convert_element_type3A_94 = arith.extui %lt3A_93 : i1 to i32
        %cond3A_95 = arith.constant 0 : i32
        %cond3A_96 = arith.cmpi ne, %convert_element_type3A_94, %cond3A_95 : i32
        scf.if %cond3A_96 {
          %add3A_98 = arith.constant 2 : i32
          %add3A_99 = arith.addi %add3A_78, %add3A_98 : i32
          %mul3A_100 = arith.constant 80 : i32
          %mul3A_101 = arith.muli %add3A_99, %mul3A_100 : i32
          %add3A_102 = arith.addi %mul3A_28, %mul3A_101 : i32
          %dma_start3A_103 = tpu.memref_slice %arg4[%add3A_102] : memref<327680xi32, #tpu.memory_space<hbm>> -> memref<80xi32, #tpu.memory_space<hbm>>
          %dma_start3A_104 = tpu.memref_slice %arg4[%add3A_102] : memref<327680xi32, #tpu.memory_space<hbm>> -> memref<80xi32, #tpu.memory_space<hbm>>
          tpu.enqueue_dma source(%dma_start3A_104 : memref<80xi32, #tpu.memory_space<hbm>>) target(%arg8 : memref<80xi32, #tpu.memory_space<vmem>>) target_semaphore(%arg13 : memref<!tpu.dma_semaphore, #tpu.memory_space<semaphore_mem>>)
          %add3A_105 = arith.constant 2 : i32
          %add3A_106 = arith.addi %add3A_78, %add3A_105 : i32
          %mul3A_107 = arith.constant 80 : i32
          %mul3A_108 = arith.muli %add3A_106, %mul3A_107 : i32
          %dma_start3A_109 = tpu.memref_slice %arg6[%mul3A_108] : memref<16640xi32, #tpu.memory_space<vmem>> -> memref<80xi32, #tpu.memory_space<vmem>>
          %dma_start3A_110 = arith.constant 0 : i32
          %dma_start3A_111 = arith.constant 0 : i32
          %dma_start3A_112 = tpu.memref_slice %arg2[%dma_start3A_110, %dma_start3A_111] : memref<10240x128xf32, #tpu.memory_space<hbm>> -> memref<10240x128xf32, #tpu.memory_space<hbm>>
          tpu.enqueue_indirect_dma source(%dma_start3A_112 : memref<10240x128xf32, #tpu.memory_space<hbm>>) target(%arg10 : memref<80x128xf32, #tpu.memory_space<vmem>>) offsets(%dma_start3A_109 : memref<80xi32, #tpu.memory_space<vmem>>) semaphore(%arg15 : memref<!tpu.dma_semaphore, #tpu.memory_space<semaphore_mem>>)
        } else {
        }
        %scan3A_97 = arith.constant 0 : i32
        scf.yield %scan3A_97 : i32
      }
      %scan3A_52 = arith.constant 104 : i32
    } else {
    }
    %eq3A_16 = arith.constant 1 : i32
    %eq3A_17 = arith.cmpi eq, %arg0, %eq3A_16 : i32
    %convert_element_type3A_18 = arith.extui %eq3A_17 : i1 to i32
    %cond3A_19 = arith.constant 0 : i32
    %cond3A_20 = arith.cmpi ne, %convert_element_type3A_18, %cond3A_19 : i32
    scf.if %cond3A_20 {
      %mul3A_27 = arith.constant 20480 : i32
      %mul3A_28 = arith.muli %arg1, %mul3A_27 : i32
      %add3A_29 = arith.constant 16640 : i32
      %add3A_30 = arith.addi %mul3A_28, %add3A_29 : i32
      "tpu.region"() ({
        %run_scoped3A = tpu.sem_alloc : memref<!tpu.dma_semaphore, #tpu.memory_space<semaphore_mem>>
        %dma_start3A_55 = arith.constant 0 : i32
        %dma_start3A_56 = tpu.memref_slice %arg6[%dma_start3A_55] : memref<16640xi32, #tpu.memory_space<vmem>> -> memref<3840xi32, #tpu.memory_space<vmem>>
        %dma_start3A_57 = tpu.memref_slice %arg3[%add3A_30] : memref<327680xi32, #tpu.memory_space<hbm>> -> memref<3840xi32, #tpu.memory_space<hbm>>
        %dma_start3A_58 = arith.constant 0 : i32
        %dma_start3A_59 = tpu.memref_slice %arg6[%dma_start3A_58] : memref<16640xi32, #tpu.memory_space<vmem>> -> memref<3840xi32, #tpu.memory_space<vmem>>
        %dma_start3A_60 = tpu.memref_slice %arg3[%add3A_30] : memref<327680xi32, #tpu.memory_space<hbm>> -> memref<3840xi32, #tpu.memory_space<hbm>>
        tpu.enqueue_dma source(%dma_start3A_60 : memref<3840xi32, #tpu.memory_space<hbm>>) target(%dma_start3A_59 : memref<3840xi32, #tpu.memory_space<vmem>>) target_semaphore(%run_scoped3A : memref<!tpu.dma_semaphore, #tpu.memory_space<semaphore_mem>>)
        %dma_wait3A = arith.constant 0 : i32
        %dma_wait3A_61 = tpu.memref_slice %arg6[%dma_wait3A] : memref<16640xi32, #tpu.memory_space<vmem>> -> memref<3840xi32, #tpu.memory_space<vmem>>
        %dma_wait3A_62 = tpu.memref_slice %arg3[%add3A_30] : memref<327680xi32, #tpu.memory_space<hbm>> -> memref<3840xi32, #tpu.memory_space<hbm>>
        %dma_wait3A_63 = arith.constant 0 : i32
        %dma_wait3A_64 = tpu.memref_slice %arg6[%dma_wait3A_63] : memref<16640xi32, #tpu.memory_space<vmem>> -> memref<3840xi32, #tpu.memory_space<vmem>>
        %dma_wait3A_65 = tpu.memref_slice %arg3[%add3A_30] : memref<327680xi32, #tpu.memory_space<hbm>> -> memref<3840xi32, #tpu.memory_space<hbm>>
        tpu.wait_dma2 semaphore(%run_scoped3A : memref<!tpu.dma_semaphore, #tpu.memory_space<semaphore_mem>>) src(%dma_wait3A_65 : memref<3840xi32, #tpu.memory_space<hbm>>) dst(%dma_wait3A_64 : memref<3840xi32, #tpu.memory_space<vmem>>)
        tpu.yield
      }) : () -> ()
      %add3A_31 = arith.constant 0 : i32
      %add3A_32 = arith.addi %add3A_30, %add3A_31 : i32
      %dma_start3A = tpu.memref_slice %arg4[%add3A_32] : memref<327680xi32, #tpu.memory_space<hbm>> -> memref<80xi32, #tpu.memory_space<hbm>>
      %dma_start3A_33 = tpu.memref_slice %arg4[%add3A_32] : memref<327680xi32, #tpu.memory_space<hbm>> -> memref<80xi32, #tpu.memory_space<hbm>>
      tpu.enqueue_dma source(%dma_start3A_33 : memref<80xi32, #tpu.memory_space<hbm>>) target(%arg7 : memref<80xi32, #tpu.memory_space<vmem>>) target_semaphore(%arg12 : memref<!tpu.dma_semaphore, #tpu.memory_space<semaphore_mem>>)
      %dma_start3A_34 = arith.constant 0 : i32
      %dma_start3A_35 = tpu.memref_slice %arg6[%dma_start3A_34] : memref<16640xi32, #tpu.memory_space<vmem>> -> memref<80xi32, #tpu.memory_space<vmem>>
      %dma_start3A_36 = arith.constant 0 : i32
      %dma_start3A_37 = arith.constant 0 : i32
      %dma_start3A_38 = tpu.memref_slice %arg2[%dma_start3A_36, %dma_start3A_37] : memref<10240x128xf32, #tpu.memory_space<hbm>> -> memref<10240x128xf32, #tpu.memory_space<hbm>>
      tpu.enqueue_indirect_dma source(%dma_start3A_38 : memref<10240x128xf32, #tpu.memory_space<hbm>>) target(%arg9 : memref<80x128xf32, #tpu.memory_space<vmem>>) offsets(%dma_start3A_35 : memref<80xi32, #tpu.memory_space<vmem>>) semaphore(%arg14 : memref<!tpu.dma_semaphore, #tpu.memory_space<semaphore_mem>>)
      %add3A_39 = arith.constant 80 : i32
      %add3A_40 = arith.addi %add3A_30, %add3A_39 : i32
      %dma_start3A_41 = tpu.memref_slice %arg4[%add3A_40] : memref<327680xi32, #tpu.memory_space<hbm>> -> memref<80xi32, #tpu.memory_space<hbm>>
      %dma_start3A_42 = tpu.memref_slice %arg4[%add3A_40] : memref<327680xi32, #tpu.memory_space<hbm>> -> memref<80xi32, #tpu.memory_space<hbm>>
      tpu.enqueue_dma source(%dma_start3A_42 : memref<80xi32, #tpu.memory_space<hbm>>) target(%arg8 : memref<80xi32, #tpu.memory_space<vmem>>) target_semaphore(%arg13 : memref<!tpu.dma_semaphore, #tpu.memory_space<semaphore_mem>>)
      %dma_start3A_43 = arith.constant 80 : i32
      %dma_start3A_44 = tpu.memref_slice %arg6[%dma_start3A_43] : memref<16640xi32, #tpu.memory_space<vmem>> -> memref<80xi32, #tpu.memory_space<vmem>>
      %dma_start3A_45 = arith.constant 0 : i32
      %dma_start3A_46 = arith.constant 0 : i32
      %dma_start3A_47 = tpu.memref_slice %arg2[%dma_start3A_45, %dma_start3A_46] : memref<10240x128xf32, #tpu.memory_space<hbm>> -> memref<10240x128xf32, #tpu.memory_space<hbm>>
      tpu.enqueue_indirect_dma source(%dma_start3A_47 : memref<10240x128xf32, #tpu.memory_space<hbm>>) target(%arg10 : memref<80x128xf32, #tpu.memory_space<vmem>>) offsets(%dma_start3A_44 : memref<80xi32, #tpu.memory_space<vmem>>) semaphore(%arg15 : memref<!tpu.dma_semaphore, #tpu.memory_space<semaphore_mem>>)
      %scan3A_48 = arith.constant 0 : i32
      %scan3A_49 = arith.constant 0 : i32
      %scan3A_50 = arith.constant 24 : i32
      %scan3A_51 = arith.addi %scan3A_49, %scan3A_50 : i32
      %scan3A_52 = arith.constant 1 : i32
      %scan3A_53 = scf.for %scan3A_55 = %scan3A_49 to %scan3A_51 step %scan3A_52 iter_args(%scan3A_56 = %scan3A_48) -> (i32)  : i32 {
        %mul3A_57 = arith.constant 2 : i32
        %mul3A_58 = arith.muli %mul3A_57, %scan3A_55 : i32
        %add3A_59 = arith.constant 0 : i32
        %add3A_60 = arith.addi %mul3A_58, %add3A_59 : i32
        %mul3A_61 = arith.constant 80 : i32
        %mul3A_62 = arith.muli %add3A_60, %mul3A_61 : i32
        %add3A_63 = arith.addi %add3A_30, %mul3A_62 : i32
        %dma_wait3A = tpu.memref_slice %arg4[%add3A_63] : memref<327680xi32, #tpu.memory_space<hbm>> -> memref<80xi32, #tpu.memory_space<hbm>>
        %dma_wait3A_64 = tpu.memref_slice %arg4[%add3A_63] : memref<327680xi32, #tpu.memory_space<hbm>> -> memref<80xi32, #tpu.memory_space<hbm>>
        tpu.wait_dma2 semaphore(%arg12 : memref<!tpu.dma_semaphore, #tpu.memory_space<semaphore_mem>>) src(%dma_wait3A_64 : memref<80xi32, #tpu.memory_space<hbm>>) dst(%arg7 : memref<80xi32, #tpu.memory_space<vmem>>)
        %mul3A_65 = arith.constant 80 : i32
        %mul3A_66 = arith.muli %add3A_60, %mul3A_65 : i32
        %dma_wait3A_67 = tpu.memref_slice %arg6[%mul3A_66] : memref<16640xi32, #tpu.memory_space<vmem>> -> memref<80xi32, #tpu.memory_space<vmem>>
        %dma_wait3A_68 = arith.constant 0 : i32
        %dma_wait3A_69 = arith.constant 0 : i32
        %dma_wait3A_70 = tpu.memref_slice %arg2[%dma_wait3A_68, %dma_wait3A_69] : memref<10240x128xf32, #tpu.memory_space<hbm>> -> memref<10240x128xf32, #tpu.memory_space<hbm>>
        tpu.wait_indirect_dma semaphore(%arg14 : memref<!tpu.dma_semaphore, #tpu.memory_space<semaphore_mem>>) src(%dma_wait3A_70 : memref<10240x128xf32, #tpu.memory_space<hbm>>) dst(%arg9 : memref<80x128xf32, #tpu.memory_space<vmem>>)
        "tpu.region"() ({
          %run_scoped3A = tpu.sem_alloc : memref<!tpu.dma_semaphore, #tpu.memory_space<semaphore_mem>>
          %dma_start3A_100 = arith.constant 0 : i32
          %dma_start3A_101 = arith.constant 0 : i32
          %dma_start3A_102 = tpu.memref_slice %arg11[%dma_start3A_100, %dma_start3A_101] : memref<10240x128xf32, #tpu.memory_space<vmem_shared>> -> memref<10240x128xf32, #tpu.memory_space<vmem_shared>>
          tpu.enqueue_indirect_dma source(%arg9 : memref<80x128xf32, #tpu.memory_space<vmem>>) target(%dma_start3A_102 : memref<10240x128xf32, #tpu.memory_space<vmem_shared>>) offsets(%arg7 : memref<80xi32, #tpu.memory_space<vmem>>) semaphore(%run_scoped3A : memref<!tpu.dma_semaphore, #tpu.memory_space<semaphore_mem>>) {add = true}
          %dma_wait3A_103 = arith.constant 0 : i32
          %dma_wait3A_104 = arith.constant 0 : i32
          %dma_wait3A_105 = tpu.memref_slice %arg11[%dma_wait3A_103, %dma_wait3A_104] : memref<10240x128xf32, #tpu.memory_space<vmem_shared>> -> memref<10240x128xf32, #tpu.memory_space<vmem_shared>>
          tpu.wait_indirect_dma semaphore(%run_scoped3A : memref<!tpu.dma_semaphore, #tpu.memory_space<semaphore_mem>>) src(%arg9 : memref<80x128xf32, #tpu.memory_space<vmem>>) dst(%dma_wait3A_105 : memref<10240x128xf32, #tpu.memory_space<vmem_shared>>)
          tpu.yield
        }) : () -> ()
        %add3A_71 = arith.constant 2 : i32
        %add3A_72 = arith.addi %add3A_60, %add3A_71 : i32
        %lt3A = arith.constant 48 : i32
        %lt3A_73 = arith.cmpi slt, %add3A_72, %lt3A : i32
        %convert_element_type3A_74 = arith.extui %lt3A_73 : i1 to i32
        %cond3A_75 = arith.constant 0 : i32
        %cond3A_76 = arith.cmpi ne, %convert_element_type3A_74, %cond3A_75 : i32
        scf.if %cond3A_76 {
          %add3A_100 = arith.constant 2 : i32
          %add3A_101 = arith.addi %add3A_60, %add3A_100 : i32
          %mul3A_102 = arith.constant 80 : i32
          %mul3A_103 = arith.muli %add3A_101, %mul3A_102 : i32
          %add3A_104 = arith.addi %add3A_30, %mul3A_103 : i32
          %dma_start3A_105 = tpu.memref_slice %arg4[%add3A_104] : memref<327680xi32, #tpu.memory_space<hbm>> -> memref<80xi32, #tpu.memory_space<hbm>>
          %dma_start3A_106 = tpu.memref_slice %arg4[%add3A_104] : memref<327680xi32, #tpu.memory_space<hbm>> -> memref<80xi32, #tpu.memory_space<hbm>>
          tpu.enqueue_dma source(%dma_start3A_106 : memref<80xi32, #tpu.memory_space<hbm>>) target(%arg7 : memref<80xi32, #tpu.memory_space<vmem>>) target_semaphore(%arg12 : memref<!tpu.dma_semaphore, #tpu.memory_space<semaphore_mem>>)
          %add3A_107 = arith.constant 2 : i32
          %add3A_108 = arith.addi %add3A_60, %add3A_107 : i32
          %mul3A_109 = arith.constant 80 : i32
          %mul3A_110 = arith.muli %add3A_108, %mul3A_109 : i32
          %dma_start3A_111 = tpu.memref_slice %arg6[%mul3A_110] : memref<16640xi32, #tpu.memory_space<vmem>> -> memref<80xi32, #tpu.memory_space<vmem>>
          %dma_start3A_112 = arith.constant 0 : i32
          %dma_start3A_113 = arith.constant 0 : i32
          %dma_start3A_114 = tpu.memref_slice %arg2[%dma_start3A_112, %dma_start3A_113] : memref<10240x128xf32, #tpu.memory_space<hbm>> -> memref<10240x128xf32, #tpu.memory_space<hbm>>
          tpu.enqueue_indirect_dma source(%dma_start3A_114 : memref<10240x128xf32, #tpu.memory_space<hbm>>) target(%arg9 : memref<80x128xf32, #tpu.memory_space<vmem>>) offsets(%dma_start3A_111 : memref<80xi32, #tpu.memory_space<vmem>>) semaphore(%arg14 : memref<!tpu.dma_semaphore, #tpu.memory_space<semaphore_mem>>)
        } else {
        }
        %mul3A_77 = arith.constant 2 : i32
        %mul3A_78 = arith.muli %mul3A_77, %scan3A_55 : i32
        %add3A_79 = arith.constant 1 : i32
        %add3A_80 = arith.addi %mul3A_78, %add3A_79 : i32
        %mul3A_81 = arith.constant 80 : i32
        %mul3A_82 = arith.muli %add3A_80, %mul3A_81 : i32
        %add3A_83 = arith.addi %add3A_30, %mul3A_82 : i32
        %dma_wait3A_84 = tpu.memref_slice %arg4[%add3A_83] : memref<327680xi32, #tpu.memory_space<hbm>> -> memref<80xi32, #tpu.memory_space<hbm>>
        %dma_wait3A_85 = tpu.memref_slice %arg4[%add3A_83] : memref<327680xi32, #tpu.memory_space<hbm>> -> memref<80xi32, #tpu.memory_space<hbm>>
        tpu.wait_dma2 semaphore(%arg13 : memref<!tpu.dma_semaphore, #tpu.memory_space<semaphore_mem>>) src(%dma_wait3A_85 : memref<80xi32, #tpu.memory_space<hbm>>) dst(%arg8 : memref<80xi32, #tpu.memory_space<vmem>>)
        %mul3A_86 = arith.constant 80 : i32
        %mul3A_87 = arith.muli %add3A_80, %mul3A_86 : i32
        %dma_wait3A_88 = tpu.memref_slice %arg6[%mul3A_87] : memref<16640xi32, #tpu.memory_space<vmem>> -> memref<80xi32, #tpu.memory_space<vmem>>
        %dma_wait3A_89 = arith.constant 0 : i32
        %dma_wait3A_90 = arith.constant 0 : i32
        %dma_wait3A_91 = tpu.memref_slice %arg2[%dma_wait3A_89, %dma_wait3A_90] : memref<10240x128xf32, #tpu.memory_space<hbm>> -> memref<10240x128xf32, #tpu.memory_space<hbm>>
        tpu.wait_indirect_dma semaphore(%arg15 : memref<!tpu.dma_semaphore, #tpu.memory_space<semaphore_mem>>) src(%dma_wait3A_91 : memref<10240x128xf32, #tpu.memory_space<hbm>>) dst(%arg10 : memref<80x128xf32, #tpu.memory_space<vmem>>)
        "tpu.region"() ({
          %run_scoped3A = tpu.sem_alloc : memref<!tpu.dma_semaphore, #tpu.memory_space<semaphore_mem>>
          %dma_start3A_100 = arith.constant 0 : i32
          %dma_start3A_101 = arith.constant 0 : i32
          %dma_start3A_102 = tpu.memref_slice %arg11[%dma_start3A_100, %dma_start3A_101] : memref<10240x128xf32, #tpu.memory_space<vmem_shared>> -> memref<10240x128xf32, #tpu.memory_space<vmem_shared>>
          tpu.enqueue_indirect_dma source(%arg10 : memref<80x128xf32, #tpu.memory_space<vmem>>) target(%dma_start3A_102 : memref<10240x128xf32, #tpu.memory_space<vmem_shared>>) offsets(%arg8 : memref<80xi32, #tpu.memory_space<vmem>>) semaphore(%run_scoped3A : memref<!tpu.dma_semaphore, #tpu.memory_space<semaphore_mem>>) {add = true}
          %dma_wait3A_103 = arith.constant 0 : i32
          %dma_wait3A_104 = arith.constant 0 : i32
          %dma_wait3A_105 = tpu.memref_slice %arg11[%dma_wait3A_103, %dma_wait3A_104] : memref<10240x128xf32, #tpu.memory_space<vmem_shared>> -> memref<10240x128xf32, #tpu.memory_space<vmem_shared>>
          tpu.wait_indirect_dma semaphore(%run_scoped3A : memref<!tpu.dma_semaphore, #tpu.memory_space<semaphore_mem>>) src(%arg10 : memref<80x128xf32, #tpu.memory_space<vmem>>) dst(%dma_wait3A_105 : memref<10240x128xf32, #tpu.memory_space<vmem_shared>>)
          tpu.yield
        }) : () -> ()
        %add3A_92 = arith.constant 2 : i32
        %add3A_93 = arith.addi %add3A_80, %add3A_92 : i32
        %lt3A_94 = arith.constant 48 : i32
        %lt3A_95 = arith.cmpi slt, %add3A_93, %lt3A_94 : i32
        %convert_element_type3A_96 = arith.extui %lt3A_95 : i1 to i32
        %cond3A_97 = arith.constant 0 : i32
        %cond3A_98 = arith.cmpi ne, %convert_element_type3A_96, %cond3A_97 : i32
        scf.if %cond3A_98 {
          %add3A_100 = arith.constant 2 : i32
          %add3A_101 = arith.addi %add3A_80, %add3A_100 : i32
          %mul3A_102 = arith.constant 80 : i32
          %mul3A_103 = arith.muli %add3A_101, %mul3A_102 : i32
          %add3A_104 = arith.addi %add3A_30, %mul3A_103 : i32
          %dma_start3A_105 = tpu.memref_slice %arg4[%add3A_104] : memref<327680xi32, #tpu.memory_space<hbm>> -> memref<80xi32, #tpu.memory_space<hbm>>
          %dma_start3A_106 = tpu.memref_slice %arg4[%add3A_104] : memref<327680xi32, #tpu.memory_space<hbm>> -> memref<80xi32, #tpu.memory_space<hbm>>
          tpu.enqueue_dma source(%dma_start3A_106 : memref<80xi32, #tpu.memory_space<hbm>>) target(%arg8 : memref<80xi32, #tpu.memory_space<vmem>>) target_semaphore(%arg13 : memref<!tpu.dma_semaphore, #tpu.memory_space<semaphore_mem>>)
          %add3A_107 = arith.constant 2 : i32
          %add3A_108 = arith.addi %add3A_80, %add3A_107 : i32
          %mul3A_109 = arith.constant 80 : i32
          %mul3A_110 = arith.muli %add3A_108, %mul3A_109 : i32
          %dma_start3A_111 = tpu.memref_slice %arg6[%mul3A_110] : memref<16640xi32, #tpu.memory_space<vmem>> -> memref<80xi32, #tpu.memory_space<vmem>>
          %dma_start3A_112 = arith.constant 0 : i32
          %dma_start3A_113 = arith.constant 0 : i32
          %dma_start3A_114 = tpu.memref_slice %arg2[%dma_start3A_112, %dma_start3A_113] : memref<10240x128xf32, #tpu.memory_space<hbm>> -> memref<10240x128xf32, #tpu.memory_space<hbm>>
          tpu.enqueue_indirect_dma source(%dma_start3A_114 : memref<10240x128xf32, #tpu.memory_space<hbm>>) target(%arg10 : memref<80x128xf32, #tpu.memory_space<vmem>>) offsets(%dma_start3A_111 : memref<80xi32, #tpu.memory_space<vmem>>) semaphore(%arg15 : memref<!tpu.dma_semaphore, #tpu.memory_space<semaphore_mem>>)
        } else {
        }
        %scan3A_99 = arith.constant 0 : i32
        scf.yield %scan3A_99 : i32
      }
      %scan3A_54 = arith.constant 24 : i32
    } else {
    }
    %barrier3A_21 = arith.constant 0 : index
    tpu.barrier barrier_id(%barrier3A_21)
    %mul3A = arith.constant 640 : i32
    %mul3A_22 = arith.muli %arg1, %mul3A : i32
    %mul3A_23 = arith.constant 10240 : i32
    %mul3A_24 = arith.muli %arg0, %mul3A_23 : i32
    %mul3A_25 = arith.constant 640 : i32
    %mul3A_26 = arith.muli %arg1, %mul3A_25 : i32
    %add3A = arith.addi %mul3A_24, %mul3A_26 : i32
    "tpu.region"() ({
      %run_scoped3A = tpu.sem_alloc : memref<!tpu.dma_semaphore, #tpu.memory_space<semaphore_mem>>
      %dma_start3A = arith.constant 0 : i32
      %dma_start3A_27 = tpu.memref_slice %arg5[%add3A, %dma_start3A] : memref<20480x128xf32, #tpu.memory_space<hbm>> -> memref<640x128xf32, #tpu.memory_space<hbm>>
      %dma_start3A_28 = arith.constant 0 : i32
      %dma_start3A_29 = tpu.memref_slice %arg11[%mul3A_22, %dma_start3A_28] : memref<10240x128xf32, #tpu.memory_space<vmem_shared>> -> memref<640x128xf32, #tpu.memory_space<vmem_shared>>
      tpu.enqueue_dma source(%dma_start3A_29 : memref<640x128xf32, #tpu.memory_space<vmem_shared>>) target(%dma_start3A_27 : memref<640x128xf32, #tpu.memory_space<hbm>>) target_semaphore(%run_scoped3A : memref<!tpu.dma_semaphore, #tpu.memory_space<semaphore_mem>>)
      %dma_wait3A = arith.constant 0 : i32
      %dma_wait3A_30 = tpu.memref_slice %arg5[%add3A, %dma_wait3A] : memref<20480x128xf32, #tpu.memory_space<hbm>> -> memref<640x128xf32, #tpu.memory_space<hbm>>
      %dma_wait3A_31 = arith.constant 0 : i32
      %dma_wait3A_32 = tpu.memref_slice %arg11[%mul3A_22, %dma_wait3A_31] : memref<10240x128xf32, #tpu.memory_space<vmem_shared>> -> memref<640x128xf32, #tpu.memory_space<vmem_shared>>
      tpu.wait_dma2 semaphore(%run_scoped3A : memref<!tpu.dma_semaphore, #tpu.memory_space<semaphore_mem>>) src(%dma_wait3A_32 : memref<640x128xf32, #tpu.memory_space<vmem_shared>>) dst(%dma_wait3A_30 : memref<640x128xf32, #tpu.memory_space<hbm>>)
      tpu.yield
    }) : () -> ()
    return
  }
}

#map = affine_map<(d0, d1) -> (0)>
module attributes {stable_mosaic.version = 14 : i64} {
  func.func @_deg_dinv(%arg0: i32, %arg1: i32, %arg2: memref<320000xi32, #tpu.memory_space<hbm>>, %arg3: memref<10240xf32, #tpu.memory_space<hbm>>, %arg4: memref<10240xf32, #tpu.memory_space<vmem>>, %arg5: memref<2000xi32, #tpu.memory_space<vmem>>, %arg6: memref<80x128xi32, #tpu.memory_space<vmem>>, %arg7: memref<320xf32, #tpu.memory_space<vmem>>, %arg8: memref<10240xf32, #tpu.memory_space<vmem_shared>>) attributes {dimension_semantics = [#tpu.dimension_semantics<core_parallel>, #tpu.dimension_semantics<subcore_parallel>], iteration_bounds = array<i64: 2, 16>, scalar_prefetch = 0 : i64, scratch_operands = 5 : i64, tpu.core_type = #tpu.core_type<sc_vector_subcore>, window_params = [{transform_indices = #map}, {transform_indices = #map}]} {
    %broadcast_in_dim3A = arith.constant 0.000000e+00 : f32
    %broadcast_in_dim3A_0 = vector.broadcast %broadcast_in_dim3A : f32 to vector<16xf32>
    %broadcast_in_dim3A_1 = arith.constant 1.000000e+00 : f32
    %broadcast_in_dim3A_2 = vector.broadcast %broadcast_in_dim3A_1 : f32 to vector<16xf32>
    %iota3A = tpu.iota {dimensions = array<i32: 0>} : vector<16xi32>
    %scan3A = arith.constant 0 : i32
    %scan3A_3 = arith.constant 0 : i32
    %scan3A_4 = arith.constant 640 : i32
    %scan3A_5 = arith.addi %scan3A_3, %scan3A_4 : i32
    %scan3A_6 = arith.constant 1 : i32
    %scan3A_7 = scf.for %scan3A_117 = %scan3A_3 to %scan3A_5 step %scan3A_6 iter_args(%scan3A_118 = %scan3A) -> (i32)  : i32 {
      %mul3A_119 = arith.constant 16 : i32
      %mul3A_120 = arith.muli %scan3A_117, %mul3A_119 : i32
      %swap3A = arith.index_cast %mul3A_120 : i32 to index
      %swap3A_121 = tpu.vector_load %arg4[%swap3A] {strides = array<i32>} : memref<10240xf32, #tpu.memory_space<vmem>>, vector<16xf32>,
      tpu.vector_store %arg4[%swap3A], %broadcast_in_dim3A_0 {strides = array<i32>} : memref<10240xf32, #tpu.memory_space<vmem>>, vector<16xf32>,
      %scan3A_122 = arith.constant 0 : i32
      scf.yield %scan3A_122 : i32
    }
    %scan3A_8 = arith.constant 640 : i32
    %scan3A_9 = arith.constant 0 : i32
    %scan3A_10 = arith.constant 0 : i32
    %scan3A_11 = arith.constant 640 : i32
    %scan3A_12 = arith.addi %scan3A_10, %scan3A_11 : i32
    %scan3A_13 = arith.constant 1 : i32
    %scan3A_14 = scf.for %scan3A_117 = %scan3A_10 to %scan3A_12 step %scan3A_13 iter_args(%scan3A_118 = %scan3A_9) -> (i32)  : i32 {
      %mul3A_119 = arith.constant 16 : i32
      %mul3A_120 = arith.muli %scan3A_117, %mul3A_119 : i32
      %add3A_121 = vector.broadcast %mul3A_120 : i32 to vector<16xi32>
      %add3A_122 = arith.addi %iota3A, %add3A_121 : vector<16xi32>
      %shift_right_arithmetic3A = arith.constant 3 : i32
      %shift_right_arithmetic3A_123 = arith.shrsi %scan3A_117, %shift_right_arithmetic3A : i32
      %and3A = arith.constant 7 : i32
      %and3A_124 = arith.andi %scan3A_117, %and3A : i32
      %mul3A_125 = arith.constant 16 : i32
      %mul3A_126 = arith.muli %and3A_124, %mul3A_125 : i32
      %swap3A = arith.index_cast %shift_right_arithmetic3A_123 : i32 to index
      %swap3A_127 = arith.index_cast %mul3A_126 : i32 to index
      %swap3A_128 = tpu.vector_load %arg6[%swap3A, %swap3A_127] {strides = array<i32>} : memref<80x128xi32, #tpu.memory_space<vmem>>, vector<16xi32>,
      tpu.vector_store %arg6[%swap3A, %swap3A_127], %add3A_122 {strides = array<i32>} : memref<80x128xi32, #tpu.memory_space<vmem>>, vector<16xi32>,
      %scan3A_129 = arith.constant 0 : i32
      scf.yield %scan3A_129 : i32
    }
    %scan3A_15 = arith.constant 640 : i32
    %eq3A = arith.constant 0 : i32
    %eq3A_16 = arith.cmpi eq, %arg1, %eq3A : i32
    %convert_element_type3A = arith.extui %eq3A_16 : i1 to i32
    %cond3A = arith.constant 0 : i32
    %cond3A_17 = arith.cmpi ne, %convert_element_type3A, %cond3A : i32
    scf.if %cond3A_17 {
      "tpu.region"() ({
        %run_scoped3A_117 = tpu.sem_alloc : memref<!tpu.dma_semaphore, #tpu.memory_space<semaphore_mem>>
        tpu.enqueue_dma source(%arg4 : memref<10240xf32, #tpu.memory_space<vmem>>) target(%arg8 : memref<10240xf32, #tpu.memory_space<vmem_shared>>) target_semaphore(%run_scoped3A_117 : memref<!tpu.dma_semaphore, #tpu.memory_space<semaphore_mem>>)
        tpu.wait_dma2 semaphore(%run_scoped3A_117 : memref<!tpu.dma_semaphore, #tpu.memory_space<semaphore_mem>>) src(%arg4 : memref<10240xf32, #tpu.memory_space<vmem>>) dst(%arg8 : memref<10240xf32, #tpu.memory_space<vmem_shared>>)
        tpu.yield
      }) : () -> ()
    } else {
    }
    %barrier3A = arith.constant 0 : index
    tpu.barrier barrier_id(%barrier3A)
    %scan3A_18 = arith.constant 0 : i32
    %scan3A_19 = arith.constant 0 : i32
    %scan3A_20 = arith.constant 10 : i32
    %scan3A_21 = arith.addi %scan3A_19, %scan3A_20 : i32
    %scan3A_22 = arith.constant 1 : i32
    %scan3A_23 = scf.for %scan3A_117 = %scan3A_19 to %scan3A_21 step %scan3A_22 iter_args(%scan3A_118 = %scan3A_18) -> (i32)  : i32 {
      %mul3A_119 = arith.constant 20000 : i32
      %mul3A_120 = arith.muli %arg1, %mul3A_119 : i32
      %mul3A_121 = arith.constant 2000 : i32
      %mul3A_122 = arith.muli %scan3A_117, %mul3A_121 : i32
      %add3A_123 = arith.addi %mul3A_120, %mul3A_122 : i32
      "tpu.region"() ({
        %run_scoped3A_132 = tpu.sem_alloc : memref<!tpu.dma_semaphore, #tpu.memory_space<semaphore_mem>>
        %dma_start3A = tpu.memref_slice %arg2[%add3A_123] : memref<320000xi32, #tpu.memory_space<hbm>> -> memref<2000xi32, #tpu.memory_space<hbm>>
        %dma_start3A_133 = tpu.memref_slice %arg2[%add3A_123] : memref<320000xi32, #tpu.memory_space<hbm>> -> memref<2000xi32, #tpu.memory_space<hbm>>
        tpu.enqueue_dma source(%dma_start3A_133 : memref<2000xi32, #tpu.memory_space<hbm>>) target(%arg5 : memref<2000xi32, #tpu.memory_space<vmem>>) target_semaphore(%run_scoped3A_132 : memref<!tpu.dma_semaphore, #tpu.memory_space<semaphore_mem>>)
        %dma_wait3A = tpu.memref_slice %arg2[%add3A_123] : memref<320000xi32, #tpu.memory_space<hbm>> -> memref<2000xi32, #tpu.memory_space<hbm>>
        %dma_wait3A_134 = tpu.memref_slice %arg2[%add3A_123] : memref<320000xi32, #tpu.memory_space<hbm>> -> memref<2000xi32, #tpu.memory_space<hbm>>
        tpu.wait_dma2 semaphore(%run_scoped3A_132 : memref<!tpu.dma_semaphore, #tpu.memory_space<semaphore_mem>>) src(%dma_wait3A_134 : memref<2000xi32, #tpu.memory_space<hbm>>) dst(%arg5 : memref<2000xi32, #tpu.memory_space<vmem>>)
        tpu.yield
      }) : () -> ()
      %scan3A_124 = arith.constant 0 : i32
      %scan3A_125 = arith.constant 0 : i32
      %scan3A_126 = arith.constant 125 : i32
      %scan3A_127 = arith.addi %scan3A_125, %scan3A_126 : i32
      %scan3A_128 = arith.constant 1 : i32
      %scan3A_129 = scf.for %scan3A_132 = %scan3A_125 to %scan3A_127 step %scan3A_128 iter_args(%scan3A_133 = %scan3A_124) -> (i32)  : i32 {
        %mul3A_134 = arith.constant 16 : i32
        %mul3A_135 = arith.muli %scan3A_132, %mul3A_134 : i32
        %get3A = arith.index_cast %mul3A_135 : i32 to index
        %get3A_136 = tpu.vector_load %arg5[%get3A] {strides = array<i32>} : memref<2000xi32, #tpu.memory_space<vmem>>, vector<16xi32>,
        tpu.vector_store_idx %arg4[%get3A_136], %broadcast_in_dim3A_2 {add = true} : memref<10240xf32, #tpu.memory_space<vmem>>[vector<16xi32>], vector<16xf32>,
        %scan3A_137 = arith.constant 0 : i32
        scf.yield %scan3A_137 : i32
      }
      %scan3A_130 = arith.constant 125 : i32
      %scan3A_131 = arith.constant 0 : i32
      scf.yield %scan3A_131 : i32
    }
    %scan3A_24 = arith.constant 10 : i32
    %run_scoped3A = arith.constant 0 : i32
    "tpu.region"() ({
      %run_scoped3A_117 = tpu.sem_alloc : memref<!tpu.dma_semaphore, #tpu.memory_space<semaphore_mem>>
      %dma_start3A = arith.constant 0 : i32
      %dma_start3A_118 = tpu.memref_slice %arg4[%dma_start3A] : memref<10240xf32, #tpu.memory_space<vmem>> -> memref<128xf32, #tpu.memory_space<vmem>>
      %dma_start3A_119 = arith.constant 0 : i32
      %dma_start3A_120 = tpu.memref_slice %arg6[%run_scoped3A, %dma_start3A_119] : memref<80x128xi32, #tpu.memory_space<vmem>> -> memref<1x128xi32, #tpu.memory_space<vmem>>
      %dma_start3A_121 = tpu.memref_squeeze %dma_start3A_120 : memref<1x128xi32, #tpu.memory_space<vmem>> -> memref<128xi32, #tpu.memory_space<vmem>>
      %dma_start3A_122 = arith.constant 0 : i32
      %dma_start3A_123 = tpu.memref_slice %arg8[%dma_start3A_122] : memref<10240xf32, #tpu.memory_space<vmem_shared>> -> memref<10240xf32, #tpu.memory_space<vmem_shared>>
      tpu.enqueue_indirect_dma source(%dma_start3A_118 : memref<128xf32, #tpu.memory_space<vmem>>) target(%dma_start3A_123 : memref<10240xf32, #tpu.memory_space<vmem_shared>>) offsets(%dma_start3A_121 : memref<128xi32, #tpu.memory_space<vmem>>) semaphore(%run_scoped3A_117 : memref<!tpu.dma_semaphore, #tpu.memory_space<semaphore_mem>>) {add = true}
      %dma_wait3A = arith.constant 0 : i32
      %dma_wait3A_124 = tpu.memref_slice %arg4[%dma_wait3A] : memref<10240xf32, #tpu.memory_space<vmem>> -> memref<128xf32, #tpu.memory_space<vmem>>
      %dma_wait3A_125 = arith.constant 0 : i32
      %dma_wait3A_126 = tpu.memref_slice %arg6[%run_scoped3A, %dma_wait3A_125] : memref<80x128xi32, #tpu.memory_space<vmem>> -> memref<1x128xi32, #tpu.memory_space<vmem>>
      %dma_wait3A_127 = tpu.memref_squeeze %dma_wait3A_126 : memref<1x128xi32, #tpu.memory_space<vmem>> -> memref<128xi32, #tpu.memory_space<vmem>>
      %dma_wait3A_128 = arith.constant 0 : i32
      %dma_wait3A_129 = tpu.memref_slice %arg8[%dma_wait3A_128] : memref<10240xf32, #tpu.memory_space<vmem_shared>> -> memref<10240xf32, #tpu.memory_space<vmem_shared>>
      tpu.wait_indirect_dma semaphore(%run_scoped3A_117 : memref<!tpu.dma_semaphore, #tpu.memory_space<semaphore_mem>>) src(%dma_wait3A_124 : memref<128xf32, #tpu.memory_space<vmem>>) dst(%dma_wait3A_129 : memref<10240xf32, #tpu.memory_space<vmem_shared>>)
      tpu.yield
    }) : () -> ()
    %run_scoped3A_25 = arith.constant 1 : i32
    "tpu.region"() ({
      %run_scoped3A_117 = tpu.sem_alloc : memref<!tpu.dma_semaphore, #tpu.memory_space<semaphore_mem>>
      %dma_start3A = arith.constant 128 : i32
      %dma_start3A_118 = tpu.memref_slice %arg4[%dma_start3A] : memref<10240xf32, #tpu.memory_space<vmem>> -> memref<128xf32, #tpu.memory_space<vmem>>
      %dma_start3A_119 = arith.constant 0 : i32
      %dma_start3A_120 = tpu.memref_slice %arg6[%run_scoped3A_25, %dma_start3A_119] : memref<80x128xi32, #tpu.memory_space<vmem>> -> memref<1x128xi32, #tpu.memory_space<vmem>>
      %dma_start3A_121 = tpu.memref_squeeze %dma_start3A_120 : memref<1x128xi32, #tpu.memory_space<vmem>> -> memref<128xi32, #tpu.memory_space<vmem>>
      %dma_start3A_122 = arith.constant 0 : i32
      %dma_start3A_123 = tpu.memref_slice %arg8[%dma_start3A_122] : memref<10240xf32, #tpu.memory_space<vmem_shared>> -> memref<10240xf32, #tpu.memory_space<vmem_shared>>
      tpu.enqueue_indirect_dma source(%dma_start3A_118 : memref<128xf32, #tpu.memory_space<vmem>>) target(%dma_start3A_123 : memref<10240xf32, #tpu.memory_space<vmem_shared>>) offsets(%dma_start3A_121 : memref<128xi32, #tpu.memory_space<vmem>>) semaphore(%run_scoped3A_117 : memref<!tpu.dma_semaphore, #tpu.memory_space<semaphore_mem>>) {add = true}
      %dma_wait3A = arith.constant 128 : i32
      %dma_wait3A_124 = tpu.memref_slice %arg4[%dma_wait3A] : memref<10240xf32, #tpu.memory_space<vmem>> -> memref<128xf32, #tpu.memory_space<vmem>>
      %dma_wait3A_125 = arith.constant 0 : i32
      %dma_wait3A_126 = tpu.memref_slice %arg6[%run_scoped3A_25, %dma_wait3A_125] : memref<80x128xi32, #tpu.memory_space<vmem>> -> memref<1x128xi32, #tpu.memory_space<vmem>>
      %dma_wait3A_127 = tpu.memref_squeeze %dma_wait3A_126 : memref<1x128xi32, #tpu.memory_space<vmem>> -> memref<128xi32, #tpu.memory_space<vmem>>
      %dma_wait3A_128 = arith.constant 0 : i32
      %dma_wait3A_129 = tpu.memref_slice %arg8[%dma_wait3A_128] : memref<10240xf32, #tpu.memory_space<vmem_shared>> -> memref<10240xf32, #tpu.memory_space<vmem_shared>>
      tpu.wait_indirect_dma semaphore(%run_scoped3A_117 : memref<!tpu.dma_semaphore, #tpu.memory_space<semaphore_mem>>) src(%dma_wait3A_124 : memref<128xf32, #tpu.memory_space<vmem>>) dst(%dma_wait3A_129 : memref<10240xf32, #tpu.memory_space<vmem_shared>>)
      tpu.yield
    }) : () -> ()
    %run_scoped3A_26 = arith.constant 2 : i32
    "tpu.region"() ({
      %run_scoped3A_117 = tpu.sem_alloc : memref<!tpu.dma_semaphore, #tpu.memory_space<semaphore_mem>>
      %dma_start3A = arith.constant 256 : i32
      %dma_start3A_118 = tpu.memref_slice %arg4[%dma_start3A] : memref<10240xf32, #tpu.memory_space<vmem>> -> memref<128xf32, #tpu.memory_space<vmem>>
      %dma_start3A_119 = arith.constant 0 : i32
      %dma_start3A_120 = tpu.memref_slice %arg6[%run_scoped3A_26, %dma_start3A_119] : memref<80x128xi32, #tpu.memory_space<vmem>> -> memref<1x128xi32, #tpu.memory_space<vmem>>
      %dma_start3A_121 = tpu.memref_squeeze %dma_start3A_120 : memref<1x128xi32, #tpu.memory_space<vmem>> -> memref<128xi32, #tpu.memory_space<vmem>>
      %dma_start3A_122 = arith.constant 0 : i32
      %dma_start3A_123 = tpu.memref_slice %arg8[%dma_start3A_122] : memref<10240xf32, #tpu.memory_space<vmem_shared>> -> memref<10240xf32, #tpu.memory_space<vmem_shared>>
      tpu.enqueue_indirect_dma source(%dma_start3A_118 : memref<128xf32, #tpu.memory_space<vmem>>) target(%dma_start3A_123 : memref<10240xf32, #tpu.memory_space<vmem_shared>>) offsets(%dma_start3A_121 : memref<128xi32, #tpu.memory_space<vmem>>) semaphore(%run_scoped3A_117 : memref<!tpu.dma_semaphore, #tpu.memory_space<semaphore_mem>>) {add = true}
      %dma_wait3A = arith.constant 256 : i32
      %dma_wait3A_124 = tpu.memref_slice %arg4[%dma_wait3A] : memref<10240xf32, #tpu.memory_space<vmem>> -> memref<128xf32, #tpu.memory_space<vmem>>
      %dma_wait3A_125 = arith.constant 0 : i32
      %dma_wait3A_126 = tpu.memref_slice %arg6[%run_scoped3A_26, %dma_wait3A_125] : memref<80x128xi32, #tpu.memory_space<vmem>> -> memref<1x128xi32, #tpu.memory_space<vmem>>
      %dma_wait3A_127 = tpu.memref_squeeze %dma_wait3A_126 : memref<1x128xi32, #tpu.memory_space<vmem>> -> memref<128xi32, #tpu.memory_space<vmem>>
      %dma_wait3A_128 = arith.constant 0 : i32
      %dma_wait3A_129 = tpu.memref_slice %arg8[%dma_wait3A_128] : memref<10240xf32, #tpu.memory_space<vmem_shared>> -> memref<10240xf32, #tpu.memory_space<vmem_shared>>
      tpu.wait_indirect_dma semaphore(%run_scoped3A_117 : memref<!tpu.dma_semaphore, #tpu.memory_space<semaphore_mem>>) src(%dma_wait3A_124 : memref<128xf32, #tpu.memory_space<vmem>>) dst(%dma_wait3A_129 : memref<10240xf32, #tpu.memory_space<vmem_shared>>)
      tpu.yield
    }) : () -> ()
    %run_scoped3A_27 = arith.constant 3 : i32
    "tpu.region"() ({
      %run_scoped3A_117 = tpu.sem_alloc : memref<!tpu.dma_semaphore, #tpu.memory_space<semaphore_mem>>
      %dma_start3A = arith.constant 384 : i32
      %dma_start3A_118 = tpu.memref_slice %arg4[%dma_start3A] : memref<10240xf32, #tpu.memory_space<vmem>> -> memref<128xf32, #tpu.memory_space<vmem>>
      %dma_start3A_119 = arith.constant 0 : i32
      %dma_start3A_120 = tpu.memref_slice %arg6[%run_scoped3A_27, %dma_start3A_119] : memref<80x128xi32, #tpu.memory_space<vmem>> -> memref<1x128xi32, #tpu.memory_space<vmem>>
      %dma_start3A_121 = tpu.memref_squeeze %dma_start3A_120 : memref<1x128xi32, #tpu.memory_space<vmem>> -> memref<128xi32, #tpu.memory_space<vmem>>
      %dma_start3A_122 = arith.constant 0 : i32
      %dma_start3A_123 = tpu.memref_slice %arg8[%dma_start3A_122] : memref<10240xf32, #tpu.memory_space<vmem_shared>> -> memref<10240xf32, #tpu.memory_space<vmem_shared>>
      tpu.enqueue_indirect_dma source(%dma_start3A_118 : memref<128xf32, #tpu.memory_space<vmem>>) target(%dma_start3A_123 : memref<10240xf32, #tpu.memory_space<vmem_shared>>) offsets(%dma_start3A_121 : memref<128xi32, #tpu.memory_space<vmem>>) semaphore(%run_scoped3A_117 : memref<!tpu.dma_semaphore, #tpu.memory_space<semaphore_mem>>) {add = true}
      %dma_wait3A = arith.constant 384 : i32
      %dma_wait3A_124 = tpu.memref_slice %arg4[%dma_wait3A] : memref<10240xf32, #tpu.memory_space<vmem>> -> memref<128xf32, #tpu.memory_space<vmem>>
      %dma_wait3A_125 = arith.constant 0 : i32
      %dma_wait3A_126 = tpu.memref_slice %arg6[%run_scoped3A_27, %dma_wait3A_125] : memref<80x128xi32, #tpu.memory_space<vmem>> -> memref<1x128xi32, #tpu.memory_space<vmem>>
      %dma_wait3A_127 = tpu.memref_squeeze %dma_wait3A_126 : memref<1x128xi32, #tpu.memory_space<vmem>> -> memref<128xi32, #tpu.memory_space<vmem>>
      %dma_wait3A_128 = arith.constant 0 : i32
      %dma_wait3A_129 = tpu.memref_slice %arg8[%dma_wait3A_128] : memref<10240xf32, #tpu.memory_space<vmem_shared>> -> memref<10240xf32, #tpu.memory_space<vmem_shared>>
      tpu.wait_indirect_dma semaphore(%run_scoped3A_117 : memref<!tpu.dma_semaphore, #tpu.memory_space<semaphore_mem>>) src(%dma_wait3A_124 : memref<128xf32, #tpu.memory_space<vmem>>) dst(%dma_wait3A_129 : memref<10240xf32, #tpu.memory_space<vmem_shared>>)
      tpu.yield
    }) : () -> ()
    %run_scoped3A_28 = arith.constant 4 : i32
    "tpu.region"() ({
      %run_scoped3A_117 = tpu.sem_alloc : memref<!tpu.dma_semaphore, #tpu.memory_space<semaphore_mem>>
      %dma_start3A = arith.constant 512 : i32
      %dma_start3A_118 = tpu.memref_slice %arg4[%dma_start3A] : memref<10240xf32, #tpu.memory_space<vmem>> -> memref<128xf32, #tpu.memory_space<vmem>>
      %dma_start3A_119 = arith.constant 0 : i32
      %dma_start3A_120 = tpu.memref_slice %arg6[%run_scoped3A_28, %dma_start3A_119] : memref<80x128xi32, #tpu.memory_space<vmem>> -> memref<1x128xi32, #tpu.memory_space<vmem>>
      %dma_start3A_121 = tpu.memref_squeeze %dma_start3A_120 : memref<1x128xi32, #tpu.memory_space<vmem>> -> memref<128xi32, #tpu.memory_space<vmem>>
      %dma_start3A_122 = arith.constant 0 : i32
      %dma_start3A_123 = tpu.memref_slice %arg8[%dma_start3A_122] : memref<10240xf32, #tpu.memory_space<vmem_shared>> -> memref<10240xf32, #tpu.memory_space<vmem_shared>>
      tpu.enqueue_indirect_dma source(%dma_start3A_118 : memref<128xf32, #tpu.memory_space<vmem>>) target(%dma_start3A_123 : memref<10240xf32, #tpu.memory_space<vmem_shared>>) offsets(%dma_start3A_121 : memref<128xi32, #tpu.memory_space<vmem>>) semaphore(%run_scoped3A_117 : memref<!tpu.dma_semaphore, #tpu.memory_space<semaphore_mem>>) {add = true}
      %dma_wait3A = arith.constant 512 : i32
      %dma_wait3A_124 = tpu.memref_slice %arg4[%dma_wait3A] : memref<10240xf32, #tpu.memory_space<vmem>> -> memref<128xf32, #tpu.memory_space<vmem>>
      %dma_wait3A_125 = arith.constant 0 : i32
      %dma_wait3A_126 = tpu.memref_slice %arg6[%run_scoped3A_28, %dma_wait3A_125] : memref<80x128xi32, #tpu.memory_space<vmem>> -> memref<1x128xi32, #tpu.memory_space<vmem>>
      %dma_wait3A_127 = tpu.memref_squeeze %dma_wait3A_126 : memref<1x128xi32, #tpu.memory_space<vmem>> -> memref<128xi32, #tpu.memory_space<vmem>>
      %dma_wait3A_128 = arith.constant 0 : i32
      %dma_wait3A_129 = tpu.memref_slice %arg8[%dma_wait3A_128] : memref<10240xf32, #tpu.memory_space<vmem_shared>> -> memref<10240xf32, #tpu.memory_space<vmem_shared>>
      tpu.wait_indirect_dma semaphore(%run_scoped3A_117 : memref<!tpu.dma_semaphore, #tpu.memory_space<semaphore_mem>>) src(%dma_wait3A_124 : memref<128xf32, #tpu.memory_space<vmem>>) dst(%dma_wait3A_129 : memref<10240xf32, #tpu.memory_space<vmem_shared>>)
      tpu.yield
    }) : () -> ()
    %run_scoped3A_29 = arith.constant 5 : i32
    "tpu.region"() ({
      %run_scoped3A_117 = tpu.sem_alloc : memref<!tpu.dma_semaphore, #tpu.memory_space<semaphore_mem>>
      %dma_start3A = arith.constant 640 : i32
      %dma_start3A_118 = tpu.memref_slice %arg4[%dma_start3A] : memref<10240xf32, #tpu.memory_space<vmem>> -> memref<128xf32, #tpu.memory_space<vmem>>
      %dma_start3A_119 = arith.constant 0 : i32
      %dma_start3A_120 = tpu.memref_slice %arg6[%run_scoped3A_29, %dma_start3A_119] : memref<80x128xi32, #tpu.memory_space<vmem>> -> memref<1x128xi32, #tpu.memory_space<vmem>>
      %dma_start3A_121 = tpu.memref_squeeze %dma_start3A_120 : memref<1x128xi32, #tpu.memory_space<vmem>> -> memref<128xi32, #tpu.memory_space<vmem>>
      %dma_start3A_122 = arith.constant 0 : i32
      %dma_start3A_123 = tpu.memref_slice %arg8[%dma_start3A_122] : memref<10240xf32, #tpu.memory_space<vmem_shared>> -> memref<10240xf32, #tpu.memory_space<vmem_shared>>
      tpu.enqueue_indirect_dma source(%dma_start3A_118 : memref<128xf32, #tpu.memory_space<vmem>>) target(%dma_start3A_123 : memref<10240xf32, #tpu.memory_space<vmem_shared>>) offsets(%dma_start3A_121 : memref<128xi32, #tpu.memory_space<vmem>>) semaphore(%run_scoped3A_117 : memref<!tpu.dma_semaphore, #tpu.memory_space<semaphore_mem>>) {add = true}
      %dma_wait3A = arith.constant 640 : i32
      %dma_wait3A_124 = tpu.memref_slice %arg4[%dma_wait3A] : memref<10240xf32, #tpu.memory_space<vmem>> -> memref<128xf32, #tpu.memory_space<vmem>>
      %dma_wait3A_125 = arith.constant 0 : i32
      %dma_wait3A_126 = tpu.memref_slice %arg6[%run_scoped3A_29, %dma_wait3A_125] : memref<80x128xi32, #tpu.memory_space<vmem>> -> memref<1x128xi32, #tpu.memory_space<vmem>>
      %dma_wait3A_127 = tpu.memref_squeeze %dma_wait3A_126 : memref<1x128xi32, #tpu.memory_space<vmem>> -> memref<128xi32, #tpu.memory_space<vmem>>
      %dma_wait3A_128 = arith.constant 0 : i32
      %dma_wait3A_129 = tpu.memref_slice %arg8[%dma_wait3A_128] : memref<10240xf32, #tpu.memory_space<vmem_shared>> -> memref<10240xf32, #tpu.memory_space<vmem_shared>>
      tpu.wait_indirect_dma semaphore(%run_scoped3A_117 : memref<!tpu.dma_semaphore, #tpu.memory_space<semaphore_mem>>) src(%dma_wait3A_124 : memref<128xf32, #tpu.memory_space<vmem>>) dst(%dma_wait3A_129 : memref<10240xf32, #tpu.memory_space<vmem_shared>>)
      tpu.yield
    }) : () -> ()
    %run_scoped3A_30 = arith.constant 6 : i32
    "tpu.region"() ({
      %run_scoped3A_117 = tpu.sem_alloc : memref<!tpu.dma_semaphore, #tpu.memory_space<semaphore_mem>>
      %dma_start3A = arith.constant 768 : i32
      %dma_start3A_118 = tpu.memref_slice %arg4[%dma_start3A] : memref<10240xf32, #tpu.memory_space<vmem>> -> memref<128xf32, #tpu.memory_space<vmem>>
      %dma_start3A_119 = arith.constant 0 : i32
      %dma_start3A_120 = tpu.memref_slice %arg6[%run_scoped3A_30, %dma_start3A_119] : memref<80x128xi32, #tpu.memory_space<vmem>> -> memref<1x128xi32, #tpu.memory_space<vmem>>
      %dma_start3A_121 = tpu.memref_squeeze %dma_start3A_120 : memref<1x128xi32, #tpu.memory_space<vmem>> -> memref<128xi32, #tpu.memory_space<vmem>>
      %dma_start3A_122 = arith.constant 0 : i32
      %dma_start3A_123 = tpu.memref_slice %arg8[%dma_start3A_122] : memref<10240xf32, #tpu.memory_space<vmem_shared>> -> memref<10240xf32, #tpu.memory_space<vmem_shared>>
      tpu.enqueue_indirect_dma source(%dma_start3A_118 : memref<128xf32, #tpu.memory_space<vmem>>) target(%dma_start3A_123 : memref<10240xf32, #tpu.memory_space<vmem_shared>>) offsets(%dma_start3A_121 : memref<128xi32, #tpu.memory_space<vmem>>) semaphore(%run_scoped3A_117 : memref<!tpu.dma_semaphore, #tpu.memory_space<semaphore_mem>>) {add = true}
      %dma_wait3A = arith.constant 768 : i32
      %dma_wait3A_124 = tpu.memref_slice %arg4[%dma_wait3A] : memref<10240xf32, #tpu.memory_space<vmem>> -> memref<128xf32, #tpu.memory_space<vmem>>
      %dma_wait3A_125 = arith.constant 0 : i32
      %dma_wait3A_126 = tpu.memref_slice %arg6[%run_scoped3A_30, %dma_wait3A_125] : memref<80x128xi32, #tpu.memory_space<vmem>> -> memref<1x128xi32, #tpu.memory_space<vmem>>
      %dma_wait3A_127 = tpu.memref_squeeze %dma_wait3A_126 : memref<1x128xi32, #tpu.memory_space<vmem>> -> memref<128xi32, #tpu.memory_space<vmem>>
      %dma_wait3A_128 = arith.constant 0 : i32
      %dma_wait3A_129 = tpu.memref_slice %arg8[%dma_wait3A_128] : memref<10240xf32, #tpu.memory_space<vmem_shared>> -> memref<10240xf32, #tpu.memory_space<vmem_shared>>
      tpu.wait_indirect_dma semaphore(%run_scoped3A_117 : memref<!tpu.dma_semaphore, #tpu.memory_space<semaphore_mem>>) src(%dma_wait3A_124 : memref<128xf32, #tpu.memory_space<vmem>>) dst(%dma_wait3A_129 : memref<10240xf32, #tpu.memory_space<vmem_shared>>)
      tpu.yield
    }) : () -> ()
    %run_scoped3A_31 = arith.constant 7 : i32
    "tpu.region"() ({
      %run_scoped3A_117 = tpu.sem_alloc : memref<!tpu.dma_semaphore, #tpu.memory_space<semaphore_mem>>
      %dma_start3A = arith.constant 896 : i32
      %dma_start3A_118 = tpu.memref_slice %arg4[%dma_start3A] : memref<10240xf32, #tpu.memory_space<vmem>> -> memref<128xf32, #tpu.memory_space<vmem>>
      %dma_start3A_119 = arith.constant 0 : i32
      %dma_start3A_120 = tpu.memref_slice %arg6[%run_scoped3A_31, %dma_start3A_119] : memref<80x128xi32, #tpu.memory_space<vmem>> -> memref<1x128xi32, #tpu.memory_space<vmem>>
      %dma_start3A_121 = tpu.memref_squeeze %dma_start3A_120 : memref<1x128xi32, #tpu.memory_space<vmem>> -> memref<128xi32, #tpu.memory_space<vmem>>
      %dma_start3A_122 = arith.constant 0 : i32
      %dma_start3A_123 = tpu.memref_slice %arg8[%dma_start3A_122] : memref<10240xf32, #tpu.memory_space<vmem_shared>> -> memref<10240xf32, #tpu.memory_space<vmem_shared>>
      tpu.enqueue_indirect_dma source(%dma_start3A_118 : memref<128xf32, #tpu.memory_space<vmem>>) target(%dma_start3A_123 : memref<10240xf32, #tpu.memory_space<vmem_shared>>) offsets(%dma_start3A_121 : memref<128xi32, #tpu.memory_space<vmem>>) semaphore(%run_scoped3A_117 : memref<!tpu.dma_semaphore, #tpu.memory_space<semaphore_mem>>) {add = true}
      %dma_wait3A = arith.constant 896 : i32
      %dma_wait3A_124 = tpu.memref_slice %arg4[%dma_wait3A] : memref<10240xf32, #tpu.memory_space<vmem>> -> memref<128xf32, #tpu.memory_space<vmem>>
      %dma_wait3A_125 = arith.constant 0 : i32
      %dma_wait3A_126 = tpu.memref_slice %arg6[%run_scoped3A_31, %dma_wait3A_125] : memref<80x128xi32, #tpu.memory_space<vmem>> -> memref<1x128xi32, #tpu.memory_space<vmem>>
      %dma_wait3A_127 = tpu.memref_squeeze %dma_wait3A_126 : memref<1x128xi32, #tpu.memory_space<vmem>> -> memref<128xi32, #tpu.memory_space<vmem>>
      %dma_wait3A_128 = arith.constant 0 : i32
      %dma_wait3A_129 = tpu.memref_slice %arg8[%dma_wait3A_128] : memref<10240xf32, #tpu.memory_space<vmem_shared>> -> memref<10240xf32, #tpu.memory_space<vmem_shared>>
      tpu.wait_indirect_dma semaphore(%run_scoped3A_117 : memref<!tpu.dma_semaphore, #tpu.memory_space<semaphore_mem>>) src(%dma_wait3A_124 : memref<128xf32, #tpu.memory_space<vmem>>) dst(%dma_wait3A_129 : memref<10240xf32, #tpu.memory_space<vmem_shared>>)
      tpu.yield
    }) : () -> ()
    %run_scoped3A_32 = arith.constant 8 : i32
    "tpu.region"() ({
      %run_scoped3A_117 = tpu.sem_alloc : memref<!tpu.dma_semaphore, #tpu.memory_space<semaphore_mem>>
      %dma_start3A = arith.constant 1024 : i32
      %dma_start3A_118 = tpu.memref_slice %arg4[%dma_start3A] : memref<10240xf32, #tpu.memory_space<vmem>> -> memref<128xf32, #tpu.memory_space<vmem>>
      %dma_start3A_119 = arith.constant 0 : i32
      %dma_start3A_120 = tpu.memref_slice %arg6[%run_scoped3A_32, %dma_start3A_119] : memref<80x128xi32, #tpu.memory_space<vmem>> -> memref<1x128xi32, #tpu.memory_space<vmem>>
      %dma_start3A_121 = tpu.memref_squeeze %dma_start3A_120 : memref<1x128xi32, #tpu.memory_space<vmem>> -> memref<128xi32, #tpu.memory_space<vmem>>
      %dma_start3A_122 = arith.constant 0 : i32
      %dma_start3A_123 = tpu.memref_slice %arg8[%dma_start3A_122] : memref<10240xf32, #tpu.memory_space<vmem_shared>> -> memref<10240xf32, #tpu.memory_space<vmem_shared>>
      tpu.enqueue_indirect_dma source(%dma_start3A_118 : memref<128xf32, #tpu.memory_space<vmem>>) target(%dma_start3A_123 : memref<10240xf32, #tpu.memory_space<vmem_shared>>) offsets(%dma_start3A_121 : memref<128xi32, #tpu.memory_space<vmem>>) semaphore(%run_scoped3A_117 : memref<!tpu.dma_semaphore, #tpu.memory_space<semaphore_mem>>) {add = true}
      %dma_wait3A = arith.constant 1024 : i32
      %dma_wait3A_124 = tpu.memref_slice %arg4[%dma_wait3A] : memref<10240xf32, #tpu.memory_space<vmem>> -> memref<128xf32, #tpu.memory_space<vmem>>
      %dma_wait3A_125 = arith.constant 0 : i32
      %dma_wait3A_126 = tpu.memref_slice %arg6[%run_scoped3A_32, %dma_wait3A_125] : memref<80x128xi32, #tpu.memory_space<vmem>> -> memref<1x128xi32, #tpu.memory_space<vmem>>
      %dma_wait3A_127 = tpu.memref_squeeze %dma_wait3A_126 : memref<1x128xi32, #tpu.memory_space<vmem>> -> memref<128xi32, #tpu.memory_space<vmem>>
      %dma_wait3A_128 = arith.constant 0 : i32
      %dma_wait3A_129 = tpu.memref_slice %arg8[%dma_wait3A_128] : memref<10240xf32, #tpu.memory_space<vmem_shared>> -> memref<10240xf32, #tpu.memory_space<vmem_shared>>
      tpu.wait_indirect_dma semaphore(%run_scoped3A_117 : memref<!tpu.dma_semaphore, #tpu.memory_space<semaphore_mem>>) src(%dma_wait3A_124 : memref<128xf32, #tpu.memory_space<vmem>>) dst(%dma_wait3A_129 : memref<10240xf32, #tpu.memory_space<vmem_shared>>)
      tpu.yield
    }) : () -> ()
    %run_scoped3A_33 = arith.constant 9 : i32
    "tpu.region"() ({
      %run_scoped3A_117 = tpu.sem_alloc : memref<!tpu.dma_semaphore, #tpu.memory_space<semaphore_mem>>
      %dma_start3A = arith.constant 1152 : i32
      %dma_start3A_118 = tpu.memref_slice %arg4[%dma_start3A] : memref<10240xf32, #tpu.memory_space<vmem>> -> memref<128xf32, #tpu.memory_space<vmem>>
      %dma_start3A_119 = arith.constant 0 : i32
      %dma_start3A_120 = tpu.memref_slice %arg6[%run_scoped3A_33, %dma_start3A_119] : memref<80x128xi32, #tpu.memory_space<vmem>> -> memref<1x128xi32, #tpu.memory_space<vmem>>
      %dma_start3A_121 = tpu.memref_squeeze %dma_start3A_120 : memref<1x128xi32, #tpu.memory_space<vmem>> -> memref<128xi32, #tpu.memory_space<vmem>>
      %dma_start3A_122 = arith.constant 0 : i32
      %dma_start3A_123 = tpu.memref_slice %arg8[%dma_start3A_122] : memref<10240xf32, #tpu.memory_space<vmem_shared>> -> memref<10240xf32, #tpu.memory_space<vmem_shared>>
      tpu.enqueue_indirect_dma source(%dma_start3A_118 : memref<128xf32, #tpu.memory_space<vmem>>) target(%dma_start3A_123 : memref<10240xf32, #tpu.memory_space<vmem_shared>>) offsets(%dma_start3A_121 : memref<128xi32, #tpu.memory_space<vmem>>) semaphore(%run_scoped3A_117 : memref<!tpu.dma_semaphore, #tpu.memory_space<semaphore_mem>>) {add = true}
      %dma_wait3A = arith.constant 1152 : i32
      %dma_wait3A_124 = tpu.memref_slice %arg4[%dma_wait3A] : memref<10240xf32, #tpu.memory_space<vmem>> -> memref<128xf32, #tpu.memory_space<vmem>>
      %dma_wait3A_125 = arith.constant 0 : i32
      %dma_wait3A_126 = tpu.memref_slice %arg6[%run_scoped3A_33, %dma_wait3A_125] : memref<80x128xi32, #tpu.memory_space<vmem>> -> memref<1x128xi32, #tpu.memory_space<vmem>>
      %dma_wait3A_127 = tpu.memref_squeeze %dma_wait3A_126 : memref<1x128xi32, #tpu.memory_space<vmem>> -> memref<128xi32, #tpu.memory_space<vmem>>
      %dma_wait3A_128 = arith.constant 0 : i32
      %dma_wait3A_129 = tpu.memref_slice %arg8[%dma_wait3A_128] : memref<10240xf32, #tpu.memory_space<vmem_shared>> -> memref<10240xf32, #tpu.memory_space<vmem_shared>>
      tpu.wait_indirect_dma semaphore(%run_scoped3A_117 : memref<!tpu.dma_semaphore, #tpu.memory_space<semaphore_mem>>) src(%dma_wait3A_124 : memref<128xf32, #tpu.memory_space<vmem>>) dst(%dma_wait3A_129 : memref<10240xf32, #tpu.memory_space<vmem_shared>>)
      tpu.yield
    }) : () -> ()
    %run_scoped3A_34 = arith.constant 10 : i32
    "tpu.region"() ({
      %run_scoped3A_117 = tpu.sem_alloc : memref<!tpu.dma_semaphore, #tpu.memory_space<semaphore_mem>>
      %dma_start3A = arith.constant 1280 : i32
      %dma_start3A_118 = tpu.memref_slice %arg4[%dma_start3A] : memref<10240xf32, #tpu.memory_space<vmem>> -> memref<128xf32, #tpu.memory_space<vmem>>
      %dma_start3A_119 = arith.constant 0 : i32
      %dma_start3A_120 = tpu.memref_slice %arg6[%run_scoped3A_34, %dma_start3A_119] : memref<80x128xi32, #tpu.memory_space<vmem>> -> memref<1x128xi32, #tpu.memory_space<vmem>>
      %dma_start3A_121 = tpu.memref_squeeze %dma_start3A_120 : memref<1x128xi32, #tpu.memory_space<vmem>> -> memref<128xi32, #tpu.memory_space<vmem>>
      %dma_start3A_122 = arith.constant 0 : i32
      %dma_start3A_123 = tpu.memref_slice %arg8[%dma_start3A_122] : memref<10240xf32, #tpu.memory_space<vmem_shared>> -> memref<10240xf32, #tpu.memory_space<vmem_shared>>
      tpu.enqueue_indirect_dma source(%dma_start3A_118 : memref<128xf32, #tpu.memory_space<vmem>>) target(%dma_start3A_123 : memref<10240xf32, #tpu.memory_space<vmem_shared>>) offsets(%dma_start3A_121 : memref<128xi32, #tpu.memory_space<vmem>>) semaphore(%run_scoped3A_117 : memref<!tpu.dma_semaphore, #tpu.memory_space<semaphore_mem>>) {add = true}
      %dma_wait3A = arith.constant 1280 : i32
      %dma_wait3A_124 = tpu.memref_slice %arg4[%dma_wait3A] : memref<10240xf32, #tpu.memory_space<vmem>> -> memref<128xf32, #tpu.memory_space<vmem>>
      %dma_wait3A_125 = arith.constant 0 : i32
      %dma_wait3A_126 = tpu.memref_slice %arg6[%run_scoped3A_34, %dma_wait3A_125] : memref<80x128xi32, #tpu.memory_space<vmem>> -> memref<1x128xi32, #tpu.memory_space<vmem>>
      %dma_wait3A_127 = tpu.memref_squeeze %dma_wait3A_126 : memref<1x128xi32, #tpu.memory_space<vmem>> -> memref<128xi32, #tpu.memory_space<vmem>>
      %dma_wait3A_128 = arith.constant 0 : i32
      %dma_wait3A_129 = tpu.memref_slice %arg8[%dma_wait3A_128] : memref<10240xf32, #tpu.memory_space<vmem_shared>> -> memref<10240xf32, #tpu.memory_space<vmem_shared>>
      tpu.wait_indirect_dma semaphore(%run_scoped3A_117 : memref<!tpu.dma_semaphore, #tpu.memory_space<semaphore_mem>>) src(%dma_wait3A_124 : memref<128xf32, #tpu.memory_space<vmem>>) dst(%dma_wait3A_129 : memref<10240xf32, #tpu.memory_space<vmem_shared>>)
      tpu.yield
    }) : () -> ()
    %run_scoped3A_35 = arith.constant 11 : i32
    "tpu.region"() ({
      %run_scoped3A_117 = tpu.sem_alloc : memref<!tpu.dma_semaphore, #tpu.memory_space<semaphore_mem>>
      %dma_start3A = arith.constant 1408 : i32
      %dma_start3A_118 = tpu.memref_slice %arg4[%dma_start3A] : memref<10240xf32, #tpu.memory_space<vmem>> -> memref<128xf32, #tpu.memory_space<vmem>>
      %dma_start3A_119 = arith.constant 0 : i32
      %dma_start3A_120 = tpu.memref_slice %arg6[%run_scoped3A_35, %dma_start3A_119] : memref<80x128xi32, #tpu.memory_space<vmem>> -> memref<1x128xi32, #tpu.memory_space<vmem>>
      %dma_start3A_121 = tpu.memref_squeeze %dma_start3A_120 : memref<1x128xi32, #tpu.memory_space<vmem>> -> memref<128xi32, #tpu.memory_space<vmem>>
      %dma_start3A_122 = arith.constant 0 : i32
      %dma_start3A_123 = tpu.memref_slice %arg8[%dma_start3A_122] : memref<10240xf32, #tpu.memory_space<vmem_shared>> -> memref<10240xf32, #tpu.memory_space<vmem_shared>>
      tpu.enqueue_indirect_dma source(%dma_start3A_118 : memref<128xf32, #tpu.memory_space<vmem>>) target(%dma_start3A_123 : memref<10240xf32, #tpu.memory_space<vmem_shared>>) offsets(%dma_start3A_121 : memref<128xi32, #tpu.memory_space<vmem>>) semaphore(%run_scoped3A_117 : memref<!tpu.dma_semaphore, #tpu.memory_space<semaphore_mem>>) {add = true}
      %dma_wait3A = arith.constant 1408 : i32
      %dma_wait3A_124 = tpu.memref_slice %arg4[%dma_wait3A] : memref<10240xf32, #tpu.memory_space<vmem>> -> memref<128xf32, #tpu.memory_space<vmem>>
      %dma_wait3A_125 = arith.constant 0 : i32
      %dma_wait3A_126 = tpu.memref_slice %arg6[%run_scoped3A_35, %dma_wait3A_125] : memref<80x128xi32, #tpu.memory_space<vmem>> -> memref<1x128xi32, #tpu.memory_space<vmem>>
      %dma_wait3A_127 = tpu.memref_squeeze %dma_wait3A_126 : memref<1x128xi32, #tpu.memory_space<vmem>> -> memref<128xi32, #tpu.memory_space<vmem>>
      %dma_wait3A_128 = arith.constant 0 : i32
      %dma_wait3A_129 = tpu.memref_slice %arg8[%dma_wait3A_128] : memref<10240xf32, #tpu.memory_space<vmem_shared>> -> memref<10240xf32, #tpu.memory_space<vmem_shared>>
      tpu.wait_indirect_dma semaphore(%run_scoped3A_117 : memref<!tpu.dma_semaphore, #tpu.memory_space<semaphore_mem>>) src(%dma_wait3A_124 : memref<128xf32, #tpu.memory_space<vmem>>) dst(%dma_wait3A_129 : memref<10240xf32, #tpu.memory_space<vmem_shared>>)
      tpu.yield
    }) : () -> ()
    %run_scoped3A_36 = arith.constant 12 : i32
    "tpu.region"() ({
      %run_scoped3A_117 = tpu.sem_alloc : memref<!tpu.dma_semaphore, #tpu.memory_space<semaphore_mem>>
      %dma_start3A = arith.constant 1536 : i32
      %dma_start3A_118 = tpu.memref_slice %arg4[%dma_start3A] : memref<10240xf32, #tpu.memory_space<vmem>> -> memref<128xf32, #tpu.memory_space<vmem>>
      %dma_start3A_119 = arith.constant 0 : i32
      %dma_start3A_120 = tpu.memref_slice %arg6[%run_scoped3A_36, %dma_start3A_119] : memref<80x128xi32, #tpu.memory_space<vmem>> -> memref<1x128xi32, #tpu.memory_space<vmem>>
      %dma_start3A_121 = tpu.memref_squeeze %dma_start3A_120 : memref<1x128xi32, #tpu.memory_space<vmem>> -> memref<128xi32, #tpu.memory_space<vmem>>
      %dma_start3A_122 = arith.constant 0 : i32
      %dma_start3A_123 = tpu.memref_slice %arg8[%dma_start3A_122] : memref<10240xf32, #tpu.memory_space<vmem_shared>> -> memref<10240xf32, #tpu.memory_space<vmem_shared>>
      tpu.enqueue_indirect_dma source(%dma_start3A_118 : memref<128xf32, #tpu.memory_space<vmem>>) target(%dma_start3A_123 : memref<10240xf32, #tpu.memory_space<vmem_shared>>) offsets(%dma_start3A_121 : memref<128xi32, #tpu.memory_space<vmem>>) semaphore(%run_scoped3A_117 : memref<!tpu.dma_semaphore, #tpu.memory_space<semaphore_mem>>) {add = true}
      %dma_wait3A = arith.constant 1536 : i32
      %dma_wait3A_124 = tpu.memref_slice %arg4[%dma_wait3A] : memref<10240xf32, #tpu.memory_space<vmem>> -> memref<128xf32, #tpu.memory_space<vmem>>
      %dma_wait3A_125 = arith.constant 0 : i32
      %dma_wait3A_126 = tpu.memref_slice %arg6[%run_scoped3A_36, %dma_wait3A_125] : memref<80x128xi32, #tpu.memory_space<vmem>> -> memref<1x128xi32, #tpu.memory_space<vmem>>
      %dma_wait3A_127 = tpu.memref_squeeze %dma_wait3A_126 : memref<1x128xi32, #tpu.memory_space<vmem>> -> memref<128xi32, #tpu.memory_space<vmem>>
      %dma_wait3A_128 = arith.constant 0 : i32
      %dma_wait3A_129 = tpu.memref_slice %arg8[%dma_wait3A_128] : memref<10240xf32, #tpu.memory_space<vmem_shared>> -> memref<10240xf32, #tpu.memory_space<vmem_shared>>
      tpu.wait_indirect_dma semaphore(%run_scoped3A_117 : memref<!tpu.dma_semaphore, #tpu.memory_space<semaphore_mem>>) src(%dma_wait3A_124 : memref<128xf32, #tpu.memory_space<vmem>>) dst(%dma_wait3A_129 : memref<10240xf32, #tpu.memory_space<vmem_shared>>)
      tpu.yield
    }) : () -> ()
    %run_scoped3A_37 = arith.constant 13 : i32
    "tpu.region"() ({
      %run_scoped3A_117 = tpu.sem_alloc : memref<!tpu.dma_semaphore, #tpu.memory_space<semaphore_mem>>
      %dma_start3A = arith.constant 1664 : i32
      %dma_start3A_118 = tpu.memref_slice %arg4[%dma_start3A] : memref<10240xf32, #tpu.memory_space<vmem>> -> memref<128xf32, #tpu.memory_space<vmem>>
      %dma_start3A_119 = arith.constant 0 : i32
      %dma_start3A_120 = tpu.memref_slice %arg6[%run_scoped3A_37, %dma_start3A_119] : memref<80x128xi32, #tpu.memory_space<vmem>> -> memref<1x128xi32, #tpu.memory_space<vmem>>
      %dma_start3A_121 = tpu.memref_squeeze %dma_start3A_120 : memref<1x128xi32, #tpu.memory_space<vmem>> -> memref<128xi32, #tpu.memory_space<vmem>>
      %dma_start3A_122 = arith.constant 0 : i32
      %dma_start3A_123 = tpu.memref_slice %arg8[%dma_start3A_122] : memref<10240xf32, #tpu.memory_space<vmem_shared>> -> memref<10240xf32, #tpu.memory_space<vmem_shared>>
      tpu.enqueue_indirect_dma source(%dma_start3A_118 : memref<128xf32, #tpu.memory_space<vmem>>) target(%dma_start3A_123 : memref<10240xf32, #tpu.memory_space<vmem_shared>>) offsets(%dma_start3A_121 : memref<128xi32, #tpu.memory_space<vmem>>) semaphore(%run_scoped3A_117 : memref<!tpu.dma_semaphore, #tpu.memory_space<semaphore_mem>>) {add = true}
      %dma_wait3A = arith.constant 1664 : i32
      %dma_wait3A_124 = tpu.memref_slice %arg4[%dma_wait3A] : memref<10240xf32, #tpu.memory_space<vmem>> -> memref<128xf32, #tpu.memory_space<vmem>>
      %dma_wait3A_125 = arith.constant 0 : i32
      %dma_wait3A_126 = tpu.memref_slice %arg6[%run_scoped3A_37, %dma_wait3A_125] : memref<80x128xi32, #tpu.memory_space<vmem>> -> memref<1x128xi32, #tpu.memory_space<vmem>>
      %dma_wait3A_127 = tpu.memref_squeeze %dma_wait3A_126 : memref<1x128xi32, #tpu.memory_space<vmem>> -> memref<128xi32, #tpu.memory_space<vmem>>
      %dma_wait3A_128 = arith.constant 0 : i32
      %dma_wait3A_129 = tpu.memref_slice %arg8[%dma_wait3A_128] : memref<10240xf32, #tpu.memory_space<vmem_shared>> -> memref<10240xf32, #tpu.memory_space<vmem_shared>>
      tpu.wait_indirect_dma semaphore(%run_scoped3A_117 : memref<!tpu.dma_semaphore, #tpu.memory_space<semaphore_mem>>) src(%dma_wait3A_124 : memref<128xf32, #tpu.memory_space<vmem>>) dst(%dma_wait3A_129 : memref<10240xf32, #tpu.memory_space<vmem_shared>>)
      tpu.yield
    }) : () -> ()
    %run_scoped3A_38 = arith.constant 14 : i32
    "tpu.region"() ({
      %run_scoped3A_117 = tpu.sem_alloc : memref<!tpu.dma_semaphore, #tpu.memory_space<semaphore_mem>>
      %dma_start3A = arith.constant 1792 : i32
      %dma_start3A_118 = tpu.memref_slice %arg4[%dma_start3A] : memref<10240xf32, #tpu.memory_space<vmem>> -> memref<128xf32, #tpu.memory_space<vmem>>
      %dma_start3A_119 = arith.constant 0 : i32
      %dma_start3A_120 = tpu.memref_slice %arg6[%run_scoped3A_38, %dma_start3A_119] : memref<80x128xi32, #tpu.memory_space<vmem>> -> memref<1x128xi32, #tpu.memory_space<vmem>>
      %dma_start3A_121 = tpu.memref_squeeze %dma_start3A_120 : memref<1x128xi32, #tpu.memory_space<vmem>> -> memref<128xi32, #tpu.memory_space<vmem>>
      %dma_start3A_122 = arith.constant 0 : i32
      %dma_start3A_123 = tpu.memref_slice %arg8[%dma_start3A_122] : memref<10240xf32, #tpu.memory_space<vmem_shared>> -> memref<10240xf32, #tpu.memory_space<vmem_shared>>
      tpu.enqueue_indirect_dma source(%dma_start3A_118 : memref<128xf32, #tpu.memory_space<vmem>>) target(%dma_start3A_123 : memref<10240xf32, #tpu.memory_space<vmem_shared>>) offsets(%dma_start3A_121 : memref<128xi32, #tpu.memory_space<vmem>>) semaphore(%run_scoped3A_117 : memref<!tpu.dma_semaphore, #tpu.memory_space<semaphore_mem>>) {add = true}
      %dma_wait3A = arith.constant 1792 : i32
      %dma_wait3A_124 = tpu.memref_slice %arg4[%dma_wait3A] : memref<10240xf32, #tpu.memory_space<vmem>> -> memref<128xf32, #tpu.memory_space<vmem>>
      %dma_wait3A_125 = arith.constant 0 : i32
      %dma_wait3A_126 = tpu.memref_slice %arg6[%run_scoped3A_38, %dma_wait3A_125] : memref<80x128xi32, #tpu.memory_space<vmem>> -> memref<1x128xi32, #tpu.memory_space<vmem>>
      %dma_wait3A_127 = tpu.memref_squeeze %dma_wait3A_126 : memref<1x128xi32, #tpu.memory_space<vmem>> -> memref<128xi32, #tpu.memory_space<vmem>>
      %dma_wait3A_128 = arith.constant 0 : i32
      %dma_wait3A_129 = tpu.memref_slice %arg8[%dma_wait3A_128] : memref<10240xf32, #tpu.memory_space<vmem_shared>> -> memref<10240xf32, #tpu.memory_space<vmem_shared>>
      tpu.wait_indirect_dma semaphore(%run_scoped3A_117 : memref<!tpu.dma_semaphore, #tpu.memory_space<semaphore_mem>>) src(%dma_wait3A_124 : memref<128xf32, #tpu.memory_space<vmem>>) dst(%dma_wait3A_129 : memref<10240xf32, #tpu.memory_space<vmem_shared>>)
      tpu.yield
    }) : () -> ()
    %run_scoped3A_39 = arith.constant 15 : i32
    "tpu.region"() ({
      %run_scoped3A_117 = tpu.sem_alloc : memref<!tpu.dma_semaphore, #tpu.memory_space<semaphore_mem>>
      %dma_start3A = arith.constant 1920 : i32
      %dma_start3A_118 = tpu.memref_slice %arg4[%dma_start3A] : memref<10240xf32, #tpu.memory_space<vmem>> -> memref<128xf32, #tpu.memory_space<vmem>>
      %dma_start3A_119 = arith.constant 0 : i32
      %dma_start3A_120 = tpu.memref_slice %arg6[%run_scoped3A_39, %dma_start3A_119] : memref<80x128xi32, #tpu.memory_space<vmem>> -> memref<1x128xi32, #tpu.memory_space<vmem>>
      %dma_start3A_121 = tpu.memref_squeeze %dma_start3A_120 : memref<1x128xi32, #tpu.memory_space<vmem>> -> memref<128xi32, #tpu.memory_space<vmem>>
      %dma_start3A_122 = arith.constant 0 : i32
      %dma_start3A_123 = tpu.memref_slice %arg8[%dma_start3A_122] : memref<10240xf32, #tpu.memory_space<vmem_shared>> -> memref<10240xf32, #tpu.memory_space<vmem_shared>>
      tpu.enqueue_indirect_dma source(%dma_start3A_118 : memref<128xf32, #tpu.memory_space<vmem>>) target(%dma_start3A_123 : memref<10240xf32, #tpu.memory_space<vmem_shared>>) offsets(%dma_start3A_121 : memref<128xi32, #tpu.memory_space<vmem>>) semaphore(%run_scoped3A_117 : memref<!tpu.dma_semaphore, #tpu.memory_space<semaphore_mem>>) {add = true}
      %dma_wait3A = arith.constant 1920 : i32
      %dma_wait3A_124 = tpu.memref_slice %arg4[%dma_wait3A] : memref<10240xf32, #tpu.memory_space<vmem>> -> memref<128xf32, #tpu.memory_space<vmem>>
      %dma_wait3A_125 = arith.constant 0 : i32
      %dma_wait3A_126 = tpu.memref_slice %arg6[%run_scoped3A_39, %dma_wait3A_125] : memref<80x128xi32, #tpu.memory_space<vmem>> -> memref<1x128xi32, #tpu.memory_space<vmem>>
      %dma_wait3A_127 = tpu.memref_squeeze %dma_wait3A_126 : memref<1x128xi32, #tpu.memory_space<vmem>> -> memref<128xi32, #tpu.memory_space<vmem>>
      %dma_wait3A_128 = arith.constant 0 : i32
      %dma_wait3A_129 = tpu.memref_slice %arg8[%dma_wait3A_128] : memref<10240xf32, #tpu.memory_space<vmem_shared>> -> memref<10240xf32, #tpu.memory_space<vmem_shared>>
      tpu.wait_indirect_dma semaphore(%run_scoped3A_117 : memref<!tpu.dma_semaphore, #tpu.memory_space<semaphore_mem>>) src(%dma_wait3A_124 : memref<128xf32, #tpu.memory_space<vmem>>) dst(%dma_wait3A_129 : memref<10240xf32, #tpu.memory_space<vmem_shared>>)
      tpu.yield
    }) : () -> ()
    %run_scoped3A_40 = arith.constant 16 : i32
    "tpu.region"() ({
      %run_scoped3A_117 = tpu.sem_alloc : memref<!tpu.dma_semaphore, #tpu.memory_space<semaphore_mem>>
      %dma_start3A = arith.constant 2048 : i32
      %dma_start3A_118 = tpu.memref_slice %arg4[%dma_start3A] : memref<10240xf32, #tpu.memory_space<vmem>> -> memref<128xf32, #tpu.memory_space<vmem>>
      %dma_start3A_119 = arith.constant 0 : i32
      %dma_start3A_120 = tpu.memref_slice %arg6[%run_scoped3A_40, %dma_start3A_119] : memref<80x128xi32, #tpu.memory_space<vmem>> -> memref<1x128xi32, #tpu.memory_space<vmem>>
      %dma_start3A_121 = tpu.memref_squeeze %dma_start3A_120 : memref<1x128xi32, #tpu.memory_space<vmem>> -> memref<128xi32, #tpu.memory_space<vmem>>
      %dma_start3A_122 = arith.constant 0 : i32
      %dma_start3A_123 = tpu.memref_slice %arg8[%dma_start3A_122] : memref<10240xf32, #tpu.memory_space<vmem_shared>> -> memref<10240xf32, #tpu.memory_space<vmem_shared>>
      tpu.enqueue_indirect_dma source(%dma_start3A_118 : memref<128xf32, #tpu.memory_space<vmem>>) target(%dma_start3A_123 : memref<10240xf32, #tpu.memory_space<vmem_shared>>) offsets(%dma_start3A_121 : memref<128xi32, #tpu.memory_space<vmem>>) semaphore(%run_scoped3A_117 : memref<!tpu.dma_semaphore, #tpu.memory_space<semaphore_mem>>) {add = true}
      %dma_wait3A = arith.constant 2048 : i32
      %dma_wait3A_124 = tpu.memref_slice %arg4[%dma_wait3A] : memref<10240xf32, #tpu.memory_space<vmem>> -> memref<128xf32, #tpu.memory_space<vmem>>
      %dma_wait3A_125 = arith.constant 0 : i32
      %dma_wait3A_126 = tpu.memref_slice %arg6[%run_scoped3A_40, %dma_wait3A_125] : memref<80x128xi32, #tpu.memory_space<vmem>> -> memref<1x128xi32, #tpu.memory_space<vmem>>
      %dma_wait3A_127 = tpu.memref_squeeze %dma_wait3A_126 : memref<1x128xi32, #tpu.memory_space<vmem>> -> memref<128xi32, #tpu.memory_space<vmem>>
      %dma_wait3A_128 = arith.constant 0 : i32
      %dma_wait3A_129 = tpu.memref_slice %arg8[%dma_wait3A_128] : memref<10240xf32, #tpu.memory_space<vmem_shared>> -> memref<10240xf32, #tpu.memory_space<vmem_shared>>
      tpu.wait_indirect_dma semaphore(%run_scoped3A_117 : memref<!tpu.dma_semaphore, #tpu.memory_space<semaphore_mem>>) src(%dma_wait3A_124 : memref<128xf32, #tpu.memory_space<vmem>>) dst(%dma_wait3A_129 : memref<10240xf32, #tpu.memory_space<vmem_shared>>)
      tpu.yield
    }) : () -> ()
    %run_scoped3A_41 = arith.constant 17 : i32
    "tpu.region"() ({
      %run_scoped3A_117 = tpu.sem_alloc : memref<!tpu.dma_semaphore, #tpu.memory_space<semaphore_mem>>
      %dma_start3A = arith.constant 2176 : i32
      %dma_start3A_118 = tpu.memref_slice %arg4[%dma_start3A] : memref<10240xf32, #tpu.memory_space<vmem>> -> memref<128xf32, #tpu.memory_space<vmem>>
      %dma_start3A_119 = arith.constant 0 : i32
      %dma_start3A_120 = tpu.memref_slice %arg6[%run_scoped3A_41, %dma_start3A_119] : memref<80x128xi32, #tpu.memory_space<vmem>> -> memref<1x128xi32, #tpu.memory_space<vmem>>
      %dma_start3A_121 = tpu.memref_squeeze %dma_start3A_120 : memref<1x128xi32, #tpu.memory_space<vmem>> -> memref<128xi32, #tpu.memory_space<vmem>>
      %dma_start3A_122 = arith.constant 0 : i32
      %dma_start3A_123 = tpu.memref_slice %arg8[%dma_start3A_122] : memref<10240xf32, #tpu.memory_space<vmem_shared>> -> memref<10240xf32, #tpu.memory_space<vmem_shared>>
      tpu.enqueue_indirect_dma source(%dma_start3A_118 : memref<128xf32, #tpu.memory_space<vmem>>) target(%dma_start3A_123 : memref<10240xf32, #tpu.memory_space<vmem_shared>>) offsets(%dma_start3A_121 : memref<128xi32, #tpu.memory_space<vmem>>) semaphore(%run_scoped3A_117 : memref<!tpu.dma_semaphore, #tpu.memory_space<semaphore_mem>>) {add = true}
      %dma_wait3A = arith.constant 2176 : i32
      %dma_wait3A_124 = tpu.memref_slice %arg4[%dma_wait3A] : memref<10240xf32, #tpu.memory_space<vmem>> -> memref<128xf32, #tpu.memory_space<vmem>>
      %dma_wait3A_125 = arith.constant 0 : i32
      %dma_wait3A_126 = tpu.memref_slice %arg6[%run_scoped3A_41, %dma_wait3A_125] : memref<80x128xi32, #tpu.memory_space<vmem>> -> memref<1x128xi32, #tpu.memory_space<vmem>>
      %dma_wait3A_127 = tpu.memref_squeeze %dma_wait3A_126 : memref<1x128xi32, #tpu.memory_space<vmem>> -> memref<128xi32, #tpu.memory_space<vmem>>
      %dma_wait3A_128 = arith.constant 0 : i32
      %dma_wait3A_129 = tpu.memref_slice %arg8[%dma_wait3A_128] : memref<10240xf32, #tpu.memory_space<vmem_shared>> -> memref<10240xf32, #tpu.memory_space<vmem_shared>>
      tpu.wait_indirect_dma semaphore(%run_scoped3A_117 : memref<!tpu.dma_semaphore, #tpu.memory_space<semaphore_mem>>) src(%dma_wait3A_124 : memref<128xf32, #tpu.memory_space<vmem>>) dst(%dma_wait3A_129 : memref<10240xf32, #tpu.memory_space<vmem_shared>>)
      tpu.yield
    }) : () -> ()
    %run_scoped3A_42 = arith.constant 18 : i32
    "tpu.region"() ({
      %run_scoped3A_117 = tpu.sem_alloc : memref<!tpu.dma_semaphore, #tpu.memory_space<semaphore_mem>>
      %dma_start3A = arith.constant 2304 : i32
      %dma_start3A_118 = tpu.memref_slice %arg4[%dma_start3A] : memref<10240xf32, #tpu.memory_space<vmem>> -> memref<128xf32, #tpu.memory_space<vmem>>
      %dma_start3A_119 = arith.constant 0 : i32
      %dma_start3A_120 = tpu.memref_slice %arg6[%run_scoped3A_42, %dma_start3A_119] : memref<80x128xi32, #tpu.memory_space<vmem>> -> memref<1x128xi32, #tpu.memory_space<vmem>>
      %dma_start3A_121 = tpu.memref_squeeze %dma_start3A_120 : memref<1x128xi32, #tpu.memory_space<vmem>> -> memref<128xi32, #tpu.memory_space<vmem>>
      %dma_start3A_122 = arith.constant 0 : i32
      %dma_start3A_123 = tpu.memref_slice %arg8[%dma_start3A_122] : memref<10240xf32, #tpu.memory_space<vmem_shared>> -> memref<10240xf32, #tpu.memory_space<vmem_shared>>
      tpu.enqueue_indirect_dma source(%dma_start3A_118 : memref<128xf32, #tpu.memory_space<vmem>>) target(%dma_start3A_123 : memref<10240xf32, #tpu.memory_space<vmem_shared>>) offsets(%dma_start3A_121 : memref<128xi32, #tpu.memory_space<vmem>>) semaphore(%run_scoped3A_117 : memref<!tpu.dma_semaphore, #tpu.memory_space<semaphore_mem>>) {add = true}
      %dma_wait3A = arith.constant 2304 : i32
      %dma_wait3A_124 = tpu.memref_slice %arg4[%dma_wait3A] : memref<10240xf32, #tpu.memory_space<vmem>> -> memref<128xf32, #tpu.memory_space<vmem>>
      %dma_wait3A_125 = arith.constant 0 : i32
      %dma_wait3A_126 = tpu.memref_slice %arg6[%run_scoped3A_42, %dma_wait3A_125] : memref<80x128xi32, #tpu.memory_space<vmem>> -> memref<1x128xi32, #tpu.memory_space<vmem>>
      %dma_wait3A_127 = tpu.memref_squeeze %dma_wait3A_126 : memref<1x128xi32, #tpu.memory_space<vmem>> -> memref<128xi32, #tpu.memory_space<vmem>>
      %dma_wait3A_128 = arith.constant 0 : i32
      %dma_wait3A_129 = tpu.memref_slice %arg8[%dma_wait3A_128] : memref<10240xf32, #tpu.memory_space<vmem_shared>> -> memref<10240xf32, #tpu.memory_space<vmem_shared>>
      tpu.wait_indirect_dma semaphore(%run_scoped3A_117 : memref<!tpu.dma_semaphore, #tpu.memory_space<semaphore_mem>>) src(%dma_wait3A_124 : memref<128xf32, #tpu.memory_space<vmem>>) dst(%dma_wait3A_129 : memref<10240xf32, #tpu.memory_space<vmem_shared>>)
      tpu.yield
    }) : () -> ()
    %run_scoped3A_43 = arith.constant 19 : i32
    "tpu.region"() ({
      %run_scoped3A_117 = tpu.sem_alloc : memref<!tpu.dma_semaphore, #tpu.memory_space<semaphore_mem>>
      %dma_start3A = arith.constant 2432 : i32
      %dma_start3A_118 = tpu.memref_slice %arg4[%dma_start3A] : memref<10240xf32, #tpu.memory_space<vmem>> -> memref<128xf32, #tpu.memory_space<vmem>>
      %dma_start3A_119 = arith.constant 0 : i32
      %dma_start3A_120 = tpu.memref_slice %arg6[%run_scoped3A_43, %dma_start3A_119] : memref<80x128xi32, #tpu.memory_space<vmem>> -> memref<1x128xi32, #tpu.memory_space<vmem>>
      %dma_start3A_121 = tpu.memref_squeeze %dma_start3A_120 : memref<1x128xi32, #tpu.memory_space<vmem>> -> memref<128xi32, #tpu.memory_space<vmem>>
      %dma_start3A_122 = arith.constant 0 : i32
      %dma_start3A_123 = tpu.memref_slice %arg8[%dma_start3A_122] : memref<10240xf32, #tpu.memory_space<vmem_shared>> -> memref<10240xf32, #tpu.memory_space<vmem_shared>>
      tpu.enqueue_indirect_dma source(%dma_start3A_118 : memref<128xf32, #tpu.memory_space<vmem>>) target(%dma_start3A_123 : memref<10240xf32, #tpu.memory_space<vmem_shared>>) offsets(%dma_start3A_121 : memref<128xi32, #tpu.memory_space<vmem>>) semaphore(%run_scoped3A_117 : memref<!tpu.dma_semaphore, #tpu.memory_space<semaphore_mem>>) {add = true}
      %dma_wait3A = arith.constant 2432 : i32
      %dma_wait3A_124 = tpu.memref_slice %arg4[%dma_wait3A] : memref<10240xf32, #tpu.memory_space<vmem>> -> memref<128xf32, #tpu.memory_space<vmem>>
      %dma_wait3A_125 = arith.constant 0 : i32
      %dma_wait3A_126 = tpu.memref_slice %arg6[%run_scoped3A_43, %dma_wait3A_125] : memref<80x128xi32, #tpu.memory_space<vmem>> -> memref<1x128xi32, #tpu.memory_space<vmem>>
      %dma_wait3A_127 = tpu.memref_squeeze %dma_wait3A_126 : memref<1x128xi32, #tpu.memory_space<vmem>> -> memref<128xi32, #tpu.memory_space<vmem>>
      %dma_wait3A_128 = arith.constant 0 : i32
      %dma_wait3A_129 = tpu.memref_slice %arg8[%dma_wait3A_128] : memref<10240xf32, #tpu.memory_space<vmem_shared>> -> memref<10240xf32, #tpu.memory_space<vmem_shared>>
      tpu.wait_indirect_dma semaphore(%run_scoped3A_117 : memref<!tpu.dma_semaphore, #tpu.memory_space<semaphore_mem>>) src(%dma_wait3A_124 : memref<128xf32, #tpu.memory_space<vmem>>) dst(%dma_wait3A_129 : memref<10240xf32, #tpu.memory_space<vmem_shared>>)
      tpu.yield
    }) : () -> ()
    %run_scoped3A_44 = arith.constant 20 : i32
    "tpu.region"() ({
      %run_scoped3A_117 = tpu.sem_alloc : memref<!tpu.dma_semaphore, #tpu.memory_space<semaphore_mem>>
      %dma_start3A = arith.constant 2560 : i32
      %dma_start3A_118 = tpu.memref_slice %arg4[%dma_start3A] : memref<10240xf32, #tpu.memory_space<vmem>> -> memref<128xf32, #tpu.memory_space<vmem>>
      %dma_start3A_119 = arith.constant 0 : i32
      %dma_start3A_120 = tpu.memref_slice %arg6[%run_scoped3A_44, %dma_start3A_119] : memref<80x128xi32, #tpu.memory_space<vmem>> -> memref<1x128xi32, #tpu.memory_space<vmem>>
      %dma_start3A_121 = tpu.memref_squeeze %dma_start3A_120 : memref<1x128xi32, #tpu.memory_space<vmem>> -> memref<128xi32, #tpu.memory_space<vmem>>
      %dma_start3A_122 = arith.constant 0 : i32
      %dma_start3A_123 = tpu.memref_slice %arg8[%dma_start3A_122] : memref<10240xf32, #tpu.memory_space<vmem_shared>> -> memref<10240xf32, #tpu.memory_space<vmem_shared>>
      tpu.enqueue_indirect_dma source(%dma_start3A_118 : memref<128xf32, #tpu.memory_space<vmem>>) target(%dma_start3A_123 : memref<10240xf32, #tpu.memory_space<vmem_shared>>) offsets(%dma_start3A_121 : memref<128xi32, #tpu.memory_space<vmem>>) semaphore(%run_scoped3A_117 : memref<!tpu.dma_semaphore, #tpu.memory_space<semaphore_mem>>) {add = true}
      %dma_wait3A = arith.constant 2560 : i32
      %dma_wait3A_124 = tpu.memref_slice %arg4[%dma_wait3A] : memref<10240xf32, #tpu.memory_space<vmem>> -> memref<128xf32, #tpu.memory_space<vmem>>
      %dma_wait3A_125 = arith.constant 0 : i32
      %dma_wait3A_126 = tpu.memref_slice %arg6[%run_scoped3A_44, %dma_wait3A_125] : memref<80x128xi32, #tpu.memory_space<vmem>> -> memref<1x128xi32, #tpu.memory_space<vmem>>
      %dma_wait3A_127 = tpu.memref_squeeze %dma_wait3A_126 : memref<1x128xi32, #tpu.memory_space<vmem>> -> memref<128xi32, #tpu.memory_space<vmem>>
      %dma_wait3A_128 = arith.constant 0 : i32
      %dma_wait3A_129 = tpu.memref_slice %arg8[%dma_wait3A_128] : memref<10240xf32, #tpu.memory_space<vmem_shared>> -> memref<10240xf32, #tpu.memory_space<vmem_shared>>
      tpu.wait_indirect_dma semaphore(%run_scoped3A_117 : memref<!tpu.dma_semaphore, #tpu.memory_space<semaphore_mem>>) src(%dma_wait3A_124 : memref<128xf32, #tpu.memory_space<vmem>>) dst(%dma_wait3A_129 : memref<10240xf32, #tpu.memory_space<vmem_shared>>)
      tpu.yield
    }) : () -> ()
    %run_scoped3A_45 = arith.constant 21 : i32
    "tpu.region"() ({
      %run_scoped3A_117 = tpu.sem_alloc : memref<!tpu.dma_semaphore, #tpu.memory_space<semaphore_mem>>
      %dma_start3A = arith.constant 2688 : i32
      %dma_start3A_118 = tpu.memref_slice %arg4[%dma_start3A] : memref<10240xf32, #tpu.memory_space<vmem>> -> memref<128xf32, #tpu.memory_space<vmem>>
      %dma_start3A_119 = arith.constant 0 : i32
      %dma_start3A_120 = tpu.memref_slice %arg6[%run_scoped3A_45, %dma_start3A_119] : memref<80x128xi32, #tpu.memory_space<vmem>> -> memref<1x128xi32, #tpu.memory_space<vmem>>
      %dma_start3A_121 = tpu.memref_squeeze %dma_start3A_120 : memref<1x128xi32, #tpu.memory_space<vmem>> -> memref<128xi32, #tpu.memory_space<vmem>>
      %dma_start3A_122 = arith.constant 0 : i32
      %dma_start3A_123 = tpu.memref_slice %arg8[%dma_start3A_122] : memref<10240xf32, #tpu.memory_space<vmem_shared>> -> memref<10240xf32, #tpu.memory_space<vmem_shared>>
      tpu.enqueue_indirect_dma source(%dma_start3A_118 : memref<128xf32, #tpu.memory_space<vmem>>) target(%dma_start3A_123 : memref<10240xf32, #tpu.memory_space<vmem_shared>>) offsets(%dma_start3A_121 : memref<128xi32, #tpu.memory_space<vmem>>) semaphore(%run_scoped3A_117 : memref<!tpu.dma_semaphore, #tpu.memory_space<semaphore_mem>>) {add = true}
      %dma_wait3A = arith.constant 2688 : i32
      %dma_wait3A_124 = tpu.memref_slice %arg4[%dma_wait3A] : memref<10240xf32, #tpu.memory_space<vmem>> -> memref<128xf32, #tpu.memory_space<vmem>>
      %dma_wait3A_125 = arith.constant 0 : i32
      %dma_wait3A_126 = tpu.memref_slice %arg6[%run_scoped3A_45, %dma_wait3A_125] : memref<80x128xi32, #tpu.memory_space<vmem>> -> memref<1x128xi32, #tpu.memory_space<vmem>>
      %dma_wait3A_127 = tpu.memref_squeeze %dma_wait3A_126 : memref<1x128xi32, #tpu.memory_space<vmem>> -> memref<128xi32, #tpu.memory_space<vmem>>
      %dma_wait3A_128 = arith.constant 0 : i32
      %dma_wait3A_129 = tpu.memref_slice %arg8[%dma_wait3A_128] : memref<10240xf32, #tpu.memory_space<vmem_shared>> -> memref<10240xf32, #tpu.memory_space<vmem_shared>>
      tpu.wait_indirect_dma semaphore(%run_scoped3A_117 : memref<!tpu.dma_semaphore, #tpu.memory_space<semaphore_mem>>) src(%dma_wait3A_124 : memref<128xf32, #tpu.memory_space<vmem>>) dst(%dma_wait3A_129 : memref<10240xf32, #tpu.memory_space<vmem_shared>>)
      tpu.yield
    }) : () -> ()
    %run_scoped3A_46 = arith.constant 22 : i32
    "tpu.region"() ({
      %run_scoped3A_117 = tpu.sem_alloc : memref<!tpu.dma_semaphore, #tpu.memory_space<semaphore_mem>>
      %dma_start3A = arith.constant 2816 : i32
      %dma_start3A_118 = tpu.memref_slice %arg4[%dma_start3A] : memref<10240xf32, #tpu.memory_space<vmem>> -> memref<128xf32, #tpu.memory_space<vmem>>
      %dma_start3A_119 = arith.constant 0 : i32
      %dma_start3A_120 = tpu.memref_slice %arg6[%run_scoped3A_46, %dma_start3A_119] : memref<80x128xi32, #tpu.memory_space<vmem>> -> memref<1x128xi32, #tpu.memory_space<vmem>>
      %dma_start3A_121 = tpu.memref_squeeze %dma_start3A_120 : memref<1x128xi32, #tpu.memory_space<vmem>> -> memref<128xi32, #tpu.memory_space<vmem>>
      %dma_start3A_122 = arith.constant 0 : i32
      %dma_start3A_123 = tpu.memref_slice %arg8[%dma_start3A_122] : memref<10240xf32, #tpu.memory_space<vmem_shared>> -> memref<10240xf32, #tpu.memory_space<vmem_shared>>
      tpu.enqueue_indirect_dma source(%dma_start3A_118 : memref<128xf32, #tpu.memory_space<vmem>>) target(%dma_start3A_123 : memref<10240xf32, #tpu.memory_space<vmem_shared>>) offsets(%dma_start3A_121 : memref<128xi32, #tpu.memory_space<vmem>>) semaphore(%run_scoped3A_117 : memref<!tpu.dma_semaphore, #tpu.memory_space<semaphore_mem>>) {add = true}
      %dma_wait3A = arith.constant 2816 : i32
      %dma_wait3A_124 = tpu.memref_slice %arg4[%dma_wait3A] : memref<10240xf32, #tpu.memory_space<vmem>> -> memref<128xf32, #tpu.memory_space<vmem>>
      %dma_wait3A_125 = arith.constant 0 : i32
      %dma_wait3A_126 = tpu.memref_slice %arg6[%run_scoped3A_46, %dma_wait3A_125] : memref<80x128xi32, #tpu.memory_space<vmem>> -> memref<1x128xi32, #tpu.memory_space<vmem>>
      %dma_wait3A_127 = tpu.memref_squeeze %dma_wait3A_126 : memref<1x128xi32, #tpu.memory_space<vmem>> -> memref<128xi32, #tpu.memory_space<vmem>>
      %dma_wait3A_128 = arith.constant 0 : i32
      %dma_wait3A_129 = tpu.memref_slice %arg8[%dma_wait3A_128] : memref<10240xf32, #tpu.memory_space<vmem_shared>> -> memref<10240xf32, #tpu.memory_space<vmem_shared>>
      tpu.wait_indirect_dma semaphore(%run_scoped3A_117 : memref<!tpu.dma_semaphore, #tpu.memory_space<semaphore_mem>>) src(%dma_wait3A_124 : memref<128xf32, #tpu.memory_space<vmem>>) dst(%dma_wait3A_129 : memref<10240xf32, #tpu.memory_space<vmem_shared>>)
      tpu.yield
    }) : () -> ()
    %run_scoped3A_47 = arith.constant 23 : i32
    "tpu.region"() ({
      %run_scoped3A_117 = tpu.sem_alloc : memref<!tpu.dma_semaphore, #tpu.memory_space<semaphore_mem>>
      %dma_start3A = arith.constant 2944 : i32
      %dma_start3A_118 = tpu.memref_slice %arg4[%dma_start3A] : memref<10240xf32, #tpu.memory_space<vmem>> -> memref<128xf32, #tpu.memory_space<vmem>>
      %dma_start3A_119 = arith.constant 0 : i32
      %dma_start3A_120 = tpu.memref_slice %arg6[%run_scoped3A_47, %dma_start3A_119] : memref<80x128xi32, #tpu.memory_space<vmem>> -> memref<1x128xi32, #tpu.memory_space<vmem>>
      %dma_start3A_121 = tpu.memref_squeeze %dma_start3A_120 : memref<1x128xi32, #tpu.memory_space<vmem>> -> memref<128xi32, #tpu.memory_space<vmem>>
      %dma_start3A_122 = arith.constant 0 : i32
      %dma_start3A_123 = tpu.memref_slice %arg8[%dma_start3A_122] : memref<10240xf32, #tpu.memory_space<vmem_shared>> -> memref<10240xf32, #tpu.memory_space<vmem_shared>>
      tpu.enqueue_indirect_dma source(%dma_start3A_118 : memref<128xf32, #tpu.memory_space<vmem>>) target(%dma_start3A_123 : memref<10240xf32, #tpu.memory_space<vmem_shared>>) offsets(%dma_start3A_121 : memref<128xi32, #tpu.memory_space<vmem>>) semaphore(%run_scoped3A_117 : memref<!tpu.dma_semaphore, #tpu.memory_space<semaphore_mem>>) {add = true}
      %dma_wait3A = arith.constant 2944 : i32
      %dma_wait3A_124 = tpu.memref_slice %arg4[%dma_wait3A] : memref<10240xf32, #tpu.memory_space<vmem>> -> memref<128xf32, #tpu.memory_space<vmem>>
      %dma_wait3A_125 = arith.constant 0 : i32
      %dma_wait3A_126 = tpu.memref_slice %arg6[%run_scoped3A_47, %dma_wait3A_125] : memref<80x128xi32, #tpu.memory_space<vmem>> -> memref<1x128xi32, #tpu.memory_space<vmem>>
      %dma_wait3A_127 = tpu.memref_squeeze %dma_wait3A_126 : memref<1x128xi32, #tpu.memory_space<vmem>> -> memref<128xi32, #tpu.memory_space<vmem>>
      %dma_wait3A_128 = arith.constant 0 : i32
      %dma_wait3A_129 = tpu.memref_slice %arg8[%dma_wait3A_128] : memref<10240xf32, #tpu.memory_space<vmem_shared>> -> memref<10240xf32, #tpu.memory_space<vmem_shared>>
      tpu.wait_indirect_dma semaphore(%run_scoped3A_117 : memref<!tpu.dma_semaphore, #tpu.memory_space<semaphore_mem>>) src(%dma_wait3A_124 : memref<128xf32, #tpu.memory_space<vmem>>) dst(%dma_wait3A_129 : memref<10240xf32, #tpu.memory_space<vmem_shared>>)
      tpu.yield
    }) : () -> ()
    %run_scoped3A_48 = arith.constant 24 : i32
    "tpu.region"() ({
      %run_scoped3A_117 = tpu.sem_alloc : memref<!tpu.dma_semaphore, #tpu.memory_space<semaphore_mem>>
      %dma_start3A = arith.constant 3072 : i32
      %dma_start3A_118 = tpu.memref_slice %arg4[%dma_start3A] : memref<10240xf32, #tpu.memory_space<vmem>> -> memref<128xf32, #tpu.memory_space<vmem>>
      %dma_start3A_119 = arith.constant 0 : i32
      %dma_start3A_120 = tpu.memref_slice %arg6[%run_scoped3A_48, %dma_start3A_119] : memref<80x128xi32, #tpu.memory_space<vmem>> -> memref<1x128xi32, #tpu.memory_space<vmem>>
      %dma_start3A_121 = tpu.memref_squeeze %dma_start3A_120 : memref<1x128xi32, #tpu.memory_space<vmem>> -> memref<128xi32, #tpu.memory_space<vmem>>
      %dma_start3A_122 = arith.constant 0 : i32
      %dma_start3A_123 = tpu.memref_slice %arg8[%dma_start3A_122] : memref<10240xf32, #tpu.memory_space<vmem_shared>> -> memref<10240xf32, #tpu.memory_space<vmem_shared>>
      tpu.enqueue_indirect_dma source(%dma_start3A_118 : memref<128xf32, #tpu.memory_space<vmem>>) target(%dma_start3A_123 : memref<10240xf32, #tpu.memory_space<vmem_shared>>) offsets(%dma_start3A_121 : memref<128xi32, #tpu.memory_space<vmem>>) semaphore(%run_scoped3A_117 : memref<!tpu.dma_semaphore, #tpu.memory_space<semaphore_mem>>) {add = true}
      %dma_wait3A = arith.constant 3072 : i32
      %dma_wait3A_124 = tpu.memref_slice %arg4[%dma_wait3A] : memref<10240xf32, #tpu.memory_space<vmem>> -> memref<128xf32, #tpu.memory_space<vmem>>
      %dma_wait3A_125 = arith.constant 0 : i32
      %dma_wait3A_126 = tpu.memref_slice %arg6[%run_scoped3A_48, %dma_wait3A_125] : memref<80x128xi32, #tpu.memory_space<vmem>> -> memref<1x128xi32, #tpu.memory_space<vmem>>
      %dma_wait3A_127 = tpu.memref_squeeze %dma_wait3A_126 : memref<1x128xi32, #tpu.memory_space<vmem>> -> memref<128xi32, #tpu.memory_space<vmem>>
      %dma_wait3A_128 = arith.constant 0 : i32
      %dma_wait3A_129 = tpu.memref_slice %arg8[%dma_wait3A_128] : memref<10240xf32, #tpu.memory_space<vmem_shared>> -> memref<10240xf32, #tpu.memory_space<vmem_shared>>
      tpu.wait_indirect_dma semaphore(%run_scoped3A_117 : memref<!tpu.dma_semaphore, #tpu.memory_space<semaphore_mem>>) src(%dma_wait3A_124 : memref<128xf32, #tpu.memory_space<vmem>>) dst(%dma_wait3A_129 : memref<10240xf32, #tpu.memory_space<vmem_shared>>)
      tpu.yield
    }) : () -> ()
    %run_scoped3A_49 = arith.constant 25 : i32
    "tpu.region"() ({
      %run_scoped3A_117 = tpu.sem_alloc : memref<!tpu.dma_semaphore, #tpu.memory_space<semaphore_mem>>
      %dma_start3A = arith.constant 3200 : i32
      %dma_start3A_118 = tpu.memref_slice %arg4[%dma_start3A] : memref<10240xf32, #tpu.memory_space<vmem>> -> memref<128xf32, #tpu.memory_space<vmem>>
      %dma_start3A_119 = arith.constant 0 : i32
      %dma_start3A_120 = tpu.memref_slice %arg6[%run_scoped3A_49, %dma_start3A_119] : memref<80x128xi32, #tpu.memory_space<vmem>> -> memref<1x128xi32, #tpu.memory_space<vmem>>
      %dma_start3A_121 = tpu.memref_squeeze %dma_start3A_120 : memref<1x128xi32, #tpu.memory_space<vmem>> -> memref<128xi32, #tpu.memory_space<vmem>>
      %dma_start3A_122 = arith.constant 0 : i32
      %dma_start3A_123 = tpu.memref_slice %arg8[%dma_start3A_122] : memref<10240xf32, #tpu.memory_space<vmem_shared>> -> memref<10240xf32, #tpu.memory_space<vmem_shared>>
      tpu.enqueue_indirect_dma source(%dma_start3A_118 : memref<128xf32, #tpu.memory_space<vmem>>) target(%dma_start3A_123 : memref<10240xf32, #tpu.memory_space<vmem_shared>>) offsets(%dma_start3A_121 : memref<128xi32, #tpu.memory_space<vmem>>) semaphore(%run_scoped3A_117 : memref<!tpu.dma_semaphore, #tpu.memory_space<semaphore_mem>>) {add = true}
      %dma_wait3A = arith.constant 3200 : i32
      %dma_wait3A_124 = tpu.memref_slice %arg4[%dma_wait3A] : memref<10240xf32, #tpu.memory_space<vmem>> -> memref<128xf32, #tpu.memory_space<vmem>>
      %dma_wait3A_125 = arith.constant 0 : i32
      %dma_wait3A_126 = tpu.memref_slice %arg6[%run_scoped3A_49, %dma_wait3A_125] : memref<80x128xi32, #tpu.memory_space<vmem>> -> memref<1x128xi32, #tpu.memory_space<vmem>>
      %dma_wait3A_127 = tpu.memref_squeeze %dma_wait3A_126 : memref<1x128xi32, #tpu.memory_space<vmem>> -> memref<128xi32, #tpu.memory_space<vmem>>
      %dma_wait3A_128 = arith.constant 0 : i32
      %dma_wait3A_129 = tpu.memref_slice %arg8[%dma_wait3A_128] : memref<10240xf32, #tpu.memory_space<vmem_shared>> -> memref<10240xf32, #tpu.memory_space<vmem_shared>>
      tpu.wait_indirect_dma semaphore(%run_scoped3A_117 : memref<!tpu.dma_semaphore, #tpu.memory_space<semaphore_mem>>) src(%dma_wait3A_124 : memref<128xf32, #tpu.memory_space<vmem>>) dst(%dma_wait3A_129 : memref<10240xf32, #tpu.memory_space<vmem_shared>>)
      tpu.yield
    }) : () -> ()
    %run_scoped3A_50 = arith.constant 26 : i32
    "tpu.region"() ({
      %run_scoped3A_117 = tpu.sem_alloc : memref<!tpu.dma_semaphore, #tpu.memory_space<semaphore_mem>>
      %dma_start3A = arith.constant 3328 : i32
      %dma_start3A_118 = tpu.memref_slice %arg4[%dma_start3A] : memref<10240xf32, #tpu.memory_space<vmem>> -> memref<128xf32, #tpu.memory_space<vmem>>
      %dma_start3A_119 = arith.constant 0 : i32
      %dma_start3A_120 = tpu.memref_slice %arg6[%run_scoped3A_50, %dma_start3A_119] : memref<80x128xi32, #tpu.memory_space<vmem>> -> memref<1x128xi32, #tpu.memory_space<vmem>>
      %dma_start3A_121 = tpu.memref_squeeze %dma_start3A_120 : memref<1x128xi32, #tpu.memory_space<vmem>> -> memref<128xi32, #tpu.memory_space<vmem>>
      %dma_start3A_122 = arith.constant 0 : i32
      %dma_start3A_123 = tpu.memref_slice %arg8[%dma_start3A_122] : memref<10240xf32, #tpu.memory_space<vmem_shared>> -> memref<10240xf32, #tpu.memory_space<vmem_shared>>
      tpu.enqueue_indirect_dma source(%dma_start3A_118 : memref<128xf32, #tpu.memory_space<vmem>>) target(%dma_start3A_123 : memref<10240xf32, #tpu.memory_space<vmem_shared>>) offsets(%dma_start3A_121 : memref<128xi32, #tpu.memory_space<vmem>>) semaphore(%run_scoped3A_117 : memref<!tpu.dma_semaphore, #tpu.memory_space<semaphore_mem>>) {add = true}
      %dma_wait3A = arith.constant 3328 : i32
      %dma_wait3A_124 = tpu.memref_slice %arg4[%dma_wait3A] : memref<10240xf32, #tpu.memory_space<vmem>> -> memref<128xf32, #tpu.memory_space<vmem>>
      %dma_wait3A_125 = arith.constant 0 : i32
      %dma_wait3A_126 = tpu.memref_slice %arg6[%run_scoped3A_50, %dma_wait3A_125] : memref<80x128xi32, #tpu.memory_space<vmem>> -> memref<1x128xi32, #tpu.memory_space<vmem>>
      %dma_wait3A_127 = tpu.memref_squeeze %dma_wait3A_126 : memref<1x128xi32, #tpu.memory_space<vmem>> -> memref<128xi32, #tpu.memory_space<vmem>>
      %dma_wait3A_128 = arith.constant 0 : i32
      %dma_wait3A_129 = tpu.memref_slice %arg8[%dma_wait3A_128] : memref<10240xf32, #tpu.memory_space<vmem_shared>> -> memref<10240xf32, #tpu.memory_space<vmem_shared>>
      tpu.wait_indirect_dma semaphore(%run_scoped3A_117 : memref<!tpu.dma_semaphore, #tpu.memory_space<semaphore_mem>>) src(%dma_wait3A_124 : memref<128xf32, #tpu.memory_space<vmem>>) dst(%dma_wait3A_129 : memref<10240xf32, #tpu.memory_space<vmem_shared>>)
      tpu.yield
    }) : () -> ()
    %run_scoped3A_51 = arith.constant 27 : i32
    "tpu.region"() ({
      %run_scoped3A_117 = tpu.sem_alloc : memref<!tpu.dma_semaphore, #tpu.memory_space<semaphore_mem>>
      %dma_start3A = arith.constant 3456 : i32
      %dma_start3A_118 = tpu.memref_slice %arg4[%dma_start3A] : memref<10240xf32, #tpu.memory_space<vmem>> -> memref<128xf32, #tpu.memory_space<vmem>>
      %dma_start3A_119 = arith.constant 0 : i32
      %dma_start3A_120 = tpu.memref_slice %arg6[%run_scoped3A_51, %dma_start3A_119] : memref<80x128xi32, #tpu.memory_space<vmem>> -> memref<1x128xi32, #tpu.memory_space<vmem>>
      %dma_start3A_121 = tpu.memref_squeeze %dma_start3A_120 : memref<1x128xi32, #tpu.memory_space<vmem>> -> memref<128xi32, #tpu.memory_space<vmem>>
      %dma_start3A_122 = arith.constant 0 : i32
      %dma_start3A_123 = tpu.memref_slice %arg8[%dma_start3A_122] : memref<10240xf32, #tpu.memory_space<vmem_shared>> -> memref<10240xf32, #tpu.memory_space<vmem_shared>>
      tpu.enqueue_indirect_dma source(%dma_start3A_118 : memref<128xf32, #tpu.memory_space<vmem>>) target(%dma_start3A_123 : memref<10240xf32, #tpu.memory_space<vmem_shared>>) offsets(%dma_start3A_121 : memref<128xi32, #tpu.memory_space<vmem>>) semaphore(%run_scoped3A_117 : memref<!tpu.dma_semaphore, #tpu.memory_space<semaphore_mem>>) {add = true}
      %dma_wait3A = arith.constant 3456 : i32
      %dma_wait3A_124 = tpu.memref_slice %arg4[%dma_wait3A] : memref<10240xf32, #tpu.memory_space<vmem>> -> memref<128xf32, #tpu.memory_space<vmem>>
      %dma_wait3A_125 = arith.constant 0 : i32
      %dma_wait3A_126 = tpu.memref_slice %arg6[%run_scoped3A_51, %dma_wait3A_125] : memref<80x128xi32, #tpu.memory_space<vmem>> -> memref<1x128xi32, #tpu.memory_space<vmem>>
      %dma_wait3A_127 = tpu.memref_squeeze %dma_wait3A_126 : memref<1x128xi32, #tpu.memory_space<vmem>> -> memref<128xi32, #tpu.memory_space<vmem>>
      %dma_wait3A_128 = arith.constant 0 : i32
      %dma_wait3A_129 = tpu.memref_slice %arg8[%dma_wait3A_128] : memref<10240xf32, #tpu.memory_space<vmem_shared>> -> memref<10240xf32, #tpu.memory_space<vmem_shared>>
      tpu.wait_indirect_dma semaphore(%run_scoped3A_117 : memref<!tpu.dma_semaphore, #tpu.memory_space<semaphore_mem>>) src(%dma_wait3A_124 : memref<128xf32, #tpu.memory_space<vmem>>) dst(%dma_wait3A_129 : memref<10240xf32, #tpu.memory_space<vmem_shared>>)
      tpu.yield
    }) : () -> ()
    %run_scoped3A_52 = arith.constant 28 : i32
    "tpu.region"() ({
      %run_scoped3A_117 = tpu.sem_alloc : memref<!tpu.dma_semaphore, #tpu.memory_space<semaphore_mem>>
      %dma_start3A = arith.constant 3584 : i32
      %dma_start3A_118 = tpu.memref_slice %arg4[%dma_start3A] : memref<10240xf32, #tpu.memory_space<vmem>> -> memref<128xf32, #tpu.memory_space<vmem>>
      %dma_start3A_119 = arith.constant 0 : i32
      %dma_start3A_120 = tpu.memref_slice %arg6[%run_scoped3A_52, %dma_start3A_119] : memref<80x128xi32, #tpu.memory_space<vmem>> -> memref<1x128xi32, #tpu.memory_space<vmem>>
      %dma_start3A_121 = tpu.memref_squeeze %dma_start3A_120 : memref<1x128xi32, #tpu.memory_space<vmem>> -> memref<128xi32, #tpu.memory_space<vmem>>
      %dma_start3A_122 = arith.constant 0 : i32
      %dma_start3A_123 = tpu.memref_slice %arg8[%dma_start3A_122] : memref<10240xf32, #tpu.memory_space<vmem_shared>> -> memref<10240xf32, #tpu.memory_space<vmem_shared>>
      tpu.enqueue_indirect_dma source(%dma_start3A_118 : memref<128xf32, #tpu.memory_space<vmem>>) target(%dma_start3A_123 : memref<10240xf32, #tpu.memory_space<vmem_shared>>) offsets(%dma_start3A_121 : memref<128xi32, #tpu.memory_space<vmem>>) semaphore(%run_scoped3A_117 : memref<!tpu.dma_semaphore, #tpu.memory_space<semaphore_mem>>) {add = true}
      %dma_wait3A = arith.constant 3584 : i32
      %dma_wait3A_124 = tpu.memref_slice %arg4[%dma_wait3A] : memref<10240xf32, #tpu.memory_space<vmem>> -> memref<128xf32, #tpu.memory_space<vmem>>
      %dma_wait3A_125 = arith.constant 0 : i32
      %dma_wait3A_126 = tpu.memref_slice %arg6[%run_scoped3A_52, %dma_wait3A_125] : memref<80x128xi32, #tpu.memory_space<vmem>> -> memref<1x128xi32, #tpu.memory_space<vmem>>
      %dma_wait3A_127 = tpu.memref_squeeze %dma_wait3A_126 : memref<1x128xi32, #tpu.memory_space<vmem>> -> memref<128xi32, #tpu.memory_space<vmem>>
      %dma_wait3A_128 = arith.constant 0 : i32
      %dma_wait3A_129 = tpu.memref_slice %arg8[%dma_wait3A_128] : memref<10240xf32, #tpu.memory_space<vmem_shared>> -> memref<10240xf32, #tpu.memory_space<vmem_shared>>
      tpu.wait_indirect_dma semaphore(%run_scoped3A_117 : memref<!tpu.dma_semaphore, #tpu.memory_space<semaphore_mem>>) src(%dma_wait3A_124 : memref<128xf32, #tpu.memory_space<vmem>>) dst(%dma_wait3A_129 : memref<10240xf32, #tpu.memory_space<vmem_shared>>)
      tpu.yield
    }) : () -> ()
    %run_scoped3A_53 = arith.constant 29 : i32
    "tpu.region"() ({
      %run_scoped3A_117 = tpu.sem_alloc : memref<!tpu.dma_semaphore, #tpu.memory_space<semaphore_mem>>
      %dma_start3A = arith.constant 3712 : i32
      %dma_start3A_118 = tpu.memref_slice %arg4[%dma_start3A] : memref<10240xf32, #tpu.memory_space<vmem>> -> memref<128xf32, #tpu.memory_space<vmem>>
      %dma_start3A_119 = arith.constant 0 : i32
      %dma_start3A_120 = tpu.memref_slice %arg6[%run_scoped3A_53, %dma_start3A_119] : memref<80x128xi32, #tpu.memory_space<vmem>> -> memref<1x128xi32, #tpu.memory_space<vmem>>
      %dma_start3A_121 = tpu.memref_squeeze %dma_start3A_120 : memref<1x128xi32, #tpu.memory_space<vmem>> -> memref<128xi32, #tpu.memory_space<vmem>>
      %dma_start3A_122 = arith.constant 0 : i32
      %dma_start3A_123 = tpu.memref_slice %arg8[%dma_start3A_122] : memref<10240xf32, #tpu.memory_space<vmem_shared>> -> memref<10240xf32, #tpu.memory_space<vmem_shared>>
      tpu.enqueue_indirect_dma source(%dma_start3A_118 : memref<128xf32, #tpu.memory_space<vmem>>) target(%dma_start3A_123 : memref<10240xf32, #tpu.memory_space<vmem_shared>>) offsets(%dma_start3A_121 : memref<128xi32, #tpu.memory_space<vmem>>) semaphore(%run_scoped3A_117 : memref<!tpu.dma_semaphore, #tpu.memory_space<semaphore_mem>>) {add = true}
      %dma_wait3A = arith.constant 3712 : i32
      %dma_wait3A_124 = tpu.memref_slice %arg4[%dma_wait3A] : memref<10240xf32, #tpu.memory_space<vmem>> -> memref<128xf32, #tpu.memory_space<vmem>>
      %dma_wait3A_125 = arith.constant 0 : i32
      %dma_wait3A_126 = tpu.memref_slice %arg6[%run_scoped3A_53, %dma_wait3A_125] : memref<80x128xi32, #tpu.memory_space<vmem>> -> memref<1x128xi32, #tpu.memory_space<vmem>>
      %dma_wait3A_127 = tpu.memref_squeeze %dma_wait3A_126 : memref<1x128xi32, #tpu.memory_space<vmem>> -> memref<128xi32, #tpu.memory_space<vmem>>
      %dma_wait3A_128 = arith.constant 0 : i32
      %dma_wait3A_129 = tpu.memref_slice %arg8[%dma_wait3A_128] : memref<10240xf32, #tpu.memory_space<vmem_shared>> -> memref<10240xf32, #tpu.memory_space<vmem_shared>>
      tpu.wait_indirect_dma semaphore(%run_scoped3A_117 : memref<!tpu.dma_semaphore, #tpu.memory_space<semaphore_mem>>) src(%dma_wait3A_124 : memref<128xf32, #tpu.memory_space<vmem>>) dst(%dma_wait3A_129 : memref<10240xf32, #tpu.memory_space<vmem_shared>>)
      tpu.yield
    }) : () -> ()
    %run_scoped3A_54 = arith.constant 30 : i32
    "tpu.region"() ({
      %run_scoped3A_117 = tpu.sem_alloc : memref<!tpu.dma_semaphore, #tpu.memory_space<semaphore_mem>>
      %dma_start3A = arith.constant 3840 : i32
      %dma_start3A_118 = tpu.memref_slice %arg4[%dma_start3A] : memref<10240xf32, #tpu.memory_space<vmem>> -> memref<128xf32, #tpu.memory_space<vmem>>
      %dma_start3A_119 = arith.constant 0 : i32
      %dma_start3A_120 = tpu.memref_slice %arg6[%run_scoped3A_54, %dma_start3A_119] : memref<80x128xi32, #tpu.memory_space<vmem>> -> memref<1x128xi32, #tpu.memory_space<vmem>>
      %dma_start3A_121 = tpu.memref_squeeze %dma_start3A_120 : memref<1x128xi32, #tpu.memory_space<vmem>> -> memref<128xi32, #tpu.memory_space<vmem>>
      %dma_start3A_122 = arith.constant 0 : i32
      %dma_start3A_123 = tpu.memref_slice %arg8[%dma_start3A_122] : memref<10240xf32, #tpu.memory_space<vmem_shared>> -> memref<10240xf32, #tpu.memory_space<vmem_shared>>
      tpu.enqueue_indirect_dma source(%dma_start3A_118 : memref<128xf32, #tpu.memory_space<vmem>>) target(%dma_start3A_123 : memref<10240xf32, #tpu.memory_space<vmem_shared>>) offsets(%dma_start3A_121 : memref<128xi32, #tpu.memory_space<vmem>>) semaphore(%run_scoped3A_117 : memref<!tpu.dma_semaphore, #tpu.memory_space<semaphore_mem>>) {add = true}
      %dma_wait3A = arith.constant 3840 : i32
      %dma_wait3A_124 = tpu.memref_slice %arg4[%dma_wait3A] : memref<10240xf32, #tpu.memory_space<vmem>> -> memref<128xf32, #tpu.memory_space<vmem>>
      %dma_wait3A_125 = arith.constant 0 : i32
      %dma_wait3A_126 = tpu.memref_slice %arg6[%run_scoped3A_54, %dma_wait3A_125] : memref<80x128xi32, #tpu.memory_space<vmem>> -> memref<1x128xi32, #tpu.memory_space<vmem>>
      %dma_wait3A_127 = tpu.memref_squeeze %dma_wait3A_126 : memref<1x128xi32, #tpu.memory_space<vmem>> -> memref<128xi32, #tpu.memory_space<vmem>>
      %dma_wait3A_128 = arith.constant 0 : i32
      %dma_wait3A_129 = tpu.memref_slice %arg8[%dma_wait3A_128] : memref<10240xf32, #tpu.memory_space<vmem_shared>> -> memref<10240xf32, #tpu.memory_space<vmem_shared>>
      tpu.wait_indirect_dma semaphore(%run_scoped3A_117 : memref<!tpu.dma_semaphore, #tpu.memory_space<semaphore_mem>>) src(%dma_wait3A_124 : memref<128xf32, #tpu.memory_space<vmem>>) dst(%dma_wait3A_129 : memref<10240xf32, #tpu.memory_space<vmem_shared>>)
      tpu.yield
    }) : () -> ()
    %run_scoped3A_55 = arith.constant 31 : i32
    "tpu.region"() ({
      %run_scoped3A_117 = tpu.sem_alloc : memref<!tpu.dma_semaphore, #tpu.memory_space<semaphore_mem>>
      %dma_start3A = arith.constant 3968 : i32
      %dma_start3A_118 = tpu.memref_slice %arg4[%dma_start3A] : memref<10240xf32, #tpu.memory_space<vmem>> -> memref<128xf32, #tpu.memory_space<vmem>>
      %dma_start3A_119 = arith.constant 0 : i32
      %dma_start3A_120 = tpu.memref_slice %arg6[%run_scoped3A_55, %dma_start3A_119] : memref<80x128xi32, #tpu.memory_space<vmem>> -> memref<1x128xi32, #tpu.memory_space<vmem>>
      %dma_start3A_121 = tpu.memref_squeeze %dma_start3A_120 : memref<1x128xi32, #tpu.memory_space<vmem>> -> memref<128xi32, #tpu.memory_space<vmem>>
      %dma_start3A_122 = arith.constant 0 : i32
      %dma_start3A_123 = tpu.memref_slice %arg8[%dma_start3A_122] : memref<10240xf32, #tpu.memory_space<vmem_shared>> -> memref<10240xf32, #tpu.memory_space<vmem_shared>>
      tpu.enqueue_indirect_dma source(%dma_start3A_118 : memref<128xf32, #tpu.memory_space<vmem>>) target(%dma_start3A_123 : memref<10240xf32, #tpu.memory_space<vmem_shared>>) offsets(%dma_start3A_121 : memref<128xi32, #tpu.memory_space<vmem>>) semaphore(%run_scoped3A_117 : memref<!tpu.dma_semaphore, #tpu.memory_space<semaphore_mem>>) {add = true}
      %dma_wait3A = arith.constant 3968 : i32
      %dma_wait3A_124 = tpu.memref_slice %arg4[%dma_wait3A] : memref<10240xf32, #tpu.memory_space<vmem>> -> memref<128xf32, #tpu.memory_space<vmem>>
      %dma_wait3A_125 = arith.constant 0 : i32
      %dma_wait3A_126 = tpu.memref_slice %arg6[%run_scoped3A_55, %dma_wait3A_125] : memref<80x128xi32, #tpu.memory_space<vmem>> -> memref<1x128xi32, #tpu.memory_space<vmem>>
      %dma_wait3A_127 = tpu.memref_squeeze %dma_wait3A_126 : memref<1x128xi32, #tpu.memory_space<vmem>> -> memref<128xi32, #tpu.memory_space<vmem>>
      %dma_wait3A_128 = arith.constant 0 : i32
      %dma_wait3A_129 = tpu.memref_slice %arg8[%dma_wait3A_128] : memref<10240xf32, #tpu.memory_space<vmem_shared>> -> memref<10240xf32, #tpu.memory_space<vmem_shared>>
      tpu.wait_indirect_dma semaphore(%run_scoped3A_117 : memref<!tpu.dma_semaphore, #tpu.memory_space<semaphore_mem>>) src(%dma_wait3A_124 : memref<128xf32, #tpu.memory_space<vmem>>) dst(%dma_wait3A_129 : memref<10240xf32, #tpu.memory_space<vmem_shared>>)
      tpu.yield
    }) : () -> ()
    %run_scoped3A_56 = arith.constant 32 : i32
    "tpu.region"() ({
      %run_scoped3A_117 = tpu.sem_alloc : memref<!tpu.dma_semaphore, #tpu.memory_space<semaphore_mem>>
      %dma_start3A = arith.constant 4096 : i32
      %dma_start3A_118 = tpu.memref_slice %arg4[%dma_start3A] : memref<10240xf32, #tpu.memory_space<vmem>> -> memref<128xf32, #tpu.memory_space<vmem>>
      %dma_start3A_119 = arith.constant 0 : i32
      %dma_start3A_120 = tpu.memref_slice %arg6[%run_scoped3A_56, %dma_start3A_119] : memref<80x128xi32, #tpu.memory_space<vmem>> -> memref<1x128xi32, #tpu.memory_space<vmem>>
      %dma_start3A_121 = tpu.memref_squeeze %dma_start3A_120 : memref<1x128xi32, #tpu.memory_space<vmem>> -> memref<128xi32, #tpu.memory_space<vmem>>
      %dma_start3A_122 = arith.constant 0 : i32
      %dma_start3A_123 = tpu.memref_slice %arg8[%dma_start3A_122] : memref<10240xf32, #tpu.memory_space<vmem_shared>> -> memref<10240xf32, #tpu.memory_space<vmem_shared>>
      tpu.enqueue_indirect_dma source(%dma_start3A_118 : memref<128xf32, #tpu.memory_space<vmem>>) target(%dma_start3A_123 : memref<10240xf32, #tpu.memory_space<vmem_shared>>) offsets(%dma_start3A_121 : memref<128xi32, #tpu.memory_space<vmem>>) semaphore(%run_scoped3A_117 : memref<!tpu.dma_semaphore, #tpu.memory_space<semaphore_mem>>) {add = true}
      %dma_wait3A = arith.constant 4096 : i32
      %dma_wait3A_124 = tpu.memref_slice %arg4[%dma_wait3A] : memref<10240xf32, #tpu.memory_space<vmem>> -> memref<128xf32, #tpu.memory_space<vmem>>
      %dma_wait3A_125 = arith.constant 0 : i32
      %dma_wait3A_126 = tpu.memref_slice %arg6[%run_scoped3A_56, %dma_wait3A_125] : memref<80x128xi32, #tpu.memory_space<vmem>> -> memref<1x128xi32, #tpu.memory_space<vmem>>
      %dma_wait3A_127 = tpu.memref_squeeze %dma_wait3A_126 : memref<1x128xi32, #tpu.memory_space<vmem>> -> memref<128xi32, #tpu.memory_space<vmem>>
      %dma_wait3A_128 = arith.constant 0 : i32
      %dma_wait3A_129 = tpu.memref_slice %arg8[%dma_wait3A_128] : memref<10240xf32, #tpu.memory_space<vmem_shared>> -> memref<10240xf32, #tpu.memory_space<vmem_shared>>
      tpu.wait_indirect_dma semaphore(%run_scoped3A_117 : memref<!tpu.dma_semaphore, #tpu.memory_space<semaphore_mem>>) src(%dma_wait3A_124 : memref<128xf32, #tpu.memory_space<vmem>>) dst(%dma_wait3A_129 : memref<10240xf32, #tpu.memory_space<vmem_shared>>)
      tpu.yield
    }) : () -> ()
    %run_scoped3A_57 = arith.constant 33 : i32
    "tpu.region"() ({
      %run_scoped3A_117 = tpu.sem_alloc : memref<!tpu.dma_semaphore, #tpu.memory_space<semaphore_mem>>
      %dma_start3A = arith.constant 4224 : i32
      %dma_start3A_118 = tpu.memref_slice %arg4[%dma_start3A] : memref<10240xf32, #tpu.memory_space<vmem>> -> memref<128xf32, #tpu.memory_space<vmem>>
      %dma_start3A_119 = arith.constant 0 : i32
      %dma_start3A_120 = tpu.memref_slice %arg6[%run_scoped3A_57, %dma_start3A_119] : memref<80x128xi32, #tpu.memory_space<vmem>> -> memref<1x128xi32, #tpu.memory_space<vmem>>
      %dma_start3A_121 = tpu.memref_squeeze %dma_start3A_120 : memref<1x128xi32, #tpu.memory_space<vmem>> -> memref<128xi32, #tpu.memory_space<vmem>>
      %dma_start3A_122 = arith.constant 0 : i32
      %dma_start3A_123 = tpu.memref_slice %arg8[%dma_start3A_122] : memref<10240xf32, #tpu.memory_space<vmem_shared>> -> memref<10240xf32, #tpu.memory_space<vmem_shared>>
      tpu.enqueue_indirect_dma source(%dma_start3A_118 : memref<128xf32, #tpu.memory_space<vmem>>) target(%dma_start3A_123 : memref<10240xf32, #tpu.memory_space<vmem_shared>>) offsets(%dma_start3A_121 : memref<128xi32, #tpu.memory_space<vmem>>) semaphore(%run_scoped3A_117 : memref<!tpu.dma_semaphore, #tpu.memory_space<semaphore_mem>>) {add = true}
      %dma_wait3A = arith.constant 4224 : i32
      %dma_wait3A_124 = tpu.memref_slice %arg4[%dma_wait3A] : memref<10240xf32, #tpu.memory_space<vmem>> -> memref<128xf32, #tpu.memory_space<vmem>>
      %dma_wait3A_125 = arith.constant 0 : i32
      %dma_wait3A_126 = tpu.memref_slice %arg6[%run_scoped3A_57, %dma_wait3A_125] : memref<80x128xi32, #tpu.memory_space<vmem>> -> memref<1x128xi32, #tpu.memory_space<vmem>>
      %dma_wait3A_127 = tpu.memref_squeeze %dma_wait3A_126 : memref<1x128xi32, #tpu.memory_space<vmem>> -> memref<128xi32, #tpu.memory_space<vmem>>
      %dma_wait3A_128 = arith.constant 0 : i32
      %dma_wait3A_129 = tpu.memref_slice %arg8[%dma_wait3A_128] : memref<10240xf32, #tpu.memory_space<vmem_shared>> -> memref<10240xf32, #tpu.memory_space<vmem_shared>>
      tpu.wait_indirect_dma semaphore(%run_scoped3A_117 : memref<!tpu.dma_semaphore, #tpu.memory_space<semaphore_mem>>) src(%dma_wait3A_124 : memref<128xf32, #tpu.memory_space<vmem>>) dst(%dma_wait3A_129 : memref<10240xf32, #tpu.memory_space<vmem_shared>>)
      tpu.yield
    }) : () -> ()
    %run_scoped3A_58 = arith.constant 34 : i32
    "tpu.region"() ({
      %run_scoped3A_117 = tpu.sem_alloc : memref<!tpu.dma_semaphore, #tpu.memory_space<semaphore_mem>>
      %dma_start3A = arith.constant 4352 : i32
      %dma_start3A_118 = tpu.memref_slice %arg4[%dma_start3A] : memref<10240xf32, #tpu.memory_space<vmem>> -> memref<128xf32, #tpu.memory_space<vmem>>
      %dma_start3A_119 = arith.constant 0 : i32
      %dma_start3A_120 = tpu.memref_slice %arg6[%run_scoped3A_58, %dma_start3A_119] : memref<80x128xi32, #tpu.memory_space<vmem>> -> memref<1x128xi32, #tpu.memory_space<vmem>>
      %dma_start3A_121 = tpu.memref_squeeze %dma_start3A_120 : memref<1x128xi32, #tpu.memory_space<vmem>> -> memref<128xi32, #tpu.memory_space<vmem>>
      %dma_start3A_122 = arith.constant 0 : i32
      %dma_start3A_123 = tpu.memref_slice %arg8[%dma_start3A_122] : memref<10240xf32, #tpu.memory_space<vmem_shared>> -> memref<10240xf32, #tpu.memory_space<vmem_shared>>
      tpu.enqueue_indirect_dma source(%dma_start3A_118 : memref<128xf32, #tpu.memory_space<vmem>>) target(%dma_start3A_123 : memref<10240xf32, #tpu.memory_space<vmem_shared>>) offsets(%dma_start3A_121 : memref<128xi32, #tpu.memory_space<vmem>>) semaphore(%run_scoped3A_117 : memref<!tpu.dma_semaphore, #tpu.memory_space<semaphore_mem>>) {add = true}
      %dma_wait3A = arith.constant 4352 : i32
      %dma_wait3A_124 = tpu.memref_slice %arg4[%dma_wait3A] : memref<10240xf32, #tpu.memory_space<vmem>> -> memref<128xf32, #tpu.memory_space<vmem>>
      %dma_wait3A_125 = arith.constant 0 : i32
      %dma_wait3A_126 = tpu.memref_slice %arg6[%run_scoped3A_58, %dma_wait3A_125] : memref<80x128xi32, #tpu.memory_space<vmem>> -> memref<1x128xi32, #tpu.memory_space<vmem>>
      %dma_wait3A_127 = tpu.memref_squeeze %dma_wait3A_126 : memref<1x128xi32, #tpu.memory_space<vmem>> -> memref<128xi32, #tpu.memory_space<vmem>>
      %dma_wait3A_128 = arith.constant 0 : i32
      %dma_wait3A_129 = tpu.memref_slice %arg8[%dma_wait3A_128] : memref<10240xf32, #tpu.memory_space<vmem_shared>> -> memref<10240xf32, #tpu.memory_space<vmem_shared>>
      tpu.wait_indirect_dma semaphore(%run_scoped3A_117 : memref<!tpu.dma_semaphore, #tpu.memory_space<semaphore_mem>>) src(%dma_wait3A_124 : memref<128xf32, #tpu.memory_space<vmem>>) dst(%dma_wait3A_129 : memref<10240xf32, #tpu.memory_space<vmem_shared>>)
      tpu.yield
    }) : () -> ()
    %run_scoped3A_59 = arith.constant 35 : i32
    "tpu.region"() ({
      %run_scoped3A_117 = tpu.sem_alloc : memref<!tpu.dma_semaphore, #tpu.memory_space<semaphore_mem>>
      %dma_start3A = arith.constant 4480 : i32
      %dma_start3A_118 = tpu.memref_slice %arg4[%dma_start3A] : memref<10240xf32, #tpu.memory_space<vmem>> -> memref<128xf32, #tpu.memory_space<vmem>>
      %dma_start3A_119 = arith.constant 0 : i32
      %dma_start3A_120 = tpu.memref_slice %arg6[%run_scoped3A_59, %dma_start3A_119] : memref<80x128xi32, #tpu.memory_space<vmem>> -> memref<1x128xi32, #tpu.memory_space<vmem>>
      %dma_start3A_121 = tpu.memref_squeeze %dma_start3A_120 : memref<1x128xi32, #tpu.memory_space<vmem>> -> memref<128xi32, #tpu.memory_space<vmem>>
      %dma_start3A_122 = arith.constant 0 : i32
      %dma_start3A_123 = tpu.memref_slice %arg8[%dma_start3A_122] : memref<10240xf32, #tpu.memory_space<vmem_shared>> -> memref<10240xf32, #tpu.memory_space<vmem_shared>>
      tpu.enqueue_indirect_dma source(%dma_start3A_118 : memref<128xf32, #tpu.memory_space<vmem>>) target(%dma_start3A_123 : memref<10240xf32, #tpu.memory_space<vmem_shared>>) offsets(%dma_start3A_121 : memref<128xi32, #tpu.memory_space<vmem>>) semaphore(%run_scoped3A_117 : memref<!tpu.dma_semaphore, #tpu.memory_space<semaphore_mem>>) {add = true}
      %dma_wait3A = arith.constant 4480 : i32
      %dma_wait3A_124 = tpu.memref_slice %arg4[%dma_wait3A] : memref<10240xf32, #tpu.memory_space<vmem>> -> memref<128xf32, #tpu.memory_space<vmem>>
      %dma_wait3A_125 = arith.constant 0 : i32
      %dma_wait3A_126 = tpu.memref_slice %arg6[%run_scoped3A_59, %dma_wait3A_125] : memref<80x128xi32, #tpu.memory_space<vmem>> -> memref<1x128xi32, #tpu.memory_space<vmem>>
      %dma_wait3A_127 = tpu.memref_squeeze %dma_wait3A_126 : memref<1x128xi32, #tpu.memory_space<vmem>> -> memref<128xi32, #tpu.memory_space<vmem>>
      %dma_wait3A_128 = arith.constant 0 : i32
      %dma_wait3A_129 = tpu.memref_slice %arg8[%dma_wait3A_128] : memref<10240xf32, #tpu.memory_space<vmem_shared>> -> memref<10240xf32, #tpu.memory_space<vmem_shared>>
      tpu.wait_indirect_dma semaphore(%run_scoped3A_117 : memref<!tpu.dma_semaphore, #tpu.memory_space<semaphore_mem>>) src(%dma_wait3A_124 : memref<128xf32, #tpu.memory_space<vmem>>) dst(%dma_wait3A_129 : memref<10240xf32, #tpu.memory_space<vmem_shared>>)
      tpu.yield
    }) : () -> ()
    %run_scoped3A_60 = arith.constant 36 : i32
    "tpu.region"() ({
      %run_scoped3A_117 = tpu.sem_alloc : memref<!tpu.dma_semaphore, #tpu.memory_space<semaphore_mem>>
      %dma_start3A = arith.constant 4608 : i32
      %dma_start3A_118 = tpu.memref_slice %arg4[%dma_start3A] : memref<10240xf32, #tpu.memory_space<vmem>> -> memref<128xf32, #tpu.memory_space<vmem>>
      %dma_start3A_119 = arith.constant 0 : i32
      %dma_start3A_120 = tpu.memref_slice %arg6[%run_scoped3A_60, %dma_start3A_119] : memref<80x128xi32, #tpu.memory_space<vmem>> -> memref<1x128xi32, #tpu.memory_space<vmem>>
      %dma_start3A_121 = tpu.memref_squeeze %dma_start3A_120 : memref<1x128xi32, #tpu.memory_space<vmem>> -> memref<128xi32, #tpu.memory_space<vmem>>
      %dma_start3A_122 = arith.constant 0 : i32
      %dma_start3A_123 = tpu.memref_slice %arg8[%dma_start3A_122] : memref<10240xf32, #tpu.memory_space<vmem_shared>> -> memref<10240xf32, #tpu.memory_space<vmem_shared>>
      tpu.enqueue_indirect_dma source(%dma_start3A_118 : memref<128xf32, #tpu.memory_space<vmem>>) target(%dma_start3A_123 : memref<10240xf32, #tpu.memory_space<vmem_shared>>) offsets(%dma_start3A_121 : memref<128xi32, #tpu.memory_space<vmem>>) semaphore(%run_scoped3A_117 : memref<!tpu.dma_semaphore, #tpu.memory_space<semaphore_mem>>) {add = true}
      %dma_wait3A = arith.constant 4608 : i32
      %dma_wait3A_124 = tpu.memref_slice %arg4[%dma_wait3A] : memref<10240xf32, #tpu.memory_space<vmem>> -> memref<128xf32, #tpu.memory_space<vmem>>
      %dma_wait3A_125 = arith.constant 0 : i32
      %dma_wait3A_126 = tpu.memref_slice %arg6[%run_scoped3A_60, %dma_wait3A_125] : memref<80x128xi32, #tpu.memory_space<vmem>> -> memref<1x128xi32, #tpu.memory_space<vmem>>
      %dma_wait3A_127 = tpu.memref_squeeze %dma_wait3A_126 : memref<1x128xi32, #tpu.memory_space<vmem>> -> memref<128xi32, #tpu.memory_space<vmem>>
      %dma_wait3A_128 = arith.constant 0 : i32
      %dma_wait3A_129 = tpu.memref_slice %arg8[%dma_wait3A_128] : memref<10240xf32, #tpu.memory_space<vmem_shared>> -> memref<10240xf32, #tpu.memory_space<vmem_shared>>
      tpu.wait_indirect_dma semaphore(%run_scoped3A_117 : memref<!tpu.dma_semaphore, #tpu.memory_space<semaphore_mem>>) src(%dma_wait3A_124 : memref<128xf32, #tpu.memory_space<vmem>>) dst(%dma_wait3A_129 : memref<10240xf32, #tpu.memory_space<vmem_shared>>)
      tpu.yield
    }) : () -> ()
    %run_scoped3A_61 = arith.constant 37 : i32
    "tpu.region"() ({
      %run_scoped3A_117 = tpu.sem_alloc : memref<!tpu.dma_semaphore, #tpu.memory_space<semaphore_mem>>
      %dma_start3A = arith.constant 4736 : i32
      %dma_start3A_118 = tpu.memref_slice %arg4[%dma_start3A] : memref<10240xf32, #tpu.memory_space<vmem>> -> memref<128xf32, #tpu.memory_space<vmem>>
      %dma_start3A_119 = arith.constant 0 : i32
      %dma_start3A_120 = tpu.memref_slice %arg6[%run_scoped3A_61, %dma_start3A_119] : memref<80x128xi32, #tpu.memory_space<vmem>> -> memref<1x128xi32, #tpu.memory_space<vmem>>
      %dma_start3A_121 = tpu.memref_squeeze %dma_start3A_120 : memref<1x128xi32, #tpu.memory_space<vmem>> -> memref<128xi32, #tpu.memory_space<vmem>>
      %dma_start3A_122 = arith.constant 0 : i32
      %dma_start3A_123 = tpu.memref_slice %arg8[%dma_start3A_122] : memref<10240xf32, #tpu.memory_space<vmem_shared>> -> memref<10240xf32, #tpu.memory_space<vmem_shared>>
      tpu.enqueue_indirect_dma source(%dma_start3A_118 : memref<128xf32, #tpu.memory_space<vmem>>) target(%dma_start3A_123 : memref<10240xf32, #tpu.memory_space<vmem_shared>>) offsets(%dma_start3A_121 : memref<128xi32, #tpu.memory_space<vmem>>) semaphore(%run_scoped3A_117 : memref<!tpu.dma_semaphore, #tpu.memory_space<semaphore_mem>>) {add = true}
      %dma_wait3A = arith.constant 4736 : i32
      %dma_wait3A_124 = tpu.memref_slice %arg4[%dma_wait3A] : memref<10240xf32, #tpu.memory_space<vmem>> -> memref<128xf32, #tpu.memory_space<vmem>>
      %dma_wait3A_125 = arith.constant 0 : i32
      %dma_wait3A_126 = tpu.memref_slice %arg6[%run_scoped3A_61, %dma_wait3A_125] : memref<80x128xi32, #tpu.memory_space<vmem>> -> memref<1x128xi32, #tpu.memory_space<vmem>>
      %dma_wait3A_127 = tpu.memref_squeeze %dma_wait3A_126 : memref<1x128xi32, #tpu.memory_space<vmem>> -> memref<128xi32, #tpu.memory_space<vmem>>
      %dma_wait3A_128 = arith.constant 0 : i32
      %dma_wait3A_129 = tpu.memref_slice %arg8[%dma_wait3A_128] : memref<10240xf32, #tpu.memory_space<vmem_shared>> -> memref<10240xf32, #tpu.memory_space<vmem_shared>>
      tpu.wait_indirect_dma semaphore(%run_scoped3A_117 : memref<!tpu.dma_semaphore, #tpu.memory_space<semaphore_mem>>) src(%dma_wait3A_124 : memref<128xf32, #tpu.memory_space<vmem>>) dst(%dma_wait3A_129 : memref<10240xf32, #tpu.memory_space<vmem_shared>>)
      tpu.yield
    }) : () -> ()
    %run_scoped3A_62 = arith.constant 38 : i32
    "tpu.region"() ({
      %run_scoped3A_117 = tpu.sem_alloc : memref<!tpu.dma_semaphore, #tpu.memory_space<semaphore_mem>>
      %dma_start3A = arith.constant 4864 : i32
      %dma_start3A_118 = tpu.memref_slice %arg4[%dma_start3A] : memref<10240xf32, #tpu.memory_space<vmem>> -> memref<128xf32, #tpu.memory_space<vmem>>
      %dma_start3A_119 = arith.constant 0 : i32
      %dma_start3A_120 = tpu.memref_slice %arg6[%run_scoped3A_62, %dma_start3A_119] : memref<80x128xi32, #tpu.memory_space<vmem>> -> memref<1x128xi32, #tpu.memory_space<vmem>>
      %dma_start3A_121 = tpu.memref_squeeze %dma_start3A_120 : memref<1x128xi32, #tpu.memory_space<vmem>> -> memref<128xi32, #tpu.memory_space<vmem>>
      %dma_start3A_122 = arith.constant 0 : i32
      %dma_start3A_123 = tpu.memref_slice %arg8[%dma_start3A_122] : memref<10240xf32, #tpu.memory_space<vmem_shared>> -> memref<10240xf32, #tpu.memory_space<vmem_shared>>
      tpu.enqueue_indirect_dma source(%dma_start3A_118 : memref<128xf32, #tpu.memory_space<vmem>>) target(%dma_start3A_123 : memref<10240xf32, #tpu.memory_space<vmem_shared>>) offsets(%dma_start3A_121 : memref<128xi32, #tpu.memory_space<vmem>>) semaphore(%run_scoped3A_117 : memref<!tpu.dma_semaphore, #tpu.memory_space<semaphore_mem>>) {add = true}
      %dma_wait3A = arith.constant 4864 : i32
      %dma_wait3A_124 = tpu.memref_slice %arg4[%dma_wait3A] : memref<10240xf32, #tpu.memory_space<vmem>> -> memref<128xf32, #tpu.memory_space<vmem>>
      %dma_wait3A_125 = arith.constant 0 : i32
      %dma_wait3A_126 = tpu.memref_slice %arg6[%run_scoped3A_62, %dma_wait3A_125] : memref<80x128xi32, #tpu.memory_space<vmem>> -> memref<1x128xi32, #tpu.memory_space<vmem>>
      %dma_wait3A_127 = tpu.memref_squeeze %dma_wait3A_126 : memref<1x128xi32, #tpu.memory_space<vmem>> -> memref<128xi32, #tpu.memory_space<vmem>>
      %dma_wait3A_128 = arith.constant 0 : i32
      %dma_wait3A_129 = tpu.memref_slice %arg8[%dma_wait3A_128] : memref<10240xf32, #tpu.memory_space<vmem_shared>> -> memref<10240xf32, #tpu.memory_space<vmem_shared>>
      tpu.wait_indirect_dma semaphore(%run_scoped3A_117 : memref<!tpu.dma_semaphore, #tpu.memory_space<semaphore_mem>>) src(%dma_wait3A_124 : memref<128xf32, #tpu.memory_space<vmem>>) dst(%dma_wait3A_129 : memref<10240xf32, #tpu.memory_space<vmem_shared>>)
      tpu.yield
    }) : () -> ()
    %run_scoped3A_63 = arith.constant 39 : i32
    "tpu.region"() ({
      %run_scoped3A_117 = tpu.sem_alloc : memref<!tpu.dma_semaphore, #tpu.memory_space<semaphore_mem>>
      %dma_start3A = arith.constant 4992 : i32
      %dma_start3A_118 = tpu.memref_slice %arg4[%dma_start3A] : memref<10240xf32, #tpu.memory_space<vmem>> -> memref<128xf32, #tpu.memory_space<vmem>>
      %dma_start3A_119 = arith.constant 0 : i32
      %dma_start3A_120 = tpu.memref_slice %arg6[%run_scoped3A_63, %dma_start3A_119] : memref<80x128xi32, #tpu.memory_space<vmem>> -> memref<1x128xi32, #tpu.memory_space<vmem>>
      %dma_start3A_121 = tpu.memref_squeeze %dma_start3A_120 : memref<1x128xi32, #tpu.memory_space<vmem>> -> memref<128xi32, #tpu.memory_space<vmem>>
      %dma_start3A_122 = arith.constant 0 : i32
      %dma_start3A_123 = tpu.memref_slice %arg8[%dma_start3A_122] : memref<10240xf32, #tpu.memory_space<vmem_shared>> -> memref<10240xf32, #tpu.memory_space<vmem_shared>>
      tpu.enqueue_indirect_dma source(%dma_start3A_118 : memref<128xf32, #tpu.memory_space<vmem>>) target(%dma_start3A_123 : memref<10240xf32, #tpu.memory_space<vmem_shared>>) offsets(%dma_start3A_121 : memref<128xi32, #tpu.memory_space<vmem>>) semaphore(%run_scoped3A_117 : memref<!tpu.dma_semaphore, #tpu.memory_space<semaphore_mem>>) {add = true}
      %dma_wait3A = arith.constant 4992 : i32
      %dma_wait3A_124 = tpu.memref_slice %arg4[%dma_wait3A] : memref<10240xf32, #tpu.memory_space<vmem>> -> memref<128xf32, #tpu.memory_space<vmem>>
      %dma_wait3A_125 = arith.constant 0 : i32
      %dma_wait3A_126 = tpu.memref_slice %arg6[%run_scoped3A_63, %dma_wait3A_125] : memref<80x128xi32, #tpu.memory_space<vmem>> -> memref<1x128xi32, #tpu.memory_space<vmem>>
      %dma_wait3A_127 = tpu.memref_squeeze %dma_wait3A_126 : memref<1x128xi32, #tpu.memory_space<vmem>> -> memref<128xi32, #tpu.memory_space<vmem>>
      %dma_wait3A_128 = arith.constant 0 : i32
      %dma_wait3A_129 = tpu.memref_slice %arg8[%dma_wait3A_128] : memref<10240xf32, #tpu.memory_space<vmem_shared>> -> memref<10240xf32, #tpu.memory_space<vmem_shared>>
      tpu.wait_indirect_dma semaphore(%run_scoped3A_117 : memref<!tpu.dma_semaphore, #tpu.memory_space<semaphore_mem>>) src(%dma_wait3A_124 : memref<128xf32, #tpu.memory_space<vmem>>) dst(%dma_wait3A_129 : memref<10240xf32, #tpu.memory_space<vmem_shared>>)
      tpu.yield
    }) : () -> ()
    %run_scoped3A_64 = arith.constant 40 : i32
    "tpu.region"() ({
      %run_scoped3A_117 = tpu.sem_alloc : memref<!tpu.dma_semaphore, #tpu.memory_space<semaphore_mem>>
      %dma_start3A = arith.constant 5120 : i32
      %dma_start3A_118 = tpu.memref_slice %arg4[%dma_start3A] : memref<10240xf32, #tpu.memory_space<vmem>> -> memref<128xf32, #tpu.memory_space<vmem>>
      %dma_start3A_119 = arith.constant 0 : i32
      %dma_start3A_120 = tpu.memref_slice %arg6[%run_scoped3A_64, %dma_start3A_119] : memref<80x128xi32, #tpu.memory_space<vmem>> -> memref<1x128xi32, #tpu.memory_space<vmem>>
      %dma_start3A_121 = tpu.memref_squeeze %dma_start3A_120 : memref<1x128xi32, #tpu.memory_space<vmem>> -> memref<128xi32, #tpu.memory_space<vmem>>
      %dma_start3A_122 = arith.constant 0 : i32
      %dma_start3A_123 = tpu.memref_slice %arg8[%dma_start3A_122] : memref<10240xf32, #tpu.memory_space<vmem_shared>> -> memref<10240xf32, #tpu.memory_space<vmem_shared>>
      tpu.enqueue_indirect_dma source(%dma_start3A_118 : memref<128xf32, #tpu.memory_space<vmem>>) target(%dma_start3A_123 : memref<10240xf32, #tpu.memory_space<vmem_shared>>) offsets(%dma_start3A_121 : memref<128xi32, #tpu.memory_space<vmem>>) semaphore(%run_scoped3A_117 : memref<!tpu.dma_semaphore, #tpu.memory_space<semaphore_mem>>) {add = true}
      %dma_wait3A = arith.constant 5120 : i32
      %dma_wait3A_124 = tpu.memref_slice %arg4[%dma_wait3A] : memref<10240xf32, #tpu.memory_space<vmem>> -> memref<128xf32, #tpu.memory_space<vmem>>
      %dma_wait3A_125 = arith.constant 0 : i32
      %dma_wait3A_126 = tpu.memref_slice %arg6[%run_scoped3A_64, %dma_wait3A_125] : memref<80x128xi32, #tpu.memory_space<vmem>> -> memref<1x128xi32, #tpu.memory_space<vmem>>
      %dma_wait3A_127 = tpu.memref_squeeze %dma_wait3A_126 : memref<1x128xi32, #tpu.memory_space<vmem>> -> memref<128xi32, #tpu.memory_space<vmem>>
      %dma_wait3A_128 = arith.constant 0 : i32
      %dma_wait3A_129 = tpu.memref_slice %arg8[%dma_wait3A_128] : memref<10240xf32, #tpu.memory_space<vmem_shared>> -> memref<10240xf32, #tpu.memory_space<vmem_shared>>
      tpu.wait_indirect_dma semaphore(%run_scoped3A_117 : memref<!tpu.dma_semaphore, #tpu.memory_space<semaphore_mem>>) src(%dma_wait3A_124 : memref<128xf32, #tpu.memory_space<vmem>>) dst(%dma_wait3A_129 : memref<10240xf32, #tpu.memory_space<vmem_shared>>)
      tpu.yield
    }) : () -> ()
    %run_scoped3A_65 = arith.constant 41 : i32
    "tpu.region"() ({
      %run_scoped3A_117 = tpu.sem_alloc : memref<!tpu.dma_semaphore, #tpu.memory_space<semaphore_mem>>
      %dma_start3A = arith.constant 5248 : i32
      %dma_start3A_118 = tpu.memref_slice %arg4[%dma_start3A] : memref<10240xf32, #tpu.memory_space<vmem>> -> memref<128xf32, #tpu.memory_space<vmem>>
      %dma_start3A_119 = arith.constant 0 : i32
      %dma_start3A_120 = tpu.memref_slice %arg6[%run_scoped3A_65, %dma_start3A_119] : memref<80x128xi32, #tpu.memory_space<vmem>> -> memref<1x128xi32, #tpu.memory_space<vmem>>
      %dma_start3A_121 = tpu.memref_squeeze %dma_start3A_120 : memref<1x128xi32, #tpu.memory_space<vmem>> -> memref<128xi32, #tpu.memory_space<vmem>>
      %dma_start3A_122 = arith.constant 0 : i32
      %dma_start3A_123 = tpu.memref_slice %arg8[%dma_start3A_122] : memref<10240xf32, #tpu.memory_space<vmem_shared>> -> memref<10240xf32, #tpu.memory_space<vmem_shared>>
      tpu.enqueue_indirect_dma source(%dma_start3A_118 : memref<128xf32, #tpu.memory_space<vmem>>) target(%dma_start3A_123 : memref<10240xf32, #tpu.memory_space<vmem_shared>>) offsets(%dma_start3A_121 : memref<128xi32, #tpu.memory_space<vmem>>) semaphore(%run_scoped3A_117 : memref<!tpu.dma_semaphore, #tpu.memory_space<semaphore_mem>>) {add = true}
      %dma_wait3A = arith.constant 5248 : i32
      %dma_wait3A_124 = tpu.memref_slice %arg4[%dma_wait3A] : memref<10240xf32, #tpu.memory_space<vmem>> -> memref<128xf32, #tpu.memory_space<vmem>>
      %dma_wait3A_125 = arith.constant 0 : i32
      %dma_wait3A_126 = tpu.memref_slice %arg6[%run_scoped3A_65, %dma_wait3A_125] : memref<80x128xi32, #tpu.memory_space<vmem>> -> memref<1x128xi32, #tpu.memory_space<vmem>>
      %dma_wait3A_127 = tpu.memref_squeeze %dma_wait3A_126 : memref<1x128xi32, #tpu.memory_space<vmem>> -> memref<128xi32, #tpu.memory_space<vmem>>
      %dma_wait3A_128 = arith.constant 0 : i32
      %dma_wait3A_129 = tpu.memref_slice %arg8[%dma_wait3A_128] : memref<10240xf32, #tpu.memory_space<vmem_shared>> -> memref<10240xf32, #tpu.memory_space<vmem_shared>>
      tpu.wait_indirect_dma semaphore(%run_scoped3A_117 : memref<!tpu.dma_semaphore, #tpu.memory_space<semaphore_mem>>) src(%dma_wait3A_124 : memref<128xf32, #tpu.memory_space<vmem>>) dst(%dma_wait3A_129 : memref<10240xf32, #tpu.memory_space<vmem_shared>>)
      tpu.yield
    }) : () -> ()
    %run_scoped3A_66 = arith.constant 42 : i32
    "tpu.region"() ({
      %run_scoped3A_117 = tpu.sem_alloc : memref<!tpu.dma_semaphore, #tpu.memory_space<semaphore_mem>>
      %dma_start3A = arith.constant 5376 : i32
      %dma_start3A_118 = tpu.memref_slice %arg4[%dma_start3A] : memref<10240xf32, #tpu.memory_space<vmem>> -> memref<128xf32, #tpu.memory_space<vmem>>
      %dma_start3A_119 = arith.constant 0 : i32
      %dma_start3A_120 = tpu.memref_slice %arg6[%run_scoped3A_66, %dma_start3A_119] : memref<80x128xi32, #tpu.memory_space<vmem>> -> memref<1x128xi32, #tpu.memory_space<vmem>>
      %dma_start3A_121 = tpu.memref_squeeze %dma_start3A_120 : memref<1x128xi32, #tpu.memory_space<vmem>> -> memref<128xi32, #tpu.memory_space<vmem>>
      %dma_start3A_122 = arith.constant 0 : i32
      %dma_start3A_123 = tpu.memref_slice %arg8[%dma_start3A_122] : memref<10240xf32, #tpu.memory_space<vmem_shared>> -> memref<10240xf32, #tpu.memory_space<vmem_shared>>
      tpu.enqueue_indirect_dma source(%dma_start3A_118 : memref<128xf32, #tpu.memory_space<vmem>>) target(%dma_start3A_123 : memref<10240xf32, #tpu.memory_space<vmem_shared>>) offsets(%dma_start3A_121 : memref<128xi32, #tpu.memory_space<vmem>>) semaphore(%run_scoped3A_117 : memref<!tpu.dma_semaphore, #tpu.memory_space<semaphore_mem>>) {add = true}
      %dma_wait3A = arith.constant 5376 : i32
      %dma_wait3A_124 = tpu.memref_slice %arg4[%dma_wait3A] : memref<10240xf32, #tpu.memory_space<vmem>> -> memref<128xf32, #tpu.memory_space<vmem>>
      %dma_wait3A_125 = arith.constant 0 : i32
      %dma_wait3A_126 = tpu.memref_slice %arg6[%run_scoped3A_66, %dma_wait3A_125] : memref<80x128xi32, #tpu.memory_space<vmem>> -> memref<1x128xi32, #tpu.memory_space<vmem>>
      %dma_wait3A_127 = tpu.memref_squeeze %dma_wait3A_126 : memref<1x128xi32, #tpu.memory_space<vmem>> -> memref<128xi32, #tpu.memory_space<vmem>>
      %dma_wait3A_128 = arith.constant 0 : i32
      %dma_wait3A_129 = tpu.memref_slice %arg8[%dma_wait3A_128] : memref<10240xf32, #tpu.memory_space<vmem_shared>> -> memref<10240xf32, #tpu.memory_space<vmem_shared>>
      tpu.wait_indirect_dma semaphore(%run_scoped3A_117 : memref<!tpu.dma_semaphore, #tpu.memory_space<semaphore_mem>>) src(%dma_wait3A_124 : memref<128xf32, #tpu.memory_space<vmem>>) dst(%dma_wait3A_129 : memref<10240xf32, #tpu.memory_space<vmem_shared>>)
      tpu.yield
    }) : () -> ()
    %run_scoped3A_67 = arith.constant 43 : i32
    "tpu.region"() ({
      %run_scoped3A_117 = tpu.sem_alloc : memref<!tpu.dma_semaphore, #tpu.memory_space<semaphore_mem>>
      %dma_start3A = arith.constant 5504 : i32
      %dma_start3A_118 = tpu.memref_slice %arg4[%dma_start3A] : memref<10240xf32, #tpu.memory_space<vmem>> -> memref<128xf32, #tpu.memory_space<vmem>>
      %dma_start3A_119 = arith.constant 0 : i32
      %dma_start3A_120 = tpu.memref_slice %arg6[%run_scoped3A_67, %dma_start3A_119] : memref<80x128xi32, #tpu.memory_space<vmem>> -> memref<1x128xi32, #tpu.memory_space<vmem>>
      %dma_start3A_121 = tpu.memref_squeeze %dma_start3A_120 : memref<1x128xi32, #tpu.memory_space<vmem>> -> memref<128xi32, #tpu.memory_space<vmem>>
      %dma_start3A_122 = arith.constant 0 : i32
      %dma_start3A_123 = tpu.memref_slice %arg8[%dma_start3A_122] : memref<10240xf32, #tpu.memory_space<vmem_shared>> -> memref<10240xf32, #tpu.memory_space<vmem_shared>>
      tpu.enqueue_indirect_dma source(%dma_start3A_118 : memref<128xf32, #tpu.memory_space<vmem>>) target(%dma_start3A_123 : memref<10240xf32, #tpu.memory_space<vmem_shared>>) offsets(%dma_start3A_121 : memref<128xi32, #tpu.memory_space<vmem>>) semaphore(%run_scoped3A_117 : memref<!tpu.dma_semaphore, #tpu.memory_space<semaphore_mem>>) {add = true}
      %dma_wait3A = arith.constant 5504 : i32
      %dma_wait3A_124 = tpu.memref_slice %arg4[%dma_wait3A] : memref<10240xf32, #tpu.memory_space<vmem>> -> memref<128xf32, #tpu.memory_space<vmem>>
      %dma_wait3A_125 = arith.constant 0 : i32
      %dma_wait3A_126 = tpu.memref_slice %arg6[%run_scoped3A_67, %dma_wait3A_125] : memref<80x128xi32, #tpu.memory_space<vmem>> -> memref<1x128xi32, #tpu.memory_space<vmem>>
      %dma_wait3A_127 = tpu.memref_squeeze %dma_wait3A_126 : memref<1x128xi32, #tpu.memory_space<vmem>> -> memref<128xi32, #tpu.memory_space<vmem>>
      %dma_wait3A_128 = arith.constant 0 : i32
      %dma_wait3A_129 = tpu.memref_slice %arg8[%dma_wait3A_128] : memref<10240xf32, #tpu.memory_space<vmem_shared>> -> memref<10240xf32, #tpu.memory_space<vmem_shared>>
      tpu.wait_indirect_dma semaphore(%run_scoped3A_117 : memref<!tpu.dma_semaphore, #tpu.memory_space<semaphore_mem>>) src(%dma_wait3A_124 : memref<128xf32, #tpu.memory_space<vmem>>) dst(%dma_wait3A_129 : memref<10240xf32, #tpu.memory_space<vmem_shared>>)
      tpu.yield
    }) : () -> ()
    %run_scoped3A_68 = arith.constant 44 : i32
    "tpu.region"() ({
      %run_scoped3A_117 = tpu.sem_alloc : memref<!tpu.dma_semaphore, #tpu.memory_space<semaphore_mem>>
      %dma_start3A = arith.constant 5632 : i32
      %dma_start3A_118 = tpu.memref_slice %arg4[%dma_start3A] : memref<10240xf32, #tpu.memory_space<vmem>> -> memref<128xf32, #tpu.memory_space<vmem>>
      %dma_start3A_119 = arith.constant 0 : i32
      %dma_start3A_120 = tpu.memref_slice %arg6[%run_scoped3A_68, %dma_start3A_119] : memref<80x128xi32, #tpu.memory_space<vmem>> -> memref<1x128xi32, #tpu.memory_space<vmem>>
      %dma_start3A_121 = tpu.memref_squeeze %dma_start3A_120 : memref<1x128xi32, #tpu.memory_space<vmem>> -> memref<128xi32, #tpu.memory_space<vmem>>
      %dma_start3A_122 = arith.constant 0 : i32
      %dma_start3A_123 = tpu.memref_slice %arg8[%dma_start3A_122] : memref<10240xf32, #tpu.memory_space<vmem_shared>> -> memref<10240xf32, #tpu.memory_space<vmem_shared>>
      tpu.enqueue_indirect_dma source(%dma_start3A_118 : memref<128xf32, #tpu.memory_space<vmem>>) target(%dma_start3A_123 : memref<10240xf32, #tpu.memory_space<vmem_shared>>) offsets(%dma_start3A_121 : memref<128xi32, #tpu.memory_space<vmem>>) semaphore(%run_scoped3A_117 : memref<!tpu.dma_semaphore, #tpu.memory_space<semaphore_mem>>) {add = true}
      %dma_wait3A = arith.constant 5632 : i32
      %dma_wait3A_124 = tpu.memref_slice %arg4[%dma_wait3A] : memref<10240xf32, #tpu.memory_space<vmem>> -> memref<128xf32, #tpu.memory_space<vmem>>
      %dma_wait3A_125 = arith.constant 0 : i32
      %dma_wait3A_126 = tpu.memref_slice %arg6[%run_scoped3A_68, %dma_wait3A_125] : memref<80x128xi32, #tpu.memory_space<vmem>> -> memref<1x128xi32, #tpu.memory_space<vmem>>
      %dma_wait3A_127 = tpu.memref_squeeze %dma_wait3A_126 : memref<1x128xi32, #tpu.memory_space<vmem>> -> memref<128xi32, #tpu.memory_space<vmem>>
      %dma_wait3A_128 = arith.constant 0 : i32
      %dma_wait3A_129 = tpu.memref_slice %arg8[%dma_wait3A_128] : memref<10240xf32, #tpu.memory_space<vmem_shared>> -> memref<10240xf32, #tpu.memory_space<vmem_shared>>
      tpu.wait_indirect_dma semaphore(%run_scoped3A_117 : memref<!tpu.dma_semaphore, #tpu.memory_space<semaphore_mem>>) src(%dma_wait3A_124 : memref<128xf32, #tpu.memory_space<vmem>>) dst(%dma_wait3A_129 : memref<10240xf32, #tpu.memory_space<vmem_shared>>)
      tpu.yield
    }) : () -> ()
    %run_scoped3A_69 = arith.constant 45 : i32
    "tpu.region"() ({
      %run_scoped3A_117 = tpu.sem_alloc : memref<!tpu.dma_semaphore, #tpu.memory_space<semaphore_mem>>
      %dma_start3A = arith.constant 5760 : i32
      %dma_start3A_118 = tpu.memref_slice %arg4[%dma_start3A] : memref<10240xf32, #tpu.memory_space<vmem>> -> memref<128xf32, #tpu.memory_space<vmem>>
      %dma_start3A_119 = arith.constant 0 : i32
      %dma_start3A_120 = tpu.memref_slice %arg6[%run_scoped3A_69, %dma_start3A_119] : memref<80x128xi32, #tpu.memory_space<vmem>> -> memref<1x128xi32, #tpu.memory_space<vmem>>
      %dma_start3A_121 = tpu.memref_squeeze %dma_start3A_120 : memref<1x128xi32, #tpu.memory_space<vmem>> -> memref<128xi32, #tpu.memory_space<vmem>>
      %dma_start3A_122 = arith.constant 0 : i32
      %dma_start3A_123 = tpu.memref_slice %arg8[%dma_start3A_122] : memref<10240xf32, #tpu.memory_space<vmem_shared>> -> memref<10240xf32, #tpu.memory_space<vmem_shared>>
      tpu.enqueue_indirect_dma source(%dma_start3A_118 : memref<128xf32, #tpu.memory_space<vmem>>) target(%dma_start3A_123 : memref<10240xf32, #tpu.memory_space<vmem_shared>>) offsets(%dma_start3A_121 : memref<128xi32, #tpu.memory_space<vmem>>) semaphore(%run_scoped3A_117 : memref<!tpu.dma_semaphore, #tpu.memory_space<semaphore_mem>>) {add = true}
      %dma_wait3A = arith.constant 5760 : i32
      %dma_wait3A_124 = tpu.memref_slice %arg4[%dma_wait3A] : memref<10240xf32, #tpu.memory_space<vmem>> -> memref<128xf32, #tpu.memory_space<vmem>>
      %dma_wait3A_125 = arith.constant 0 : i32
      %dma_wait3A_126 = tpu.memref_slice %arg6[%run_scoped3A_69, %dma_wait3A_125] : memref<80x128xi32, #tpu.memory_space<vmem>> -> memref<1x128xi32, #tpu.memory_space<vmem>>
      %dma_wait3A_127 = tpu.memref_squeeze %dma_wait3A_126 : memref<1x128xi32, #tpu.memory_space<vmem>> -> memref<128xi32, #tpu.memory_space<vmem>>
      %dma_wait3A_128 = arith.constant 0 : i32
      %dma_wait3A_129 = tpu.memref_slice %arg8[%dma_wait3A_128] : memref<10240xf32, #tpu.memory_space<vmem_shared>> -> memref<10240xf32, #tpu.memory_space<vmem_shared>>
      tpu.wait_indirect_dma semaphore(%run_scoped3A_117 : memref<!tpu.dma_semaphore, #tpu.memory_space<semaphore_mem>>) src(%dma_wait3A_124 : memref<128xf32, #tpu.memory_space<vmem>>) dst(%dma_wait3A_129 : memref<10240xf32, #tpu.memory_space<vmem_shared>>)
      tpu.yield
    }) : () -> ()
    %run_scoped3A_70 = arith.constant 46 : i32
    "tpu.region"() ({
      %run_scoped3A_117 = tpu.sem_alloc : memref<!tpu.dma_semaphore, #tpu.memory_space<semaphore_mem>>
      %dma_start3A = arith.constant 5888 : i32
      %dma_start3A_118 = tpu.memref_slice %arg4[%dma_start3A] : memref<10240xf32, #tpu.memory_space<vmem>> -> memref<128xf32, #tpu.memory_space<vmem>>
      %dma_start3A_119 = arith.constant 0 : i32
      %dma_start3A_120 = tpu.memref_slice %arg6[%run_scoped3A_70, %dma_start3A_119] : memref<80x128xi32, #tpu.memory_space<vmem>> -> memref<1x128xi32, #tpu.memory_space<vmem>>
      %dma_start3A_121 = tpu.memref_squeeze %dma_start3A_120 : memref<1x128xi32, #tpu.memory_space<vmem>> -> memref<128xi32, #tpu.memory_space<vmem>>
      %dma_start3A_122 = arith.constant 0 : i32
      %dma_start3A_123 = tpu.memref_slice %arg8[%dma_start3A_122] : memref<10240xf32, #tpu.memory_space<vmem_shared>> -> memref<10240xf32, #tpu.memory_space<vmem_shared>>
      tpu.enqueue_indirect_dma source(%dma_start3A_118 : memref<128xf32, #tpu.memory_space<vmem>>) target(%dma_start3A_123 : memref<10240xf32, #tpu.memory_space<vmem_shared>>) offsets(%dma_start3A_121 : memref<128xi32, #tpu.memory_space<vmem>>) semaphore(%run_scoped3A_117 : memref<!tpu.dma_semaphore, #tpu.memory_space<semaphore_mem>>) {add = true}
      %dma_wait3A = arith.constant 5888 : i32
      %dma_wait3A_124 = tpu.memref_slice %arg4[%dma_wait3A] : memref<10240xf32, #tpu.memory_space<vmem>> -> memref<128xf32, #tpu.memory_space<vmem>>
      %dma_wait3A_125 = arith.constant 0 : i32
      %dma_wait3A_126 = tpu.memref_slice %arg6[%run_scoped3A_70, %dma_wait3A_125] : memref<80x128xi32, #tpu.memory_space<vmem>> -> memref<1x128xi32, #tpu.memory_space<vmem>>
      %dma_wait3A_127 = tpu.memref_squeeze %dma_wait3A_126 : memref<1x128xi32, #tpu.memory_space<vmem>> -> memref<128xi32, #tpu.memory_space<vmem>>
      %dma_wait3A_128 = arith.constant 0 : i32
      %dma_wait3A_129 = tpu.memref_slice %arg8[%dma_wait3A_128] : memref<10240xf32, #tpu.memory_space<vmem_shared>> -> memref<10240xf32, #tpu.memory_space<vmem_shared>>
      tpu.wait_indirect_dma semaphore(%run_scoped3A_117 : memref<!tpu.dma_semaphore, #tpu.memory_space<semaphore_mem>>) src(%dma_wait3A_124 : memref<128xf32, #tpu.memory_space<vmem>>) dst(%dma_wait3A_129 : memref<10240xf32, #tpu.memory_space<vmem_shared>>)
      tpu.yield
    }) : () -> ()
    %run_scoped3A_71 = arith.constant 47 : i32
    "tpu.region"() ({
      %run_scoped3A_117 = tpu.sem_alloc : memref<!tpu.dma_semaphore, #tpu.memory_space<semaphore_mem>>
      %dma_start3A = arith.constant 6016 : i32
      %dma_start3A_118 = tpu.memref_slice %arg4[%dma_start3A] : memref<10240xf32, #tpu.memory_space<vmem>> -> memref<128xf32, #tpu.memory_space<vmem>>
      %dma_start3A_119 = arith.constant 0 : i32
      %dma_start3A_120 = tpu.memref_slice %arg6[%run_scoped3A_71, %dma_start3A_119] : memref<80x128xi32, #tpu.memory_space<vmem>> -> memref<1x128xi32, #tpu.memory_space<vmem>>
      %dma_start3A_121 = tpu.memref_squeeze %dma_start3A_120 : memref<1x128xi32, #tpu.memory_space<vmem>> -> memref<128xi32, #tpu.memory_space<vmem>>
      %dma_start3A_122 = arith.constant 0 : i32
      %dma_start3A_123 = tpu.memref_slice %arg8[%dma_start3A_122] : memref<10240xf32, #tpu.memory_space<vmem_shared>> -> memref<10240xf32, #tpu.memory_space<vmem_shared>>
      tpu.enqueue_indirect_dma source(%dma_start3A_118 : memref<128xf32, #tpu.memory_space<vmem>>) target(%dma_start3A_123 : memref<10240xf32, #tpu.memory_space<vmem_shared>>) offsets(%dma_start3A_121 : memref<128xi32, #tpu.memory_space<vmem>>) semaphore(%run_scoped3A_117 : memref<!tpu.dma_semaphore, #tpu.memory_space<semaphore_mem>>) {add = true}
      %dma_wait3A = arith.constant 6016 : i32
      %dma_wait3A_124 = tpu.memref_slice %arg4[%dma_wait3A] : memref<10240xf32, #tpu.memory_space<vmem>> -> memref<128xf32, #tpu.memory_space<vmem>>
      %dma_wait3A_125 = arith.constant 0 : i32
      %dma_wait3A_126 = tpu.memref_slice %arg6[%run_scoped3A_71, %dma_wait3A_125] : memref<80x128xi32, #tpu.memory_space<vmem>> -> memref<1x128xi32, #tpu.memory_space<vmem>>
      %dma_wait3A_127 = tpu.memref_squeeze %dma_wait3A_126 : memref<1x128xi32, #tpu.memory_space<vmem>> -> memref<128xi32, #tpu.memory_space<vmem>>
      %dma_wait3A_128 = arith.constant 0 : i32
      %dma_wait3A_129 = tpu.memref_slice %arg8[%dma_wait3A_128] : memref<10240xf32, #tpu.memory_space<vmem_shared>> -> memref<10240xf32, #tpu.memory_space<vmem_shared>>
      tpu.wait_indirect_dma semaphore(%run_scoped3A_117 : memref<!tpu.dma_semaphore, #tpu.memory_space<semaphore_mem>>) src(%dma_wait3A_124 : memref<128xf32, #tpu.memory_space<vmem>>) dst(%dma_wait3A_129 : memref<10240xf32, #tpu.memory_space<vmem_shared>>)
      tpu.yield
    }) : () -> ()
    %run_scoped3A_72 = arith.constant 48 : i32
    "tpu.region"() ({
      %run_scoped3A_117 = tpu.sem_alloc : memref<!tpu.dma_semaphore, #tpu.memory_space<semaphore_mem>>
      %dma_start3A = arith.constant 6144 : i32
      %dma_start3A_118 = tpu.memref_slice %arg4[%dma_start3A] : memref<10240xf32, #tpu.memory_space<vmem>> -> memref<128xf32, #tpu.memory_space<vmem>>
      %dma_start3A_119 = arith.constant 0 : i32
      %dma_start3A_120 = tpu.memref_slice %arg6[%run_scoped3A_72, %dma_start3A_119] : memref<80x128xi32, #tpu.memory_space<vmem>> -> memref<1x128xi32, #tpu.memory_space<vmem>>
      %dma_start3A_121 = tpu.memref_squeeze %dma_start3A_120 : memref<1x128xi32, #tpu.memory_space<vmem>> -> memref<128xi32, #tpu.memory_space<vmem>>
      %dma_start3A_122 = arith.constant 0 : i32
      %dma_start3A_123 = tpu.memref_slice %arg8[%dma_start3A_122] : memref<10240xf32, #tpu.memory_space<vmem_shared>> -> memref<10240xf32, #tpu.memory_space<vmem_shared>>
      tpu.enqueue_indirect_dma source(%dma_start3A_118 : memref<128xf32, #tpu.memory_space<vmem>>) target(%dma_start3A_123 : memref<10240xf32, #tpu.memory_space<vmem_shared>>) offsets(%dma_start3A_121 : memref<128xi32, #tpu.memory_space<vmem>>) semaphore(%run_scoped3A_117 : memref<!tpu.dma_semaphore, #tpu.memory_space<semaphore_mem>>) {add = true}
      %dma_wait3A = arith.constant 6144 : i32
      %dma_wait3A_124 = tpu.memref_slice %arg4[%dma_wait3A] : memref<10240xf32, #tpu.memory_space<vmem>> -> memref<128xf32, #tpu.memory_space<vmem>>
      %dma_wait3A_125 = arith.constant 0 : i32
      %dma_wait3A_126 = tpu.memref_slice %arg6[%run_scoped3A_72, %dma_wait3A_125] : memref<80x128xi32, #tpu.memory_space<vmem>> -> memref<1x128xi32, #tpu.memory_space<vmem>>
      %dma_wait3A_127 = tpu.memref_squeeze %dma_wait3A_126 : memref<1x128xi32, #tpu.memory_space<vmem>> -> memref<128xi32, #tpu.memory_space<vmem>>
      %dma_wait3A_128 = arith.constant 0 : i32
      %dma_wait3A_129 = tpu.memref_slice %arg8[%dma_wait3A_128] : memref<10240xf32, #tpu.memory_space<vmem_shared>> -> memref<10240xf32, #tpu.memory_space<vmem_shared>>
      tpu.wait_indirect_dma semaphore(%run_scoped3A_117 : memref<!tpu.dma_semaphore, #tpu.memory_space<semaphore_mem>>) src(%dma_wait3A_124 : memref<128xf32, #tpu.memory_space<vmem>>) dst(%dma_wait3A_129 : memref<10240xf32, #tpu.memory_space<vmem_shared>>)
      tpu.yield
    }) : () -> ()
    %run_scoped3A_73 = arith.constant 49 : i32
    "tpu.region"() ({
      %run_scoped3A_117 = tpu.sem_alloc : memref<!tpu.dma_semaphore, #tpu.memory_space<semaphore_mem>>
      %dma_start3A = arith.constant 6272 : i32
      %dma_start3A_118 = tpu.memref_slice %arg4[%dma_start3A] : memref<10240xf32, #tpu.memory_space<vmem>> -> memref<128xf32, #tpu.memory_space<vmem>>
      %dma_start3A_119 = arith.constant 0 : i32
      %dma_start3A_120 = tpu.memref_slice %arg6[%run_scoped3A_73, %dma_start3A_119] : memref<80x128xi32, #tpu.memory_space<vmem>> -> memref<1x128xi32, #tpu.memory_space<vmem>>
      %dma_start3A_121 = tpu.memref_squeeze %dma_start3A_120 : memref<1x128xi32, #tpu.memory_space<vmem>> -> memref<128xi32, #tpu.memory_space<vmem>>
      %dma_start3A_122 = arith.constant 0 : i32
      %dma_start3A_123 = tpu.memref_slice %arg8[%dma_start3A_122] : memref<10240xf32, #tpu.memory_space<vmem_shared>> -> memref<10240xf32, #tpu.memory_space<vmem_shared>>
      tpu.enqueue_indirect_dma source(%dma_start3A_118 : memref<128xf32, #tpu.memory_space<vmem>>) target(%dma_start3A_123 : memref<10240xf32, #tpu.memory_space<vmem_shared>>) offsets(%dma_start3A_121 : memref<128xi32, #tpu.memory_space<vmem>>) semaphore(%run_scoped3A_117 : memref<!tpu.dma_semaphore, #tpu.memory_space<semaphore_mem>>) {add = true}
      %dma_wait3A = arith.constant 6272 : i32
      %dma_wait3A_124 = tpu.memref_slice %arg4[%dma_wait3A] : memref<10240xf32, #tpu.memory_space<vmem>> -> memref<128xf32, #tpu.memory_space<vmem>>
      %dma_wait3A_125 = arith.constant 0 : i32
      %dma_wait3A_126 = tpu.memref_slice %arg6[%run_scoped3A_73, %dma_wait3A_125] : memref<80x128xi32, #tpu.memory_space<vmem>> -> memref<1x128xi32, #tpu.memory_space<vmem>>
      %dma_wait3A_127 = tpu.memref_squeeze %dma_wait3A_126 : memref<1x128xi32, #tpu.memory_space<vmem>> -> memref<128xi32, #tpu.memory_space<vmem>>
      %dma_wait3A_128 = arith.constant 0 : i32
      %dma_wait3A_129 = tpu.memref_slice %arg8[%dma_wait3A_128] : memref<10240xf32, #tpu.memory_space<vmem_shared>> -> memref<10240xf32, #tpu.memory_space<vmem_shared>>
      tpu.wait_indirect_dma semaphore(%run_scoped3A_117 : memref<!tpu.dma_semaphore, #tpu.memory_space<semaphore_mem>>) src(%dma_wait3A_124 : memref<128xf32, #tpu.memory_space<vmem>>) dst(%dma_wait3A_129 : memref<10240xf32, #tpu.memory_space<vmem_shared>>)
      tpu.yield
    }) : () -> ()
    %run_scoped3A_74 = arith.constant 50 : i32
    "tpu.region"() ({
      %run_scoped3A_117 = tpu.sem_alloc : memref<!tpu.dma_semaphore, #tpu.memory_space<semaphore_mem>>
      %dma_start3A = arith.constant 6400 : i32
      %dma_start3A_118 = tpu.memref_slice %arg4[%dma_start3A] : memref<10240xf32, #tpu.memory_space<vmem>> -> memref<128xf32, #tpu.memory_space<vmem>>
      %dma_start3A_119 = arith.constant 0 : i32
      %dma_start3A_120 = tpu.memref_slice %arg6[%run_scoped3A_74, %dma_start3A_119] : memref<80x128xi32, #tpu.memory_space<vmem>> -> memref<1x128xi32, #tpu.memory_space<vmem>>
      %dma_start3A_121 = tpu.memref_squeeze %dma_start3A_120 : memref<1x128xi32, #tpu.memory_space<vmem>> -> memref<128xi32, #tpu.memory_space<vmem>>
      %dma_start3A_122 = arith.constant 0 : i32
      %dma_start3A_123 = tpu.memref_slice %arg8[%dma_start3A_122] : memref<10240xf32, #tpu.memory_space<vmem_shared>> -> memref<10240xf32, #tpu.memory_space<vmem_shared>>
      tpu.enqueue_indirect_dma source(%dma_start3A_118 : memref<128xf32, #tpu.memory_space<vmem>>) target(%dma_start3A_123 : memref<10240xf32, #tpu.memory_space<vmem_shared>>) offsets(%dma_start3A_121 : memref<128xi32, #tpu.memory_space<vmem>>) semaphore(%run_scoped3A_117 : memref<!tpu.dma_semaphore, #tpu.memory_space<semaphore_mem>>) {add = true}
      %dma_wait3A = arith.constant 6400 : i32
      %dma_wait3A_124 = tpu.memref_slice %arg4[%dma_wait3A] : memref<10240xf32, #tpu.memory_space<vmem>> -> memref<128xf32, #tpu.memory_space<vmem>>
      %dma_wait3A_125 = arith.constant 0 : i32
      %dma_wait3A_126 = tpu.memref_slice %arg6[%run_scoped3A_74, %dma_wait3A_125] : memref<80x128xi32, #tpu.memory_space<vmem>> -> memref<1x128xi32, #tpu.memory_space<vmem>>
      %dma_wait3A_127 = tpu.memref_squeeze %dma_wait3A_126 : memref<1x128xi32, #tpu.memory_space<vmem>> -> memref<128xi32, #tpu.memory_space<vmem>>
      %dma_wait3A_128 = arith.constant 0 : i32
      %dma_wait3A_129 = tpu.memref_slice %arg8[%dma_wait3A_128] : memref<10240xf32, #tpu.memory_space<vmem_shared>> -> memref<10240xf32, #tpu.memory_space<vmem_shared>>
      tpu.wait_indirect_dma semaphore(%run_scoped3A_117 : memref<!tpu.dma_semaphore, #tpu.memory_space<semaphore_mem>>) src(%dma_wait3A_124 : memref<128xf32, #tpu.memory_space<vmem>>) dst(%dma_wait3A_129 : memref<10240xf32, #tpu.memory_space<vmem_shared>>)
      tpu.yield
    }) : () -> ()
    %run_scoped3A_75 = arith.constant 51 : i32
    "tpu.region"() ({
      %run_scoped3A_117 = tpu.sem_alloc : memref<!tpu.dma_semaphore, #tpu.memory_space<semaphore_mem>>
      %dma_start3A = arith.constant 6528 : i32
      %dma_start3A_118 = tpu.memref_slice %arg4[%dma_start3A] : memref<10240xf32, #tpu.memory_space<vmem>> -> memref<128xf32, #tpu.memory_space<vmem>>
      %dma_start3A_119 = arith.constant 0 : i32
      %dma_start3A_120 = tpu.memref_slice %arg6[%run_scoped3A_75, %dma_start3A_119] : memref<80x128xi32, #tpu.memory_space<vmem>> -> memref<1x128xi32, #tpu.memory_space<vmem>>
      %dma_start3A_121 = tpu.memref_squeeze %dma_start3A_120 : memref<1x128xi32, #tpu.memory_space<vmem>> -> memref<128xi32, #tpu.memory_space<vmem>>
      %dma_start3A_122 = arith.constant 0 : i32
      %dma_start3A_123 = tpu.memref_slice %arg8[%dma_start3A_122] : memref<10240xf32, #tpu.memory_space<vmem_shared>> -> memref<10240xf32, #tpu.memory_space<vmem_shared>>
      tpu.enqueue_indirect_dma source(%dma_start3A_118 : memref<128xf32, #tpu.memory_space<vmem>>) target(%dma_start3A_123 : memref<10240xf32, #tpu.memory_space<vmem_shared>>) offsets(%dma_start3A_121 : memref<128xi32, #tpu.memory_space<vmem>>) semaphore(%run_scoped3A_117 : memref<!tpu.dma_semaphore, #tpu.memory_space<semaphore_mem>>) {add = true}
      %dma_wait3A = arith.constant 6528 : i32
      %dma_wait3A_124 = tpu.memref_slice %arg4[%dma_wait3A] : memref<10240xf32, #tpu.memory_space<vmem>> -> memref<128xf32, #tpu.memory_space<vmem>>
      %dma_wait3A_125 = arith.constant 0 : i32
      %dma_wait3A_126 = tpu.memref_slice %arg6[%run_scoped3A_75, %dma_wait3A_125] : memref<80x128xi32, #tpu.memory_space<vmem>> -> memref<1x128xi32, #tpu.memory_space<vmem>>
      %dma_wait3A_127 = tpu.memref_squeeze %dma_wait3A_126 : memref<1x128xi32, #tpu.memory_space<vmem>> -> memref<128xi32, #tpu.memory_space<vmem>>
      %dma_wait3A_128 = arith.constant 0 : i32
      %dma_wait3A_129 = tpu.memref_slice %arg8[%dma_wait3A_128] : memref<10240xf32, #tpu.memory_space<vmem_shared>> -> memref<10240xf32, #tpu.memory_space<vmem_shared>>
      tpu.wait_indirect_dma semaphore(%run_scoped3A_117 : memref<!tpu.dma_semaphore, #tpu.memory_space<semaphore_mem>>) src(%dma_wait3A_124 : memref<128xf32, #tpu.memory_space<vmem>>) dst(%dma_wait3A_129 : memref<10240xf32, #tpu.memory_space<vmem_shared>>)
      tpu.yield
    }) : () -> ()
    %run_scoped3A_76 = arith.constant 52 : i32
    "tpu.region"() ({
      %run_scoped3A_117 = tpu.sem_alloc : memref<!tpu.dma_semaphore, #tpu.memory_space<semaphore_mem>>
      %dma_start3A = arith.constant 6656 : i32
      %dma_start3A_118 = tpu.memref_slice %arg4[%dma_start3A] : memref<10240xf32, #tpu.memory_space<vmem>> -> memref<128xf32, #tpu.memory_space<vmem>>
      %dma_start3A_119 = arith.constant 0 : i32
      %dma_start3A_120 = tpu.memref_slice %arg6[%run_scoped3A_76, %dma_start3A_119] : memref<80x128xi32, #tpu.memory_space<vmem>> -> memref<1x128xi32, #tpu.memory_space<vmem>>
      %dma_start3A_121 = tpu.memref_squeeze %dma_start3A_120 : memref<1x128xi32, #tpu.memory_space<vmem>> -> memref<128xi32, #tpu.memory_space<vmem>>
      %dma_start3A_122 = arith.constant 0 : i32
      %dma_start3A_123 = tpu.memref_slice %arg8[%dma_start3A_122] : memref<10240xf32, #tpu.memory_space<vmem_shared>> -> memref<10240xf32, #tpu.memory_space<vmem_shared>>
      tpu.enqueue_indirect_dma source(%dma_start3A_118 : memref<128xf32, #tpu.memory_space<vmem>>) target(%dma_start3A_123 : memref<10240xf32, #tpu.memory_space<vmem_shared>>) offsets(%dma_start3A_121 : memref<128xi32, #tpu.memory_space<vmem>>) semaphore(%run_scoped3A_117 : memref<!tpu.dma_semaphore, #tpu.memory_space<semaphore_mem>>) {add = true}
      %dma_wait3A = arith.constant 6656 : i32
      %dma_wait3A_124 = tpu.memref_slice %arg4[%dma_wait3A] : memref<10240xf32, #tpu.memory_space<vmem>> -> memref<128xf32, #tpu.memory_space<vmem>>
      %dma_wait3A_125 = arith.constant 0 : i32
      %dma_wait3A_126 = tpu.memref_slice %arg6[%run_scoped3A_76, %dma_wait3A_125] : memref<80x128xi32, #tpu.memory_space<vmem>> -> memref<1x128xi32, #tpu.memory_space<vmem>>
      %dma_wait3A_127 = tpu.memref_squeeze %dma_wait3A_126 : memref<1x128xi32, #tpu.memory_space<vmem>> -> memref<128xi32, #tpu.memory_space<vmem>>
      %dma_wait3A_128 = arith.constant 0 : i32
      %dma_wait3A_129 = tpu.memref_slice %arg8[%dma_wait3A_128] : memref<10240xf32, #tpu.memory_space<vmem_shared>> -> memref<10240xf32, #tpu.memory_space<vmem_shared>>
      tpu.wait_indirect_dma semaphore(%run_scoped3A_117 : memref<!tpu.dma_semaphore, #tpu.memory_space<semaphore_mem>>) src(%dma_wait3A_124 : memref<128xf32, #tpu.memory_space<vmem>>) dst(%dma_wait3A_129 : memref<10240xf32, #tpu.memory_space<vmem_shared>>)
      tpu.yield
    }) : () -> ()
    %run_scoped3A_77 = arith.constant 53 : i32
    "tpu.region"() ({
      %run_scoped3A_117 = tpu.sem_alloc : memref<!tpu.dma_semaphore, #tpu.memory_space<semaphore_mem>>
      %dma_start3A = arith.constant 6784 : i32
      %dma_start3A_118 = tpu.memref_slice %arg4[%dma_start3A] : memref<10240xf32, #tpu.memory_space<vmem>> -> memref<128xf32, #tpu.memory_space<vmem>>
      %dma_start3A_119 = arith.constant 0 : i32
      %dma_start3A_120 = tpu.memref_slice %arg6[%run_scoped3A_77, %dma_start3A_119] : memref<80x128xi32, #tpu.memory_space<vmem>> -> memref<1x128xi32, #tpu.memory_space<vmem>>
      %dma_start3A_121 = tpu.memref_squeeze %dma_start3A_120 : memref<1x128xi32, #tpu.memory_space<vmem>> -> memref<128xi32, #tpu.memory_space<vmem>>
      %dma_start3A_122 = arith.constant 0 : i32
      %dma_start3A_123 = tpu.memref_slice %arg8[%dma_start3A_122] : memref<10240xf32, #tpu.memory_space<vmem_shared>> -> memref<10240xf32, #tpu.memory_space<vmem_shared>>
      tpu.enqueue_indirect_dma source(%dma_start3A_118 : memref<128xf32, #tpu.memory_space<vmem>>) target(%dma_start3A_123 : memref<10240xf32, #tpu.memory_space<vmem_shared>>) offsets(%dma_start3A_121 : memref<128xi32, #tpu.memory_space<vmem>>) semaphore(%run_scoped3A_117 : memref<!tpu.dma_semaphore, #tpu.memory_space<semaphore_mem>>) {add = true}
      %dma_wait3A = arith.constant 6784 : i32
      %dma_wait3A_124 = tpu.memref_slice %arg4[%dma_wait3A] : memref<10240xf32, #tpu.memory_space<vmem>> -> memref<128xf32, #tpu.memory_space<vmem>>
      %dma_wait3A_125 = arith.constant 0 : i32
      %dma_wait3A_126 = tpu.memref_slice %arg6[%run_scoped3A_77, %dma_wait3A_125] : memref<80x128xi32, #tpu.memory_space<vmem>> -> memref<1x128xi32, #tpu.memory_space<vmem>>
      %dma_wait3A_127 = tpu.memref_squeeze %dma_wait3A_126 : memref<1x128xi32, #tpu.memory_space<vmem>> -> memref<128xi32, #tpu.memory_space<vmem>>
      %dma_wait3A_128 = arith.constant 0 : i32
      %dma_wait3A_129 = tpu.memref_slice %arg8[%dma_wait3A_128] : memref<10240xf32, #tpu.memory_space<vmem_shared>> -> memref<10240xf32, #tpu.memory_space<vmem_shared>>
      tpu.wait_indirect_dma semaphore(%run_scoped3A_117 : memref<!tpu.dma_semaphore, #tpu.memory_space<semaphore_mem>>) src(%dma_wait3A_124 : memref<128xf32, #tpu.memory_space<vmem>>) dst(%dma_wait3A_129 : memref<10240xf32, #tpu.memory_space<vmem_shared>>)
      tpu.yield
    }) : () -> ()
    %run_scoped3A_78 = arith.constant 54 : i32
    "tpu.region"() ({
      %run_scoped3A_117 = tpu.sem_alloc : memref<!tpu.dma_semaphore, #tpu.memory_space<semaphore_mem>>
      %dma_start3A = arith.constant 6912 : i32
      %dma_start3A_118 = tpu.memref_slice %arg4[%dma_start3A] : memref<10240xf32, #tpu.memory_space<vmem>> -> memref<128xf32, #tpu.memory_space<vmem>>
      %dma_start3A_119 = arith.constant 0 : i32
      %dma_start3A_120 = tpu.memref_slice %arg6[%run_scoped3A_78, %dma_start3A_119] : memref<80x128xi32, #tpu.memory_space<vmem>> -> memref<1x128xi32, #tpu.memory_space<vmem>>
      %dma_start3A_121 = tpu.memref_squeeze %dma_start3A_120 : memref<1x128xi32, #tpu.memory_space<vmem>> -> memref<128xi32, #tpu.memory_space<vmem>>
      %dma_start3A_122 = arith.constant 0 : i32
      %dma_start3A_123 = tpu.memref_slice %arg8[%dma_start3A_122] : memref<10240xf32, #tpu.memory_space<vmem_shared>> -> memref<10240xf32, #tpu.memory_space<vmem_shared>>
      tpu.enqueue_indirect_dma source(%dma_start3A_118 : memref<128xf32, #tpu.memory_space<vmem>>) target(%dma_start3A_123 : memref<10240xf32, #tpu.memory_space<vmem_shared>>) offsets(%dma_start3A_121 : memref<128xi32, #tpu.memory_space<vmem>>) semaphore(%run_scoped3A_117 : memref<!tpu.dma_semaphore, #tpu.memory_space<semaphore_mem>>) {add = true}
      %dma_wait3A = arith.constant 6912 : i32
      %dma_wait3A_124 = tpu.memref_slice %arg4[%dma_wait3A] : memref<10240xf32, #tpu.memory_space<vmem>> -> memref<128xf32, #tpu.memory_space<vmem>>
      %dma_wait3A_125 = arith.constant 0 : i32
      %dma_wait3A_126 = tpu.memref_slice %arg6[%run_scoped3A_78, %dma_wait3A_125] : memref<80x128xi32, #tpu.memory_space<vmem>> -> memref<1x128xi32, #tpu.memory_space<vmem>>
      %dma_wait3A_127 = tpu.memref_squeeze %dma_wait3A_126 : memref<1x128xi32, #tpu.memory_space<vmem>> -> memref<128xi32, #tpu.memory_space<vmem>>
      %dma_wait3A_128 = arith.constant 0 : i32
      %dma_wait3A_129 = tpu.memref_slice %arg8[%dma_wait3A_128] : memref<10240xf32, #tpu.memory_space<vmem_shared>> -> memref<10240xf32, #tpu.memory_space<vmem_shared>>
      tpu.wait_indirect_dma semaphore(%run_scoped3A_117 : memref<!tpu.dma_semaphore, #tpu.memory_space<semaphore_mem>>) src(%dma_wait3A_124 : memref<128xf32, #tpu.memory_space<vmem>>) dst(%dma_wait3A_129 : memref<10240xf32, #tpu.memory_space<vmem_shared>>)
      tpu.yield
    }) : () -> ()
    %run_scoped3A_79 = arith.constant 55 : i32
    "tpu.region"() ({
      %run_scoped3A_117 = tpu.sem_alloc : memref<!tpu.dma_semaphore, #tpu.memory_space<semaphore_mem>>
      %dma_start3A = arith.constant 7040 : i32
      %dma_start3A_118 = tpu.memref_slice %arg4[%dma_start3A] : memref<10240xf32, #tpu.memory_space<vmem>> -> memref<128xf32, #tpu.memory_space<vmem>>
      %dma_start3A_119 = arith.constant 0 : i32
      %dma_start3A_120 = tpu.memref_slice %arg6[%run_scoped3A_79, %dma_start3A_119] : memref<80x128xi32, #tpu.memory_space<vmem>> -> memref<1x128xi32, #tpu.memory_space<vmem>>
      %dma_start3A_121 = tpu.memref_squeeze %dma_start3A_120 : memref<1x128xi32, #tpu.memory_space<vmem>> -> memref<128xi32, #tpu.memory_space<vmem>>
      %dma_start3A_122 = arith.constant 0 : i32
      %dma_start3A_123 = tpu.memref_slice %arg8[%dma_start3A_122] : memref<10240xf32, #tpu.memory_space<vmem_shared>> -> memref<10240xf32, #tpu.memory_space<vmem_shared>>
      tpu.enqueue_indirect_dma source(%dma_start3A_118 : memref<128xf32, #tpu.memory_space<vmem>>) target(%dma_start3A_123 : memref<10240xf32, #tpu.memory_space<vmem_shared>>) offsets(%dma_start3A_121 : memref<128xi32, #tpu.memory_space<vmem>>) semaphore(%run_scoped3A_117 : memref<!tpu.dma_semaphore, #tpu.memory_space<semaphore_mem>>) {add = true}
      %dma_wait3A = arith.constant 7040 : i32
      %dma_wait3A_124 = tpu.memref_slice %arg4[%dma_wait3A] : memref<10240xf32, #tpu.memory_space<vmem>> -> memref<128xf32, #tpu.memory_space<vmem>>
      %dma_wait3A_125 = arith.constant 0 : i32
      %dma_wait3A_126 = tpu.memref_slice %arg6[%run_scoped3A_79, %dma_wait3A_125] : memref<80x128xi32, #tpu.memory_space<vmem>> -> memref<1x128xi32, #tpu.memory_space<vmem>>
      %dma_wait3A_127 = tpu.memref_squeeze %dma_wait3A_126 : memref<1x128xi32, #tpu.memory_space<vmem>> -> memref<128xi32, #tpu.memory_space<vmem>>
      %dma_wait3A_128 = arith.constant 0 : i32
      %dma_wait3A_129 = tpu.memref_slice %arg8[%dma_wait3A_128] : memref<10240xf32, #tpu.memory_space<vmem_shared>> -> memref<10240xf32, #tpu.memory_space<vmem_shared>>
      tpu.wait_indirect_dma semaphore(%run_scoped3A_117 : memref<!tpu.dma_semaphore, #tpu.memory_space<semaphore_mem>>) src(%dma_wait3A_124 : memref<128xf32, #tpu.memory_space<vmem>>) dst(%dma_wait3A_129 : memref<10240xf32, #tpu.memory_space<vmem_shared>>)
      tpu.yield
    }) : () -> ()
    %run_scoped3A_80 = arith.constant 56 : i32
    "tpu.region"() ({
      %run_scoped3A_117 = tpu.sem_alloc : memref<!tpu.dma_semaphore, #tpu.memory_space<semaphore_mem>>
      %dma_start3A = arith.constant 7168 : i32
      %dma_start3A_118 = tpu.memref_slice %arg4[%dma_start3A] : memref<10240xf32, #tpu.memory_space<vmem>> -> memref<128xf32, #tpu.memory_space<vmem>>
      %dma_start3A_119 = arith.constant 0 : i32
      %dma_start3A_120 = tpu.memref_slice %arg6[%run_scoped3A_80, %dma_start3A_119] : memref<80x128xi32, #tpu.memory_space<vmem>> -> memref<1x128xi32, #tpu.memory_space<vmem>>
      %dma_start3A_121 = tpu.memref_squeeze %dma_start3A_120 : memref<1x128xi32, #tpu.memory_space<vmem>> -> memref<128xi32, #tpu.memory_space<vmem>>
      %dma_start3A_122 = arith.constant 0 : i32
      %dma_start3A_123 = tpu.memref_slice %arg8[%dma_start3A_122] : memref<10240xf32, #tpu.memory_space<vmem_shared>> -> memref<10240xf32, #tpu.memory_space<vmem_shared>>
      tpu.enqueue_indirect_dma source(%dma_start3A_118 : memref<128xf32, #tpu.memory_space<vmem>>) target(%dma_start3A_123 : memref<10240xf32, #tpu.memory_space<vmem_shared>>) offsets(%dma_start3A_121 : memref<128xi32, #tpu.memory_space<vmem>>) semaphore(%run_scoped3A_117 : memref<!tpu.dma_semaphore, #tpu.memory_space<semaphore_mem>>) {add = true}
      %dma_wait3A = arith.constant 7168 : i32
      %dma_wait3A_124 = tpu.memref_slice %arg4[%dma_wait3A] : memref<10240xf32, #tpu.memory_space<vmem>> -> memref<128xf32, #tpu.memory_space<vmem>>
      %dma_wait3A_125 = arith.constant 0 : i32
      %dma_wait3A_126 = tpu.memref_slice %arg6[%run_scoped3A_80, %dma_wait3A_125] : memref<80x128xi32, #tpu.memory_space<vmem>> -> memref<1x128xi32, #tpu.memory_space<vmem>>
      %dma_wait3A_127 = tpu.memref_squeeze %dma_wait3A_126 : memref<1x128xi32, #tpu.memory_space<vmem>> -> memref<128xi32, #tpu.memory_space<vmem>>
      %dma_wait3A_128 = arith.constant 0 : i32
      %dma_wait3A_129 = tpu.memref_slice %arg8[%dma_wait3A_128] : memref<10240xf32, #tpu.memory_space<vmem_shared>> -> memref<10240xf32, #tpu.memory_space<vmem_shared>>
      tpu.wait_indirect_dma semaphore(%run_scoped3A_117 : memref<!tpu.dma_semaphore, #tpu.memory_space<semaphore_mem>>) src(%dma_wait3A_124 : memref<128xf32, #tpu.memory_space<vmem>>) dst(%dma_wait3A_129 : memref<10240xf32, #tpu.memory_space<vmem_shared>>)
      tpu.yield
    }) : () -> ()
    %run_scoped3A_81 = arith.constant 57 : i32
    "tpu.region"() ({
      %run_scoped3A_117 = tpu.sem_alloc : memref<!tpu.dma_semaphore, #tpu.memory_space<semaphore_mem>>
      %dma_start3A = arith.constant 7296 : i32
      %dma_start3A_118 = tpu.memref_slice %arg4[%dma_start3A] : memref<10240xf32, #tpu.memory_space<vmem>> -> memref<128xf32, #tpu.memory_space<vmem>>
      %dma_start3A_119 = arith.constant 0 : i32
      %dma_start3A_120 = tpu.memref_slice %arg6[%run_scoped3A_81, %dma_start3A_119] : memref<80x128xi32, #tpu.memory_space<vmem>> -> memref<1x128xi32, #tpu.memory_space<vmem>>
      %dma_start3A_121 = tpu.memref_squeeze %dma_start3A_120 : memref<1x128xi32, #tpu.memory_space<vmem>> -> memref<128xi32, #tpu.memory_space<vmem>>
      %dma_start3A_122 = arith.constant 0 : i32
      %dma_start3A_123 = tpu.memref_slice %arg8[%dma_start3A_122] : memref<10240xf32, #tpu.memory_space<vmem_shared>> -> memref<10240xf32, #tpu.memory_space<vmem_shared>>
      tpu.enqueue_indirect_dma source(%dma_start3A_118 : memref<128xf32, #tpu.memory_space<vmem>>) target(%dma_start3A_123 : memref<10240xf32, #tpu.memory_space<vmem_shared>>) offsets(%dma_start3A_121 : memref<128xi32, #tpu.memory_space<vmem>>) semaphore(%run_scoped3A_117 : memref<!tpu.dma_semaphore, #tpu.memory_space<semaphore_mem>>) {add = true}
      %dma_wait3A = arith.constant 7296 : i32
      %dma_wait3A_124 = tpu.memref_slice %arg4[%dma_wait3A] : memref<10240xf32, #tpu.memory_space<vmem>> -> memref<128xf32, #tpu.memory_space<vmem>>
      %dma_wait3A_125 = arith.constant 0 : i32
      %dma_wait3A_126 = tpu.memref_slice %arg6[%run_scoped3A_81, %dma_wait3A_125] : memref<80x128xi32, #tpu.memory_space<vmem>> -> memref<1x128xi32, #tpu.memory_space<vmem>>
      %dma_wait3A_127 = tpu.memref_squeeze %dma_wait3A_126 : memref<1x128xi32, #tpu.memory_space<vmem>> -> memref<128xi32, #tpu.memory_space<vmem>>
      %dma_wait3A_128 = arith.constant 0 : i32
      %dma_wait3A_129 = tpu.memref_slice %arg8[%dma_wait3A_128] : memref<10240xf32, #tpu.memory_space<vmem_shared>> -> memref<10240xf32, #tpu.memory_space<vmem_shared>>
      tpu.wait_indirect_dma semaphore(%run_scoped3A_117 : memref<!tpu.dma_semaphore, #tpu.memory_space<semaphore_mem>>) src(%dma_wait3A_124 : memref<128xf32, #tpu.memory_space<vmem>>) dst(%dma_wait3A_129 : memref<10240xf32, #tpu.memory_space<vmem_shared>>)
      tpu.yield
    }) : () -> ()
    %run_scoped3A_82 = arith.constant 58 : i32
    "tpu.region"() ({
      %run_scoped3A_117 = tpu.sem_alloc : memref<!tpu.dma_semaphore, #tpu.memory_space<semaphore_mem>>
      %dma_start3A = arith.constant 7424 : i32
      %dma_start3A_118 = tpu.memref_slice %arg4[%dma_start3A] : memref<10240xf32, #tpu.memory_space<vmem>> -> memref<128xf32, #tpu.memory_space<vmem>>
      %dma_start3A_119 = arith.constant 0 : i32
      %dma_start3A_120 = tpu.memref_slice %arg6[%run_scoped3A_82, %dma_start3A_119] : memref<80x128xi32, #tpu.memory_space<vmem>> -> memref<1x128xi32, #tpu.memory_space<vmem>>
      %dma_start3A_121 = tpu.memref_squeeze %dma_start3A_120 : memref<1x128xi32, #tpu.memory_space<vmem>> -> memref<128xi32, #tpu.memory_space<vmem>>
      %dma_start3A_122 = arith.constant 0 : i32
      %dma_start3A_123 = tpu.memref_slice %arg8[%dma_start3A_122] : memref<10240xf32, #tpu.memory_space<vmem_shared>> -> memref<10240xf32, #tpu.memory_space<vmem_shared>>
      tpu.enqueue_indirect_dma source(%dma_start3A_118 : memref<128xf32, #tpu.memory_space<vmem>>) target(%dma_start3A_123 : memref<10240xf32, #tpu.memory_space<vmem_shared>>) offsets(%dma_start3A_121 : memref<128xi32, #tpu.memory_space<vmem>>) semaphore(%run_scoped3A_117 : memref<!tpu.dma_semaphore, #tpu.memory_space<semaphore_mem>>) {add = true}
      %dma_wait3A = arith.constant 7424 : i32
      %dma_wait3A_124 = tpu.memref_slice %arg4[%dma_wait3A] : memref<10240xf32, #tpu.memory_space<vmem>> -> memref<128xf32, #tpu.memory_space<vmem>>
      %dma_wait3A_125 = arith.constant 0 : i32
      %dma_wait3A_126 = tpu.memref_slice %arg6[%run_scoped3A_82, %dma_wait3A_125] : memref<80x128xi32, #tpu.memory_space<vmem>> -> memref<1x128xi32, #tpu.memory_space<vmem>>
      %dma_wait3A_127 = tpu.memref_squeeze %dma_wait3A_126 : memref<1x128xi32, #tpu.memory_space<vmem>> -> memref<128xi32, #tpu.memory_space<vmem>>
      %dma_wait3A_128 = arith.constant 0 : i32
      %dma_wait3A_129 = tpu.memref_slice %arg8[%dma_wait3A_128] : memref<10240xf32, #tpu.memory_space<vmem_shared>> -> memref<10240xf32, #tpu.memory_space<vmem_shared>>
      tpu.wait_indirect_dma semaphore(%run_scoped3A_117 : memref<!tpu.dma_semaphore, #tpu.memory_space<semaphore_mem>>) src(%dma_wait3A_124 : memref<128xf32, #tpu.memory_space<vmem>>) dst(%dma_wait3A_129 : memref<10240xf32, #tpu.memory_space<vmem_shared>>)
      tpu.yield
    }) : () -> ()
    %run_scoped3A_83 = arith.constant 59 : i32
    "tpu.region"() ({
      %run_scoped3A_117 = tpu.sem_alloc : memref<!tpu.dma_semaphore, #tpu.memory_space<semaphore_mem>>
      %dma_start3A = arith.constant 7552 : i32
      %dma_start3A_118 = tpu.memref_slice %arg4[%dma_start3A] : memref<10240xf32, #tpu.memory_space<vmem>> -> memref<128xf32, #tpu.memory_space<vmem>>
      %dma_start3A_119 = arith.constant 0 : i32
      %dma_start3A_120 = tpu.memref_slice %arg6[%run_scoped3A_83, %dma_start3A_119] : memref<80x128xi32, #tpu.memory_space<vmem>> -> memref<1x128xi32, #tpu.memory_space<vmem>>
      %dma_start3A_121 = tpu.memref_squeeze %dma_start3A_120 : memref<1x128xi32, #tpu.memory_space<vmem>> -> memref<128xi32, #tpu.memory_space<vmem>>
      %dma_start3A_122 = arith.constant 0 : i32
      %dma_start3A_123 = tpu.memref_slice %arg8[%dma_start3A_122] : memref<10240xf32, #tpu.memory_space<vmem_shared>> -> memref<10240xf32, #tpu.memory_space<vmem_shared>>
      tpu.enqueue_indirect_dma source(%dma_start3A_118 : memref<128xf32, #tpu.memory_space<vmem>>) target(%dma_start3A_123 : memref<10240xf32, #tpu.memory_space<vmem_shared>>) offsets(%dma_start3A_121 : memref<128xi32, #tpu.memory_space<vmem>>) semaphore(%run_scoped3A_117 : memref<!tpu.dma_semaphore, #tpu.memory_space<semaphore_mem>>) {add = true}
      %dma_wait3A = arith.constant 7552 : i32
      %dma_wait3A_124 = tpu.memref_slice %arg4[%dma_wait3A] : memref<10240xf32, #tpu.memory_space<vmem>> -> memref<128xf32, #tpu.memory_space<vmem>>
      %dma_wait3A_125 = arith.constant 0 : i32
      %dma_wait3A_126 = tpu.memref_slice %arg6[%run_scoped3A_83, %dma_wait3A_125] : memref<80x128xi32, #tpu.memory_space<vmem>> -> memref<1x128xi32, #tpu.memory_space<vmem>>
      %dma_wait3A_127 = tpu.memref_squeeze %dma_wait3A_126 : memref<1x128xi32, #tpu.memory_space<vmem>> -> memref<128xi32, #tpu.memory_space<vmem>>
      %dma_wait3A_128 = arith.constant 0 : i32
      %dma_wait3A_129 = tpu.memref_slice %arg8[%dma_wait3A_128] : memref<10240xf32, #tpu.memory_space<vmem_shared>> -> memref<10240xf32, #tpu.memory_space<vmem_shared>>
      tpu.wait_indirect_dma semaphore(%run_scoped3A_117 : memref<!tpu.dma_semaphore, #tpu.memory_space<semaphore_mem>>) src(%dma_wait3A_124 : memref<128xf32, #tpu.memory_space<vmem>>) dst(%dma_wait3A_129 : memref<10240xf32, #tpu.memory_space<vmem_shared>>)
      tpu.yield
    }) : () -> ()
    %run_scoped3A_84 = arith.constant 60 : i32
    "tpu.region"() ({
      %run_scoped3A_117 = tpu.sem_alloc : memref<!tpu.dma_semaphore, #tpu.memory_space<semaphore_mem>>
      %dma_start3A = arith.constant 7680 : i32
      %dma_start3A_118 = tpu.memref_slice %arg4[%dma_start3A] : memref<10240xf32, #tpu.memory_space<vmem>> -> memref<128xf32, #tpu.memory_space<vmem>>
      %dma_start3A_119 = arith.constant 0 : i32
      %dma_start3A_120 = tpu.memref_slice %arg6[%run_scoped3A_84, %dma_start3A_119] : memref<80x128xi32, #tpu.memory_space<vmem>> -> memref<1x128xi32, #tpu.memory_space<vmem>>
      %dma_start3A_121 = tpu.memref_squeeze %dma_start3A_120 : memref<1x128xi32, #tpu.memory_space<vmem>> -> memref<128xi32, #tpu.memory_space<vmem>>
      %dma_start3A_122 = arith.constant 0 : i32
      %dma_start3A_123 = tpu.memref_slice %arg8[%dma_start3A_122] : memref<10240xf32, #tpu.memory_space<vmem_shared>> -> memref<10240xf32, #tpu.memory_space<vmem_shared>>
      tpu.enqueue_indirect_dma source(%dma_start3A_118 : memref<128xf32, #tpu.memory_space<vmem>>) target(%dma_start3A_123 : memref<10240xf32, #tpu.memory_space<vmem_shared>>) offsets(%dma_start3A_121 : memref<128xi32, #tpu.memory_space<vmem>>) semaphore(%run_scoped3A_117 : memref<!tpu.dma_semaphore, #tpu.memory_space<semaphore_mem>>) {add = true}
      %dma_wait3A = arith.constant 7680 : i32
      %dma_wait3A_124 = tpu.memref_slice %arg4[%dma_wait3A] : memref<10240xf32, #tpu.memory_space<vmem>> -> memref<128xf32, #tpu.memory_space<vmem>>
      %dma_wait3A_125 = arith.constant 0 : i32
      %dma_wait3A_126 = tpu.memref_slice %arg6[%run_scoped3A_84, %dma_wait3A_125] : memref<80x128xi32, #tpu.memory_space<vmem>> -> memref<1x128xi32, #tpu.memory_space<vmem>>
      %dma_wait3A_127 = tpu.memref_squeeze %dma_wait3A_126 : memref<1x128xi32, #tpu.memory_space<vmem>> -> memref<128xi32, #tpu.memory_space<vmem>>
      %dma_wait3A_128 = arith.constant 0 : i32
      %dma_wait3A_129 = tpu.memref_slice %arg8[%dma_wait3A_128] : memref<10240xf32, #tpu.memory_space<vmem_shared>> -> memref<10240xf32, #tpu.memory_space<vmem_shared>>
      tpu.wait_indirect_dma semaphore(%run_scoped3A_117 : memref<!tpu.dma_semaphore, #tpu.memory_space<semaphore_mem>>) src(%dma_wait3A_124 : memref<128xf32, #tpu.memory_space<vmem>>) dst(%dma_wait3A_129 : memref<10240xf32, #tpu.memory_space<vmem_shared>>)
      tpu.yield
    }) : () -> ()
    %run_scoped3A_85 = arith.constant 61 : i32
    "tpu.region"() ({
      %run_scoped3A_117 = tpu.sem_alloc : memref<!tpu.dma_semaphore, #tpu.memory_space<semaphore_mem>>
      %dma_start3A = arith.constant 7808 : i32
      %dma_start3A_118 = tpu.memref_slice %arg4[%dma_start3A] : memref<10240xf32, #tpu.memory_space<vmem>> -> memref<128xf32, #tpu.memory_space<vmem>>
      %dma_start3A_119 = arith.constant 0 : i32
      %dma_start3A_120 = tpu.memref_slice %arg6[%run_scoped3A_85, %dma_start3A_119] : memref<80x128xi32, #tpu.memory_space<vmem>> -> memref<1x128xi32, #tpu.memory_space<vmem>>
      %dma_start3A_121 = tpu.memref_squeeze %dma_start3A_120 : memref<1x128xi32, #tpu.memory_space<vmem>> -> memref<128xi32, #tpu.memory_space<vmem>>
      %dma_start3A_122 = arith.constant 0 : i32
      %dma_start3A_123 = tpu.memref_slice %arg8[%dma_start3A_122] : memref<10240xf32, #tpu.memory_space<vmem_shared>> -> memref<10240xf32, #tpu.memory_space<vmem_shared>>
      tpu.enqueue_indirect_dma source(%dma_start3A_118 : memref<128xf32, #tpu.memory_space<vmem>>) target(%dma_start3A_123 : memref<10240xf32, #tpu.memory_space<vmem_shared>>) offsets(%dma_start3A_121 : memref<128xi32, #tpu.memory_space<vmem>>) semaphore(%run_scoped3A_117 : memref<!tpu.dma_semaphore, #tpu.memory_space<semaphore_mem>>) {add = true}
      %dma_wait3A = arith.constant 7808 : i32
      %dma_wait3A_124 = tpu.memref_slice %arg4[%dma_wait3A] : memref<10240xf32, #tpu.memory_space<vmem>> -> memref<128xf32, #tpu.memory_space<vmem>>
      %dma_wait3A_125 = arith.constant 0 : i32
      %dma_wait3A_126 = tpu.memref_slice %arg6[%run_scoped3A_85, %dma_wait3A_125] : memref<80x128xi32, #tpu.memory_space<vmem>> -> memref<1x128xi32, #tpu.memory_space<vmem>>
      %dma_wait3A_127 = tpu.memref_squeeze %dma_wait3A_126 : memref<1x128xi32, #tpu.memory_space<vmem>> -> memref<128xi32, #tpu.memory_space<vmem>>
      %dma_wait3A_128 = arith.constant 0 : i32
      %dma_wait3A_129 = tpu.memref_slice %arg8[%dma_wait3A_128] : memref<10240xf32, #tpu.memory_space<vmem_shared>> -> memref<10240xf32, #tpu.memory_space<vmem_shared>>
      tpu.wait_indirect_dma semaphore(%run_scoped3A_117 : memref<!tpu.dma_semaphore, #tpu.memory_space<semaphore_mem>>) src(%dma_wait3A_124 : memref<128xf32, #tpu.memory_space<vmem>>) dst(%dma_wait3A_129 : memref<10240xf32, #tpu.memory_space<vmem_shared>>)
      tpu.yield
    }) : () -> ()
    %run_scoped3A_86 = arith.constant 62 : i32
    "tpu.region"() ({
      %run_scoped3A_117 = tpu.sem_alloc : memref<!tpu.dma_semaphore, #tpu.memory_space<semaphore_mem>>
      %dma_start3A = arith.constant 7936 : i32
      %dma_start3A_118 = tpu.memref_slice %arg4[%dma_start3A] : memref<10240xf32, #tpu.memory_space<vmem>> -> memref<128xf32, #tpu.memory_space<vmem>>
      %dma_start3A_119 = arith.constant 0 : i32
      %dma_start3A_120 = tpu.memref_slice %arg6[%run_scoped3A_86, %dma_start3A_119] : memref<80x128xi32, #tpu.memory_space<vmem>> -> memref<1x128xi32, #tpu.memory_space<vmem>>
      %dma_start3A_121 = tpu.memref_squeeze %dma_start3A_120 : memref<1x128xi32, #tpu.memory_space<vmem>> -> memref<128xi32, #tpu.memory_space<vmem>>
      %dma_start3A_122 = arith.constant 0 : i32
      %dma_start3A_123 = tpu.memref_slice %arg8[%dma_start3A_122] : memref<10240xf32, #tpu.memory_space<vmem_shared>> -> memref<10240xf32, #tpu.memory_space<vmem_shared>>
      tpu.enqueue_indirect_dma source(%dma_start3A_118 : memref<128xf32, #tpu.memory_space<vmem>>) target(%dma_start3A_123 : memref<10240xf32, #tpu.memory_space<vmem_shared>>) offsets(%dma_start3A_121 : memref<128xi32, #tpu.memory_space<vmem>>) semaphore(%run_scoped3A_117 : memref<!tpu.dma_semaphore, #tpu.memory_space<semaphore_mem>>) {add = true}
      %dma_wait3A = arith.constant 7936 : i32
      %dma_wait3A_124 = tpu.memref_slice %arg4[%dma_wait3A] : memref<10240xf32, #tpu.memory_space<vmem>> -> memref<128xf32, #tpu.memory_space<vmem>>
      %dma_wait3A_125 = arith.constant 0 : i32
      %dma_wait3A_126 = tpu.memref_slice %arg6[%run_scoped3A_86, %dma_wait3A_125] : memref<80x128xi32, #tpu.memory_space<vmem>> -> memref<1x128xi32, #tpu.memory_space<vmem>>
      %dma_wait3A_127 = tpu.memref_squeeze %dma_wait3A_126 : memref<1x128xi32, #tpu.memory_space<vmem>> -> memref<128xi32, #tpu.memory_space<vmem>>
      %dma_wait3A_128 = arith.constant 0 : i32
      %dma_wait3A_129 = tpu.memref_slice %arg8[%dma_wait3A_128] : memref<10240xf32, #tpu.memory_space<vmem_shared>> -> memref<10240xf32, #tpu.memory_space<vmem_shared>>
      tpu.wait_indirect_dma semaphore(%run_scoped3A_117 : memref<!tpu.dma_semaphore, #tpu.memory_space<semaphore_mem>>) src(%dma_wait3A_124 : memref<128xf32, #tpu.memory_space<vmem>>) dst(%dma_wait3A_129 : memref<10240xf32, #tpu.memory_space<vmem_shared>>)
      tpu.yield
    }) : () -> ()
    %run_scoped3A_87 = arith.constant 63 : i32
    "tpu.region"() ({
      %run_scoped3A_117 = tpu.sem_alloc : memref<!tpu.dma_semaphore, #tpu.memory_space<semaphore_mem>>
      %dma_start3A = arith.constant 8064 : i32
      %dma_start3A_118 = tpu.memref_slice %arg4[%dma_start3A] : memref<10240xf32, #tpu.memory_space<vmem>> -> memref<128xf32, #tpu.memory_space<vmem>>
      %dma_start3A_119 = arith.constant 0 : i32
      %dma_start3A_120 = tpu.memref_slice %arg6[%run_scoped3A_87, %dma_start3A_119] : memref<80x128xi32, #tpu.memory_space<vmem>> -> memref<1x128xi32, #tpu.memory_space<vmem>>
      %dma_start3A_121 = tpu.memref_squeeze %dma_start3A_120 : memref<1x128xi32, #tpu.memory_space<vmem>> -> memref<128xi32, #tpu.memory_space<vmem>>
      %dma_start3A_122 = arith.constant 0 : i32
      %dma_start3A_123 = tpu.memref_slice %arg8[%dma_start3A_122] : memref<10240xf32, #tpu.memory_space<vmem_shared>> -> memref<10240xf32, #tpu.memory_space<vmem_shared>>
      tpu.enqueue_indirect_dma source(%dma_start3A_118 : memref<128xf32, #tpu.memory_space<vmem>>) target(%dma_start3A_123 : memref<10240xf32, #tpu.memory_space<vmem_shared>>) offsets(%dma_start3A_121 : memref<128xi32, #tpu.memory_space<vmem>>) semaphore(%run_scoped3A_117 : memref<!tpu.dma_semaphore, #tpu.memory_space<semaphore_mem>>) {add = true}
      %dma_wait3A = arith.constant 8064 : i32
      %dma_wait3A_124 = tpu.memref_slice %arg4[%dma_wait3A] : memref<10240xf32, #tpu.memory_space<vmem>> -> memref<128xf32, #tpu.memory_space<vmem>>
      %dma_wait3A_125 = arith.constant 0 : i32
      %dma_wait3A_126 = tpu.memref_slice %arg6[%run_scoped3A_87, %dma_wait3A_125] : memref<80x128xi32, #tpu.memory_space<vmem>> -> memref<1x128xi32, #tpu.memory_space<vmem>>
      %dma_wait3A_127 = tpu.memref_squeeze %dma_wait3A_126 : memref<1x128xi32, #tpu.memory_space<vmem>> -> memref<128xi32, #tpu.memory_space<vmem>>
      %dma_wait3A_128 = arith.constant 0 : i32
      %dma_wait3A_129 = tpu.memref_slice %arg8[%dma_wait3A_128] : memref<10240xf32, #tpu.memory_space<vmem_shared>> -> memref<10240xf32, #tpu.memory_space<vmem_shared>>
      tpu.wait_indirect_dma semaphore(%run_scoped3A_117 : memref<!tpu.dma_semaphore, #tpu.memory_space<semaphore_mem>>) src(%dma_wait3A_124 : memref<128xf32, #tpu.memory_space<vmem>>) dst(%dma_wait3A_129 : memref<10240xf32, #tpu.memory_space<vmem_shared>>)
      tpu.yield
    }) : () -> ()
    %run_scoped3A_88 = arith.constant 64 : i32
    "tpu.region"() ({
      %run_scoped3A_117 = tpu.sem_alloc : memref<!tpu.dma_semaphore, #tpu.memory_space<semaphore_mem>>
      %dma_start3A = arith.constant 8192 : i32
      %dma_start3A_118 = tpu.memref_slice %arg4[%dma_start3A] : memref<10240xf32, #tpu.memory_space<vmem>> -> memref<128xf32, #tpu.memory_space<vmem>>
      %dma_start3A_119 = arith.constant 0 : i32
      %dma_start3A_120 = tpu.memref_slice %arg6[%run_scoped3A_88, %dma_start3A_119] : memref<80x128xi32, #tpu.memory_space<vmem>> -> memref<1x128xi32, #tpu.memory_space<vmem>>
      %dma_start3A_121 = tpu.memref_squeeze %dma_start3A_120 : memref<1x128xi32, #tpu.memory_space<vmem>> -> memref<128xi32, #tpu.memory_space<vmem>>
      %dma_start3A_122 = arith.constant 0 : i32
      %dma_start3A_123 = tpu.memref_slice %arg8[%dma_start3A_122] : memref<10240xf32, #tpu.memory_space<vmem_shared>> -> memref<10240xf32, #tpu.memory_space<vmem_shared>>
      tpu.enqueue_indirect_dma source(%dma_start3A_118 : memref<128xf32, #tpu.memory_space<vmem>>) target(%dma_start3A_123 : memref<10240xf32, #tpu.memory_space<vmem_shared>>) offsets(%dma_start3A_121 : memref<128xi32, #tpu.memory_space<vmem>>) semaphore(%run_scoped3A_117 : memref<!tpu.dma_semaphore, #tpu.memory_space<semaphore_mem>>) {add = true}
      %dma_wait3A = arith.constant 8192 : i32
      %dma_wait3A_124 = tpu.memref_slice %arg4[%dma_wait3A] : memref<10240xf32, #tpu.memory_space<vmem>> -> memref<128xf32, #tpu.memory_space<vmem>>
      %dma_wait3A_125 = arith.constant 0 : i32
      %dma_wait3A_126 = tpu.memref_slice %arg6[%run_scoped3A_88, %dma_wait3A_125] : memref<80x128xi32, #tpu.memory_space<vmem>> -> memref<1x128xi32, #tpu.memory_space<vmem>>
      %dma_wait3A_127 = tpu.memref_squeeze %dma_wait3A_126 : memref<1x128xi32, #tpu.memory_space<vmem>> -> memref<128xi32, #tpu.memory_space<vmem>>
      %dma_wait3A_128 = arith.constant 0 : i32
      %dma_wait3A_129 = tpu.memref_slice %arg8[%dma_wait3A_128] : memref<10240xf32, #tpu.memory_space<vmem_shared>> -> memref<10240xf32, #tpu.memory_space<vmem_shared>>
      tpu.wait_indirect_dma semaphore(%run_scoped3A_117 : memref<!tpu.dma_semaphore, #tpu.memory_space<semaphore_mem>>) src(%dma_wait3A_124 : memref<128xf32, #tpu.memory_space<vmem>>) dst(%dma_wait3A_129 : memref<10240xf32, #tpu.memory_space<vmem_shared>>)
      tpu.yield
    }) : () -> ()
    %run_scoped3A_89 = arith.constant 65 : i32
    "tpu.region"() ({
      %run_scoped3A_117 = tpu.sem_alloc : memref<!tpu.dma_semaphore, #tpu.memory_space<semaphore_mem>>
      %dma_start3A = arith.constant 8320 : i32
      %dma_start3A_118 = tpu.memref_slice %arg4[%dma_start3A] : memref<10240xf32, #tpu.memory_space<vmem>> -> memref<128xf32, #tpu.memory_space<vmem>>
      %dma_start3A_119 = arith.constant 0 : i32
      %dma_start3A_120 = tpu.memref_slice %arg6[%run_scoped3A_89, %dma_start3A_119] : memref<80x128xi32, #tpu.memory_space<vmem>> -> memref<1x128xi32, #tpu.memory_space<vmem>>
      %dma_start3A_121 = tpu.memref_squeeze %dma_start3A_120 : memref<1x128xi32, #tpu.memory_space<vmem>> -> memref<128xi32, #tpu.memory_space<vmem>>
      %dma_start3A_122 = arith.constant 0 : i32
      %dma_start3A_123 = tpu.memref_slice %arg8[%dma_start3A_122] : memref<10240xf32, #tpu.memory_space<vmem_shared>> -> memref<10240xf32, #tpu.memory_space<vmem_shared>>
      tpu.enqueue_indirect_dma source(%dma_start3A_118 : memref<128xf32, #tpu.memory_space<vmem>>) target(%dma_start3A_123 : memref<10240xf32, #tpu.memory_space<vmem_shared>>) offsets(%dma_start3A_121 : memref<128xi32, #tpu.memory_space<vmem>>) semaphore(%run_scoped3A_117 : memref<!tpu.dma_semaphore, #tpu.memory_space<semaphore_mem>>) {add = true}
      %dma_wait3A = arith.constant 8320 : i32
      %dma_wait3A_124 = tpu.memref_slice %arg4[%dma_wait3A] : memref<10240xf32, #tpu.memory_space<vmem>> -> memref<128xf32, #tpu.memory_space<vmem>>
      %dma_wait3A_125 = arith.constant 0 : i32
      %dma_wait3A_126 = tpu.memref_slice %arg6[%run_scoped3A_89, %dma_wait3A_125] : memref<80x128xi32, #tpu.memory_space<vmem>> -> memref<1x128xi32, #tpu.memory_space<vmem>>
      %dma_wait3A_127 = tpu.memref_squeeze %dma_wait3A_126 : memref<1x128xi32, #tpu.memory_space<vmem>> -> memref<128xi32, #tpu.memory_space<vmem>>
      %dma_wait3A_128 = arith.constant 0 : i32
      %dma_wait3A_129 = tpu.memref_slice %arg8[%dma_wait3A_128] : memref<10240xf32, #tpu.memory_space<vmem_shared>> -> memref<10240xf32, #tpu.memory_space<vmem_shared>>
      tpu.wait_indirect_dma semaphore(%run_scoped3A_117 : memref<!tpu.dma_semaphore, #tpu.memory_space<semaphore_mem>>) src(%dma_wait3A_124 : memref<128xf32, #tpu.memory_space<vmem>>) dst(%dma_wait3A_129 : memref<10240xf32, #tpu.memory_space<vmem_shared>>)
      tpu.yield
    }) : () -> ()
    %run_scoped3A_90 = arith.constant 66 : i32
    "tpu.region"() ({
      %run_scoped3A_117 = tpu.sem_alloc : memref<!tpu.dma_semaphore, #tpu.memory_space<semaphore_mem>>
      %dma_start3A = arith.constant 8448 : i32
      %dma_start3A_118 = tpu.memref_slice %arg4[%dma_start3A] : memref<10240xf32, #tpu.memory_space<vmem>> -> memref<128xf32, #tpu.memory_space<vmem>>
      %dma_start3A_119 = arith.constant 0 : i32
      %dma_start3A_120 = tpu.memref_slice %arg6[%run_scoped3A_90, %dma_start3A_119] : memref<80x128xi32, #tpu.memory_space<vmem>> -> memref<1x128xi32, #tpu.memory_space<vmem>>
      %dma_start3A_121 = tpu.memref_squeeze %dma_start3A_120 : memref<1x128xi32, #tpu.memory_space<vmem>> -> memref<128xi32, #tpu.memory_space<vmem>>
      %dma_start3A_122 = arith.constant 0 : i32
      %dma_start3A_123 = tpu.memref_slice %arg8[%dma_start3A_122] : memref<10240xf32, #tpu.memory_space<vmem_shared>> -> memref<10240xf32, #tpu.memory_space<vmem_shared>>
      tpu.enqueue_indirect_dma source(%dma_start3A_118 : memref<128xf32, #tpu.memory_space<vmem>>) target(%dma_start3A_123 : memref<10240xf32, #tpu.memory_space<vmem_shared>>) offsets(%dma_start3A_121 : memref<128xi32, #tpu.memory_space<vmem>>) semaphore(%run_scoped3A_117 : memref<!tpu.dma_semaphore, #tpu.memory_space<semaphore_mem>>) {add = true}
      %dma_wait3A = arith.constant 8448 : i32
      %dma_wait3A_124 = tpu.memref_slice %arg4[%dma_wait3A] : memref<10240xf32, #tpu.memory_space<vmem>> -> memref<128xf32, #tpu.memory_space<vmem>>
      %dma_wait3A_125 = arith.constant 0 : i32
      %dma_wait3A_126 = tpu.memref_slice %arg6[%run_scoped3A_90, %dma_wait3A_125] : memref<80x128xi32, #tpu.memory_space<vmem>> -> memref<1x128xi32, #tpu.memory_space<vmem>>
      %dma_wait3A_127 = tpu.memref_squeeze %dma_wait3A_126 : memref<1x128xi32, #tpu.memory_space<vmem>> -> memref<128xi32, #tpu.memory_space<vmem>>
      %dma_wait3A_128 = arith.constant 0 : i32
      %dma_wait3A_129 = tpu.memref_slice %arg8[%dma_wait3A_128] : memref<10240xf32, #tpu.memory_space<vmem_shared>> -> memref<10240xf32, #tpu.memory_space<vmem_shared>>
      tpu.wait_indirect_dma semaphore(%run_scoped3A_117 : memref<!tpu.dma_semaphore, #tpu.memory_space<semaphore_mem>>) src(%dma_wait3A_124 : memref<128xf32, #tpu.memory_space<vmem>>) dst(%dma_wait3A_129 : memref<10240xf32, #tpu.memory_space<vmem_shared>>)
      tpu.yield
    }) : () -> ()
    %run_scoped3A_91 = arith.constant 67 : i32
    "tpu.region"() ({
      %run_scoped3A_117 = tpu.sem_alloc : memref<!tpu.dma_semaphore, #tpu.memory_space<semaphore_mem>>
      %dma_start3A = arith.constant 8576 : i32
      %dma_start3A_118 = tpu.memref_slice %arg4[%dma_start3A] : memref<10240xf32, #tpu.memory_space<vmem>> -> memref<128xf32, #tpu.memory_space<vmem>>
      %dma_start3A_119 = arith.constant 0 : i32
      %dma_start3A_120 = tpu.memref_slice %arg6[%run_scoped3A_91, %dma_start3A_119] : memref<80x128xi32, #tpu.memory_space<vmem>> -> memref<1x128xi32, #tpu.memory_space<vmem>>
      %dma_start3A_121 = tpu.memref_squeeze %dma_start3A_120 : memref<1x128xi32, #tpu.memory_space<vmem>> -> memref<128xi32, #tpu.memory_space<vmem>>
      %dma_start3A_122 = arith.constant 0 : i32
      %dma_start3A_123 = tpu.memref_slice %arg8[%dma_start3A_122] : memref<10240xf32, #tpu.memory_space<vmem_shared>> -> memref<10240xf32, #tpu.memory_space<vmem_shared>>
      tpu.enqueue_indirect_dma source(%dma_start3A_118 : memref<128xf32, #tpu.memory_space<vmem>>) target(%dma_start3A_123 : memref<10240xf32, #tpu.memory_space<vmem_shared>>) offsets(%dma_start3A_121 : memref<128xi32, #tpu.memory_space<vmem>>) semaphore(%run_scoped3A_117 : memref<!tpu.dma_semaphore, #tpu.memory_space<semaphore_mem>>) {add = true}
      %dma_wait3A = arith.constant 8576 : i32
      %dma_wait3A_124 = tpu.memref_slice %arg4[%dma_wait3A] : memref<10240xf32, #tpu.memory_space<vmem>> -> memref<128xf32, #tpu.memory_space<vmem>>
      %dma_wait3A_125 = arith.constant 0 : i32
      %dma_wait3A_126 = tpu.memref_slice %arg6[%run_scoped3A_91, %dma_wait3A_125] : memref<80x128xi32, #tpu.memory_space<vmem>> -> memref<1x128xi32, #tpu.memory_space<vmem>>
      %dma_wait3A_127 = tpu.memref_squeeze %dma_wait3A_126 : memref<1x128xi32, #tpu.memory_space<vmem>> -> memref<128xi32, #tpu.memory_space<vmem>>
      %dma_wait3A_128 = arith.constant 0 : i32
      %dma_wait3A_129 = tpu.memref_slice %arg8[%dma_wait3A_128] : memref<10240xf32, #tpu.memory_space<vmem_shared>> -> memref<10240xf32, #tpu.memory_space<vmem_shared>>
      tpu.wait_indirect_dma semaphore(%run_scoped3A_117 : memref<!tpu.dma_semaphore, #tpu.memory_space<semaphore_mem>>) src(%dma_wait3A_124 : memref<128xf32, #tpu.memory_space<vmem>>) dst(%dma_wait3A_129 : memref<10240xf32, #tpu.memory_space<vmem_shared>>)
      tpu.yield
    }) : () -> ()
    %run_scoped3A_92 = arith.constant 68 : i32
    "tpu.region"() ({
      %run_scoped3A_117 = tpu.sem_alloc : memref<!tpu.dma_semaphore, #tpu.memory_space<semaphore_mem>>
      %dma_start3A = arith.constant 8704 : i32
      %dma_start3A_118 = tpu.memref_slice %arg4[%dma_start3A] : memref<10240xf32, #tpu.memory_space<vmem>> -> memref<128xf32, #tpu.memory_space<vmem>>
      %dma_start3A_119 = arith.constant 0 : i32
      %dma_start3A_120 = tpu.memref_slice %arg6[%run_scoped3A_92, %dma_start3A_119] : memref<80x128xi32, #tpu.memory_space<vmem>> -> memref<1x128xi32, #tpu.memory_space<vmem>>
      %dma_start3A_121 = tpu.memref_squeeze %dma_start3A_120 : memref<1x128xi32, #tpu.memory_space<vmem>> -> memref<128xi32, #tpu.memory_space<vmem>>
      %dma_start3A_122 = arith.constant 0 : i32
      %dma_start3A_123 = tpu.memref_slice %arg8[%dma_start3A_122] : memref<10240xf32, #tpu.memory_space<vmem_shared>> -> memref<10240xf32, #tpu.memory_space<vmem_shared>>
      tpu.enqueue_indirect_dma source(%dma_start3A_118 : memref<128xf32, #tpu.memory_space<vmem>>) target(%dma_start3A_123 : memref<10240xf32, #tpu.memory_space<vmem_shared>>) offsets(%dma_start3A_121 : memref<128xi32, #tpu.memory_space<vmem>>) semaphore(%run_scoped3A_117 : memref<!tpu.dma_semaphore, #tpu.memory_space<semaphore_mem>>) {add = true}
      %dma_wait3A = arith.constant 8704 : i32
      %dma_wait3A_124 = tpu.memref_slice %arg4[%dma_wait3A] : memref<10240xf32, #tpu.memory_space<vmem>> -> memref<128xf32, #tpu.memory_space<vmem>>
      %dma_wait3A_125 = arith.constant 0 : i32
      %dma_wait3A_126 = tpu.memref_slice %arg6[%run_scoped3A_92, %dma_wait3A_125] : memref<80x128xi32, #tpu.memory_space<vmem>> -> memref<1x128xi32, #tpu.memory_space<vmem>>
      %dma_wait3A_127 = tpu.memref_squeeze %dma_wait3A_126 : memref<1x128xi32, #tpu.memory_space<vmem>> -> memref<128xi32, #tpu.memory_space<vmem>>
      %dma_wait3A_128 = arith.constant 0 : i32
      %dma_wait3A_129 = tpu.memref_slice %arg8[%dma_wait3A_128] : memref<10240xf32, #tpu.memory_space<vmem_shared>> -> memref<10240xf32, #tpu.memory_space<vmem_shared>>
      tpu.wait_indirect_dma semaphore(%run_scoped3A_117 : memref<!tpu.dma_semaphore, #tpu.memory_space<semaphore_mem>>) src(%dma_wait3A_124 : memref<128xf32, #tpu.memory_space<vmem>>) dst(%dma_wait3A_129 : memref<10240xf32, #tpu.memory_space<vmem_shared>>)
      tpu.yield
    }) : () -> ()
    %run_scoped3A_93 = arith.constant 69 : i32
    "tpu.region"() ({
      %run_scoped3A_117 = tpu.sem_alloc : memref<!tpu.dma_semaphore, #tpu.memory_space<semaphore_mem>>
      %dma_start3A = arith.constant 8832 : i32
      %dma_start3A_118 = tpu.memref_slice %arg4[%dma_start3A] : memref<10240xf32, #tpu.memory_space<vmem>> -> memref<128xf32, #tpu.memory_space<vmem>>
      %dma_start3A_119 = arith.constant 0 : i32
      %dma_start3A_120 = tpu.memref_slice %arg6[%run_scoped3A_93, %dma_start3A_119] : memref<80x128xi32, #tpu.memory_space<vmem>> -> memref<1x128xi32, #tpu.memory_space<vmem>>
      %dma_start3A_121 = tpu.memref_squeeze %dma_start3A_120 : memref<1x128xi32, #tpu.memory_space<vmem>> -> memref<128xi32, #tpu.memory_space<vmem>>
      %dma_start3A_122 = arith.constant 0 : i32
      %dma_start3A_123 = tpu.memref_slice %arg8[%dma_start3A_122] : memref<10240xf32, #tpu.memory_space<vmem_shared>> -> memref<10240xf32, #tpu.memory_space<vmem_shared>>
      tpu.enqueue_indirect_dma source(%dma_start3A_118 : memref<128xf32, #tpu.memory_space<vmem>>) target(%dma_start3A_123 : memref<10240xf32, #tpu.memory_space<vmem_shared>>) offsets(%dma_start3A_121 : memref<128xi32, #tpu.memory_space<vmem>>) semaphore(%run_scoped3A_117 : memref<!tpu.dma_semaphore, #tpu.memory_space<semaphore_mem>>) {add = true}
      %dma_wait3A = arith.constant 8832 : i32
      %dma_wait3A_124 = tpu.memref_slice %arg4[%dma_wait3A] : memref<10240xf32, #tpu.memory_space<vmem>> -> memref<128xf32, #tpu.memory_space<vmem>>
      %dma_wait3A_125 = arith.constant 0 : i32
      %dma_wait3A_126 = tpu.memref_slice %arg6[%run_scoped3A_93, %dma_wait3A_125] : memref<80x128xi32, #tpu.memory_space<vmem>> -> memref<1x128xi32, #tpu.memory_space<vmem>>
      %dma_wait3A_127 = tpu.memref_squeeze %dma_wait3A_126 : memref<1x128xi32, #tpu.memory_space<vmem>> -> memref<128xi32, #tpu.memory_space<vmem>>
      %dma_wait3A_128 = arith.constant 0 : i32
      %dma_wait3A_129 = tpu.memref_slice %arg8[%dma_wait3A_128] : memref<10240xf32, #tpu.memory_space<vmem_shared>> -> memref<10240xf32, #tpu.memory_space<vmem_shared>>
      tpu.wait_indirect_dma semaphore(%run_scoped3A_117 : memref<!tpu.dma_semaphore, #tpu.memory_space<semaphore_mem>>) src(%dma_wait3A_124 : memref<128xf32, #tpu.memory_space<vmem>>) dst(%dma_wait3A_129 : memref<10240xf32, #tpu.memory_space<vmem_shared>>)
      tpu.yield
    }) : () -> ()
    %run_scoped3A_94 = arith.constant 70 : i32
    "tpu.region"() ({
      %run_scoped3A_117 = tpu.sem_alloc : memref<!tpu.dma_semaphore, #tpu.memory_space<semaphore_mem>>
      %dma_start3A = arith.constant 8960 : i32
      %dma_start3A_118 = tpu.memref_slice %arg4[%dma_start3A] : memref<10240xf32, #tpu.memory_space<vmem>> -> memref<128xf32, #tpu.memory_space<vmem>>
      %dma_start3A_119 = arith.constant 0 : i32
      %dma_start3A_120 = tpu.memref_slice %arg6[%run_scoped3A_94, %dma_start3A_119] : memref<80x128xi32, #tpu.memory_space<vmem>> -> memref<1x128xi32, #tpu.memory_space<vmem>>
      %dma_start3A_121 = tpu.memref_squeeze %dma_start3A_120 : memref<1x128xi32, #tpu.memory_space<vmem>> -> memref<128xi32, #tpu.memory_space<vmem>>
      %dma_start3A_122 = arith.constant 0 : i32
      %dma_start3A_123 = tpu.memref_slice %arg8[%dma_start3A_122] : memref<10240xf32, #tpu.memory_space<vmem_shared>> -> memref<10240xf32, #tpu.memory_space<vmem_shared>>
      tpu.enqueue_indirect_dma source(%dma_start3A_118 : memref<128xf32, #tpu.memory_space<vmem>>) target(%dma_start3A_123 : memref<10240xf32, #tpu.memory_space<vmem_shared>>) offsets(%dma_start3A_121 : memref<128xi32, #tpu.memory_space<vmem>>) semaphore(%run_scoped3A_117 : memref<!tpu.dma_semaphore, #tpu.memory_space<semaphore_mem>>) {add = true}
      %dma_wait3A = arith.constant 8960 : i32
      %dma_wait3A_124 = tpu.memref_slice %arg4[%dma_wait3A] : memref<10240xf32, #tpu.memory_space<vmem>> -> memref<128xf32, #tpu.memory_space<vmem>>
      %dma_wait3A_125 = arith.constant 0 : i32
      %dma_wait3A_126 = tpu.memref_slice %arg6[%run_scoped3A_94, %dma_wait3A_125] : memref<80x128xi32, #tpu.memory_space<vmem>> -> memref<1x128xi32, #tpu.memory_space<vmem>>
      %dma_wait3A_127 = tpu.memref_squeeze %dma_wait3A_126 : memref<1x128xi32, #tpu.memory_space<vmem>> -> memref<128xi32, #tpu.memory_space<vmem>>
      %dma_wait3A_128 = arith.constant 0 : i32
      %dma_wait3A_129 = tpu.memref_slice %arg8[%dma_wait3A_128] : memref<10240xf32, #tpu.memory_space<vmem_shared>> -> memref<10240xf32, #tpu.memory_space<vmem_shared>>
      tpu.wait_indirect_dma semaphore(%run_scoped3A_117 : memref<!tpu.dma_semaphore, #tpu.memory_space<semaphore_mem>>) src(%dma_wait3A_124 : memref<128xf32, #tpu.memory_space<vmem>>) dst(%dma_wait3A_129 : memref<10240xf32, #tpu.memory_space<vmem_shared>>)
      tpu.yield
    }) : () -> ()
    %run_scoped3A_95 = arith.constant 71 : i32
    "tpu.region"() ({
      %run_scoped3A_117 = tpu.sem_alloc : memref<!tpu.dma_semaphore, #tpu.memory_space<semaphore_mem>>
      %dma_start3A = arith.constant 9088 : i32
      %dma_start3A_118 = tpu.memref_slice %arg4[%dma_start3A] : memref<10240xf32, #tpu.memory_space<vmem>> -> memref<128xf32, #tpu.memory_space<vmem>>
      %dma_start3A_119 = arith.constant 0 : i32
      %dma_start3A_120 = tpu.memref_slice %arg6[%run_scoped3A_95, %dma_start3A_119] : memref<80x128xi32, #tpu.memory_space<vmem>> -> memref<1x128xi32, #tpu.memory_space<vmem>>
      %dma_start3A_121 = tpu.memref_squeeze %dma_start3A_120 : memref<1x128xi32, #tpu.memory_space<vmem>> -> memref<128xi32, #tpu.memory_space<vmem>>
      %dma_start3A_122 = arith.constant 0 : i32
      %dma_start3A_123 = tpu.memref_slice %arg8[%dma_start3A_122] : memref<10240xf32, #tpu.memory_space<vmem_shared>> -> memref<10240xf32, #tpu.memory_space<vmem_shared>>
      tpu.enqueue_indirect_dma source(%dma_start3A_118 : memref<128xf32, #tpu.memory_space<vmem>>) target(%dma_start3A_123 : memref<10240xf32, #tpu.memory_space<vmem_shared>>) offsets(%dma_start3A_121 : memref<128xi32, #tpu.memory_space<vmem>>) semaphore(%run_scoped3A_117 : memref<!tpu.dma_semaphore, #tpu.memory_space<semaphore_mem>>) {add = true}
      %dma_wait3A = arith.constant 9088 : i32
      %dma_wait3A_124 = tpu.memref_slice %arg4[%dma_wait3A] : memref<10240xf32, #tpu.memory_space<vmem>> -> memref<128xf32, #tpu.memory_space<vmem>>
      %dma_wait3A_125 = arith.constant 0 : i32
      %dma_wait3A_126 = tpu.memref_slice %arg6[%run_scoped3A_95, %dma_wait3A_125] : memref<80x128xi32, #tpu.memory_space<vmem>> -> memref<1x128xi32, #tpu.memory_space<vmem>>
      %dma_wait3A_127 = tpu.memref_squeeze %dma_wait3A_126 : memref<1x128xi32, #tpu.memory_space<vmem>> -> memref<128xi32, #tpu.memory_space<vmem>>
      %dma_wait3A_128 = arith.constant 0 : i32
      %dma_wait3A_129 = tpu.memref_slice %arg8[%dma_wait3A_128] : memref<10240xf32, #tpu.memory_space<vmem_shared>> -> memref<10240xf32, #tpu.memory_space<vmem_shared>>
      tpu.wait_indirect_dma semaphore(%run_scoped3A_117 : memref<!tpu.dma_semaphore, #tpu.memory_space<semaphore_mem>>) src(%dma_wait3A_124 : memref<128xf32, #tpu.memory_space<vmem>>) dst(%dma_wait3A_129 : memref<10240xf32, #tpu.memory_space<vmem_shared>>)
      tpu.yield
    }) : () -> ()
    %run_scoped3A_96 = arith.constant 72 : i32
    "tpu.region"() ({
      %run_scoped3A_117 = tpu.sem_alloc : memref<!tpu.dma_semaphore, #tpu.memory_space<semaphore_mem>>
      %dma_start3A = arith.constant 9216 : i32
      %dma_start3A_118 = tpu.memref_slice %arg4[%dma_start3A] : memref<10240xf32, #tpu.memory_space<vmem>> -> memref<128xf32, #tpu.memory_space<vmem>>
      %dma_start3A_119 = arith.constant 0 : i32
      %dma_start3A_120 = tpu.memref_slice %arg6[%run_scoped3A_96, %dma_start3A_119] : memref<80x128xi32, #tpu.memory_space<vmem>> -> memref<1x128xi32, #tpu.memory_space<vmem>>
      %dma_start3A_121 = tpu.memref_squeeze %dma_start3A_120 : memref<1x128xi32, #tpu.memory_space<vmem>> -> memref<128xi32, #tpu.memory_space<vmem>>
      %dma_start3A_122 = arith.constant 0 : i32
      %dma_start3A_123 = tpu.memref_slice %arg8[%dma_start3A_122] : memref<10240xf32, #tpu.memory_space<vmem_shared>> -> memref<10240xf32, #tpu.memory_space<vmem_shared>>
      tpu.enqueue_indirect_dma source(%dma_start3A_118 : memref<128xf32, #tpu.memory_space<vmem>>) target(%dma_start3A_123 : memref<10240xf32, #tpu.memory_space<vmem_shared>>) offsets(%dma_start3A_121 : memref<128xi32, #tpu.memory_space<vmem>>) semaphore(%run_scoped3A_117 : memref<!tpu.dma_semaphore, #tpu.memory_space<semaphore_mem>>) {add = true}
      %dma_wait3A = arith.constant 9216 : i32
      %dma_wait3A_124 = tpu.memref_slice %arg4[%dma_wait3A] : memref<10240xf32, #tpu.memory_space<vmem>> -> memref<128xf32, #tpu.memory_space<vmem>>
      %dma_wait3A_125 = arith.constant 0 : i32
      %dma_wait3A_126 = tpu.memref_slice %arg6[%run_scoped3A_96, %dma_wait3A_125] : memref<80x128xi32, #tpu.memory_space<vmem>> -> memref<1x128xi32, #tpu.memory_space<vmem>>
      %dma_wait3A_127 = tpu.memref_squeeze %dma_wait3A_126 : memref<1x128xi32, #tpu.memory_space<vmem>> -> memref<128xi32, #tpu.memory_space<vmem>>
      %dma_wait3A_128 = arith.constant 0 : i32
      %dma_wait3A_129 = tpu.memref_slice %arg8[%dma_wait3A_128] : memref<10240xf32, #tpu.memory_space<vmem_shared>> -> memref<10240xf32, #tpu.memory_space<vmem_shared>>
      tpu.wait_indirect_dma semaphore(%run_scoped3A_117 : memref<!tpu.dma_semaphore, #tpu.memory_space<semaphore_mem>>) src(%dma_wait3A_124 : memref<128xf32, #tpu.memory_space<vmem>>) dst(%dma_wait3A_129 : memref<10240xf32, #tpu.memory_space<vmem_shared>>)
      tpu.yield
    }) : () -> ()
    %run_scoped3A_97 = arith.constant 73 : i32
    "tpu.region"() ({
      %run_scoped3A_117 = tpu.sem_alloc : memref<!tpu.dma_semaphore, #tpu.memory_space<semaphore_mem>>
      %dma_start3A = arith.constant 9344 : i32
      %dma_start3A_118 = tpu.memref_slice %arg4[%dma_start3A] : memref<10240xf32, #tpu.memory_space<vmem>> -> memref<128xf32, #tpu.memory_space<vmem>>
      %dma_start3A_119 = arith.constant 0 : i32
      %dma_start3A_120 = tpu.memref_slice %arg6[%run_scoped3A_97, %dma_start3A_119] : memref<80x128xi32, #tpu.memory_space<vmem>> -> memref<1x128xi32, #tpu.memory_space<vmem>>
      %dma_start3A_121 = tpu.memref_squeeze %dma_start3A_120 : memref<1x128xi32, #tpu.memory_space<vmem>> -> memref<128xi32, #tpu.memory_space<vmem>>
      %dma_start3A_122 = arith.constant 0 : i32
      %dma_start3A_123 = tpu.memref_slice %arg8[%dma_start3A_122] : memref<10240xf32, #tpu.memory_space<vmem_shared>> -> memref<10240xf32, #tpu.memory_space<vmem_shared>>
      tpu.enqueue_indirect_dma source(%dma_start3A_118 : memref<128xf32, #tpu.memory_space<vmem>>) target(%dma_start3A_123 : memref<10240xf32, #tpu.memory_space<vmem_shared>>) offsets(%dma_start3A_121 : memref<128xi32, #tpu.memory_space<vmem>>) semaphore(%run_scoped3A_117 : memref<!tpu.dma_semaphore, #tpu.memory_space<semaphore_mem>>) {add = true}
      %dma_wait3A = arith.constant 9344 : i32
      %dma_wait3A_124 = tpu.memref_slice %arg4[%dma_wait3A] : memref<10240xf32, #tpu.memory_space<vmem>> -> memref<128xf32, #tpu.memory_space<vmem>>
      %dma_wait3A_125 = arith.constant 0 : i32
      %dma_wait3A_126 = tpu.memref_slice %arg6[%run_scoped3A_97, %dma_wait3A_125] : memref<80x128xi32, #tpu.memory_space<vmem>> -> memref<1x128xi32, #tpu.memory_space<vmem>>
      %dma_wait3A_127 = tpu.memref_squeeze %dma_wait3A_126 : memref<1x128xi32, #tpu.memory_space<vmem>> -> memref<128xi32, #tpu.memory_space<vmem>>
      %dma_wait3A_128 = arith.constant 0 : i32
      %dma_wait3A_129 = tpu.memref_slice %arg8[%dma_wait3A_128] : memref<10240xf32, #tpu.memory_space<vmem_shared>> -> memref<10240xf32, #tpu.memory_space<vmem_shared>>
      tpu.wait_indirect_dma semaphore(%run_scoped3A_117 : memref<!tpu.dma_semaphore, #tpu.memory_space<semaphore_mem>>) src(%dma_wait3A_124 : memref<128xf32, #tpu.memory_space<vmem>>) dst(%dma_wait3A_129 : memref<10240xf32, #tpu.memory_space<vmem_shared>>)
      tpu.yield
    }) : () -> ()
    %run_scoped3A_98 = arith.constant 74 : i32
    "tpu.region"() ({
      %run_scoped3A_117 = tpu.sem_alloc : memref<!tpu.dma_semaphore, #tpu.memory_space<semaphore_mem>>
      %dma_start3A = arith.constant 9472 : i32
      %dma_start3A_118 = tpu.memref_slice %arg4[%dma_start3A] : memref<10240xf32, #tpu.memory_space<vmem>> -> memref<128xf32, #tpu.memory_space<vmem>>
      %dma_start3A_119 = arith.constant 0 : i32
      %dma_start3A_120 = tpu.memref_slice %arg6[%run_scoped3A_98, %dma_start3A_119] : memref<80x128xi32, #tpu.memory_space<vmem>> -> memref<1x128xi32, #tpu.memory_space<vmem>>
      %dma_start3A_121 = tpu.memref_squeeze %dma_start3A_120 : memref<1x128xi32, #tpu.memory_space<vmem>> -> memref<128xi32, #tpu.memory_space<vmem>>
      %dma_start3A_122 = arith.constant 0 : i32
      %dma_start3A_123 = tpu.memref_slice %arg8[%dma_start3A_122] : memref<10240xf32, #tpu.memory_space<vmem_shared>> -> memref<10240xf32, #tpu.memory_space<vmem_shared>>
      tpu.enqueue_indirect_dma source(%dma_start3A_118 : memref<128xf32, #tpu.memory_space<vmem>>) target(%dma_start3A_123 : memref<10240xf32, #tpu.memory_space<vmem_shared>>) offsets(%dma_start3A_121 : memref<128xi32, #tpu.memory_space<vmem>>) semaphore(%run_scoped3A_117 : memref<!tpu.dma_semaphore, #tpu.memory_space<semaphore_mem>>) {add = true}
      %dma_wait3A = arith.constant 9472 : i32
      %dma_wait3A_124 = tpu.memref_slice %arg4[%dma_wait3A] : memref<10240xf32, #tpu.memory_space<vmem>> -> memref<128xf32, #tpu.memory_space<vmem>>
      %dma_wait3A_125 = arith.constant 0 : i32
      %dma_wait3A_126 = tpu.memref_slice %arg6[%run_scoped3A_98, %dma_wait3A_125] : memref<80x128xi32, #tpu.memory_space<vmem>> -> memref<1x128xi32, #tpu.memory_space<vmem>>
      %dma_wait3A_127 = tpu.memref_squeeze %dma_wait3A_126 : memref<1x128xi32, #tpu.memory_space<vmem>> -> memref<128xi32, #tpu.memory_space<vmem>>
      %dma_wait3A_128 = arith.constant 0 : i32
      %dma_wait3A_129 = tpu.memref_slice %arg8[%dma_wait3A_128] : memref<10240xf32, #tpu.memory_space<vmem_shared>> -> memref<10240xf32, #tpu.memory_space<vmem_shared>>
      tpu.wait_indirect_dma semaphore(%run_scoped3A_117 : memref<!tpu.dma_semaphore, #tpu.memory_space<semaphore_mem>>) src(%dma_wait3A_124 : memref<128xf32, #tpu.memory_space<vmem>>) dst(%dma_wait3A_129 : memref<10240xf32, #tpu.memory_space<vmem_shared>>)
      tpu.yield
    }) : () -> ()
    %run_scoped3A_99 = arith.constant 75 : i32
    "tpu.region"() ({
      %run_scoped3A_117 = tpu.sem_alloc : memref<!tpu.dma_semaphore, #tpu.memory_space<semaphore_mem>>
      %dma_start3A = arith.constant 9600 : i32
      %dma_start3A_118 = tpu.memref_slice %arg4[%dma_start3A] : memref<10240xf32, #tpu.memory_space<vmem>> -> memref<128xf32, #tpu.memory_space<vmem>>
      %dma_start3A_119 = arith.constant 0 : i32
      %dma_start3A_120 = tpu.memref_slice %arg6[%run_scoped3A_99, %dma_start3A_119] : memref<80x128xi32, #tpu.memory_space<vmem>> -> memref<1x128xi32, #tpu.memory_space<vmem>>
      %dma_start3A_121 = tpu.memref_squeeze %dma_start3A_120 : memref<1x128xi32, #tpu.memory_space<vmem>> -> memref<128xi32, #tpu.memory_space<vmem>>
      %dma_start3A_122 = arith.constant 0 : i32
      %dma_start3A_123 = tpu.memref_slice %arg8[%dma_start3A_122] : memref<10240xf32, #tpu.memory_space<vmem_shared>> -> memref<10240xf32, #tpu.memory_space<vmem_shared>>
      tpu.enqueue_indirect_dma source(%dma_start3A_118 : memref<128xf32, #tpu.memory_space<vmem>>) target(%dma_start3A_123 : memref<10240xf32, #tpu.memory_space<vmem_shared>>) offsets(%dma_start3A_121 : memref<128xi32, #tpu.memory_space<vmem>>) semaphore(%run_scoped3A_117 : memref<!tpu.dma_semaphore, #tpu.memory_space<semaphore_mem>>) {add = true}
      %dma_wait3A = arith.constant 9600 : i32
      %dma_wait3A_124 = tpu.memref_slice %arg4[%dma_wait3A] : memref<10240xf32, #tpu.memory_space<vmem>> -> memref<128xf32, #tpu.memory_space<vmem>>
      %dma_wait3A_125 = arith.constant 0 : i32
      %dma_wait3A_126 = tpu.memref_slice %arg6[%run_scoped3A_99, %dma_wait3A_125] : memref<80x128xi32, #tpu.memory_space<vmem>> -> memref<1x128xi32, #tpu.memory_space<vmem>>
      %dma_wait3A_127 = tpu.memref_squeeze %dma_wait3A_126 : memref<1x128xi32, #tpu.memory_space<vmem>> -> memref<128xi32, #tpu.memory_space<vmem>>
      %dma_wait3A_128 = arith.constant 0 : i32
      %dma_wait3A_129 = tpu.memref_slice %arg8[%dma_wait3A_128] : memref<10240xf32, #tpu.memory_space<vmem_shared>> -> memref<10240xf32, #tpu.memory_space<vmem_shared>>
      tpu.wait_indirect_dma semaphore(%run_scoped3A_117 : memref<!tpu.dma_semaphore, #tpu.memory_space<semaphore_mem>>) src(%dma_wait3A_124 : memref<128xf32, #tpu.memory_space<vmem>>) dst(%dma_wait3A_129 : memref<10240xf32, #tpu.memory_space<vmem_shared>>)
      tpu.yield
    }) : () -> ()
    %run_scoped3A_100 = arith.constant 76 : i32
    "tpu.region"() ({
      %run_scoped3A_117 = tpu.sem_alloc : memref<!tpu.dma_semaphore, #tpu.memory_space<semaphore_mem>>
      %dma_start3A = arith.constant 9728 : i32
      %dma_start3A_118 = tpu.memref_slice %arg4[%dma_start3A] : memref<10240xf32, #tpu.memory_space<vmem>> -> memref<128xf32, #tpu.memory_space<vmem>>
      %dma_start3A_119 = arith.constant 0 : i32
      %dma_start3A_120 = tpu.memref_slice %arg6[%run_scoped3A_100, %dma_start3A_119] : memref<80x128xi32, #tpu.memory_space<vmem>> -> memref<1x128xi32, #tpu.memory_space<vmem>>
      %dma_start3A_121 = tpu.memref_squeeze %dma_start3A_120 : memref<1x128xi32, #tpu.memory_space<vmem>> -> memref<128xi32, #tpu.memory_space<vmem>>
      %dma_start3A_122 = arith.constant 0 : i32
      %dma_start3A_123 = tpu.memref_slice %arg8[%dma_start3A_122] : memref<10240xf32, #tpu.memory_space<vmem_shared>> -> memref<10240xf32, #tpu.memory_space<vmem_shared>>
      tpu.enqueue_indirect_dma source(%dma_start3A_118 : memref<128xf32, #tpu.memory_space<vmem>>) target(%dma_start3A_123 : memref<10240xf32, #tpu.memory_space<vmem_shared>>) offsets(%dma_start3A_121 : memref<128xi32, #tpu.memory_space<vmem>>) semaphore(%run_scoped3A_117 : memref<!tpu.dma_semaphore, #tpu.memory_space<semaphore_mem>>) {add = true}
      %dma_wait3A = arith.constant 9728 : i32
      %dma_wait3A_124 = tpu.memref_slice %arg4[%dma_wait3A] : memref<10240xf32, #tpu.memory_space<vmem>> -> memref<128xf32, #tpu.memory_space<vmem>>
      %dma_wait3A_125 = arith.constant 0 : i32
      %dma_wait3A_126 = tpu.memref_slice %arg6[%run_scoped3A_100, %dma_wait3A_125] : memref<80x128xi32, #tpu.memory_space<vmem>> -> memref<1x128xi32, #tpu.memory_space<vmem>>
      %dma_wait3A_127 = tpu.memref_squeeze %dma_wait3A_126 : memref<1x128xi32, #tpu.memory_space<vmem>> -> memref<128xi32, #tpu.memory_space<vmem>>
      %dma_wait3A_128 = arith.constant 0 : i32
      %dma_wait3A_129 = tpu.memref_slice %arg8[%dma_wait3A_128] : memref<10240xf32, #tpu.memory_space<vmem_shared>> -> memref<10240xf32, #tpu.memory_space<vmem_shared>>
      tpu.wait_indirect_dma semaphore(%run_scoped3A_117 : memref<!tpu.dma_semaphore, #tpu.memory_space<semaphore_mem>>) src(%dma_wait3A_124 : memref<128xf32, #tpu.memory_space<vmem>>) dst(%dma_wait3A_129 : memref<10240xf32, #tpu.memory_space<vmem_shared>>)
      tpu.yield
    }) : () -> ()
    %run_scoped3A_101 = arith.constant 77 : i32
    "tpu.region"() ({
      %run_scoped3A_117 = tpu.sem_alloc : memref<!tpu.dma_semaphore, #tpu.memory_space<semaphore_mem>>
      %dma_start3A = arith.constant 9856 : i32
      %dma_start3A_118 = tpu.memref_slice %arg4[%dma_start3A] : memref<10240xf32, #tpu.memory_space<vmem>> -> memref<128xf32, #tpu.memory_space<vmem>>
      %dma_start3A_119 = arith.constant 0 : i32
      %dma_start3A_120 = tpu.memref_slice %arg6[%run_scoped3A_101, %dma_start3A_119] : memref<80x128xi32, #tpu.memory_space<vmem>> -> memref<1x128xi32, #tpu.memory_space<vmem>>
      %dma_start3A_121 = tpu.memref_squeeze %dma_start3A_120 : memref<1x128xi32, #tpu.memory_space<vmem>> -> memref<128xi32, #tpu.memory_space<vmem>>
      %dma_start3A_122 = arith.constant 0 : i32
      %dma_start3A_123 = tpu.memref_slice %arg8[%dma_start3A_122] : memref<10240xf32, #tpu.memory_space<vmem_shared>> -> memref<10240xf32, #tpu.memory_space<vmem_shared>>
      tpu.enqueue_indirect_dma source(%dma_start3A_118 : memref<128xf32, #tpu.memory_space<vmem>>) target(%dma_start3A_123 : memref<10240xf32, #tpu.memory_space<vmem_shared>>) offsets(%dma_start3A_121 : memref<128xi32, #tpu.memory_space<vmem>>) semaphore(%run_scoped3A_117 : memref<!tpu.dma_semaphore, #tpu.memory_space<semaphore_mem>>) {add = true}
      %dma_wait3A = arith.constant 9856 : i32
      %dma_wait3A_124 = tpu.memref_slice %arg4[%dma_wait3A] : memref<10240xf32, #tpu.memory_space<vmem>> -> memref<128xf32, #tpu.memory_space<vmem>>
      %dma_wait3A_125 = arith.constant 0 : i32
      %dma_wait3A_126 = tpu.memref_slice %arg6[%run_scoped3A_101, %dma_wait3A_125] : memref<80x128xi32, #tpu.memory_space<vmem>> -> memref<1x128xi32, #tpu.memory_space<vmem>>
      %dma_wait3A_127 = tpu.memref_squeeze %dma_wait3A_126 : memref<1x128xi32, #tpu.memory_space<vmem>> -> memref<128xi32, #tpu.memory_space<vmem>>
      %dma_wait3A_128 = arith.constant 0 : i32
      %dma_wait3A_129 = tpu.memref_slice %arg8[%dma_wait3A_128] : memref<10240xf32, #tpu.memory_space<vmem_shared>> -> memref<10240xf32, #tpu.memory_space<vmem_shared>>
      tpu.wait_indirect_dma semaphore(%run_scoped3A_117 : memref<!tpu.dma_semaphore, #tpu.memory_space<semaphore_mem>>) src(%dma_wait3A_124 : memref<128xf32, #tpu.memory_space<vmem>>) dst(%dma_wait3A_129 : memref<10240xf32, #tpu.memory_space<vmem_shared>>)
      tpu.yield
    }) : () -> ()
    %run_scoped3A_102 = arith.constant 78 : i32
    "tpu.region"() ({
      %run_scoped3A_117 = tpu.sem_alloc : memref<!tpu.dma_semaphore, #tpu.memory_space<semaphore_mem>>
      %dma_start3A = arith.constant 9984 : i32
      %dma_start3A_118 = tpu.memref_slice %arg4[%dma_start3A] : memref<10240xf32, #tpu.memory_space<vmem>> -> memref<128xf32, #tpu.memory_space<vmem>>
      %dma_start3A_119 = arith.constant 0 : i32
      %dma_start3A_120 = tpu.memref_slice %arg6[%run_scoped3A_102, %dma_start3A_119] : memref<80x128xi32, #tpu.memory_space<vmem>> -> memref<1x128xi32, #tpu.memory_space<vmem>>
      %dma_start3A_121 = tpu.memref_squeeze %dma_start3A_120 : memref<1x128xi32, #tpu.memory_space<vmem>> -> memref<128xi32, #tpu.memory_space<vmem>>
      %dma_start3A_122 = arith.constant 0 : i32
      %dma_start3A_123 = tpu.memref_slice %arg8[%dma_start3A_122] : memref<10240xf32, #tpu.memory_space<vmem_shared>> -> memref<10240xf32, #tpu.memory_space<vmem_shared>>
      tpu.enqueue_indirect_dma source(%dma_start3A_118 : memref<128xf32, #tpu.memory_space<vmem>>) target(%dma_start3A_123 : memref<10240xf32, #tpu.memory_space<vmem_shared>>) offsets(%dma_start3A_121 : memref<128xi32, #tpu.memory_space<vmem>>) semaphore(%run_scoped3A_117 : memref<!tpu.dma_semaphore, #tpu.memory_space<semaphore_mem>>) {add = true}
      %dma_wait3A = arith.constant 9984 : i32
      %dma_wait3A_124 = tpu.memref_slice %arg4[%dma_wait3A] : memref<10240xf32, #tpu.memory_space<vmem>> -> memref<128xf32, #tpu.memory_space<vmem>>
      %dma_wait3A_125 = arith.constant 0 : i32
      %dma_wait3A_126 = tpu.memref_slice %arg6[%run_scoped3A_102, %dma_wait3A_125] : memref<80x128xi32, #tpu.memory_space<vmem>> -> memref<1x128xi32, #tpu.memory_space<vmem>>
      %dma_wait3A_127 = tpu.memref_squeeze %dma_wait3A_126 : memref<1x128xi32, #tpu.memory_space<vmem>> -> memref<128xi32, #tpu.memory_space<vmem>>
      %dma_wait3A_128 = arith.constant 0 : i32
      %dma_wait3A_129 = tpu.memref_slice %arg8[%dma_wait3A_128] : memref<10240xf32, #tpu.memory_space<vmem_shared>> -> memref<10240xf32, #tpu.memory_space<vmem_shared>>
      tpu.wait_indirect_dma semaphore(%run_scoped3A_117 : memref<!tpu.dma_semaphore, #tpu.memory_space<semaphore_mem>>) src(%dma_wait3A_124 : memref<128xf32, #tpu.memory_space<vmem>>) dst(%dma_wait3A_129 : memref<10240xf32, #tpu.memory_space<vmem_shared>>)
      tpu.yield
    }) : () -> ()
    %run_scoped3A_103 = arith.constant 79 : i32
    "tpu.region"() ({
      %run_scoped3A_117 = tpu.sem_alloc : memref<!tpu.dma_semaphore, #tpu.memory_space<semaphore_mem>>
      %dma_start3A = arith.constant 10112 : i32
      %dma_start3A_118 = tpu.memref_slice %arg4[%dma_start3A] : memref<10240xf32, #tpu.memory_space<vmem>> -> memref<128xf32, #tpu.memory_space<vmem>>
      %dma_start3A_119 = arith.constant 0 : i32
      %dma_start3A_120 = tpu.memref_slice %arg6[%run_scoped3A_103, %dma_start3A_119] : memref<80x128xi32, #tpu.memory_space<vmem>> -> memref<1x128xi32, #tpu.memory_space<vmem>>
      %dma_start3A_121 = tpu.memref_squeeze %dma_start3A_120 : memref<1x128xi32, #tpu.memory_space<vmem>> -> memref<128xi32, #tpu.memory_space<vmem>>
      %dma_start3A_122 = arith.constant 0 : i32
      %dma_start3A_123 = tpu.memref_slice %arg8[%dma_start3A_122] : memref<10240xf32, #tpu.memory_space<vmem_shared>> -> memref<10240xf32, #tpu.memory_space<vmem_shared>>
      tpu.enqueue_indirect_dma source(%dma_start3A_118 : memref<128xf32, #tpu.memory_space<vmem>>) target(%dma_start3A_123 : memref<10240xf32, #tpu.memory_space<vmem_shared>>) offsets(%dma_start3A_121 : memref<128xi32, #tpu.memory_space<vmem>>) semaphore(%run_scoped3A_117 : memref<!tpu.dma_semaphore, #tpu.memory_space<semaphore_mem>>) {add = true}
      %dma_wait3A = arith.constant 10112 : i32
      %dma_wait3A_124 = tpu.memref_slice %arg4[%dma_wait3A] : memref<10240xf32, #tpu.memory_space<vmem>> -> memref<128xf32, #tpu.memory_space<vmem>>
      %dma_wait3A_125 = arith.constant 0 : i32
      %dma_wait3A_126 = tpu.memref_slice %arg6[%run_scoped3A_103, %dma_wait3A_125] : memref<80x128xi32, #tpu.memory_space<vmem>> -> memref<1x128xi32, #tpu.memory_space<vmem>>
      %dma_wait3A_127 = tpu.memref_squeeze %dma_wait3A_126 : memref<1x128xi32, #tpu.memory_space<vmem>> -> memref<128xi32, #tpu.memory_space<vmem>>
      %dma_wait3A_128 = arith.constant 0 : i32
      %dma_wait3A_129 = tpu.memref_slice %arg8[%dma_wait3A_128] : memref<10240xf32, #tpu.memory_space<vmem_shared>> -> memref<10240xf32, #tpu.memory_space<vmem_shared>>
      tpu.wait_indirect_dma semaphore(%run_scoped3A_117 : memref<!tpu.dma_semaphore, #tpu.memory_space<semaphore_mem>>) src(%dma_wait3A_124 : memref<128xf32, #tpu.memory_space<vmem>>) dst(%dma_wait3A_129 : memref<10240xf32, #tpu.memory_space<vmem_shared>>)
      tpu.yield
    }) : () -> ()
    %barrier3A_104 = arith.constant 0 : index
    tpu.barrier barrier_id(%barrier3A_104)
    %mul3A = arith.constant 16 : i32
    %mul3A_105 = arith.muli %arg0, %mul3A : i32
    %add3A = arith.addi %mul3A_105, %arg1 : i32
    %mul3A_106 = arith.constant 320 : i32
    %mul3A_107 = arith.muli %add3A, %mul3A_106 : i32
    "tpu.region"() ({
      %run_scoped3A_117 = tpu.sem_alloc : memref<!tpu.dma_semaphore, #tpu.memory_space<semaphore_mem>>
      %dma_start3A = tpu.memref_slice %arg8[%mul3A_107] : memref<10240xf32, #tpu.memory_space<vmem_shared>> -> memref<320xf32, #tpu.memory_space<vmem_shared>>
      %dma_start3A_118 = tpu.memref_slice %arg8[%mul3A_107] : memref<10240xf32, #tpu.memory_space<vmem_shared>> -> memref<320xf32, #tpu.memory_space<vmem_shared>>
      tpu.enqueue_dma source(%dma_start3A_118 : memref<320xf32, #tpu.memory_space<vmem_shared>>) target(%arg7 : memref<320xf32, #tpu.memory_space<vmem>>) target_semaphore(%run_scoped3A_117 : memref<!tpu.dma_semaphore, #tpu.memory_space<semaphore_mem>>)
      %dma_wait3A = tpu.memref_slice %arg8[%mul3A_107] : memref<10240xf32, #tpu.memory_space<vmem_shared>> -> memref<320xf32, #tpu.memory_space<vmem_shared>>
      %dma_wait3A_119 = tpu.memref_slice %arg8[%mul3A_107] : memref<10240xf32, #tpu.memory_space<vmem_shared>> -> memref<320xf32, #tpu.memory_space<vmem_shared>>
      tpu.wait_dma2 semaphore(%run_scoped3A_117 : memref<!tpu.dma_semaphore, #tpu.memory_space<semaphore_mem>>) src(%dma_wait3A_119 : memref<320xf32, #tpu.memory_space<vmem_shared>>) dst(%arg7 : memref<320xf32, #tpu.memory_space<vmem>>)
      tpu.yield
    }) : () -> ()
    %scan3A_108 = arith.constant 0 : i32
    %scan3A_109 = arith.constant 0 : i32
    %scan3A_110 = arith.constant 20 : i32
    %scan3A_111 = arith.addi %scan3A_109, %scan3A_110 : i32
    %scan3A_112 = arith.constant 1 : i32
    %scan3A_113 = scf.for %scan3A_117 = %scan3A_109 to %scan3A_111 step %scan3A_112 iter_args(%scan3A_118 = %scan3A_108) -> (i32)  : i32 {
      %mul3A_119 = arith.constant 16 : i32
      %mul3A_120 = arith.muli %scan3A_117, %mul3A_119 : i32
      %get3A = arith.index_cast %mul3A_120 : i32 to index
      %get3A_121 = tpu.vector_load %arg7[%get3A] {strides = array<i32>} : memref<320xf32, #tpu.memory_space<vmem>>, vector<16xf32>,
      %add3A_122 = arith.constant 1.000000e+00 : f32
      %add3A_123 = vector.broadcast %add3A_122 : f32 to vector<16xf32>
      %add3A_124 = arith.addf %get3A_121, %add3A_123 : vector<16xf32>
      %bitcast3A = vector.bitcast %add3A_124 : vector<16xf32> to vector<16xi32>
      %shift_right_logical3A = arith.constant 1 : i32
      %shift_right_logical3A_125 = vector.broadcast %shift_right_logical3A : i32 to vector<16xi32>
      %shift_right_logical3A_126 = arith.shrui %bitcast3A, %shift_right_logical3A_125 : vector<16xi32>
      %sub3A = arith.constant 1597463007 : i32
      %sub3A_127 = vector.broadcast %sub3A : i32 to vector<16xi32>
      %sub3A_128 = arith.subi %sub3A_127, %shift_right_logical3A_126 : vector<16xi32>
      %bitcast3A_129 = vector.bitcast %sub3A_128 : vector<16xi32> to vector<16xf32>
      %mul3A_130 = arith.constant 5.000000e-01 : f32
      %mul3A_131 = vector.broadcast %mul3A_130 : f32 to vector<16xf32>
      %mul3A_132 = arith.mulf %mul3A_131, %add3A_124 : vector<16xf32>
      %mul3A_133 = arith.mulf %mul3A_132, %bitcast3A_129 : vector<16xf32>
      %mul3A_134 = arith.mulf %mul3A_133, %bitcast3A_129 : vector<16xf32>
      %sub3A_135 = arith.constant 1.500000e+00 : f32
      %sub3A_136 = vector.broadcast %sub3A_135 : f32 to vector<16xf32>
      %sub3A_137 = arith.subf %sub3A_136, %mul3A_134 : vector<16xf32>
      %mul3A_138 = arith.mulf %bitcast3A_129, %sub3A_137 : vector<16xf32>
      %mul3A_139 = arith.constant 5.000000e-01 : f32
      %mul3A_140 = vector.broadcast %mul3A_139 : f32 to vector<16xf32>
      %mul3A_141 = arith.mulf %mul3A_140, %add3A_124 : vector<16xf32>
      %mul3A_142 = arith.mulf %mul3A_141, %mul3A_138 : vector<16xf32>
      %mul3A_143 = arith.mulf %mul3A_142, %mul3A_138 : vector<16xf32>
      %sub3A_144 = arith.constant 1.500000e+00 : f32
      %sub3A_145 = vector.broadcast %sub3A_144 : f32 to vector<16xf32>
      %sub3A_146 = arith.subf %sub3A_145, %mul3A_143 : vector<16xf32>
      %mul3A_147 = arith.mulf %mul3A_138, %sub3A_146 : vector<16xf32>
      %mul3A_148 = arith.constant 5.000000e-01 : f32
      %mul3A_149 = vector.broadcast %mul3A_148 : f32 to vector<16xf32>
      %mul3A_150 = arith.mulf %mul3A_149, %add3A_124 : vector<16xf32>
      %mul3A_151 = arith.mulf %mul3A_150, %mul3A_147 : vector<16xf32>
      %mul3A_152 = arith.mulf %mul3A_151, %mul3A_147 : vector<16xf32>
      %sub3A_153 = arith.constant 1.500000e+00 : f32
      %sub3A_154 = vector.broadcast %sub3A_153 : f32 to vector<16xf32>
      %sub3A_155 = arith.subf %sub3A_154, %mul3A_152 : vector<16xf32>
      %mul3A_156 = arith.mulf %mul3A_147, %sub3A_155 : vector<16xf32>
      %mul3A_157 = arith.constant 5.000000e-01 : f32
      %mul3A_158 = vector.broadcast %mul3A_157 : f32 to vector<16xf32>
      %mul3A_159 = arith.mulf %mul3A_158, %add3A_124 : vector<16xf32>
      %mul3A_160 = arith.mulf %mul3A_159, %mul3A_156 : vector<16xf32>
      %mul3A_161 = arith.mulf %mul3A_160, %mul3A_156 : vector<16xf32>
      %sub3A_162 = arith.constant 1.500000e+00 : f32
      %sub3A_163 = vector.broadcast %sub3A_162 : f32 to vector<16xf32>
      %sub3A_164 = arith.subf %sub3A_163, %mul3A_161 : vector<16xf32>
      %mul3A_165 = arith.mulf %mul3A_156, %sub3A_164 : vector<16xf32>
      %mul3A_166 = arith.constant 16 : i32
      %mul3A_167 = arith.muli %scan3A_117, %mul3A_166 : i32
      %swap3A = arith.index_cast %mul3A_167 : i32 to index
      %swap3A_168 = tpu.vector_load %arg7[%swap3A] {strides = array<i32>} : memref<320xf32, #tpu.memory_space<vmem>>, vector<16xf32>,
      tpu.vector_store %arg7[%swap3A], %mul3A_165 {strides = array<i32>} : memref<320xf32, #tpu.memory_space<vmem>>, vector<16xf32>,
      %scan3A_169 = arith.constant 0 : i32
      scf.yield %scan3A_169 : i32
    }
    %scan3A_114 = arith.constant 20 : i32
    %mul3A_115 = arith.constant 320 : i32
    %mul3A_116 = arith.muli %add3A, %mul3A_115 : i32
    "tpu.region"() ({
      %run_scoped3A_117 = tpu.sem_alloc : memref<!tpu.dma_semaphore, #tpu.memory_space<semaphore_mem>>
      %dma_start3A = tpu.memref_slice %arg3[%mul3A_116] : memref<10240xf32, #tpu.memory_space<hbm>> -> memref<320xf32, #tpu.memory_space<hbm>>
      %dma_start3A_118 = tpu.memref_slice %arg3[%mul3A_116] : memref<10240xf32, #tpu.memory_space<hbm>> -> memref<320xf32, #tpu.memory_space<hbm>>
      tpu.enqueue_dma source(%arg7 : memref<320xf32, #tpu.memory_space<vmem>>) target(%dma_start3A_118 : memref<320xf32, #tpu.memory_space<hbm>>) target_semaphore(%run_scoped3A_117 : memref<!tpu.dma_semaphore, #tpu.memory_space<semaphore_mem>>)
      %dma_wait3A = tpu.memref_slice %arg3[%mul3A_116] : memref<10240xf32, #tpu.memory_space<hbm>> -> memref<320xf32, #tpu.memory_space<hbm>>
      %dma_wait3A_119 = tpu.memref_slice %arg3[%mul3A_116] : memref<10240xf32, #tpu.memory_space<hbm>> -> memref<320xf32, #tpu.memory_space<hbm>>
      tpu.wait_dma2 semaphore(%run_scoped3A_117 : memref<!tpu.dma_semaphore, #tpu.memory_space<semaphore_mem>>) src(%arg7 : memref<320xf32, #tpu.memory_space<vmem>>) dst(%dma_wait3A_119 : memref<320xf32, #tpu.memory_space<hbm>>)
      tpu.yield
    }) : () -> ()
    return
  }
}

#map = affine_map<(d0, d1) -> (0, 0)>
#map1 = affine_map<(d0, d1) -> (0)>
module attributes {stable_mosaic.version = 14 : i64} {
  func.func @agg(%arg0: i32, %arg1: i32, %arg2: memref<10240x128xf32, #tpu.memory_space<hbm>>, %arg3: memref<327680xi32, #tpu.memory_space<hbm>>, %arg4: memref<327680xi32, #tpu.memory_space<hbm>>, %arg5: memref<20480x128xf32, #tpu.memory_space<hbm>>, %arg6: memref<16640xi32, #tpu.memory_space<vmem>>, %arg7: memref<80xi32, #tpu.memory_space<vmem>>, %arg8: memref<80xi32, #tpu.memory_space<vmem>>, %arg9: memref<80x128xf32, #tpu.memory_space<vmem>>, %arg10: memref<80x128xf32, #tpu.memory_space<vmem>>, %arg11: memref<10240x128xf32, #tpu.memory_space<vmem_shared>>, %arg12: memref<!tpu.dma_semaphore, #tpu.memory_space<semaphore_mem>>, %arg13: memref<!tpu.dma_semaphore, #tpu.memory_space<semaphore_mem>>, %arg14: memref<!tpu.dma_semaphore, #tpu.memory_space<semaphore_mem>>, %arg15: memref<!tpu.dma_semaphore, #tpu.memory_space<semaphore_mem>>) attributes {dimension_semantics = [#tpu.dimension_semantics<core_parallel>, #tpu.dimension_semantics<subcore_parallel>], iteration_bounds = array<i64: 2, 16>, scalar_prefetch = 0 : i64, scratch_operands = 10 : i64, tpu.core_type = #tpu.core_type<sc_vector_subcore>, window_params = [{transform_indices = #map}, {transform_indices = #map1}, {transform_indices = #map1}, {transform_indices = #map}]} {
    %broadcast_in_dim3A = arith.constant 0.000000e+00 : f32
    %broadcast_in_dim3A_0 = vector.broadcast %broadcast_in_dim3A : f32 to vector<16xf32>
    %scan3A = arith.constant 0 : i32
    %scan3A_1 = arith.constant 0 : i32
    %scan3A_2 = arith.constant 640 : i32
    %scan3A_3 = arith.addi %scan3A_1, %scan3A_2 : i32
    %scan3A_4 = arith.constant 1 : i32
    %scan3A_5 = scf.for %scan3A_27 = %scan3A_1 to %scan3A_3 step %scan3A_4 iter_args(%scan3A_28 = %scan3A) -> (i32)  : i32 {
      %shift_right_arithmetic3A = arith.constant 3 : i32
      %shift_right_arithmetic3A_29 = arith.shrsi %scan3A_27, %shift_right_arithmetic3A : i32
      %and3A = arith.constant 7 : i32
      %and3A_30 = arith.andi %scan3A_27, %and3A : i32
      %mul3A_31 = arith.constant 16 : i32
      %mul3A_32 = arith.muli %and3A_30, %mul3A_31 : i32
      %swap3A = arith.index_cast %shift_right_arithmetic3A_29 : i32 to index
      %swap3A_33 = arith.index_cast %mul3A_32 : i32 to index
      %swap3A_34 = tpu.vector_load %arg9[%swap3A, %swap3A_33] {strides = array<i32>} : memref<80x128xf32, #tpu.memory_space<vmem>>, vector<16xf32>,
      tpu.vector_store %arg9[%swap3A, %swap3A_33], %broadcast_in_dim3A_0 {strides = array<i32>} : memref<80x128xf32, #tpu.memory_space<vmem>>, vector<16xf32>,
      %scan3A_35 = arith.constant 0 : i32
      scf.yield %scan3A_35 : i32
    }
    %scan3A_6 = arith.constant 640 : i32
    %scan3A_7 = arith.constant 0 : i32
    %scan3A_8 = arith.constant 0 : i32
    %scan3A_9 = arith.constant 8 : i32
    %scan3A_10 = arith.addi %scan3A_8, %scan3A_9 : i32
    %scan3A_11 = arith.constant 1 : i32
    %scan3A_12 = scf.for %scan3A_27 = %scan3A_8 to %scan3A_10 step %scan3A_11 iter_args(%scan3A_28 = %scan3A_7) -> (i32)  : i32 {
      %mul3A_29 = arith.constant 640 : i32
      %mul3A_30 = arith.muli %arg1, %mul3A_29 : i32
      %mul3A_31 = arith.constant 80 : i32
      %mul3A_32 = arith.muli %scan3A_27, %mul3A_31 : i32
      %add3A_33 = arith.addi %mul3A_30, %mul3A_32 : i32
      "tpu.region"() ({
        %run_scoped3A = tpu.sem_alloc : memref<!tpu.dma_semaphore, #tpu.memory_space<semaphore_mem>>
        %dma_start3A = arith.constant 0 : i32
        %dma_start3A_35 = tpu.memref_slice %arg11[%add3A_33, %dma_start3A] : memref<10240x128xf32, #tpu.memory_space<vmem_shared>> -> memref<80x128xf32, #tpu.memory_space<vmem_shared>>
        %dma_start3A_36 = arith.constant 0 : i32
        %dma_start3A_37 = tpu.memref_slice %arg11[%add3A_33, %dma_start3A_36] : memref<10240x128xf32, #tpu.memory_space<vmem_shared>> -> memref<80x128xf32, #tpu.memory_space<vmem_shared>>
        tpu.enqueue_dma source(%arg9 : memref<80x128xf32, #tpu.memory_space<vmem>>) target(%dma_start3A_37 : memref<80x128xf32, #tpu.memory_space<vmem_shared>>) target_semaphore(%run_scoped3A : memref<!tpu.dma_semaphore, #tpu.memory_space<semaphore_mem>>)
        %dma_wait3A = arith.constant 0 : i32
        %dma_wait3A_38 = tpu.memref_slice %arg11[%add3A_33, %dma_wait3A] : memref<10240x128xf32, #tpu.memory_space<vmem_shared>> -> memref<80x128xf32, #tpu.memory_space<vmem_shared>>
        %dma_wait3A_39 = arith.constant 0 : i32
        %dma_wait3A_40 = tpu.memref_slice %arg11[%add3A_33, %dma_wait3A_39] : memref<10240x128xf32, #tpu.memory_space<vmem_shared>> -> memref<80x128xf32, #tpu.memory_space<vmem_shared>>
        tpu.wait_dma2 semaphore(%run_scoped3A : memref<!tpu.dma_semaphore, #tpu.memory_space<semaphore_mem>>) src(%arg9 : memref<80x128xf32, #tpu.memory_space<vmem>>) dst(%dma_wait3A_40 : memref<80x128xf32, #tpu.memory_space<vmem_shared>>)
        tpu.yield
      }) : () -> ()
      %scan3A_34 = arith.constant 0 : i32
      scf.yield %scan3A_34 : i32
    }
    %scan3A_13 = arith.constant 8 : i32
    %barrier3A = arith.constant 0 : index
    tpu.barrier barrier_id(%barrier3A)
    %eq3A = arith.constant 0 : i32
    %eq3A_14 = arith.cmpi eq, %arg0, %eq3A : i32
    %convert_element_type3A = arith.extui %eq3A_14 : i1 to i32
    %cond3A = arith.constant 0 : i32
    %cond3A_15 = arith.cmpi ne, %convert_element_type3A, %cond3A : i32
    scf.if %cond3A_15 {
      %mul3A_27 = arith.constant 20480 : i32
      %mul3A_28 = arith.muli %arg1, %mul3A_27 : i32
      "tpu.region"() ({
        %run_scoped3A = tpu.sem_alloc : memref<!tpu.dma_semaphore, #tpu.memory_space<semaphore_mem>>
        %dma_start3A_53 = arith.constant 0 : i32
        %dma_start3A_54 = tpu.memref_slice %arg6[%dma_start3A_53] : memref<16640xi32, #tpu.memory_space<vmem>> -> memref<16640xi32, #tpu.memory_space<vmem>>
        %dma_start3A_55 = tpu.memref_slice %arg3[%mul3A_28] : memref<327680xi32, #tpu.memory_space<hbm>> -> memref<16640xi32, #tpu.memory_space<hbm>>
        %dma_start3A_56 = arith.constant 0 : i32
        %dma_start3A_57 = tpu.memref_slice %arg6[%dma_start3A_56] : memref<16640xi32, #tpu.memory_space<vmem>> -> memref<16640xi32, #tpu.memory_space<vmem>>
        %dma_start3A_58 = tpu.memref_slice %arg3[%mul3A_28] : memref<327680xi32, #tpu.memory_space<hbm>> -> memref<16640xi32, #tpu.memory_space<hbm>>
        tpu.enqueue_dma source(%dma_start3A_58 : memref<16640xi32, #tpu.memory_space<hbm>>) target(%dma_start3A_57 : memref<16640xi32, #tpu.memory_space<vmem>>) target_semaphore(%run_scoped3A : memref<!tpu.dma_semaphore, #tpu.memory_space<semaphore_mem>>)
        %dma_wait3A = arith.constant 0 : i32
        %dma_wait3A_59 = tpu.memref_slice %arg6[%dma_wait3A] : memref<16640xi32, #tpu.memory_space<vmem>> -> memref<16640xi32, #tpu.memory_space<vmem>>
        %dma_wait3A_60 = tpu.memref_slice %arg3[%mul3A_28] : memref<327680xi32, #tpu.memory_space<hbm>> -> memref<16640xi32, #tpu.memory_space<hbm>>
        %dma_wait3A_61 = arith.constant 0 : i32
        %dma_wait3A_62 = tpu.memref_slice %arg6[%dma_wait3A_61] : memref<16640xi32, #tpu.memory_space<vmem>> -> memref<16640xi32, #tpu.memory_space<vmem>>
        %dma_wait3A_63 = tpu.memref_slice %arg3[%mul3A_28] : memref<327680xi32, #tpu.memory_space<hbm>> -> memref<16640xi32, #tpu.memory_space<hbm>>
        tpu.wait_dma2 semaphore(%run_scoped3A : memref<!tpu.dma_semaphore, #tpu.memory_space<semaphore_mem>>) src(%dma_wait3A_63 : memref<16640xi32, #tpu.memory_space<hbm>>) dst(%dma_wait3A_62 : memref<16640xi32, #tpu.memory_space<vmem>>)
        tpu.yield
      }) : () -> ()
      %add3A_29 = arith.constant 0 : i32
      %add3A_30 = arith.addi %mul3A_28, %add3A_29 : i32
      %dma_start3A = tpu.memref_slice %arg4[%add3A_30] : memref<327680xi32, #tpu.memory_space<hbm>> -> memref<80xi32, #tpu.memory_space<hbm>>
      %dma_start3A_31 = tpu.memref_slice %arg4[%add3A_30] : memref<327680xi32, #tpu.memory_space<hbm>> -> memref<80xi32, #tpu.memory_space<hbm>>
      tpu.enqueue_dma source(%dma_start3A_31 : memref<80xi32, #tpu.memory_space<hbm>>) target(%arg7 : memref<80xi32, #tpu.memory_space<vmem>>) target_semaphore(%arg12 : memref<!tpu.dma_semaphore, #tpu.memory_space<semaphore_mem>>)
      %dma_start3A_32 = arith.constant 0 : i32
      %dma_start3A_33 = tpu.memref_slice %arg6[%dma_start3A_32] : memref<16640xi32, #tpu.memory_space<vmem>> -> memref<80xi32, #tpu.memory_space<vmem>>
      %dma_start3A_34 = arith.constant 0 : i32
      %dma_start3A_35 = arith.constant 0 : i32
      %dma_start3A_36 = tpu.memref_slice %arg2[%dma_start3A_34, %dma_start3A_35] : memref<10240x128xf32, #tpu.memory_space<hbm>> -> memref<10240x128xf32, #tpu.memory_space<hbm>>
      tpu.enqueue_indirect_dma source(%dma_start3A_36 : memref<10240x128xf32, #tpu.memory_space<hbm>>) target(%arg9 : memref<80x128xf32, #tpu.memory_space<vmem>>) offsets(%dma_start3A_33 : memref<80xi32, #tpu.memory_space<vmem>>) semaphore(%arg14 : memref<!tpu.dma_semaphore, #tpu.memory_space<semaphore_mem>>)
      %add3A_37 = arith.constant 80 : i32
      %add3A_38 = arith.addi %mul3A_28, %add3A_37 : i32
      %dma_start3A_39 = tpu.memref_slice %arg4[%add3A_38] : memref<327680xi32, #tpu.memory_space<hbm>> -> memref<80xi32, #tpu.memory_space<hbm>>
      %dma_start3A_40 = tpu.memref_slice %arg4[%add3A_38] : memref<327680xi32, #tpu.memory_space<hbm>> -> memref<80xi32, #tpu.memory_space<hbm>>
      tpu.enqueue_dma source(%dma_start3A_40 : memref<80xi32, #tpu.memory_space<hbm>>) target(%arg8 : memref<80xi32, #tpu.memory_space<vmem>>) target_semaphore(%arg13 : memref<!tpu.dma_semaphore, #tpu.memory_space<semaphore_mem>>)
      %dma_start3A_41 = arith.constant 80 : i32
      %dma_start3A_42 = tpu.memref_slice %arg6[%dma_start3A_41] : memref<16640xi32, #tpu.memory_space<vmem>> -> memref<80xi32, #tpu.memory_space<vmem>>
      %dma_start3A_43 = arith.constant 0 : i32
      %dma_start3A_44 = arith.constant 0 : i32
      %dma_start3A_45 = tpu.memref_slice %arg2[%dma_start3A_43, %dma_start3A_44] : memref<10240x128xf32, #tpu.memory_space<hbm>> -> memref<10240x128xf32, #tpu.memory_space<hbm>>
      tpu.enqueue_indirect_dma source(%dma_start3A_45 : memref<10240x128xf32, #tpu.memory_space<hbm>>) target(%arg10 : memref<80x128xf32, #tpu.memory_space<vmem>>) offsets(%dma_start3A_42 : memref<80xi32, #tpu.memory_space<vmem>>) semaphore(%arg15 : memref<!tpu.dma_semaphore, #tpu.memory_space<semaphore_mem>>)
      %scan3A_46 = arith.constant 0 : i32
      %scan3A_47 = arith.constant 0 : i32
      %scan3A_48 = arith.constant 104 : i32
      %scan3A_49 = arith.addi %scan3A_47, %scan3A_48 : i32
      %scan3A_50 = arith.constant 1 : i32
      %scan3A_51 = scf.for %scan3A_53 = %scan3A_47 to %scan3A_49 step %scan3A_50 iter_args(%scan3A_54 = %scan3A_46) -> (i32)  : i32 {
        %mul3A_55 = arith.constant 2 : i32
        %mul3A_56 = arith.muli %mul3A_55, %scan3A_53 : i32
        %add3A_57 = arith.constant 0 : i32
        %add3A_58 = arith.addi %mul3A_56, %add3A_57 : i32
        %mul3A_59 = arith.constant 80 : i32
        %mul3A_60 = arith.muli %add3A_58, %mul3A_59 : i32
        %add3A_61 = arith.addi %mul3A_28, %mul3A_60 : i32
        %dma_wait3A = tpu.memref_slice %arg4[%add3A_61] : memref<327680xi32, #tpu.memory_space<hbm>> -> memref<80xi32, #tpu.memory_space<hbm>>
        %dma_wait3A_62 = tpu.memref_slice %arg4[%add3A_61] : memref<327680xi32, #tpu.memory_space<hbm>> -> memref<80xi32, #tpu.memory_space<hbm>>
        tpu.wait_dma2 semaphore(%arg12 : memref<!tpu.dma_semaphore, #tpu.memory_space<semaphore_mem>>) src(%dma_wait3A_62 : memref<80xi32, #tpu.memory_space<hbm>>) dst(%arg7 : memref<80xi32, #tpu.memory_space<vmem>>)
        %mul3A_63 = arith.constant 80 : i32
        %mul3A_64 = arith.muli %add3A_58, %mul3A_63 : i32
        %dma_wait3A_65 = tpu.memref_slice %arg6[%mul3A_64] : memref<16640xi32, #tpu.memory_space<vmem>> -> memref<80xi32, #tpu.memory_space<vmem>>
        %dma_wait3A_66 = arith.constant 0 : i32
        %dma_wait3A_67 = arith.constant 0 : i32
        %dma_wait3A_68 = tpu.memref_slice %arg2[%dma_wait3A_66, %dma_wait3A_67] : memref<10240x128xf32, #tpu.memory_space<hbm>> -> memref<10240x128xf32, #tpu.memory_space<hbm>>
        tpu.wait_indirect_dma semaphore(%arg14 : memref<!tpu.dma_semaphore, #tpu.memory_space<semaphore_mem>>) src(%dma_wait3A_68 : memref<10240x128xf32, #tpu.memory_space<hbm>>) dst(%arg9 : memref<80x128xf32, #tpu.memory_space<vmem>>)
        "tpu.region"() ({
          %run_scoped3A = tpu.sem_alloc : memref<!tpu.dma_semaphore, #tpu.memory_space<semaphore_mem>>
          %dma_start3A_98 = arith.constant 0 : i32
          %dma_start3A_99 = arith.constant 0 : i32
          %dma_start3A_100 = tpu.memref_slice %arg11[%dma_start3A_98, %dma_start3A_99] : memref<10240x128xf32, #tpu.memory_space<vmem_shared>> -> memref<10240x128xf32, #tpu.memory_space<vmem_shared>>
          tpu.enqueue_indirect_dma source(%arg9 : memref<80x128xf32, #tpu.memory_space<vmem>>) target(%dma_start3A_100 : memref<10240x128xf32, #tpu.memory_space<vmem_shared>>) offsets(%arg7 : memref<80xi32, #tpu.memory_space<vmem>>) semaphore(%run_scoped3A : memref<!tpu.dma_semaphore, #tpu.memory_space<semaphore_mem>>) {add = true}
          %dma_wait3A_101 = arith.constant 0 : i32
          %dma_wait3A_102 = arith.constant 0 : i32
          %dma_wait3A_103 = tpu.memref_slice %arg11[%dma_wait3A_101, %dma_wait3A_102] : memref<10240x128xf32, #tpu.memory_space<vmem_shared>> -> memref<10240x128xf32, #tpu.memory_space<vmem_shared>>
          tpu.wait_indirect_dma semaphore(%run_scoped3A : memref<!tpu.dma_semaphore, #tpu.memory_space<semaphore_mem>>) src(%arg9 : memref<80x128xf32, #tpu.memory_space<vmem>>) dst(%dma_wait3A_103 : memref<10240x128xf32, #tpu.memory_space<vmem_shared>>)
          tpu.yield
        }) : () -> ()
        %add3A_69 = arith.constant 2 : i32
        %add3A_70 = arith.addi %add3A_58, %add3A_69 : i32
        %lt3A = arith.constant 208 : i32
        %lt3A_71 = arith.cmpi slt, %add3A_70, %lt3A : i32
        %convert_element_type3A_72 = arith.extui %lt3A_71 : i1 to i32
        %cond3A_73 = arith.constant 0 : i32
        %cond3A_74 = arith.cmpi ne, %convert_element_type3A_72, %cond3A_73 : i32
        scf.if %cond3A_74 {
          %add3A_98 = arith.constant 2 : i32
          %add3A_99 = arith.addi %add3A_58, %add3A_98 : i32
          %mul3A_100 = arith.constant 80 : i32
          %mul3A_101 = arith.muli %add3A_99, %mul3A_100 : i32
          %add3A_102 = arith.addi %mul3A_28, %mul3A_101 : i32
          %dma_start3A_103 = tpu.memref_slice %arg4[%add3A_102] : memref<327680xi32, #tpu.memory_space<hbm>> -> memref<80xi32, #tpu.memory_space<hbm>>
          %dma_start3A_104 = tpu.memref_slice %arg4[%add3A_102] : memref<327680xi32, #tpu.memory_space<hbm>> -> memref<80xi32, #tpu.memory_space<hbm>>
          tpu.enqueue_dma source(%dma_start3A_104 : memref<80xi32, #tpu.memory_space<hbm>>) target(%arg7 : memref<80xi32, #tpu.memory_space<vmem>>) target_semaphore(%arg12 : memref<!tpu.dma_semaphore, #tpu.memory_space<semaphore_mem>>)
          %add3A_105 = arith.constant 2 : i32
          %add3A_106 = arith.addi %add3A_58, %add3A_105 : i32
          %mul3A_107 = arith.constant 80 : i32
          %mul3A_108 = arith.muli %add3A_106, %mul3A_107 : i32
          %dma_start3A_109 = tpu.memref_slice %arg6[%mul3A_108] : memref<16640xi32, #tpu.memory_space<vmem>> -> memref<80xi32, #tpu.memory_space<vmem>>
          %dma_start3A_110 = arith.constant 0 : i32
          %dma_start3A_111 = arith.constant 0 : i32
          %dma_start3A_112 = tpu.memref_slice %arg2[%dma_start3A_110, %dma_start3A_111] : memref<10240x128xf32, #tpu.memory_space<hbm>> -> memref<10240x128xf32, #tpu.memory_space<hbm>>
          tpu.enqueue_indirect_dma source(%dma_start3A_112 : memref<10240x128xf32, #tpu.memory_space<hbm>>) target(%arg9 : memref<80x128xf32, #tpu.memory_space<vmem>>) offsets(%dma_start3A_109 : memref<80xi32, #tpu.memory_space<vmem>>) semaphore(%arg14 : memref<!tpu.dma_semaphore, #tpu.memory_space<semaphore_mem>>)
        } else {
        }
        %mul3A_75 = arith.constant 2 : i32
        %mul3A_76 = arith.muli %mul3A_75, %scan3A_53 : i32
        %add3A_77 = arith.constant 1 : i32
        %add3A_78 = arith.addi %mul3A_76, %add3A_77 : i32
        %mul3A_79 = arith.constant 80 : i32
        %mul3A_80 = arith.muli %add3A_78, %mul3A_79 : i32
        %add3A_81 = arith.addi %mul3A_28, %mul3A_80 : i32
        %dma_wait3A_82 = tpu.memref_slice %arg4[%add3A_81] : memref<327680xi32, #tpu.memory_space<hbm>> -> memref<80xi32, #tpu.memory_space<hbm>>
        %dma_wait3A_83 = tpu.memref_slice %arg4[%add3A_81] : memref<327680xi32, #tpu.memory_space<hbm>> -> memref<80xi32, #tpu.memory_space<hbm>>
        tpu.wait_dma2 semaphore(%arg13 : memref<!tpu.dma_semaphore, #tpu.memory_space<semaphore_mem>>) src(%dma_wait3A_83 : memref<80xi32, #tpu.memory_space<hbm>>) dst(%arg8 : memref<80xi32, #tpu.memory_space<vmem>>)
        %mul3A_84 = arith.constant 80 : i32
        %mul3A_85 = arith.muli %add3A_78, %mul3A_84 : i32
        %dma_wait3A_86 = tpu.memref_slice %arg6[%mul3A_85] : memref<16640xi32, #tpu.memory_space<vmem>> -> memref<80xi32, #tpu.memory_space<vmem>>
        %dma_wait3A_87 = arith.constant 0 : i32
        %dma_wait3A_88 = arith.constant 0 : i32
        %dma_wait3A_89 = tpu.memref_slice %arg2[%dma_wait3A_87, %dma_wait3A_88] : memref<10240x128xf32, #tpu.memory_space<hbm>> -> memref<10240x128xf32, #tpu.memory_space<hbm>>
        tpu.wait_indirect_dma semaphore(%arg15 : memref<!tpu.dma_semaphore, #tpu.memory_space<semaphore_mem>>) src(%dma_wait3A_89 : memref<10240x128xf32, #tpu.memory_space<hbm>>) dst(%arg10 : memref<80x128xf32, #tpu.memory_space<vmem>>)
        "tpu.region"() ({
          %run_scoped3A = tpu.sem_alloc : memref<!tpu.dma_semaphore, #tpu.memory_space<semaphore_mem>>
          %dma_start3A_98 = arith.constant 0 : i32
          %dma_start3A_99 = arith.constant 0 : i32
          %dma_start3A_100 = tpu.memref_slice %arg11[%dma_start3A_98, %dma_start3A_99] : memref<10240x128xf32, #tpu.memory_space<vmem_shared>> -> memref<10240x128xf32, #tpu.memory_space<vmem_shared>>
          tpu.enqueue_indirect_dma source(%arg10 : memref<80x128xf32, #tpu.memory_space<vmem>>) target(%dma_start3A_100 : memref<10240x128xf32, #tpu.memory_space<vmem_shared>>) offsets(%arg8 : memref<80xi32, #tpu.memory_space<vmem>>) semaphore(%run_scoped3A : memref<!tpu.dma_semaphore, #tpu.memory_space<semaphore_mem>>) {add = true}
          %dma_wait3A_101 = arith.constant 0 : i32
          %dma_wait3A_102 = arith.constant 0 : i32
          %dma_wait3A_103 = tpu.memref_slice %arg11[%dma_wait3A_101, %dma_wait3A_102] : memref<10240x128xf32, #tpu.memory_space<vmem_shared>> -> memref<10240x128xf32, #tpu.memory_space<vmem_shared>>
          tpu.wait_indirect_dma semaphore(%run_scoped3A : memref<!tpu.dma_semaphore, #tpu.memory_space<semaphore_mem>>) src(%arg10 : memref<80x128xf32, #tpu.memory_space<vmem>>) dst(%dma_wait3A_103 : memref<10240x128xf32, #tpu.memory_space<vmem_shared>>)
          tpu.yield
        }) : () -> ()
        %add3A_90 = arith.constant 2 : i32
        %add3A_91 = arith.addi %add3A_78, %add3A_90 : i32
        %lt3A_92 = arith.constant 208 : i32
        %lt3A_93 = arith.cmpi slt, %add3A_91, %lt3A_92 : i32
        %convert_element_type3A_94 = arith.extui %lt3A_93 : i1 to i32
        %cond3A_95 = arith.constant 0 : i32
        %cond3A_96 = arith.cmpi ne, %convert_element_type3A_94, %cond3A_95 : i32
        scf.if %cond3A_96 {
          %add3A_98 = arith.constant 2 : i32
          %add3A_99 = arith.addi %add3A_78, %add3A_98 : i32
          %mul3A_100 = arith.constant 80 : i32
          %mul3A_101 = arith.muli %add3A_99, %mul3A_100 : i32
          %add3A_102 = arith.addi %mul3A_28, %mul3A_101 : i32
          %dma_start3A_103 = tpu.memref_slice %arg4[%add3A_102] : memref<327680xi32, #tpu.memory_space<hbm>> -> memref<80xi32, #tpu.memory_space<hbm>>
          %dma_start3A_104 = tpu.memref_slice %arg4[%add3A_102] : memref<327680xi32, #tpu.memory_space<hbm>> -> memref<80xi32, #tpu.memory_space<hbm>>
          tpu.enqueue_dma source(%dma_start3A_104 : memref<80xi32, #tpu.memory_space<hbm>>) target(%arg8 : memref<80xi32, #tpu.memory_space<vmem>>) target_semaphore(%arg13 : memref<!tpu.dma_semaphore, #tpu.memory_space<semaphore_mem>>)
          %add3A_105 = arith.constant 2 : i32
          %add3A_106 = arith.addi %add3A_78, %add3A_105 : i32
          %mul3A_107 = arith.constant 80 : i32
          %mul3A_108 = arith.muli %add3A_106, %mul3A_107 : i32
          %dma_start3A_109 = tpu.memref_slice %arg6[%mul3A_108] : memref<16640xi32, #tpu.memory_space<vmem>> -> memref<80xi32, #tpu.memory_space<vmem>>
          %dma_start3A_110 = arith.constant 0 : i32
          %dma_start3A_111 = arith.constant 0 : i32
          %dma_start3A_112 = tpu.memref_slice %arg2[%dma_start3A_110, %dma_start3A_111] : memref<10240x128xf32, #tpu.memory_space<hbm>> -> memref<10240x128xf32, #tpu.memory_space<hbm>>
          tpu.enqueue_indirect_dma source(%dma_start3A_112 : memref<10240x128xf32, #tpu.memory_space<hbm>>) target(%arg10 : memref<80x128xf32, #tpu.memory_space<vmem>>) offsets(%dma_start3A_109 : memref<80xi32, #tpu.memory_space<vmem>>) semaphore(%arg15 : memref<!tpu.dma_semaphore, #tpu.memory_space<semaphore_mem>>)
        } else {
        }
        %scan3A_97 = arith.constant 0 : i32
        scf.yield %scan3A_97 : i32
      }
      %scan3A_52 = arith.constant 104 : i32
    } else {
    }
    %eq3A_16 = arith.constant 1 : i32
    %eq3A_17 = arith.cmpi eq, %arg0, %eq3A_16 : i32
    %convert_element_type3A_18 = arith.extui %eq3A_17 : i1 to i32
    %cond3A_19 = arith.constant 0 : i32
    %cond3A_20 = arith.cmpi ne, %convert_element_type3A_18, %cond3A_19 : i32
    scf.if %cond3A_20 {
      %mul3A_27 = arith.constant 20480 : i32
      %mul3A_28 = arith.muli %arg1, %mul3A_27 : i32
      %add3A_29 = arith.constant 16640 : i32
      %add3A_30 = arith.addi %mul3A_28, %add3A_29 : i32
      "tpu.region"() ({
        %run_scoped3A = tpu.sem_alloc : memref<!tpu.dma_semaphore, #tpu.memory_space<semaphore_mem>>
        %dma_start3A_55 = arith.constant 0 : i32
        %dma_start3A_56 = tpu.memref_slice %arg6[%dma_start3A_55] : memref<16640xi32, #tpu.memory_space<vmem>> -> memref<3840xi32, #tpu.memory_space<vmem>>
        %dma_start3A_57 = tpu.memref_slice %arg3[%add3A_30] : memref<327680xi32, #tpu.memory_space<hbm>> -> memref<3840xi32, #tpu.memory_space<hbm>>
        %dma_start3A_58 = arith.constant 0 : i32
        %dma_start3A_59 = tpu.memref_slice %arg6[%dma_start3A_58] : memref<16640xi32, #tpu.memory_space<vmem>> -> memref<3840xi32, #tpu.memory_space<vmem>>
        %dma_start3A_60 = tpu.memref_slice %arg3[%add3A_30] : memref<327680xi32, #tpu.memory_space<hbm>> -> memref<3840xi32, #tpu.memory_space<hbm>>
        tpu.enqueue_dma source(%dma_start3A_60 : memref<3840xi32, #tpu.memory_space<hbm>>) target(%dma_start3A_59 : memref<3840xi32, #tpu.memory_space<vmem>>) target_semaphore(%run_scoped3A : memref<!tpu.dma_semaphore, #tpu.memory_space<semaphore_mem>>)
        %dma_wait3A = arith.constant 0 : i32
        %dma_wait3A_61 = tpu.memref_slice %arg6[%dma_wait3A] : memref<16640xi32, #tpu.memory_space<vmem>> -> memref<3840xi32, #tpu.memory_space<vmem>>
        %dma_wait3A_62 = tpu.memref_slice %arg3[%add3A_30] : memref<327680xi32, #tpu.memory_space<hbm>> -> memref<3840xi32, #tpu.memory_space<hbm>>
        %dma_wait3A_63 = arith.constant 0 : i32
        %dma_wait3A_64 = tpu.memref_slice %arg6[%dma_wait3A_63] : memref<16640xi32, #tpu.memory_space<vmem>> -> memref<3840xi32, #tpu.memory_space<vmem>>
        %dma_wait3A_65 = tpu.memref_slice %arg3[%add3A_30] : memref<327680xi32, #tpu.memory_space<hbm>> -> memref<3840xi32, #tpu.memory_space<hbm>>
        tpu.wait_dma2 semaphore(%run_scoped3A : memref<!tpu.dma_semaphore, #tpu.memory_space<semaphore_mem>>) src(%dma_wait3A_65 : memref<3840xi32, #tpu.memory_space<hbm>>) dst(%dma_wait3A_64 : memref<3840xi32, #tpu.memory_space<vmem>>)
        tpu.yield
      }) : () -> ()
      %add3A_31 = arith.constant 0 : i32
      %add3A_32 = arith.addi %add3A_30, %add3A_31 : i32
      %dma_start3A = tpu.memref_slice %arg4[%add3A_32] : memref<327680xi32, #tpu.memory_space<hbm>> -> memref<80xi32, #tpu.memory_space<hbm>>
      %dma_start3A_33 = tpu.memref_slice %arg4[%add3A_32] : memref<327680xi32, #tpu.memory_space<hbm>> -> memref<80xi32, #tpu.memory_space<hbm>>
      tpu.enqueue_dma source(%dma_start3A_33 : memref<80xi32, #tpu.memory_space<hbm>>) target(%arg7 : memref<80xi32, #tpu.memory_space<vmem>>) target_semaphore(%arg12 : memref<!tpu.dma_semaphore, #tpu.memory_space<semaphore_mem>>)
      %dma_start3A_34 = arith.constant 0 : i32
      %dma_start3A_35 = tpu.memref_slice %arg6[%dma_start3A_34] : memref<16640xi32, #tpu.memory_space<vmem>> -> memref<80xi32, #tpu.memory_space<vmem>>
      %dma_start3A_36 = arith.constant 0 : i32
      %dma_start3A_37 = arith.constant 0 : i32
      %dma_start3A_38 = tpu.memref_slice %arg2[%dma_start3A_36, %dma_start3A_37] : memref<10240x128xf32, #tpu.memory_space<hbm>> -> memref<10240x128xf32, #tpu.memory_space<hbm>>
      tpu.enqueue_indirect_dma source(%dma_start3A_38 : memref<10240x128xf32, #tpu.memory_space<hbm>>) target(%arg9 : memref<80x128xf32, #tpu.memory_space<vmem>>) offsets(%dma_start3A_35 : memref<80xi32, #tpu.memory_space<vmem>>) semaphore(%arg14 : memref<!tpu.dma_semaphore, #tpu.memory_space<semaphore_mem>>)
      %add3A_39 = arith.constant 80 : i32
      %add3A_40 = arith.addi %add3A_30, %add3A_39 : i32
      %dma_start3A_41 = tpu.memref_slice %arg4[%add3A_40] : memref<327680xi32, #tpu.memory_space<hbm>> -> memref<80xi32, #tpu.memory_space<hbm>>
      %dma_start3A_42 = tpu.memref_slice %arg4[%add3A_40] : memref<327680xi32, #tpu.memory_space<hbm>> -> memref<80xi32, #tpu.memory_space<hbm>>
      tpu.enqueue_dma source(%dma_start3A_42 : memref<80xi32, #tpu.memory_space<hbm>>) target(%arg8 : memref<80xi32, #tpu.memory_space<vmem>>) target_semaphore(%arg13 : memref<!tpu.dma_semaphore, #tpu.memory_space<semaphore_mem>>)
      %dma_start3A_43 = arith.constant 80 : i32
      %dma_start3A_44 = tpu.memref_slice %arg6[%dma_start3A_43] : memref<16640xi32, #tpu.memory_space<vmem>> -> memref<80xi32, #tpu.memory_space<vmem>>
      %dma_start3A_45 = arith.constant 0 : i32
      %dma_start3A_46 = arith.constant 0 : i32
      %dma_start3A_47 = tpu.memref_slice %arg2[%dma_start3A_45, %dma_start3A_46] : memref<10240x128xf32, #tpu.memory_space<hbm>> -> memref<10240x128xf32, #tpu.memory_space<hbm>>
      tpu.enqueue_indirect_dma source(%dma_start3A_47 : memref<10240x128xf32, #tpu.memory_space<hbm>>) target(%arg10 : memref<80x128xf32, #tpu.memory_space<vmem>>) offsets(%dma_start3A_44 : memref<80xi32, #tpu.memory_space<vmem>>) semaphore(%arg15 : memref<!tpu.dma_semaphore, #tpu.memory_space<semaphore_mem>>)
      %scan3A_48 = arith.constant 0 : i32
      %scan3A_49 = arith.constant 0 : i32
      %scan3A_50 = arith.constant 24 : i32
      %scan3A_51 = arith.addi %scan3A_49, %scan3A_50 : i32
      %scan3A_52 = arith.constant 1 : i32
      %scan3A_53 = scf.for %scan3A_55 = %scan3A_49 to %scan3A_51 step %scan3A_52 iter_args(%scan3A_56 = %scan3A_48) -> (i32)  : i32 {
        %mul3A_57 = arith.constant 2 : i32
        %mul3A_58 = arith.muli %mul3A_57, %scan3A_55 : i32
        %add3A_59 = arith.constant 0 : i32
        %add3A_60 = arith.addi %mul3A_58, %add3A_59 : i32
        %mul3A_61 = arith.constant 80 : i32
        %mul3A_62 = arith.muli %add3A_60, %mul3A_61 : i32
        %add3A_63 = arith.addi %add3A_30, %mul3A_62 : i32
        %dma_wait3A = tpu.memref_slice %arg4[%add3A_63] : memref<327680xi32, #tpu.memory_space<hbm>> -> memref<80xi32, #tpu.memory_space<hbm>>
        %dma_wait3A_64 = tpu.memref_slice %arg4[%add3A_63] : memref<327680xi32, #tpu.memory_space<hbm>> -> memref<80xi32, #tpu.memory_space<hbm>>
        tpu.wait_dma2 semaphore(%arg12 : memref<!tpu.dma_semaphore, #tpu.memory_space<semaphore_mem>>) src(%dma_wait3A_64 : memref<80xi32, #tpu.memory_space<hbm>>) dst(%arg7 : memref<80xi32, #tpu.memory_space<vmem>>)
        %mul3A_65 = arith.constant 80 : i32
        %mul3A_66 = arith.muli %add3A_60, %mul3A_65 : i32
        %dma_wait3A_67 = tpu.memref_slice %arg6[%mul3A_66] : memref<16640xi32, #tpu.memory_space<vmem>> -> memref<80xi32, #tpu.memory_space<vmem>>
        %dma_wait3A_68 = arith.constant 0 : i32
        %dma_wait3A_69 = arith.constant 0 : i32
        %dma_wait3A_70 = tpu.memref_slice %arg2[%dma_wait3A_68, %dma_wait3A_69] : memref<10240x128xf32, #tpu.memory_space<hbm>> -> memref<10240x128xf32, #tpu.memory_space<hbm>>
        tpu.wait_indirect_dma semaphore(%arg14 : memref<!tpu.dma_semaphore, #tpu.memory_space<semaphore_mem>>) src(%dma_wait3A_70 : memref<10240x128xf32, #tpu.memory_space<hbm>>) dst(%arg9 : memref<80x128xf32, #tpu.memory_space<vmem>>)
        "tpu.region"() ({
          %run_scoped3A = tpu.sem_alloc : memref<!tpu.dma_semaphore, #tpu.memory_space<semaphore_mem>>
          %dma_start3A_100 = arith.constant 0 : i32
          %dma_start3A_101 = arith.constant 0 : i32
          %dma_start3A_102 = tpu.memref_slice %arg11[%dma_start3A_100, %dma_start3A_101] : memref<10240x128xf32, #tpu.memory_space<vmem_shared>> -> memref<10240x128xf32, #tpu.memory_space<vmem_shared>>
          tpu.enqueue_indirect_dma source(%arg9 : memref<80x128xf32, #tpu.memory_space<vmem>>) target(%dma_start3A_102 : memref<10240x128xf32, #tpu.memory_space<vmem_shared>>) offsets(%arg7 : memref<80xi32, #tpu.memory_space<vmem>>) semaphore(%run_scoped3A : memref<!tpu.dma_semaphore, #tpu.memory_space<semaphore_mem>>) {add = true}
          %dma_wait3A_103 = arith.constant 0 : i32
          %dma_wait3A_104 = arith.constant 0 : i32
          %dma_wait3A_105 = tpu.memref_slice %arg11[%dma_wait3A_103, %dma_wait3A_104] : memref<10240x128xf32, #tpu.memory_space<vmem_shared>> -> memref<10240x128xf32, #tpu.memory_space<vmem_shared>>
          tpu.wait_indirect_dma semaphore(%run_scoped3A : memref<!tpu.dma_semaphore, #tpu.memory_space<semaphore_mem>>) src(%arg9 : memref<80x128xf32, #tpu.memory_space<vmem>>) dst(%dma_wait3A_105 : memref<10240x128xf32, #tpu.memory_space<vmem_shared>>)
          tpu.yield
        }) : () -> ()
        %add3A_71 = arith.constant 2 : i32
        %add3A_72 = arith.addi %add3A_60, %add3A_71 : i32
        %lt3A = arith.constant 48 : i32
        %lt3A_73 = arith.cmpi slt, %add3A_72, %lt3A : i32
        %convert_element_type3A_74 = arith.extui %lt3A_73 : i1 to i32
        %cond3A_75 = arith.constant 0 : i32
        %cond3A_76 = arith.cmpi ne, %convert_element_type3A_74, %cond3A_75 : i32
        scf.if %cond3A_76 {
          %add3A_100 = arith.constant 2 : i32
          %add3A_101 = arith.addi %add3A_60, %add3A_100 : i32
          %mul3A_102 = arith.constant 80 : i32
          %mul3A_103 = arith.muli %add3A_101, %mul3A_102 : i32
          %add3A_104 = arith.addi %add3A_30, %mul3A_103 : i32
          %dma_start3A_105 = tpu.memref_slice %arg4[%add3A_104] : memref<327680xi32, #tpu.memory_space<hbm>> -> memref<80xi32, #tpu.memory_space<hbm>>
          %dma_start3A_106 = tpu.memref_slice %arg4[%add3A_104] : memref<327680xi32, #tpu.memory_space<hbm>> -> memref<80xi32, #tpu.memory_space<hbm>>
          tpu.enqueue_dma source(%dma_start3A_106 : memref<80xi32, #tpu.memory_space<hbm>>) target(%arg7 : memref<80xi32, #tpu.memory_space<vmem>>) target_semaphore(%arg12 : memref<!tpu.dma_semaphore, #tpu.memory_space<semaphore_mem>>)
          %add3A_107 = arith.constant 2 : i32
          %add3A_108 = arith.addi %add3A_60, %add3A_107 : i32
          %mul3A_109 = arith.constant 80 : i32
          %mul3A_110 = arith.muli %add3A_108, %mul3A_109 : i32
          %dma_start3A_111 = tpu.memref_slice %arg6[%mul3A_110] : memref<16640xi32, #tpu.memory_space<vmem>> -> memref<80xi32, #tpu.memory_space<vmem>>
          %dma_start3A_112 = arith.constant 0 : i32
          %dma_start3A_113 = arith.constant 0 : i32
          %dma_start3A_114 = tpu.memref_slice %arg2[%dma_start3A_112, %dma_start3A_113] : memref<10240x128xf32, #tpu.memory_space<hbm>> -> memref<10240x128xf32, #tpu.memory_space<hbm>>
          tpu.enqueue_indirect_dma source(%dma_start3A_114 : memref<10240x128xf32, #tpu.memory_space<hbm>>) target(%arg9 : memref<80x128xf32, #tpu.memory_space<vmem>>) offsets(%dma_start3A_111 : memref<80xi32, #tpu.memory_space<vmem>>) semaphore(%arg14 : memref<!tpu.dma_semaphore, #tpu.memory_space<semaphore_mem>>)
        } else {
        }
        %mul3A_77 = arith.constant 2 : i32
        %mul3A_78 = arith.muli %mul3A_77, %scan3A_55 : i32
        %add3A_79 = arith.constant 1 : i32
        %add3A_80 = arith.addi %mul3A_78, %add3A_79 : i32
        %mul3A_81 = arith.constant 80 : i32
        %mul3A_82 = arith.muli %add3A_80, %mul3A_81 : i32
        %add3A_83 = arith.addi %add3A_30, %mul3A_82 : i32
        %dma_wait3A_84 = tpu.memref_slice %arg4[%add3A_83] : memref<327680xi32, #tpu.memory_space<hbm>> -> memref<80xi32, #tpu.memory_space<hbm>>
        %dma_wait3A_85 = tpu.memref_slice %arg4[%add3A_83] : memref<327680xi32, #tpu.memory_space<hbm>> -> memref<80xi32, #tpu.memory_space<hbm>>
        tpu.wait_dma2 semaphore(%arg13 : memref<!tpu.dma_semaphore, #tpu.memory_space<semaphore_mem>>) src(%dma_wait3A_85 : memref<80xi32, #tpu.memory_space<hbm>>) dst(%arg8 : memref<80xi32, #tpu.memory_space<vmem>>)
        %mul3A_86 = arith.constant 80 : i32
        %mul3A_87 = arith.muli %add3A_80, %mul3A_86 : i32
        %dma_wait3A_88 = tpu.memref_slice %arg6[%mul3A_87] : memref<16640xi32, #tpu.memory_space<vmem>> -> memref<80xi32, #tpu.memory_space<vmem>>
        %dma_wait3A_89 = arith.constant 0 : i32
        %dma_wait3A_90 = arith.constant 0 : i32
        %dma_wait3A_91 = tpu.memref_slice %arg2[%dma_wait3A_89, %dma_wait3A_90] : memref<10240x128xf32, #tpu.memory_space<hbm>> -> memref<10240x128xf32, #tpu.memory_space<hbm>>
        tpu.wait_indirect_dma semaphore(%arg15 : memref<!tpu.dma_semaphore, #tpu.memory_space<semaphore_mem>>) src(%dma_wait3A_91 : memref<10240x128xf32, #tpu.memory_space<hbm>>) dst(%arg10 : memref<80x128xf32, #tpu.memory_space<vmem>>)
        "tpu.region"() ({
          %run_scoped3A = tpu.sem_alloc : memref<!tpu.dma_semaphore, #tpu.memory_space<semaphore_mem>>
          %dma_start3A_100 = arith.constant 0 : i32
          %dma_start3A_101 = arith.constant 0 : i32
          %dma_start3A_102 = tpu.memref_slice %arg11[%dma_start3A_100, %dma_start3A_101] : memref<10240x128xf32, #tpu.memory_space<vmem_shared>> -> memref<10240x128xf32, #tpu.memory_space<vmem_shared>>
          tpu.enqueue_indirect_dma source(%arg10 : memref<80x128xf32, #tpu.memory_space<vmem>>) target(%dma_start3A_102 : memref<10240x128xf32, #tpu.memory_space<vmem_shared>>) offsets(%arg8 : memref<80xi32, #tpu.memory_space<vmem>>) semaphore(%run_scoped3A : memref<!tpu.dma_semaphore, #tpu.memory_space<semaphore_mem>>) {add = true}
          %dma_wait3A_103 = arith.constant 0 : i32
          %dma_wait3A_104 = arith.constant 0 : i32
          %dma_wait3A_105 = tpu.memref_slice %arg11[%dma_wait3A_103, %dma_wait3A_104] : memref<10240x128xf32, #tpu.memory_space<vmem_shared>> -> memref<10240x128xf32, #tpu.memory_space<vmem_shared>>
          tpu.wait_indirect_dma semaphore(%run_scoped3A : memref<!tpu.dma_semaphore, #tpu.memory_space<semaphore_mem>>) src(%arg10 : memref<80x128xf32, #tpu.memory_space<vmem>>) dst(%dma_wait3A_105 : memref<10240x128xf32, #tpu.memory_space<vmem_shared>>)
          tpu.yield
        }) : () -> ()
        %add3A_92 = arith.constant 2 : i32
        %add3A_93 = arith.addi %add3A_80, %add3A_92 : i32
        %lt3A_94 = arith.constant 48 : i32
        %lt3A_95 = arith.cmpi slt, %add3A_93, %lt3A_94 : i32
        %convert_element_type3A_96 = arith.extui %lt3A_95 : i1 to i32
        %cond3A_97 = arith.constant 0 : i32
        %cond3A_98 = arith.cmpi ne, %convert_element_type3A_96, %cond3A_97 : i32
        scf.if %cond3A_98 {
          %add3A_100 = arith.constant 2 : i32
          %add3A_101 = arith.addi %add3A_80, %add3A_100 : i32
          %mul3A_102 = arith.constant 80 : i32
          %mul3A_103 = arith.muli %add3A_101, %mul3A_102 : i32
          %add3A_104 = arith.addi %add3A_30, %mul3A_103 : i32
          %dma_start3A_105 = tpu.memref_slice %arg4[%add3A_104] : memref<327680xi32, #tpu.memory_space<hbm>> -> memref<80xi32, #tpu.memory_space<hbm>>
          %dma_start3A_106 = tpu.memref_slice %arg4[%add3A_104] : memref<327680xi32, #tpu.memory_space<hbm>> -> memref<80xi32, #tpu.memory_space<hbm>>
          tpu.enqueue_dma source(%dma_start3A_106 : memref<80xi32, #tpu.memory_space<hbm>>) target(%arg8 : memref<80xi32, #tpu.memory_space<vmem>>) target_semaphore(%arg13 : memref<!tpu.dma_semaphore, #tpu.memory_space<semaphore_mem>>)
          %add3A_107 = arith.constant 2 : i32
          %add3A_108 = arith.addi %add3A_80, %add3A_107 : i32
          %mul3A_109 = arith.constant 80 : i32
          %mul3A_110 = arith.muli %add3A_108, %mul3A_109 : i32
          %dma_start3A_111 = tpu.memref_slice %arg6[%mul3A_110] : memref<16640xi32, #tpu.memory_space<vmem>> -> memref<80xi32, #tpu.memory_space<vmem>>
          %dma_start3A_112 = arith.constant 0 : i32
          %dma_start3A_113 = arith.constant 0 : i32
          %dma_start3A_114 = tpu.memref_slice %arg2[%dma_start3A_112, %dma_start3A_113] : memref<10240x128xf32, #tpu.memory_space<hbm>> -> memref<10240x128xf32, #tpu.memory_space<hbm>>
          tpu.enqueue_indirect_dma source(%dma_start3A_114 : memref<10240x128xf32, #tpu.memory_space<hbm>>) target(%arg10 : memref<80x128xf32, #tpu.memory_space<vmem>>) offsets(%dma_start3A_111 : memref<80xi32, #tpu.memory_space<vmem>>) semaphore(%arg15 : memref<!tpu.dma_semaphore, #tpu.memory_space<semaphore_mem>>)
        } else {
        }
        %scan3A_99 = arith.constant 0 : i32
        scf.yield %scan3A_99 : i32
      }
      %scan3A_54 = arith.constant 24 : i32
    } else {
    }
    %barrier3A_21 = arith.constant 0 : index
    tpu.barrier barrier_id(%barrier3A_21)
    %mul3A = arith.constant 640 : i32
    %mul3A_22 = arith.muli %arg1, %mul3A : i32
    %mul3A_23 = arith.constant 10240 : i32
    %mul3A_24 = arith.muli %arg0, %mul3A_23 : i32
    %mul3A_25 = arith.constant 640 : i32
    %mul3A_26 = arith.muli %arg1, %mul3A_25 : i32
    %add3A = arith.addi %mul3A_24, %mul3A_26 : i32
    "tpu.region"() ({
      %run_scoped3A = tpu.sem_alloc : memref<!tpu.dma_semaphore, #tpu.memory_space<semaphore_mem>>
      %dma_start3A = arith.constant 0 : i32
      %dma_start3A_27 = tpu.memref_slice %arg5[%add3A, %dma_start3A] : memref<20480x128xf32, #tpu.memory_space<hbm>> -> memref<640x128xf32, #tpu.memory_space<hbm>>
      %dma_start3A_28 = arith.constant 0 : i32
      %dma_start3A_29 = tpu.memref_slice %arg11[%mul3A_22, %dma_start3A_28] : memref<10240x128xf32, #tpu.memory_space<vmem_shared>> -> memref<640x128xf32, #tpu.memory_space<vmem_shared>>
      tpu.enqueue_dma source(%dma_start3A_29 : memref<640x128xf32, #tpu.memory_space<vmem_shared>>) target(%dma_start3A_27 : memref<640x128xf32, #tpu.memory_space<hbm>>) target_semaphore(%run_scoped3A : memref<!tpu.dma_semaphore, #tpu.memory_space<semaphore_mem>>)
      %dma_wait3A = arith.constant 0 : i32
      %dma_wait3A_30 = tpu.memref_slice %arg5[%add3A, %dma_wait3A] : memref<20480x128xf32, #tpu.memory_space<hbm>> -> memref<640x128xf32, #tpu.memory_space<hbm>>
      %dma_wait3A_31 = arith.constant 0 : i32
      %dma_wait3A_32 = tpu.memref_slice %arg11[%mul3A_22, %dma_wait3A_31] : memref<10240x128xf32, #tpu.memory_space<vmem_shared>> -> memref<640x128xf32, #tpu.memory_space<vmem_shared>>
      tpu.wait_dma2 semaphore(%run_scoped3A : memref<!tpu.dma_semaphore, #tpu.memory_space<semaphore_mem>>) src(%dma_wait3A_32 : memref<640x128xf32, #tpu.memory_space<vmem_shared>>) dst(%dma_wait3A_30 : memref<640x128xf32, #tpu.memory_space<hbm>>)
      tpu.yield
    }) : () -> ()
    return
  }
}

module attributes {stable_mosaic.version = 14 : i64} {
  func.func @body(%arg0: i32, %arg1: memref<512x128xf32, #tpu.memory_space<vmem>>, %arg2: memref<128x128xf32, #tpu.memory_space<vmem>>, %arg3: memref<512x1xf32, #tpu.memory_space<vmem>>, %arg4: memref<512x128xf32, #tpu.memory_space<vmem>>) attributes {dimension_semantics = [#tpu.dimension_semantics<arbitrary>], iteration_bounds = array<i64: 20>, scalar_prefetch = 0 : i64, scratch_operands = 0 : i64, tpu.core_type = #tpu.core_type<tc>, window_params = [{transform_indices = @transform_0, window_bounds = array<i64: 512, 128>}, {pipeline_mode = #tpu.pipeline_mode<synchronous>, transform_indices = @transform_1, window_bounds = array<i64: 128, 128>}, {transform_indices = @transform_2, window_bounds = array<i64: 512, 1>}, {transform_indices = @transform_3, window_bounds = array<i64: 512, 128>}]} {
    %get3A = arith.constant 0 : index
    %get3A_0 = arith.constant 0 : index
    %get3A_1 = vector.load %arg1[%get3A, %get3A_0] : memref<512x128xf32, #tpu.memory_space<vmem>>, vector<512x128xf32>
    %get3A_2 = arith.constant 0 : index
    %get3A_3 = arith.constant 0 : index
    %get3A_4 = vector.load %arg2[%get3A_2, %get3A_3] : memref<128x128xf32, #tpu.memory_space<vmem>>, vector<128x128xf32>
    %dot_general3A = arith.constant dense<0.000000e+00> : vector<512x128xf32>
    %dot_general3A_5 = tpu.matmul %get3A_1, %get3A_4, %dot_general3A {dimension_numbers = #tpu.dot_dimension_numbers<[1], [0], [0], [1], [0, 0, 1, 1], [], []>, transpose_lhs_hint = false} : vector<512x128xf32>, vector<128x128xf32>, vector<512x128xf32> -> vector<512x128xf32>
    %get3A_6 = arith.constant 0 : index
    %get3A_7 = arith.constant 0 : index
    %get3A_8 = vector.load %arg3[%get3A_6, %get3A_7] : memref<512x1xf32, #tpu.memory_space<vmem>>, vector<512x1xf32>
    %mul3A = vector.broadcast %get3A_8 : vector<512x1xf32> to vector<512x128xf32>
    %mul3A_9 = arith.mulf %dot_general3A_5, %mul3A : vector<512x128xf32>
    %swap3A = arith.constant 0 : index
    %swap3A_10 = arith.constant 0 : index
    %swap3A_11 = vector.load %arg4[%swap3A, %swap3A_10] : memref<512x128xf32, #tpu.memory_space<vmem>>, vector<512x128xf32>
    tpu.vector_store %arg4[%swap3A, %swap3A_10], %mul3A_9 {strides = array<i32>} : memref<512x128xf32, #tpu.memory_space<vmem>>, vector<512x128xf32>,
    return
  }
  func.func @transform_0(%arg0: i32) -> (i32, i32) {
    %c0_i32 = arith.constant 0 : i32
    %c0_i32_0 = arith.constant 0 : i32
    return %arg0, %c0_i32 : i32, i32
  }
  func.func @transform_1(%arg0: i32) -> (i32, i32) {
    %c0_i32 = arith.constant 0 : i32
    %c0_i32_0 = arith.constant 0 : i32
    %c0_i32_1 = arith.constant 0 : i32
    return %c0_i32, %c0_i32_0 : i32, i32
  }
  func.func @transform_2(%arg0: i32) -> (i32, i32) {
    %c0_i32 = arith.constant 0 : i32
    %c0_i32_0 = arith.constant 0 : i32
    return %arg0, %c0_i32 : i32, i32
  }
  func.func @transform_3(%arg0: i32) -> (i32, i32) {
    %c0_i32 = arith.constant 0 : i32
    %c0_i32_0 = arith.constant 0 : i32
    return %arg0, %c0_i32 : i32, i32
  }
}

module attributes {stable_mosaic.version = 14 : i64} {
  func.func @body(%arg0: i32, %arg1: memref<2x512x128xf32, #tpu.memory_space<vmem>>, %arg2: memref<512x128xf32, #tpu.memory_space<vmem>>, %arg3: memref<512x1xf32, #tpu.memory_space<vmem>>, %arg4: memref<1x128xf32, #tpu.memory_space<vmem>>, %arg5: memref<128x64xf32, #tpu.memory_space<vmem>>, %arg6: memref<512x128xf32, #tpu.memory_space<vmem>>) attributes {dimension_semantics = [#tpu.dimension_semantics<arbitrary>], iteration_bounds = array<i64: 20>, scalar_prefetch = 0 : i64, scratch_operands = 0 : i64, tpu.core_type = #tpu.core_type<tc>, window_params = [{transform_indices = @transform_0, window_bounds = array<i64: 2, 512, 128>}, {transform_indices = @transform_1, window_bounds = array<i64: 512, 128>}, {transform_indices = @transform_2, window_bounds = array<i64: 512, 1>}, {pipeline_mode = #tpu.pipeline_mode<synchronous>, transform_indices = @transform_3, window_bounds = array<i64: 1, 128>}, {pipeline_mode = #tpu.pipeline_mode<synchronous>, transform_indices = @transform_4, window_bounds = array<i64: 128, 64>}, {transform_indices = @transform_5, window_bounds = array<i64: 512, 128>}]} {
    %get3A = arith.constant 0 : index
    %get3A_0 = arith.constant 0 : index
    %get3A_1 = arith.constant 0 : index
    %get3A_2 = vector.load %arg1[%get3A, %get3A_0, %get3A_1] : memref<2x512x128xf32, #tpu.memory_space<vmem>>, vector<1x512x128xf32>
    %get3A_3 = vector.shape_cast %get3A_2 : vector<1x512x128xf32> to vector<512x128xf32>
    %get3A_4 = arith.constant 1 : index
    %get3A_5 = arith.constant 0 : index
    %get3A_6 = arith.constant 0 : index
    %get3A_7 = vector.load %arg1[%get3A_4, %get3A_5, %get3A_6] : memref<2x512x128xf32, #tpu.memory_space<vmem>>, vector<1x512x128xf32>
    %get3A_8 = vector.shape_cast %get3A_7 : vector<1x512x128xf32> to vector<512x128xf32>
    %add3A = arith.addf %get3A_3, %get3A_8 : vector<512x128xf32>
    %get3A_9 = arith.constant 0 : index
    %get3A_10 = arith.constant 0 : index
    %get3A_11 = vector.load %arg2[%get3A_9, %get3A_10] : memref<512x128xf32, #tpu.memory_space<vmem>>, vector<512x128xf32>
    %add3A_12 = arith.addf %add3A, %get3A_11 : vector<512x128xf32>
    %get3A_13 = arith.constant 0 : index
    %get3A_14 = arith.constant 0 : index
    %get3A_15 = vector.load %arg3[%get3A_13, %get3A_14] : memref<512x1xf32, #tpu.memory_space<vmem>>, vector<512x1xf32>
    %mul3A = vector.broadcast %get3A_15 : vector<512x1xf32> to vector<512x128xf32>
    %mul3A_16 = arith.mulf %add3A_12, %mul3A : vector<512x128xf32>
    %get3A_17 = arith.constant 0 : index
    %get3A_18 = arith.constant 0 : index
    %get3A_19 = vector.load %arg4[%get3A_17, %get3A_18] : memref<1x128xf32, #tpu.memory_space<vmem>>, vector<1x128xf32>
    %add3A_20 = vector.broadcast %get3A_19 : vector<1x128xf32> to vector<512x128xf32>
    %add3A_21 = arith.addf %mul3A_16, %add3A_20 : vector<512x128xf32>
    %max3A = arith.constant 0.000000e+00 : f32
    %max3A_22 = vector.broadcast %max3A : f32 to vector<512x128xf32>
    %max3A_23 = arith.maximumf %add3A_21, %max3A_22 : vector<512x128xf32>
    %get3A_24 = arith.constant 0 : index
    %get3A_25 = arith.constant 0 : index
    %get3A_26 = vector.load %arg5[%get3A_24, %get3A_25] : memref<128x64xf32, #tpu.memory_space<vmem>>, vector<128x64xf32>
    %dot_general3A = arith.constant dense<0.000000e+00> : vector<512x64xf32>
    %dot_general3A_27 = tpu.matmul %max3A_23, %get3A_26, %dot_general3A {dimension_numbers = #tpu.dot_dimension_numbers<[1], [0], [0], [1], [0, 0, 1, 1], [], []>, transpose_lhs_hint = false} : vector<512x128xf32>, vector<128x64xf32>, vector<512x64xf32> -> vector<512x64xf32>
    %get3A_28 = arith.constant 0 : index
    %get3A_29 = arith.constant 0 : index
    %get3A_30 = vector.load %arg3[%get3A_28, %get3A_29] : memref<512x1xf32, #tpu.memory_space<vmem>>, vector<512x1xf32>
    %mul3A_31 = vector.broadcast %get3A_30 : vector<512x1xf32> to vector<512x64xf32>
    %mul3A_32 = arith.mulf %dot_general3A_27, %mul3A_31 : vector<512x64xf32>
    %broadcast_in_dim3A = arith.constant 0.000000e+00 : f32
    %broadcast_in_dim3A_33 = vector.broadcast %broadcast_in_dim3A : f32 to vector<512x64xf32>
    %concatenate3A = tpu.concatenate %mul3A_32, %broadcast_in_dim3A_33 in 1 : vector<512x64xf32>, vector<512x64xf32> -> vector<512x128xf32>
    %swap3A = arith.constant 0 : index
    %swap3A_34 = arith.constant 0 : index
    %swap3A_35 = vector.load %arg6[%swap3A, %swap3A_34] : memref<512x128xf32, #tpu.memory_space<vmem>>, vector<512x128xf32>
    tpu.vector_store %arg6[%swap3A, %swap3A_34], %concatenate3A {strides = array<i32>} : memref<512x128xf32, #tpu.memory_space<vmem>>, vector<512x128xf32>,
    return
  }
  func.func @transform_0(%arg0: i32) -> (i32, i32, i32) {
    %c0_i32 = arith.constant 0 : i32
    %c0_i32_0 = arith.constant 0 : i32
    %c0_i32_1 = arith.constant 0 : i32
    return %c0_i32, %arg0, %c0_i32_0 : i32, i32, i32
  }
  func.func @transform_1(%arg0: i32) -> (i32, i32) {
    %c0_i32 = arith.constant 0 : i32
    %c0_i32_0 = arith.constant 0 : i32
    return %arg0, %c0_i32 : i32, i32
  }
  func.func @transform_2(%arg0: i32) -> (i32, i32) {
    %c0_i32 = arith.constant 0 : i32
    %c0_i32_0 = arith.constant 0 : i32
    return %arg0, %c0_i32 : i32, i32
  }
  func.func @transform_3(%arg0: i32) -> (i32, i32) {
    %c0_i32 = arith.constant 0 : i32
    %c0_i32_0 = arith.constant 0 : i32
    %c0_i32_1 = arith.constant 0 : i32
    return %c0_i32, %c0_i32_0 : i32, i32
  }
  func.func @transform_4(%arg0: i32) -> (i32, i32) {
    %c0_i32 = arith.constant 0 : i32
    %c0_i32_0 = arith.constant 0 : i32
    %c0_i32_1 = arith.constant 0 : i32
    return %c0_i32, %c0_i32_0 : i32, i32
  }
  func.func @transform_5(%arg0: i32) -> (i32, i32) {
    %c0_i32 = arith.constant 0 : i32
    %c0_i32_0 = arith.constant 0 : i32
    return %arg0, %c0_i32 : i32, i32
  }
}

module attributes {stable_mosaic.version = 14 : i64} {
  func.func @body(%arg0: i32, %arg1: memref<2x512x128xf32, #tpu.memory_space<vmem>>, %arg2: memref<512x128xf32, #tpu.memory_space<vmem>>, %arg3: memref<512x1xf32, #tpu.memory_space<vmem>>, %arg4: memref<1x64xf32, #tpu.memory_space<vmem>>, %arg5: memref<64x128xf32, #tpu.memory_space<vmem>>, %arg6: memref<1x128xf32, #tpu.memory_space<vmem>>, %arg7: memref<512x128xf32, #tpu.memory_space<vmem>>) attributes {dimension_semantics = [#tpu.dimension_semantics<arbitrary>], iteration_bounds = array<i64: 20>, scalar_prefetch = 0 : i64, scratch_operands = 0 : i64, tpu.core_type = #tpu.core_type<tc>, window_params = [{transform_indices = @transform_0, window_bounds = array<i64: 2, 512, 128>}, {transform_indices = @transform_1, window_bounds = array<i64: 512, 128>}, {transform_indices = @transform_2, window_bounds = array<i64: 512, 1>}, {pipeline_mode = #tpu.pipeline_mode<synchronous>, transform_indices = @transform_3, window_bounds = array<i64: 1, 64>}, {pipeline_mode = #tpu.pipeline_mode<synchronous>, transform_indices = @transform_4, window_bounds = array<i64: 64, 128>}, {pipeline_mode = #tpu.pipeline_mode<synchronous>, transform_indices = @transform_5, window_bounds = array<i64: 1, 128>}, {transform_indices = @transform_6, window_bounds = array<i64: 512, 128>}]} {
    %get3A = arith.constant 0 : index
    %get3A_0 = arith.constant 0 : index
    %get3A_1 = arith.constant 0 : index
    %get3A_2 = vector.load %arg1[%get3A, %get3A_0, %get3A_1] : memref<2x512x128xf32, #tpu.memory_space<vmem>>, vector<1x512x128xf32>
    %get3A_3 = vector.shape_cast %get3A_2 : vector<1x512x128xf32> to vector<512x128xf32>
    %get3A_4 = arith.constant 1 : index
    %get3A_5 = arith.constant 0 : index
    %get3A_6 = arith.constant 0 : index
    %get3A_7 = vector.load %arg1[%get3A_4, %get3A_5, %get3A_6] : memref<2x512x128xf32, #tpu.memory_space<vmem>>, vector<1x512x128xf32>
    %get3A_8 = vector.shape_cast %get3A_7 : vector<1x512x128xf32> to vector<512x128xf32>
    %add3A = arith.addf %get3A_3, %get3A_8 : vector<512x128xf32>
    %get3A_9 = arith.constant 0 : index
    %get3A_10 = arith.constant 0 : index
    %get3A_11 = vector.load %arg2[%get3A_9, %get3A_10] : memref<512x128xf32, #tpu.memory_space<vmem>>, vector<512x128xf32>
    %add3A_12 = arith.addf %add3A, %get3A_11 : vector<512x128xf32>
    %slice3A = vector.extract_strided_slice %add3A_12 {offsets = [0, 0], sizes = [512, 64], strides = [1, 1]} : vector<512x128xf32> to vector<512x64xf32>
    %get3A_13 = arith.constant 0 : index
    %get3A_14 = arith.constant 0 : index
    %get3A_15 = vector.load %arg3[%get3A_13, %get3A_14] : memref<512x1xf32, #tpu.memory_space<vmem>>, vector<512x1xf32>
    %mul3A = vector.broadcast %get3A_15 : vector<512x1xf32> to vector<512x64xf32>
    %mul3A_16 = arith.mulf %slice3A, %mul3A : vector<512x64xf32>
    %get3A_17 = arith.constant 0 : index
    %get3A_18 = arith.constant 0 : index
    %get3A_19 = vector.load %arg4[%get3A_17, %get3A_18] : memref<1x64xf32, #tpu.memory_space<vmem>>, vector<1x64xf32>
    %add3A_20 = vector.broadcast %get3A_19 : vector<1x64xf32> to vector<512x64xf32>
    %add3A_21 = arith.addf %mul3A_16, %add3A_20 : vector<512x64xf32>
    %max3A = arith.constant 0.000000e+00 : f32
    %max3A_22 = vector.broadcast %max3A : f32 to vector<512x64xf32>
    %max3A_23 = arith.maximumf %add3A_21, %max3A_22 : vector<512x64xf32>
    %get3A_24 = arith.constant 0 : index
    %get3A_25 = arith.constant 0 : index
    %get3A_26 = vector.load %arg5[%get3A_24, %get3A_25] : memref<64x128xf32, #tpu.memory_space<vmem>>, vector<64x128xf32>
    %dot_general3A = arith.constant dense<0.000000e+00> : vector<512x128xf32>
    %dot_general3A_27 = tpu.matmul %max3A_23, %get3A_26, %dot_general3A {dimension_numbers = #tpu.dot_dimension_numbers<[1], [0], [0], [1], [0, 0, 1, 1], [], []>, transpose_lhs_hint = false} : vector<512x64xf32>, vector<64x128xf32>, vector<512x128xf32> -> vector<512x128xf32>
    %get3A_28 = arith.constant 0 : index
    %get3A_29 = arith.constant 0 : index
    %get3A_30 = vector.load %arg6[%get3A_28, %get3A_29] : memref<1x128xf32, #tpu.memory_space<vmem>>, vector<1x128xf32>
    %add3A_31 = vector.broadcast %get3A_30 : vector<1x128xf32> to vector<512x128xf32>
    %add3A_32 = arith.addf %dot_general3A_27, %add3A_31 : vector<512x128xf32>
    %swap3A = arith.constant 0 : index
    %swap3A_33 = arith.constant 0 : index
    %swap3A_34 = vector.load %arg7[%swap3A, %swap3A_33] : memref<512x128xf32, #tpu.memory_space<vmem>>, vector<512x128xf32>
    tpu.vector_store %arg7[%swap3A, %swap3A_33], %add3A_32 {strides = array<i32>} : memref<512x128xf32, #tpu.memory_space<vmem>>, vector<512x128xf32>,
    return
  }
  func.func @transform_0(%arg0: i32) -> (i32, i32, i32) {
    %c0_i32 = arith.constant 0 : i32
    %c0_i32_0 = arith.constant 0 : i32
    %c0_i32_1 = arith.constant 0 : i32
    return %c0_i32, %arg0, %c0_i32_0 : i32, i32, i32
  }
  func.func @transform_1(%arg0: i32) -> (i32, i32) {
    %c0_i32 = arith.constant 0 : i32
    %c0_i32_0 = arith.constant 0 : i32
    return %arg0, %c0_i32 : i32, i32
  }
  func.func @transform_2(%arg0: i32) -> (i32, i32) {
    %c0_i32 = arith.constant 0 : i32
    %c0_i32_0 = arith.constant 0 : i32
    return %arg0, %c0_i32 : i32, i32
  }
  func.func @transform_3(%arg0: i32) -> (i32, i32) {
    %c0_i32 = arith.constant 0 : i32
    %c0_i32_0 = arith.constant 0 : i32
    %c0_i32_1 = arith.constant 0 : i32
    return %c0_i32, %c0_i32_0 : i32, i32
  }
  func.func @transform_4(%arg0: i32) -> (i32, i32) {
    %c0_i32 = arith.constant 0 : i32
    %c0_i32_0 = arith.constant 0 : i32
    %c0_i32_1 = arith.constant 0 : i32
    return %c0_i32, %c0_i32_0 : i32, i32
  }
  func.func @transform_5(%arg0: i32) -> (i32, i32) {
    %c0_i32 = arith.constant 0 : i32
    %c0_i32_0 = arith.constant 0 : i32
    %c0_i32_1 = arith.constant 0 : i32
    return %c0_i32, %c0_i32_0 : i32, i32
  }
  func.func @transform_6(%arg0: i32) -> (i32, i32) {
    %c0_i32 = arith.constant 0 : i32
    %c0_i32_0 = arith.constant 0 : i32
    return %arg0, %c0_i32 : i32, i32
  }
}

</mosaic_0001>

<sc_bundles>
// kernel: kernel.11.cloned.1.call-start
scs
__scs_entry_jumppad:
0x0: {  	(pc) =	sbr.rel $0x88, $3  }
0x1: {  	(tag) =	ssettag $0x0;
	lr =	simm.s32 $0x1  }
0x2: {  	[smem:$0x3F99] =	sst lr;
	_ =	strace $0xD0000000  }
0x3: {  	_ = 	snop  }
0x4: {  	_ = 	snop  }
0x5: {  	_ = 	snop  }
0x6: {  	_ = 	snop  }
0x7: {  	_ = 	snop  }
__scs_overlays_trampoline_lowered:
0x8: {  	[smem:$0x3FA8] =	sst s0  }
0x9: {  	[smem:$0x3FA9] =	sst s1  }
0xa: {  	[smem:$0x3FAA] =	sst s2  }
0xb: {  	[smem:$0x3FAB] =	sst s3  }
0xc: {  	[smem:$0x3FAC] =	sst s4  }
0xd: {  	[smem:$0x3FAD] =	sst s5  }
0xe: {  	[smem:$0x3FAE] =	sst s6  }
0xf: {  	[smem:$0x3FAF] =	sst s7  }
0x10: {  	[smem:$0x3FB0] =	sst s8  }
0x11: {  	[smem:$0x3FB1] =	sst s9;
	s0 =	simm.s32 @!p0 $0x0  }
0x12: {  	s1 =	sld [smem:$0x3F97];
	s0 =	simm.s32 @p0 $0x1  }
0x13: {  	[smem:$0x3FB2] =	sst s0;
	s0 =	simm.s32 @!p1 $0x0  }
0x14: {  	s2 =	sld [smem:$0x3F96];
	s0 =	simm.s32 @p1 $0x1  }
0x15: {  	[smem:$0x3FB3] =	sst s0;
	s0 =	simm.s32 @!p2 $0x0  }
0x16: {  	s3 =	sld [smem:$0x3FDB];
	s0 =	simm.s32 @p2 $0x1  }
0x17: {  	s4 =	simm.s32 $0x1BF5;
	[smem:$0x3FB5] =	sst s0  }
0x18: {  	s0 =	sld [smem:$0x3F98];
	_ =	swait.ge [sflag:s4], $0x0  }
0x19: {  	s7 =	sld [smem:$0x3F99]  }
0x1a: {  	s8 =	sadd.s32 $0xFFFFE003, lr  }
0x1b: {  	s9 =	sadd.s32 $0xFFFFFEF7, lr;
	s5 =	simm.s32 $0xFFFFFFFF;
	p2 =	slt.u32 s8, $0xFFFFF086  }
0x1c: {  	p1 =	slt.u32 s9, $0xF7A;
	s5 =	simm.s32 @!p2 $0x0  }
0x1d: {  	s5 =	simm.s32 @p1 $0x1;
	p0 =	seq.s32 s7, s2  }
0x1e: {  	s7 =	smul.u32 @!p0 $0xF7A, s2;
	p2 =	seq.s32 @!p0 s5, $0x0  }
0x1f: {  	s9 =	smul.u32 $0xF7A, s1;
	s8 =	simm.s32 @!p0 $0x1BF5;
	p2 =	por !p2, p0  }
0x20: {  	[sflag:s8] =	ssyncset.s32 @!p0 $0xFFFFF086;
	s6 =	sadd.s32 @!p0 s3, s7;
	s7 =	simm.s32 @!p0 $0x108  }
0x21: {  	s3 =	sadd.s32 s3, s9;
	s6 =	sadd.s32 @!p0 $0x88, s6;
	s7 =	simm.s32 @p2 $0x1082  }
0x22: {  	[simem:s7], [sflag:s8] =	dma.local @!p0 [hbm:s6], $0xF7A  }
0x23: {  	s9 =	sor.u32 $0xD0000000, s2;
	s6 =	simm.s32 $0x108;
	_ =	swait.ge @!p0 [sflag:s8], $0x0  }
0x24: {  	s3 =	sadd.s32 $0x88, s3;
	s6 =	simm.s32 @!p1 $0x1082;
	[sflag:s4] =	ssyncset.s32 $0xFFFFF086  }
0x25: {  	[simem:s6], [sflag:s4] =	dma.local [hbm:s3], $0xF7A  }
0x26: {  	[smem:$0x3F99] =	sst s1;
	(tag) =	ssettag s2;
	_ =	strace s9  }
0x27: {  	s1 =	sld [smem:$0x3FA9]  }
0x28: {  	s2 =	sld [smem:$0x3FAA]  }
0x29: {  	s4 =	sld [smem:$0x3FAC]  }
0x2a: {  	p0 =	seq.s32 s5, $0x0;
	s5 =	sld [smem:$0x3FAD]  }
0x2b: {  	s6 =	sld [smem:$0x3FAE]  }
0x2c: {  	s7 =	sld [smem:$0x3FAF]  }
0x2d: {  	s3 =	simm.s32 $0x108;
	s8 =	sld [smem:$0x3FB0]  }
0x2e: {  	s3 =	simm.s32 @!p0 $0x1082;
	s9 =	sld [smem:$0x3FB1]  }
0x2f: {  	lr =	sadd.s32 s0, s3;
	s0 =	sld [smem:$0x3FA8]  }
0x30: {  	s3 =	sld [smem:$0x3FAB]  }
0x31: {  	[smem:$0x3FB4] =	sst s10  }
0x32: {  	s10 =	sld [smem:$0x3FB2];
	_ =	sdelay $0x3  }
0x33: {  	p0 =	seq.s32 s10, $0x1;
	s10 =	sld [smem:$0x3FB4];
	_ =	sdelay $0x3  }
0x34: {  	[smem:$0x3FB4] =	sst s10  }
0x35: {  	s10 =	sld [smem:$0x3FB3];
	_ =	sdelay $0x3  }
0x36: {  	p1 =	seq.s32 s10, $0x1;
	s10 =	sld [smem:$0x3FB4];
	_ =	sdelay $0x3  }
0x37: {  	[smem:$0x3FB4] =	sst s10  }
0x38: {  	s10 =	sld [smem:$0x3FB5]  }
0x39: {  	_ = 	snop;
	(pc) =	sbr.ind lr, $3  }
0x3a: {  	_ = 	snop  }
0x3b: {  	_ = 	snop  }
0x3c: {  	p2 =	seq.s32 s10, $0x1;
	s10 =	sld [smem:$0x3FB4]  }
0x3d: {  	_ =	shalt  }
0x3e: {  	_ =	shalt  }
0x3f: {  	_ =	shalt  }
0x40: {  	_ =	shalt  }
0x41: {  	_ =	shalt  }
0x42: {  	_ =	shalt  }
0x43: {  	_ =	shalt  }
0x44: {  	_ =	shalt  }
0x45: {  	_ =	shalt  }
0x46: {  	_ =	shalt  }
0x47: {  	_ =	shalt  }
0x48: {  	_ =	shalt  }
0x49: {  	_ =	shalt  }
0x4a: {  	_ =	shalt  }
0x4b: {  	_ =	shalt  }
0x4c: {  	_ =	shalt  }
0x4d: {  	_ =	shalt  }
0x4e: {  	_ =	shalt  }
0x4f: {  	_ =	shalt  }
0x50: {  	_ =	shalt  }
0x51: {  	_ =	shalt  }
0x52: {  	_ =	shalt  }
0x53: {  	_ =	shalt  }
0x54: {  	_ =	shalt  }
0x55: {  	_ =	shalt  }
0x56: {  	_ =	shalt  }
0x57: {  	_ =	shalt  }
0x58: {  	_ =	shalt  }
0x59: {  	_ =	shalt  }
0x5a: {  	_ =	shalt  }
0x5b: {  	_ =	shalt  }
0x5c: {  	_ =	shalt  }
0x5d: {  	_ =	shalt  }
0x5e: {  	_ =	shalt  }
0x5f: {  	_ =	shalt  }
0x60: {  	_ =	shalt  }
0x61: {  	_ =	shalt  }
0x62: {  	_ =	shalt  }
0x63: {  	_ =	shalt  }
0x64: {  	_ =	shalt  }
0x65: {  	_ =	shalt  }
0x66: {  	_ =	shalt  }
0x67: {  	_ =	shalt  }
0x68: {  	_ =	shalt  }
0x69: {  	_ =	shalt  }
0x6a: {  	_ =	shalt  }
0x6b: {  	_ =	shalt  }
0x6c: {  	_ =	shalt  }
0x6d: {  	_ =	shalt  }
0x6e: {  	_ =	shalt  }
0x6f: {  	_ =	shalt  }
0x70: {  	_ =	shalt  }
0x71: {  	_ =	shalt  }
0x72: {  	_ =	shalt  }
0x73: {  	_ =	shalt  }
0x74: {  	_ =	shalt  }
0x75: {  	_ =	shalt  }
0x76: {  	_ =	shalt  }
0x77: {  	_ =	shalt  }
0x78: {  	_ =	shalt  }
0x79: {  	_ =	shalt  }
0x7a: {  	_ =	shalt  }
0x7b: {  	_ =	shalt  }
0x7c: {  	_ =	shalt  }
0x7d: {  	_ =	shalt  }
0x7e: {  	_ =	shalt  }
0x7f: {  	_ =	shalt  }
0x80: {  	_ =	shalt  }
0x81: {  	_ =	shalt  }
0x82: {  	_ =	shalt  }
0x83: {  	_ =	shalt  }
0x84: {  	_ =	shalt  }
0x85: {  	_ =	shalt  }
0x86: {  	_ =	shalt  }
0x87: {  	_ =	shalt  }
.Lfunc_end0:
.L_simem_size_0:
called_computation.1_lowered:
.L_overlay_start_0:
0x88: {  	s2 =	sld [smem:$0x3FD9]  }
0x89: {  	s3 =	sld [smem:$0x3FFE];
	_ =	sdelay $0x1  }
0x8a: {  	s1 =	srdreg.scid  }
0x8b: {  	s0 =	sand.u32 $0x1, s1  }
0x8c: {  	s17 =	sshll.u32 s0, $0xA;
	s2 =	sadd.s32 s3, s2  }
0x8d: {  	s2 =	sadd.s32 s2, s17  }
0x8e: {  	[smem:$0x3FC0] =	sst s2  }
0x8f: {  	_ = 	snop  }
0x90: {  	s2 =	sld [smem:$0x3FD0];
	(tm) =	ssettm $0x1  }
0x91: {  	s18 =	sld [smem:$0x3FFB];
	_ =	sdelay $0x3  }
0x92: {  	_ =	strace s18  }
0x93: {  	s3 =	sld [smem:$0x3FFC];
	_ =	sdelay $0x3  }
0x94: {  	_ =	strace s3  }
0x95: {  	s3 =	sld [smem:$0x3FFD];
	_ =	sdelay $0x3  }
0x96: {  	_ =	strace s3  }
0x97: {  	_ =	strace $0x8FFFFFFF  }
0x98: {  	s19 =	sld [smem:$0x3FDB];
	_ =	sdelay $0x1  }
0x99: {  	s4 =	simm.s32 $_scs_section_size  }
0x9a: {  	s5 =	simm.s32 $_size__tile_overlayer_lowered;
	s6 =	simm.s32 $_tile_overlayer_lowered  }
0x9b: {  	s22 =	simm.s32 $0x1BFF;
	s21 =	sshll.u32 s6, $0x1;
	s3 =	sadd.s32 s4, s19  }
0x9c: {  	s7 =	simm.s32 $0x0;
	s20 =	sshll.u32 s5, $0x1;
	s5 =	sadd.s32 s21, s3  }
0x9d: {  	[timem:s7], [sflag:s22] =	dma.local [hbm:s5], s20  }
0x9e: {  	_ =	swait.ge [sflag:s22], s20  }
0x9f: {  	s4 =	ssub.s32 $0x0, s20;
	[sflag:s22] =	ssyncset.done $0x0  }
0xa0: {  	[sflag:s22] =	ssyncadd.s32 s4;
	_ =	sdelay $0x1  }
0xa1: {  	s23 =	simm.s32 $0x1B8B  }
0xa2: {  	_ =	swait.ge [sflag:s23], $0x1  }
0xa3: {  	[sflag:s23] =	ssyncset.done $0x0  }
0xa4: {  	s25 =	simm.s32 $0x1B8E;
	s24 =	sld [smem:$0x3FFE];
	[sflag:s23] =	ssyncadd.s32 $0xFFFFFFFF  }
0xa5: {  	s26 =	simm.s32 $execute0_lowered;
	[smem:$0x3FD2] =	sst s25  }
0xa6: {  	s5 =	sshll.u32 s26, $0x1;
	_ =	strace $0x80000049;
	[dreg:$0x1] =	wrdreg $0xFFFFFFFF  }
0xa7: {  	s28 =	simm.s32 $_size_execute0_lowered;
	s3 =	sadd.s32 s3, s5;
	[dreg:$0x0] =	wrdreg $0x0  }
0xa8: {  	s5 =	sshll.u32 s28, $0x1;
	[dreg:$0x2] =	wrdreg s3  }
0xa9: {  	[dreg:$0x3] =	wrdreg s5  }
0xaa: {  	[dreg:$0x4] =	wrdreg $0xC0  }
0xab: {  	_ =	task [dreg:s7], $0x5FFFF  }
0xac: {  	[dreg:$0x1] =	wrdreg $0xFFFFFFFF  }
0xad: {  	[dreg:$0x0] =	wrdreg $0x60  }
0xae: {  	[dreg:$0x2] =	wrdreg s24  }
0xaf: {  	[dreg:$0x3] =	wrdreg s2  }
0xb0: {  	[dreg:$0x4] =	wrdreg $0x91A00  }
0xb1: {  	[dreg:$0x5] =	wrdreg $0x9  }
0xb2: {  	_ =	task.clear_ibuf [dreg:s7], $0x6FFFF;
	_ =	strace $0x90000049  }
0xb3: {  	s29 =	simm.s32 $0x9;
	_ =	strace $0x8000004B  }
0xb4: {  	_ =	swait.ge [sflag:s29], $0x1  }
0xb5: {  	[sflag:s29] =	ssyncadd.s32 $0xFFFFFFFF  }
0xb6: {  	_ =	strace $0x9000004B  }
0xb7: {  	_ =	sfence  }
0xb8: {  	s30 =	sld [smem:$0x0];
	_ =	sdelay $0x2  }
0xb9: {  	s31 =	sshll.u32 s1, $0xD;
	s1 =	sshrl.u32 s1, $0x2  }
0xba: {  	s3 =	sand.u32 $0x4000, s31;
	s1 =	sadd.s32 s1, s30  }
0xbb: {  	s0 =	sor.u32 s3, s0;
	s1 =	sshll.u32 s1, $0x11  }
0xbc: {  	s0 =	sor.u32 s1, s0  }
0xbd: {  	s0 =	sadd.s32 $0x8F2B, s0  }
0xbe: {  	[sflag:s0] =	ssyncadd.remote.s32 $0x1  }
0xbf: {  	_ =	sfence.sel $0xFFFF  }
0xc0: {  	[dreg:$0x0] =	wrdreg $0xFFFFFFFF;
	(pc) =	sbr.abs _section_cstart, $3  }
0xc1: {  	[dreg:$0x1] =	wrdreg $0xFFFFFFFF  }
0xc2: {  	_ =	task.clear_ibuf [dreg:s7], $0x2FFFF;
	_ =	strace $0x9FFFFFFF  }
0xc3: {  	(tm) =	ssettm $0x7FFFFFFF  }
tec
execute0_lowered:
.L_overlay_start_1:
0x0: {  	(tag) =	ssettag $0x1  }
0x1: {  	s0 =	rddreg [dreg:$0x0]  }
0x2: {  	s6 =	rddreg [dreg:$0x1]  }
0x3: {  	s1 =	rddreg [dreg:$0x2];
	s3 =	simm.s32 $0x0;
	s26 =	stileid.u32  }
0x4: {  	s2 =	srdreg.scid;
	s28 =	simm.s32 $0x69A0;
	s8 =	smul.u32 $0x2800, s26  }
0x5: {  	s29 =	simm.s32 $0x1;
	s30 =	simm.s32 $0x3;
	s10 =	smul.u32 $0x5000, s26  }
0x6: {  	s31 =	simm.s32 $0x2;
	[smem:$0x7FF] =	sst s3;
	s20 =	smul.u32 $0x50000, s26  }
0x7: {  	s5 =	sand.u32 $0x1, s2;
	s4 =	sadd.s32 $0x16C00, s0;
	s26 =	smul.u32 $0xA00, s26  }
0x8: {  	s21 =	sadd.s32 $0xCC00, s0;
	s7 =	smul.u32 $0x28000, s5;
	s9 =	ssub.s32 $0x2, s5  }
0x9: {  	_ =	strace $0x8000004A;
	p0 =	seq.s32 s5, $0x1;
	s17 =	sshrl.u32 s9, $0x1  }
0xa: {  	s19 =	sshrl.u32 s10, $0x3;
	s24 =	sshrl.u32 s20, $0x2;
	s7 =	sadd.s32 s8, s7  }
0xb: {  	s18 =	ssub.s32 s9, s17;
	s5 =	sadd.s32 s21, s19;
	s10 =	sadd.s32 s6, s19  }
0xc: {  	s8 =	sadd.s32 $0x820, s19;
	s12 =	sadd.s32 s24, s1;
	s24 =	simm.s32 $0x4100  }
0xd: {  	s0 =	sadd.s32 s7, s0;
	[dreg:$0x4] =	wrdreg s10;
	s22 =	sadd.s32 $0xA, s5  }
0xe: {  	s6 =	sadd.s32 s6, s8;
	s23 =	sadd.s32 s21, s8;
	s25 =	sadd.s32 $0x82A, s5  }
0xf: {  	s13 =	smax.u32 s18, $0x1;
	s14 =	sadd.s32 $0x2800, s12;
	s15 =	sadd.s32 $0x5000, s12  }
0x10: {  	s16 =	sadd.s32 $0x7800, s12;
	s17 =	sadd.s32 $0xA000, s12;
	[dreg:$0x5] =	wrdreg s22  }
.Ltmp0:
0x11: {  	s18 =	sadd.s32 $0xC800, s12;
	[dreg:$0x6] =	wrdreg s6;
	(pc) =	sbr.rel .LBB2_1-.Ltmp0, $4  }
0x12: {  	s19 =	sadd.s32 $0xF000, s12;
	s20 =	sadd.s32 $0x11800, s12;
	[dreg:$0x7] =	wrdreg s23  }
0x13: {  	s21 =	sadd.s32 s26, s21;
	s26 =	simm.s32 $0x4150;
	[dreg:$0x8] =	wrdreg s25  }
0x14: {  	s11 =	sadd.s32 $0x3EC00, s0;
	s22 =	simm.s32 $0x41A0;
	s23 =	simm.s32 $0x5  }
0x15: {  	v0 =	vimm.f32 $0.0e+00;
	s25 =	simm.s32 $0x50;
	s0 =	simm.s32 $0x4;
	s6 =	simm.s32 $0x0  }
.LBB2_6:
0x16: {  	[tilespmem:s28], [sflag:$0x4] =	stream.indirect.gather [hbm4b:s4+s25], $0x80, s7, s25, $0xb8;
	[tilespmem:$0x1D1A0] =	vst v63  }
.LBB2_10:
0x17: {  	_ =	swait.ge [sflag:s29], $0x50  }
0x18: {  	[sflag:s29] =	ssyncset.done $0x0  }
0x19: {  	[sflag:s29] =	ssyncadd.s32 $0xFFFFFFB0  }
0x1a: {  	_ =	swait.ge [sflag:s30], $0x2800  }
0x1b: {  	[sflag:s30] =	ssyncset.done $0x0  }
0x1c: {  	[sflag:s30] =	ssyncadd.s32 $0xFFFFD800  }
0x1d: {  	[spmem:s1] =	stream.indirect.scatter.add.f32 [tilespmem:s22], [sflag:$0x5], $0x80, s24, s25, $0xb8;
	[tilespmem:$0x1D1A0] =	vst v63  }
0x1e: {  	_ =	swait.ge [sflag:s23], $0x2800  }
0x1f: {  	[sflag:s23] =	ssyncset.done $0x0  }
0x20: {  	[sflag:s23] =	ssyncadd.s32 $0xFFFFD800  }
0x21: {  	_ =	swait.ge [sflag:s31], $0x50  }
0x22: {  	[sflag:s31] =	ssyncset.done $0x0  }
0x23: {  	[sflag:s31] =	ssyncadd.s32 $0xFFFFFFB0  }
0x24: {  	_ =	swait.ge [sflag:s0], $0x2800  }
0x25: {  	[sflag:s0] =	ssyncset.done $0x0  }
0x26: {  	[sflag:s0] =	ssyncadd.s32 $0xFFFFD800  }
0x27: {  	[spmem:s1] =	stream.indirect.scatter.add.f32 [tilespmem:s28], [sflag:$0x5], $0x80, s26, s25, $0xb8;
	[tilespmem:$0x1D1A0] =	vst v63  }
0x28: {  	s2 =	stileid.u32;
	_ =	swait.ge [sflag:s23], $0x2800  }
0x29: {  	s7 =	sshrl.u32 s12, $0x3;
	s6 =	sadd.s32 $0x1, s6;
	[sflag:s23] =	ssyncset.done $0x0  }
0x2a: {  	s2 =	sshll.u32 s2, $0x6;
	p1 =	sne.s32 s6, s13;
	[sflag:s23] =	ssyncadd.s32 $0xFFFFD800  }
.Ltmp1:
0x2b: {  	s2 =	sor.u32 $0x1C05, s2;
	[bflag:$0x0] =	sbarrier.arrive $0xFFFF;
	(pc) =	sbr.rel @!p1 .LBB2_11-.Ltmp1, $4  }
0x2c: {  	[hbm:s11], [sflag:s2] =	dma.local [spmem:s7], $0x2800  }
0x2d: {  	_ =	swait.ge [sflag:s23], $0x2800  }
0x2e: {  	[sflag:s23] =	ssyncset.done $0x0  }
0x2f: {  	[sflag:s23] =	ssyncadd.s32 $0xFFFFD800  }
.LBB2_1:
0x30: {  	s7 =	simm.s32 $0x10;
	s8 =	sand.u32 $0x3FF0, s3  }
.LBB2_2:
0x31: {  	p1 =	sne.s32 s7, $0x27F0;
	[tilespmem:s8+$0x41A0] =	vst v0;
	s8 =	smov.u32 s7;
	s7 =	sadd.s32 $0x10, s7  }
.Ltmp2:
0x32: {  	(pc) =	sbr.rel @p1 .LBB2_2-.Ltmp2, $2  }
0x33: {  	_ =	sdelay $0x2  }
0x34: {  	s8 =	sand.u32 $0x3FF0, s8  }
0x35: {  	[tilespmem:s8+$0x41A0] =	vst v0  }
0x36: {  	[spmem:s12] =	stream.linear.scatter [tilespmem:s22], [sflag:$0x5], $0x2800, $0x38;
	[tilespmem:$0x1D1A0] =	vst v63  }
0x37: {  	_ =	swait.ge [sflag:s23], $0x2800  }
0x38: {  	[sflag:s23] =	ssyncset.done $0x0  }
0x39: {  	[sflag:s23] =	ssyncadd.s32 $0xFFFFD800  }
0x3a: {  	[spmem:s14] =	stream.linear.scatter [tilespmem:s22], [sflag:$0x5], $0x2800, $0x38;
	[tilespmem:$0x1D1A0] =	vst v63  }
0x3b: {  	_ =	swait.ge [sflag:s23], $0x2800  }
0x3c: {  	[sflag:s23] =	ssyncset.done $0x0  }
0x3d: {  	[sflag:s23] =	ssyncadd.s32 $0xFFFFD800  }
0x3e: {  	[spmem:s15] =	stream.linear.scatter [tilespmem:s22], [sflag:$0x5], $0x2800, $0x38;
	[tilespmem:$0x1D1A0] =	vst v63  }
0x3f: {  	_ =	swait.ge [sflag:s23], $0x2800  }
0x40: {  	[sflag:s23] =	ssyncset.done $0x0  }
0x41: {  	[sflag:s23] =	ssyncadd.s32 $0xFFFFD800  }
0x42: {  	[spmem:s16] =	stream.linear.scatter [tilespmem:s22], [sflag:$0x5], $0x2800, $0x38;
	[tilespmem:$0x1D1A0] =	vst v63  }
0x43: {  	_ =	swait.ge [sflag:s23], $0x2800  }
0x44: {  	[sflag:s23] =	ssyncset.done $0x0  }
0x45: {  	[sflag:s23] =	ssyncadd.s32 $0xFFFFD800  }
0x46: {  	[spmem:s17] =	stream.linear.scatter [tilespmem:s22], [sflag:$0x5], $0x2800, $0x38;
	[tilespmem:$0x1D1A0] =	vst v63  }
0x47: {  	_ =	swait.ge [sflag:s23], $0x2800  }
0x48: {  	[sflag:s23] =	ssyncset.done $0x0  }
0x49: {  	[sflag:s23] =	ssyncadd.s32 $0xFFFFD800  }
0x4a: {  	[spmem:s18] =	stream.linear.scatter [tilespmem:s22], [sflag:$0x5], $0x2800, $0x38;
	[tilespmem:$0x1D1A0] =	vst v63  }
0x4b: {  	_ =	swait.ge [sflag:s23], $0x2800  }
0x4c: {  	[sflag:s23] =	ssyncset.done $0x0  }
0x4d: {  	[sflag:s23] =	ssyncadd.s32 $0xFFFFD800  }
0x4e: {  	[spmem:s19] =	stream.linear.scatter [tilespmem:s22], [sflag:$0x5], $0x2800, $0x38;
	[tilespmem:$0x1D1A0] =	vst v63  }
0x4f: {  	_ =	swait.ge [sflag:s23], $0x2800  }
0x50: {  	[sflag:s23] =	ssyncset.done $0x0  }
0x51: {  	[sflag:s23] =	ssyncadd.s32 $0xFFFFD800  }
0x52: {  	[spmem:s20] =	stream.linear.scatter [tilespmem:s22], [sflag:$0x5], $0x2800, $0x38;
	[tilespmem:$0x1D1A0] =	vst v63  }
.Ltmp3:
0x53: {  	_ =	swait.ge [sflag:s23], $0x2800;
	(pc) =	sbr.rel @!p0 .LBB2_4-.Ltmp3, $3  }
0x54: {  	[sflag:s23] =	ssyncset.done $0x0  }
0x55: {  	[sflag:s23] =	ssyncadd.s32 $0xFFFFD800  }
0x56: {  	[bflag:$0x0] =	sbarrier.arrive $0xFFFF;
	_ =	sdelay $0x1  }
0x57: {  	s2 =	rddreg [dreg:$0x6]  }
0x58: {  	[tilespmem:s3], [sflag:$0x5] =	stream.linear.gather [hbm4b:s2+s3], $0xF00, $0x38;
	[tilespmem:$0x1D1A0] =	vst v63  }
0x59: {  	_ =	swait.ge [sflag:s23], $0xF00  }
0x5a: {  	[sflag:s23] =	ssyncset.done $0x0  }
0x5b: {  	s7 =	rddreg [dreg:$0x7];
	[sflag:s23] =	ssyncadd.s32 $0xFFFFF100  }
0x5c: {  	[tilespmem:s24], [sflag:$0x1] =	stream.linear.gather [hbm4b:s7+s3], $0x50, $0x38;
	[tilespmem:$0x1D1A0] =	vst v63  }
0x5d: {  	_ = 	snop  }
0x5e: {  	[tilespmem:s22], [sflag:$0x3] =	stream.indirect.gather [hbm4b:s4+s25], $0x80, s3, s25, $0xb8;
	[tilespmem:$0x1D1A0] =	vst v63  }
0x5f: {  	s8 =	rddreg [dreg:$0x8]  }
0x60: {  	[tilespmem:s26], [sflag:$0x2] =	stream.linear.gather [hbm4b:s8+s3], $0x50, $0x38;
	[tilespmem:$0x1D1A0] =	vst v63  }
0x61: {  	_ = 	snop  }
0x62: {  	[tilespmem:s28], [sflag:$0x4] =	stream.indirect.gather [hbm4b:s4+s25], $0x80, s25, s25, $0xb8;
	[tilespmem:$0x1D1A0] =	vst v63  }
0x63: {  	_ =	swait.ge [sflag:s29], $0x50  }
0x64: {  	[sflag:s29] =	ssyncset.done $0x0  }
0x65: {  	[sflag:s29] =	ssyncadd.s32 $0xFFFFFFB0  }
0x66: {  	_ =	swait.ge [sflag:s30], $0x2800  }
0x67: {  	[sflag:s30] =	ssyncset.done $0x0  }
0x68: {  	[sflag:s30] =	ssyncadd.s32 $0xFFFFD800  }
0x69: {  	[spmem:s1] =	stream.indirect.scatter.add.f32 [tilespmem:s22], [sflag:$0x5], $0x80, s24, s25, $0xb8;
	[tilespmem:$0x1D1A0] =	vst v63  }
0x6a: {  	_ =	swait.ge [sflag:s23], $0x2800  }
0x6b: {  	s9 =	sadd.s32 $0xFFFFFE34, s21;
	[sflag:s23] =	ssyncset.done $0x0  }
0x6c: {  	s7 =	sadd.s32 $0xA00, s9;
	[sflag:s23] =	ssyncadd.s32 $0xFFFFD800  }
0x6d: {  	[tilespmem:s24], [sflag:$0x1] =	stream.linear.gather [hbm4b:s7+s3], $0x50, $0x38;
	[tilespmem:$0x1D1A0] =	vst v63  }
0x6e: {  	s10 =	simm.s32 $0xA0  }
0x6f: {  	[tilespmem:s22], [sflag:$0x3] =	stream.indirect.gather [hbm4b:s4+s25], $0x80, s10, s25, $0xb8;
	[tilespmem:$0x1D1A0] =	vst v63  }
0x70: {  	_ =	swait.ge [sflag:s31], $0x50  }
0x71: {  	[sflag:s31] =	ssyncset.done $0x0  }
0x72: {  	[sflag:s31] =	ssyncadd.s32 $0xFFFFFFB0  }
0x73: {  	_ =	swait.ge [sflag:s0], $0x2800  }
0x74: {  	[sflag:s0] =	ssyncset.done $0x0  }
0x75: {  	[sflag:s0] =	ssyncadd.s32 $0xFFFFD800  }
0x76: {  	[spmem:s1] =	stream.indirect.scatter.add.f32 [tilespmem:s28], [sflag:$0x5], $0x80, s26, s25, $0xb8;
	[tilespmem:$0x1D1A0] =	vst v63  }
0x77: {  	_ =	swait.ge [sflag:s23], $0x2800  }
0x78: {  	s2 =	sadd.s32 $0xA0A, s9;
	s9 =	simm.s32 $0x190;
	[sflag:s23] =	ssyncset.done $0x0  }
0x79: {  	s8 =	simm.s32 $0xFFFFFE48;
	s7 =	simm.s32 $0xF0;
	[sflag:s23] =	ssyncadd.s32 $0xFFFFD800  }
0x7a: {  	[tilespmem:s26], [sflag:$0x2] =	stream.linear.gather [hbm4b:s2+s3], $0x50, $0x38;
	[tilespmem:$0x1D1A0] =	vst v63  }
.LBB2_8:
0x7b: {  	[tilespmem:s28], [sflag:$0x4] =	stream.indirect.gather [hbm4b:s4+s25], $0x80, s7, s25, $0xb8;
	[tilespmem:$0x1D1A0] =	vst v63  }
0x7c: {  	s2 =	smov.u32 s8;
	s7 =	smov.u32 s9  }
0x7d: {  	p1 =	sne.s32 s8, $0xFFFFFFEC;
	s8 =	sadd.s32 $0x14, s8;
	_ =	swait.ge [sflag:s29], $0x50  }
0x7e: {  	[sflag:s29] =	ssyncset.done $0x0  }
0x7f: {  	[sflag:s29] =	ssyncadd.s32 $0xFFFFFFB0  }
0x80: {  	_ =	swait.ge [sflag:s30], $0x2800  }
0x81: {  	[sflag:s30] =	ssyncset.done $0x0  }
0x82: {  	[sflag:s30] =	ssyncadd.s32 $0xFFFFD800  }
0x83: {  	[spmem:s1] =	stream.indirect.scatter.add.f32 [tilespmem:s22], [sflag:$0x5], $0x80, s24, s25, $0xb8;
	[tilespmem:$0x1D1A0] =	vst v63  }
0x84: {  	_ =	swait.ge [sflag:s23], $0x2800  }
0x85: {  	s2 =	sadd.s32 s2, s21;
	[sflag:s23] =	ssyncset.done $0x0  }
0x86: {  	s10 =	sadd.s32 $0xA00, s2;
	[sflag:s23] =	ssyncadd.s32 $0xFFFFD800  }
0x87: {  	[tilespmem:s24], [sflag:$0x1] =	stream.linear.gather [hbm4b:s10+s3], $0x50, $0x38;
	[tilespmem:$0x1D1A0] =	vst v63  }
0x88: {  	s10 =	sadd.s32 $0xFFFFFFB0, s9  }
0x89: {  	[tilespmem:s22], [sflag:$0x3] =	stream.indirect.gather [hbm4b:s4+s25], $0x80, s10, s25, $0xb8;
	[tilespmem:$0x1D1A0] =	vst v63  }
0x8a: {  	_ =	swait.ge [sflag:s31], $0x50  }
0x8b: {  	[sflag:s31] =	ssyncset.done $0x0  }
0x8c: {  	[sflag:s31] =	ssyncadd.s32 $0xFFFFFFB0  }
0x8d: {  	_ =	swait.ge [sflag:s0], $0x2800  }
0x8e: {  	[sflag:s0] =	ssyncset.done $0x0  }
0x8f: {  	[sflag:s0] =	ssyncadd.s32 $0xFFFFD800  }
0x90: {  	[spmem:s1] =	stream.indirect.scatter.add.f32 [tilespmem:s28], [sflag:$0x5], $0x80, s26, s25, $0xb8;
	[tilespmem:$0x1D1A0] =	vst v63  }
.Ltmp4:
0x91: {  	_ =	swait.ge [sflag:s23], $0x2800;
	(pc) =	sbr.rel @p1 .LBB2_8-.Ltmp4, $4  }
0x92: {  	[sflag:s23] =	ssyncset.done $0x0  }
0x93: {  	s2 =	sadd.s32 $0xA0A, s2;
	[sflag:s23] =	ssyncadd.s32 $0xFFFFD800  }
0x94: {  	[tilespmem:s26], [sflag:$0x2] =	stream.linear.gather [hbm4b:s2+s3], $0x50, $0x38;
	[tilespmem:$0x1D1A0] =	vst v63  }
0x95: {  	s9 =	sadd.s32 $0xA0, s9  }
.Ltmp5:
0x96: {  	(pc) =	sbr.rel .LBB2_10-.Ltmp5, $2  }
0x97: {  	_ =	sdelay $0x2  }
0x98: {  	[tilespmem:s28], [sflag:$0x4] =	stream.indirect.gather [hbm4b:s4+s25], $0x80, s7, s25, $0xb8;
	[tilespmem:$0x1D1A0] =	vst v63  }
.LBB2_4:
0x99: {  	s2 =	rddreg [dreg:$0x4]  }
0x9a: {  	[tilespmem:s3], [sflag:$0x5] =	stream.linear.gather [hbm4b:s2+s3], $0x4100, $0x38;
	[tilespmem:$0x1D1A0] =	vst v63  }
0x9b: {  	_ =	swait.ge [sflag:s23], $0x4100  }
0x9c: {  	[sflag:s23] =	ssyncset.done $0x0  }
0x9d: {  	[sflag:s23] =	ssyncadd.s32 $0xFFFFBF00  }
0x9e: {  	[tilespmem:s24], [sflag:$0x1] =	stream.linear.gather [hbm4b:s5+s3], $0x50, $0x38;
	[tilespmem:$0x1D1A0] =	vst v63  }
0x9f: {  	_ = 	snop  }
0xa0: {  	[tilespmem:s22], [sflag:$0x3] =	stream.indirect.gather [hbm4b:s4+s25], $0x80, s3, s25, $0xb8;
	[tilespmem:$0x1D1A0] =	vst v63  }
0xa1: {  	s9 =	rddreg [dreg:$0x5]  }
0xa2: {  	[tilespmem:s26], [sflag:$0x2] =	stream.linear.gather [hbm4b:s9+s3], $0x50, $0x38;
	[tilespmem:$0x1D1A0] =	vst v63  }
0xa3: {  	_ = 	snop  }
0xa4: {  	[tilespmem:s28], [sflag:$0x4] =	stream.indirect.gather [hbm4b:s4+s25], $0x80, s25, s25, $0xb8;
	[tilespmem:$0x1D1A0] =	vst v63  }
0xa5: {  	_ =	swait.ge [sflag:s29], $0x50  }
0xa6: {  	[sflag:s29] =	ssyncset.done $0x0  }
0xa7: {  	[sflag:s29] =	ssyncadd.s32 $0xFFFFFFB0  }
0xa8: {  	_ =	swait.ge [sflag:s30], $0x2800  }
0xa9: {  	[sflag:s30] =	ssyncset.done $0x0  }
0xaa: {  	[sflag:s30] =	ssyncadd.s32 $0xFFFFD800  }
0xab: {  	[spmem:s1] =	stream.indirect.scatter.add.f32 [tilespmem:s22], [sflag:$0x5], $0x80, s24, s25, $0xb8;
	[tilespmem:$0x1D1A0] =	vst v63  }
0xac: {  	_ =	swait.ge [sflag:s23], $0x2800  }
0xad: {  	s7 =	sadd.s32 $0xFFFFF7F4, s21;
	[sflag:s23] =	ssyncset.done $0x0  }
0xae: {  	s8 =	sadd.s32 $0x820, s7;
	[sflag:s23] =	ssyncadd.s32 $0xFFFFD800  }
0xaf: {  	[tilespmem:s24], [sflag:$0x1] =	stream.linear.gather [hbm4b:s8+s3], $0x50, $0x38;
	[tilespmem:$0x1D1A0] =	vst v63  }
0xb0: {  	s10 =	simm.s32 $0xA0  }
0xb1: {  	[tilespmem:s22], [sflag:$0x3] =	stream.indirect.gather [hbm4b:s4+s25], $0x80, s10, s25, $0xb8;
	[tilespmem:$0x1D1A0] =	vst v63  }
0xb2: {  	_ =	swait.ge [sflag:s31], $0x50  }
0xb3: {  	[sflag:s31] =	ssyncset.done $0x0  }
0xb4: {  	[sflag:s31] =	ssyncadd.s32 $0xFFFFFFB0  }
0xb5: {  	_ =	swait.ge [sflag:s0], $0x2800  }
0xb6: {  	[sflag:s0] =	ssyncset.done $0x0  }
0xb7: {  	[sflag:s0] =	ssyncadd.s32 $0xFFFFD800  }
0xb8: {  	[spmem:s1] =	stream.indirect.scatter.add.f32 [tilespmem:s28], [sflag:$0x5], $0x80, s26, s25, $0xb8;
	[tilespmem:$0x1D1A0] =	vst v63  }
0xb9: {  	_ =	swait.ge [sflag:s23], $0x2800  }
0xba: {  	[sflag:s23] =	ssyncset.done $0x0  }
0xbb: {  	s7 =	sadd.s32 $0x82A, s7;
	[sflag:s23] =	ssyncadd.s32 $0xFFFFD800  }
0xbc: {  	[tilespmem:s26], [sflag:$0x2] =	stream.linear.gather [hbm4b:s7+s3], $0x50, $0x38;
	[tilespmem:$0x1D1A0] =	vst v63  }
0xbd: {  	s9 =	simm.s32 $0x190;
	s8 =	simm.s32 $0xFFFFF808;
	s7 =	simm.s32 $0xF0  }
.LBB2_5:
0xbe: {  	[tilespmem:s28], [sflag:$0x4] =	stream.indirect.gather [hbm4b:s4+s25], $0x80, s7, s25, $0xb8;
	[tilespmem:$0x1D1A0] =	vst v63  }
0xbf: {  	s10 =	smov.u32 s8;
	s7 =	smov.u32 s9  }
0xc0: {  	p1 =	seq.s32 s8, $0xFFFFFFEC;
	s8 =	sadd.s32 $0x14, s8;
	_ =	swait.ge [sflag:s29], $0x50  }
0xc1: {  	[sflag:s29] =	ssyncset.done $0x0  }
0xc2: {  	[sflag:s29] =	ssyncadd.s32 $0xFFFFFFB0  }
0xc3: {  	_ =	swait.ge [sflag:s30], $0x2800  }
0xc4: {  	[sflag:s30] =	ssyncset.done $0x0  }
0xc5: {  	[sflag:s30] =	ssyncadd.s32 $0xFFFFD800  }
0xc6: {  	[spmem:s1] =	stream.indirect.scatter.add.f32 [tilespmem:s22], [sflag:$0x5], $0x80, s24, s25, $0xb8;
	[tilespmem:$0x1D1A0] =	vst v63  }
0xc7: {  	_ =	swait.ge [sflag:s23], $0x2800  }
0xc8: {  	s10 =	sadd.s32 s10, s21;
	[sflag:s23] =	ssyncset.done $0x0  }
0xc9: {  	s2 =	sadd.s32 $0x820, s10;
	[sflag:s23] =	ssyncadd.s32 $0xFFFFD800  }
0xca: {  	[tilespmem:s24], [sflag:$0x1] =	stream.linear.gather [hbm4b:s2+s3], $0x50, $0x38;
	[tilespmem:$0x1D1A0] =	vst v63  }
0xcb: {  	s2 =	sadd.s32 $0xFFFFFFB0, s9  }
0xcc: {  	[tilespmem:s22], [sflag:$0x3] =	stream.indirect.gather [hbm4b:s4+s25], $0x80, s2, s25, $0xb8;
	[tilespmem:$0x1D1A0] =	vst v63  }
0xcd: {  	_ =	swait.ge [sflag:s31], $0x50  }
0xce: {  	[sflag:s31] =	ssyncset.done $0x0  }
0xcf: {  	[sflag:s31] =	ssyncadd.s32 $0xFFFFFFB0  }
0xd0: {  	_ =	swait.ge [sflag:s0], $0x2800  }
0xd1: {  	[sflag:s0] =	ssyncset.done $0x0  }
0xd2: {  	[sflag:s0] =	ssyncadd.s32 $0xFFFFD800  }
0xd3: {  	[spmem:s1] =	stream.indirect.scatter.add.f32 [tilespmem:s28], [sflag:$0x5], $0x80, s26, s25, $0xb8;
	[tilespmem:$0x1D1A0] =	vst v63  }
.Ltmp6:
0xd4: {  	_ =	swait.ge [sflag:s23], $0x2800;
	(pc) =	sbr.rel @!p1 .LBB2_5-.Ltmp6, $4  }
0xd5: {  	[sflag:s23] =	ssyncset.done $0x0  }
0xd6: {  	s2 =	sadd.s32 $0x82A, s10;
	[sflag:s23] =	ssyncadd.s32 $0xFFFFD800  }
0xd7: {  	[tilespmem:s26], [sflag:$0x2] =	stream.linear.gather [hbm4b:s2+s3], $0x50, $0x38;
	[tilespmem:$0x1D1A0] =	vst v63  }
0xd8: {  	s9 =	sadd.s32 $0xA0, s9  }
.Ltmp7:
0xd9: {  	_ = 	snop;
	(pc) =	sbr.rel .LBB2_6-.Ltmp7, $1  }
0xda: {  	_ =	sdelay $0x3  }
.LBB2_11:
0xdb: {  	_ =	sfence.sel $0x180000  }
0xdc: {  	[bflag:$0x0] =	sbarrier.arrive $0xFFFF  }
0xdd: {  	_ =	strace $0x9000004A  }
0xde: {  	s0 =	stileid.u32;
	[bflag:$0x2] =	sbarrier.arrive $0xFFFF  }
0xdf: {  	p0 =	sne.s32 s0, $0x0;
	s0 =	rddreg [dreg:$0x3]  }
0xe0: {  	s0 =	sadd.s32 @!p0 $0x100000, s0  }
0xe1: {  	[sflag:s0] =	ssyncadd.tile.s32 @!p0 $0x1;
	_ =	shalt  }
.Lfunc_end2:
_tile_overlayer_lowered:
.L_overlay_start_2:
0xe2: {  	(tag) =	ssettag $0x2  }
0xe3: {  	s0 =	rddreg [dreg:$0x0];
	s2 =	stileid.u32  }
0xe4: {  	s1 =	rddreg [dreg:$0x1];
	p0 =	sne.s32 s2, $0x0  }
0xe5: {  	s3 =	rddreg [dreg:$0x2];
	[bflag:$0x3] =	sbarrier.arrive $0xFFFF;
	s2 =	simm.s32 @!p0 $0x1C05  }
0xe6: {  	[timem:s3], [sflag:s2] =	dma.local @!p0 [hbm:s0], s1  }
0xe7: {  	s0 =	simm.s32 @!p0 $0x5  }
0xe8: {  	_ =	swait.ge @!p0 [sflag:s0], s1  }
0xe9: {  	s1 =	ssub.s32 @!p0 $0x0, s1;
	[sflag:s0] =	ssyncset.done @!p0 $0x0  }
0xea: {  	[sflag:s0] =	ssyncadd.s32 @!p0 s1  }
0xeb: {  	[bflag:$0x3] =	sbarrier.arrive $0xFFFF  }
0xec: {  	_ =	shalt  }

// kernel: kernel.14.cloned.1.call-start
scs
__scs_entry_jumppad:
0x0: {  	(pc) =	sbr.rel $0x88, $3  }
0x1: {  	(tag) =	ssettag $0x0;
	lr =	simm.s32 $0x1  }
0x2: {  	[smem:$0x3F99] =	sst lr;
	_ =	strace $0xD0000000  }
0x3: {  	_ = 	snop  }
0x4: {  	_ = 	snop  }
0x5: {  	_ = 	snop  }
0x6: {  	_ = 	snop  }
0x7: {  	_ = 	snop  }
__scs_overlays_trampoline_lowered:
0x8: {  	[smem:$0x3FA8] =	sst s0  }
0x9: {  	[smem:$0x3FA9] =	sst s1  }
0xa: {  	[smem:$0x3FAA] =	sst s2  }
0xb: {  	[smem:$0x3FAB] =	sst s3  }
0xc: {  	[smem:$0x3FAC] =	sst s4  }
0xd: {  	[smem:$0x3FAD] =	sst s5  }
0xe: {  	[smem:$0x3FAE] =	sst s6  }
0xf: {  	[smem:$0x3FAF] =	sst s7  }
0x10: {  	[smem:$0x3FB0] =	sst s8  }
0x11: {  	[smem:$0x3FB1] =	sst s9;
	s0 =	simm.s32 @!p0 $0x0  }
0x12: {  	s1 =	sld [smem:$0x3F97];
	s0 =	simm.s32 @p0 $0x1  }
0x13: {  	[smem:$0x3FB2] =	sst s0;
	s0 =	simm.s32 @!p1 $0x0  }
0x14: {  	s2 =	sld [smem:$0x3F96];
	s0 =	simm.s32 @p1 $0x1  }
0x15: {  	[smem:$0x3FB3] =	sst s0;
	s0 =	simm.s32 @!p2 $0x0  }
0x16: {  	s3 =	sld [smem:$0x3FDB];
	s0 =	simm.s32 @p2 $0x1  }
0x17: {  	s4 =	simm.s32 $0x1BF5;
	[smem:$0x3FB5] =	sst s0  }
0x18: {  	s0 =	sld [smem:$0x3F98];
	_ =	swait.ge [sflag:s4], $0x0  }
0x19: {  	s7 =	sld [smem:$0x3F99]  }
0x1a: {  	s8 =	sadd.s32 $0xFFFFE003, lr  }
0x1b: {  	s9 =	sadd.s32 $0xFFFFFEF7, lr;
	s5 =	simm.s32 $0xFFFFFFFF;
	p2 =	slt.u32 s8, $0xFFFFF086  }
0x1c: {  	p1 =	slt.u32 s9, $0xF7A;
	s5 =	simm.s32 @!p2 $0x0  }
0x1d: {  	s5 =	simm.s32 @p1 $0x1;
	p0 =	seq.s32 s7, s2  }
0x1e: {  	s7 =	smul.u32 @!p0 $0xF7A, s2;
	p2 =	seq.s32 @!p0 s5, $0x0  }
0x1f: {  	s9 =	smul.u32 $0xF7A, s1;
	s8 =	simm.s32 @!p0 $0x1BF5;
	p2 =	por !p2, p0  }
0x20: {  	[sflag:s8] =	ssyncset.s32 @!p0 $0xFFFFF086;
	s6 =	sadd.s32 @!p0 s3, s7;
	s7 =	simm.s32 @!p0 $0x108  }
0x21: {  	s3 =	sadd.s32 s3, s9;
	s6 =	sadd.s32 @!p0 $0x88, s6;
	s7 =	simm.s32 @p2 $0x1082  }
0x22: {  	[simem:s7], [sflag:s8] =	dma.local @!p0 [hbm:s6], $0xF7A  }
0x23: {  	s9 =	sor.u32 $0xD0000000, s2;
	s6 =	simm.s32 $0x108;
	_ =	swait.ge @!p0 [sflag:s8], $0x0  }
0x24: {  	s3 =	sadd.s32 $0x88, s3;
	s6 =	simm.s32 @!p1 $0x1082;
	[sflag:s4] =	ssyncset.s32 $0xFFFFF086  }
0x25: {  	[simem:s6], [sflag:s4] =	dma.local [hbm:s3], $0xF7A  }
0x26: {  	[smem:$0x3F99] =	sst s1;
	(tag) =	ssettag s2;
	_ =	strace s9  }
0x27: {  	s1 =	sld [smem:$0x3FA9]  }
0x28: {  	s2 =	sld [smem:$0x3FAA]  }
0x29: {  	s4 =	sld [smem:$0x3FAC]  }
0x2a: {  	p0 =	seq.s32 s5, $0x0;
	s5 =	sld [smem:$0x3FAD]  }
0x2b: {  	s6 =	sld [smem:$0x3FAE]  }
0x2c: {  	s7 =	sld [smem:$0x3FAF]  }
0x2d: {  	s3 =	simm.s32 $0x108;
	s8 =	sld [smem:$0x3FB0]  }
0x2e: {  	s3 =	simm.s32 @!p0 $0x1082;
	s9 =	sld [smem:$0x3FB1]  }
0x2f: {  	lr =	sadd.s32 s0, s3;
	s0 =	sld [smem:$0x3FA8]  }
0x30: {  	s3 =	sld [smem:$0x3FAB]  }
0x31: {  	[smem:$0x3FB4] =	sst s10  }
0x32: {  	s10 =	sld [smem:$0x3FB2];
	_ =	sdelay $0x3  }
0x33: {  	p0 =	seq.s32 s10, $0x1;
	s10 =	sld [smem:$0x3FB4];
	_ =	sdelay $0x3  }
0x34: {  	[smem:$0x3FB4] =	sst s10  }
0x35: {  	s10 =	sld [smem:$0x3FB3];
	_ =	sdelay $0x3  }
0x36: {  	p1 =	seq.s32 s10, $0x1;
	s10 =	sld [smem:$0x3FB4];
	_ =	sdelay $0x3  }
0x37: {  	[smem:$0x3FB4] =	sst s10  }
0x38: {  	s10 =	sld [smem:$0x3FB5]  }
0x39: {  	_ = 	snop;
	(pc) =	sbr.ind lr, $3  }
0x3a: {  	_ = 	snop  }
0x3b: {  	_ = 	snop  }
0x3c: {  	p2 =	seq.s32 s10, $0x1;
	s10 =	sld [smem:$0x3FB4]  }
0x3d: {  	_ =	shalt  }
0x3e: {  	_ =	shalt  }
0x3f: {  	_ =	shalt  }
0x40: {  	_ =	shalt  }
0x41: {  	_ =	shalt  }
0x42: {  	_ =	shalt  }
0x43: {  	_ =	shalt  }
0x44: {  	_ =	shalt  }
0x45: {  	_ =	shalt  }
0x46: {  	_ =	shalt  }
0x47: {  	_ =	shalt  }
0x48: {  	_ =	shalt  }
0x49: {  	_ =	shalt  }
0x4a: {  	_ =	shalt  }
0x4b: {  	_ =	shalt  }
0x4c: {  	_ =	shalt  }
0x4d: {  	_ =	shalt  }
0x4e: {  	_ =	shalt  }
0x4f: {  	_ =	shalt  }
0x50: {  	_ =	shalt  }
0x51: {  	_ =	shalt  }
0x52: {  	_ =	shalt  }
0x53: {  	_ =	shalt  }
0x54: {  	_ =	shalt  }
0x55: {  	_ =	shalt  }
0x56: {  	_ =	shalt  }
0x57: {  	_ =	shalt  }
0x58: {  	_ =	shalt  }
0x59: {  	_ =	shalt  }
0x5a: {  	_ =	shalt  }
0x5b: {  	_ =	shalt  }
0x5c: {  	_ =	shalt  }
0x5d: {  	_ =	shalt  }
0x5e: {  	_ =	shalt  }
0x5f: {  	_ =	shalt  }
0x60: {  	_ =	shalt  }
0x61: {  	_ =	shalt  }
0x62: {  	_ =	shalt  }
0x63: {  	_ =	shalt  }
0x64: {  	_ =	shalt  }
0x65: {  	_ =	shalt  }
0x66: {  	_ =	shalt  }
0x67: {  	_ =	shalt  }
0x68: {  	_ =	shalt  }
0x69: {  	_ =	shalt  }
0x6a: {  	_ =	shalt  }
0x6b: {  	_ =	shalt  }
0x6c: {  	_ =	shalt  }
0x6d: {  	_ =	shalt  }
0x6e: {  	_ =	shalt  }
0x6f: {  	_ =	shalt  }
0x70: {  	_ =	shalt  }
0x71: {  	_ =	shalt  }
0x72: {  	_ =	shalt  }
0x73: {  	_ =	shalt  }
0x74: {  	_ =	shalt  }
0x75: {  	_ =	shalt  }
0x76: {  	_ =	shalt  }
0x77: {  	_ =	shalt  }
0x78: {  	_ =	shalt  }
0x79: {  	_ =	shalt  }
0x7a: {  	_ =	shalt  }
0x7b: {  	_ =	shalt  }
0x7c: {  	_ =	shalt  }
0x7d: {  	_ =	shalt  }
0x7e: {  	_ =	shalt  }
0x7f: {  	_ =	shalt  }
0x80: {  	_ =	shalt  }
0x81: {  	_ =	shalt  }
0x82: {  	_ =	shalt  }
0x83: {  	_ =	shalt  }
0x84: {  	_ =	shalt  }
0x85: {  	_ =	shalt  }
0x86: {  	_ =	shalt  }
0x87: {  	_ =	shalt  }
.Lfunc_end0:
.L_simem_size_0:
called_computation.2_lowered:
.L_overlay_start_0:
0x88: {  	s2 =	sld [smem:$0x3FD9]  }
0x89: {  	s3 =	sld [smem:$0x3FFE];
	_ =	sdelay $0x1  }
0x8a: {  	s1 =	srdreg.scid  }
0x8b: {  	s0 =	sand.u32 $0x1, s1  }
0x8c: {  	s17 =	sshll.u32 s0, $0xA;
	s2 =	sadd.s32 s3, s2  }
0x8d: {  	s2 =	sadd.s32 s2, s17  }
0x8e: {  	[smem:$0x3FC0] =	sst s2  }
0x8f: {  	_ = 	snop  }
0x90: {  	s2 =	sld [smem:$0x3FD0];
	(tm) =	ssettm $0x1  }
0x91: {  	s18 =	sld [smem:$0x3FFB];
	_ =	sdelay $0x3  }
0x92: {  	_ =	strace s18  }
0x93: {  	s3 =	sld [smem:$0x3FFC];
	_ =	sdelay $0x3  }
0x94: {  	_ =	strace s3  }
0x95: {  	s3 =	sld [smem:$0x3FFD];
	_ =	sdelay $0x3  }
0x96: {  	_ =	strace s3  }
0x97: {  	_ =	strace $0x8FFFFFFF  }
0x98: {  	s19 =	sld [smem:$0x3FDB];
	_ =	sdelay $0x1  }
0x99: {  	s4 =	simm.s32 $_scs_section_size  }
0x9a: {  	s5 =	simm.s32 $_size__tile_overlayer_lowered;
	s6 =	simm.s32 $_tile_overlayer_lowered  }
0x9b: {  	s22 =	simm.s32 $0x1BFF;
	s21 =	sshll.u32 s6, $0x1;
	s3 =	sadd.s32 s4, s19  }
0x9c: {  	s7 =	simm.s32 $0x0;
	s20 =	sshll.u32 s5, $0x1;
	s5 =	sadd.s32 s21, s3  }
0x9d: {  	[timem:s7], [sflag:s22] =	dma.local [hbm:s5], s20  }
0x9e: {  	_ =	swait.ge [sflag:s22], s20  }
0x9f: {  	s4 =	ssub.s32 $0x0, s20;
	[sflag:s22] =	ssyncset.done $0x0  }
0xa0: {  	[sflag:s22] =	ssyncadd.s32 s4;
	_ =	sdelay $0x1  }
0xa1: {  	s23 =	simm.s32 $0x1B8B  }
0xa2: {  	_ =	swait.ge [sflag:s23], $0x1  }
0xa3: {  	[sflag:s23] =	ssyncset.done $0x0  }
0xa4: {  	s25 =	simm.s32 $0x1B8E;
	s24 =	sld [smem:$0x3FFE];
	[sflag:s23] =	ssyncadd.s32 $0xFFFFFFFF  }
0xa5: {  	s26 =	simm.s32 $execute0_lowered;
	[smem:$0x3FD2] =	sst s25  }
0xa6: {  	s5 =	sshll.u32 s26, $0x1;
	_ =	strace $0x8000004C;
	[dreg:$0x1] =	wrdreg $0xFFFFFFFF  }
0xa7: {  	s28 =	simm.s32 $_size_execute0_lowered;
	s3 =	sadd.s32 s3, s5;
	[dreg:$0x0] =	wrdreg $0x0  }
0xa8: {  	s5 =	sshll.u32 s28, $0x1;
	[dreg:$0x2] =	wrdreg s3  }
0xa9: {  	[dreg:$0x3] =	wrdreg s5  }
0xaa: {  	[dreg:$0x4] =	wrdreg $0xC0  }
0xab: {  	_ =	task [dreg:s7], $0x5FFFF  }
0xac: {  	[dreg:$0x1] =	wrdreg $0xFFFFFFFF  }
0xad: {  	[dreg:$0x0] =	wrdreg $0x60  }
0xae: {  	[dreg:$0x2] =	wrdreg s24  }
0xaf: {  	[dreg:$0x3] =	wrdreg s2  }
0xb0: {  	[dreg:$0x4] =	wrdreg $0x91A00  }
0xb1: {  	[dreg:$0x5] =	wrdreg $0x9  }
0xb2: {  	_ =	task.clear_ibuf [dreg:s7], $0x6FFFF;
	_ =	strace $0x9000004C  }
0xb3: {  	s29 =	simm.s32 $0x9;
	_ =	strace $0x8000004E  }
0xb4: {  	_ =	swait.ge [sflag:s29], $0x1  }
0xb5: {  	[sflag:s29] =	ssyncadd.s32 $0xFFFFFFFF  }
0xb6: {  	_ =	strace $0x9000004E  }
0xb7: {  	_ =	sfence  }
0xb8: {  	s30 =	sld [smem:$0x0];
	_ =	sdelay $0x2  }
0xb9: {  	s31 =	sshll.u32 s1, $0xD;
	s1 =	sshrl.u32 s1, $0x2  }
0xba: {  	s3 =	sand.u32 $0x4000, s31;
	s1 =	sadd.s32 s1, s30  }
0xbb: {  	s0 =	sor.u32 s3, s0;
	s1 =	sshll.u32 s1, $0x11  }
0xbc: {  	s0 =	sor.u32 s1, s0  }
0xbd: {  	s0 =	sadd.s32 $0x8F2B, s0  }
0xbe: {  	[sflag:s0] =	ssyncadd.remote.s32 $0x1  }
0xbf: {  	_ =	sfence.sel $0xFFFF  }
0xc0: {  	[dreg:$0x0] =	wrdreg $0xFFFFFFFF;
	(pc) =	sbr.abs _section_cstart, $3  }
0xc1: {  	[dreg:$0x1] =	wrdreg $0xFFFFFFFF  }
0xc2: {  	_ =	task.clear_ibuf [dreg:s7], $0x2FFFF;
	_ =	strace $0x9FFFFFFF  }
0xc3: {  	(tm) =	ssettm $0x7FFFFFFF  }
tec
execute0_lowered:
.L_overlay_start_1:
0x0: {  	(tag) =	ssettag $0x1  }
0x1: {  	s0 =	rddreg [dreg:$0x0]  }
0x2: {  	s6 =	rddreg [dreg:$0x1]  }
0x3: {  	s1 =	rddreg [dreg:$0x2];
	s3 =	simm.s32 $0x0;
	s26 =	stileid.u32  }
0x4: {  	s2 =	srdreg.scid;
	s28 =	simm.s32 $0x69A0;
	s8 =	smul.u32 $0x2800, s26  }
0x5: {  	s29 =	simm.s32 $0x1;
	s30 =	simm.s32 $0x3;
	s10 =	smul.u32 $0x5000, s26  }
0x6: {  	s31 =	simm.s32 $0x2;
	[smem:$0x7FF] =	sst s3;
	s20 =	smul.u32 $0x50000, s26  }
0x7: {  	s5 =	sand.u32 $0x1, s2;
	s4 =	sadd.s32 $0x16C00, s0;
	s26 =	smul.u32 $0xA00, s26  }
0x8: {  	s21 =	sadd.s32 $0xCC00, s0;
	s7 =	smul.u32 $0x28000, s5;
	s9 =	ssub.s32 $0x2, s5  }
0x9: {  	_ =	strace $0x8000004D;
	p0 =	seq.s32 s5, $0x1;
	s17 =	sshrl.u32 s9, $0x1  }
0xa: {  	s19 =	sshrl.u32 s10, $0x3;
	s24 =	sshrl.u32 s20, $0x2;
	s7 =	sadd.s32 s8, s7  }
0xb: {  	s18 =	ssub.s32 s9, s17;
	s5 =	sadd.s32 s21, s19;
	s10 =	sadd.s32 s6, s19  }
0xc: {  	s8 =	sadd.s32 $0x820, s19;
	s12 =	sadd.s32 s24, s1;
	s24 =	simm.s32 $0x4100  }
0xd: {  	s0 =	sadd.s32 s7, s0;
	[dreg:$0x4] =	wrdreg s10;
	s22 =	sadd.s32 $0xA, s5  }
0xe: {  	s6 =	sadd.s32 s6, s8;
	s23 =	sadd.s32 s21, s8;
	s25 =	sadd.s32 $0x82A, s5  }
0xf: {  	s13 =	smax.u32 s18, $0x1;
	s14 =	sadd.s32 $0x2800, s12;
	s15 =	sadd.s32 $0x5000, s12  }
0x10: {  	s16 =	sadd.s32 $0x7800, s12;
	s17 =	sadd.s32 $0xA000, s12;
	[dreg:$0x5] =	wrdreg s22  }
.Ltmp0:
0x11: {  	s18 =	sadd.s32 $0xC800, s12;
	[dreg:$0x6] =	wrdreg s6;
	(pc) =	sbr.rel .LBB2_1-.Ltmp0, $4  }
0x12: {  	s19 =	sadd.s32 $0xF000, s12;
	s20 =	sadd.s32 $0x11800, s12;
	[dreg:$0x7] =	wrdreg s23  }
0x13: {  	s21 =	sadd.s32 s26, s21;
	s26 =	simm.s32 $0x4150;
	[dreg:$0x8] =	wrdreg s25  }
0x14: {  	s11 =	sadd.s32 $0x3EC00, s0;
	s22 =	simm.s32 $0x41A0;
	s23 =	simm.s32 $0x5  }
0x15: {  	v0 =	vimm.f32 $0.0e+00;
	s25 =	simm.s32 $0x50;
	s0 =	simm.s32 $0x4;
	s6 =	simm.s32 $0x0  }
.LBB2_6:
0x16: {  	[tilespmem:s28], [sflag:$0x4] =	stream.indirect.gather [hbm4b:s4+s25], $0x80, s7, s25, $0xb8;
	[tilespmem:$0x1D1A0] =	vst v63  }
.LBB2_10:
0x17: {  	_ =	swait.ge [sflag:s29], $0x50  }
0x18: {  	[sflag:s29] =	ssyncset.done $0x0  }
0x19: {  	[sflag:s29] =	ssyncadd.s32 $0xFFFFFFB0  }
0x1a: {  	_ =	swait.ge [sflag:s30], $0x2800  }
0x1b: {  	[sflag:s30] =	ssyncset.done $0x0  }
0x1c: {  	[sflag:s30] =	ssyncadd.s32 $0xFFFFD800  }
0x1d: {  	[spmem:s1] =	stream.indirect.scatter.add.f32 [tilespmem:s22], [sflag:$0x5], $0x80, s24, s25, $0xb8;
	[tilespmem:$0x1D1A0] =	vst v63  }
0x1e: {  	_ =	swait.ge [sflag:s23], $0x2800  }
0x1f: {  	[sflag:s23] =	ssyncset.done $0x0  }
0x20: {  	[sflag:s23] =	ssyncadd.s32 $0xFFFFD800  }
0x21: {  	_ =	swait.ge [sflag:s31], $0x50  }
0x22: {  	[sflag:s31] =	ssyncset.done $0x0  }
0x23: {  	[sflag:s31] =	ssyncadd.s32 $0xFFFFFFB0  }
0x24: {  	_ =	swait.ge [sflag:s0], $0x2800  }
0x25: {  	[sflag:s0] =	ssyncset.done $0x0  }
0x26: {  	[sflag:s0] =	ssyncadd.s32 $0xFFFFD800  }
0x27: {  	[spmem:s1] =	stream.indirect.scatter.add.f32 [tilespmem:s28], [sflag:$0x5], $0x80, s26, s25, $0xb8;
	[tilespmem:$0x1D1A0] =	vst v63  }
0x28: {  	s2 =	stileid.u32;
	_ =	swait.ge [sflag:s23], $0x2800  }
0x29: {  	s7 =	sshrl.u32 s12, $0x3;
	s6 =	sadd.s32 $0x1, s6;
	[sflag:s23] =	ssyncset.done $0x0  }
0x2a: {  	s2 =	sshll.u32 s2, $0x6;
	p1 =	sne.s32 s6, s13;
	[sflag:s23] =	ssyncadd.s32 $0xFFFFD800  }
.Ltmp1:
0x2b: {  	s2 =	sor.u32 $0x1C05, s2;
	[bflag:$0x0] =	sbarrier.arrive $0xFFFF;
	(pc) =	sbr.rel @!p1 .LBB2_11-.Ltmp1, $4  }
0x2c: {  	[hbm:s11], [sflag:s2] =	dma.local [spmem:s7], $0x2800  }
0x2d: {  	_ =	swait.ge [sflag:s23], $0x2800  }
0x2e: {  	[sflag:s23] =	ssyncset.done $0x0  }
0x2f: {  	[sflag:s23] =	ssyncadd.s32 $0xFFFFD800  }
.LBB2_1:
0x30: {  	s7 =	simm.s32 $0x10;
	s8 =	sand.u32 $0x3FF0, s3  }
.LBB2_2:
0x31: {  	p1 =	sne.s32 s7, $0x27F0;
	[tilespmem:s8+$0x41A0] =	vst v0;
	s8 =	smov.u32 s7;
	s7 =	sadd.s32 $0x10, s7  }
.Ltmp2:
0x32: {  	(pc) =	sbr.rel @p1 .LBB2_2-.Ltmp2, $2  }
0x33: {  	_ =	sdelay $0x2  }
0x34: {  	s8 =	sand.u32 $0x3FF0, s8  }
0x35: {  	[tilespmem:s8+$0x41A0] =	vst v0  }
0x36: {  	[spmem:s12] =	stream.linear.scatter [tilespmem:s22], [sflag:$0x5], $0x2800, $0x38;
	[tilespmem:$0x1D1A0] =	vst v63  }
0x37: {  	_ =	swait.ge [sflag:s23], $0x2800  }
0x38: {  	[sflag:s23] =	ssyncset.done $0x0  }
0x39: {  	[sflag:s23] =	ssyncadd.s32 $0xFFFFD800  }
0x3a: {  	[spmem:s14] =	stream.linear.scatter [tilespmem:s22], [sflag:$0x5], $0x2800, $0x38;
	[tilespmem:$0x1D1A0] =	vst v63  }
0x3b: {  	_ =	swait.ge [sflag:s23], $0x2800  }
0x3c: {  	[sflag:s23] =	ssyncset.done $0x0  }
0x3d: {  	[sflag:s23] =	ssyncadd.s32 $0xFFFFD800  }
0x3e: {  	[spmem:s15] =	stream.linear.scatter [tilespmem:s22], [sflag:$0x5], $0x2800, $0x38;
	[tilespmem:$0x1D1A0] =	vst v63  }
0x3f: {  	_ =	swait.ge [sflag:s23], $0x2800  }
0x40: {  	[sflag:s23] =	ssyncset.done $0x0  }
0x41: {  	[sflag:s23] =	ssyncadd.s32 $0xFFFFD800  }
0x42: {  	[spmem:s16] =	stream.linear.scatter [tilespmem:s22], [sflag:$0x5], $0x2800, $0x38;
	[tilespmem:$0x1D1A0] =	vst v63  }
0x43: {  	_ =	swait.ge [sflag:s23], $0x2800  }
0x44: {  	[sflag:s23] =	ssyncset.done $0x0  }
0x45: {  	[sflag:s23] =	ssyncadd.s32 $0xFFFFD800  }
0x46: {  	[spmem:s17] =	stream.linear.scatter [tilespmem:s22], [sflag:$0x5], $0x2800, $0x38;
	[tilespmem:$0x1D1A0] =	vst v63  }
0x47: {  	_ =	swait.ge [sflag:s23], $0x2800  }
0x48: {  	[sflag:s23] =	ssyncset.done $0x0  }
0x49: {  	[sflag:s23] =	ssyncadd.s32 $0xFFFFD800  }
0x4a: {  	[spmem:s18] =	stream.linear.scatter [tilespmem:s22], [sflag:$0x5], $0x2800, $0x38;
	[tilespmem:$0x1D1A0] =	vst v63  }
0x4b: {  	_ =	swait.ge [sflag:s23], $0x2800  }
0x4c: {  	[sflag:s23] =	ssyncset.done $0x0  }
0x4d: {  	[sflag:s23] =	ssyncadd.s32 $0xFFFFD800  }
0x4e: {  	[spmem:s19] =	stream.linear.scatter [tilespmem:s22], [sflag:$0x5], $0x2800, $0x38;
	[tilespmem:$0x1D1A0] =	vst v63  }
0x4f: {  	_ =	swait.ge [sflag:s23], $0x2800  }
0x50: {  	[sflag:s23] =	ssyncset.done $0x0  }
0x51: {  	[sflag:s23] =	ssyncadd.s32 $0xFFFFD800  }
0x52: {  	[spmem:s20] =	stream.linear.scatter [tilespmem:s22], [sflag:$0x5], $0x2800, $0x38;
	[tilespmem:$0x1D1A0] =	vst v63  }
.Ltmp3:
0x53: {  	_ =	swait.ge [sflag:s23], $0x2800;
	(pc) =	sbr.rel @!p0 .LBB2_4-.Ltmp3, $3  }
0x54: {  	[sflag:s23] =	ssyncset.done $0x0  }
0x55: {  	[sflag:s23] =	ssyncadd.s32 $0xFFFFD800  }
0x56: {  	[bflag:$0x0] =	sbarrier.arrive $0xFFFF;
	_ =	sdelay $0x1  }
0x57: {  	s2 =	rddreg [dreg:$0x6]  }
0x58: {  	[tilespmem:s3], [sflag:$0x5] =	stream.linear.gather [hbm4b:s2+s3], $0xF00, $0x38;
	[tilespmem:$0x1D1A0] =	vst v63  }
0x59: {  	_ =	swait.ge [sflag:s23], $0xF00  }
0x5a: {  	[sflag:s23] =	ssyncset.done $0x0  }
0x5b: {  	s7 =	rddreg [dreg:$0x7];
	[sflag:s23] =	ssyncadd.s32 $0xFFFFF100  }
0x5c: {  	[tilespmem:s24], [sflag:$0x1] =	stream.linear.gather [hbm4b:s7+s3], $0x50, $0x38;
	[tilespmem:$0x1D1A0] =	vst v63  }
0x5d: {  	_ = 	snop  }
0x5e: {  	[tilespmem:s22], [sflag:$0x3] =	stream.indirect.gather [hbm4b:s4+s25], $0x80, s3, s25, $0xb8;
	[tilespmem:$0x1D1A0] =	vst v63  }
0x5f: {  	s8 =	rddreg [dreg:$0x8]  }
0x60: {  	[tilespmem:s26], [sflag:$0x2] =	stream.linear.gather [hbm4b:s8+s3], $0x50, $0x38;
	[tilespmem:$0x1D1A0] =	vst v63  }
0x61: {  	_ = 	snop  }
0x62: {  	[tilespmem:s28], [sflag:$0x4] =	stream.indirect.gather [hbm4b:s4+s25], $0x80, s25, s25, $0xb8;
	[tilespmem:$0x1D1A0] =	vst v63  }
0x63: {  	_ =	swait.ge [sflag:s29], $0x50  }
0x64: {  	[sflag:s29] =	ssyncset.done $0x0  }
0x65: {  	[sflag:s29] =	ssyncadd.s32 $0xFFFFFFB0  }
0x66: {  	_ =	swait.ge [sflag:s30], $0x2800  }
0x67: {  	[sflag:s30] =	ssyncset.done $0x0  }
0x68: {  	[sflag:s30] =	ssyncadd.s32 $0xFFFFD800  }
0x69: {  	[spmem:s1] =	stream.indirect.scatter.add.f32 [tilespmem:s22], [sflag:$0x5], $0x80, s24, s25, $0xb8;
	[tilespmem:$0x1D1A0] =	vst v63  }
0x6a: {  	_ =	swait.ge [sflag:s23], $0x2800  }
0x6b: {  	s9 =	sadd.s32 $0xFFFFFE34, s21;
	[sflag:s23] =	ssyncset.done $0x0  }
0x6c: {  	s7 =	sadd.s32 $0xA00, s9;
	[sflag:s23] =	ssyncadd.s32 $0xFFFFD800  }
0x6d: {  	[tilespmem:s24], [sflag:$0x1] =	stream.linear.gather [hbm4b:s7+s3], $0x50, $0x38;
	[tilespmem:$0x1D1A0] =	vst v63  }
0x6e: {  	s10 =	simm.s32 $0xA0  }
0x6f: {  	[tilespmem:s22], [sflag:$0x3] =	stream.indirect.gather [hbm4b:s4+s25], $0x80, s10, s25, $0xb8;
	[tilespmem:$0x1D1A0] =	vst v63  }
0x70: {  	_ =	swait.ge [sflag:s31], $0x50  }
0x71: {  	[sflag:s31] =	ssyncset.done $0x0  }
0x72: {  	[sflag:s31] =	ssyncadd.s32 $0xFFFFFFB0  }
0x73: {  	_ =	swait.ge [sflag:s0], $0x2800  }
0x74: {  	[sflag:s0] =	ssyncset.done $0x0  }
0x75: {  	[sflag:s0] =	ssyncadd.s32 $0xFFFFD800  }
0x76: {  	[spmem:s1] =	stream.indirect.scatter.add.f32 [tilespmem:s28], [sflag:$0x5], $0x80, s26, s25, $0xb8;
	[tilespmem:$0x1D1A0] =	vst v63  }
0x77: {  	_ =	swait.ge [sflag:s23], $0x2800  }
0x78: {  	s2 =	sadd.s32 $0xA0A, s9;
	s9 =	simm.s32 $0x190;
	[sflag:s23] =	ssyncset.done $0x0  }
0x79: {  	s8 =	simm.s32 $0xFFFFFE48;
	s7 =	simm.s32 $0xF0;
	[sflag:s23] =	ssyncadd.s32 $0xFFFFD800  }
0x7a: {  	[tilespmem:s26], [sflag:$0x2] =	stream.linear.gather [hbm4b:s2+s3], $0x50, $0x38;
	[tilespmem:$0x1D1A0] =	vst v63  }
.LBB2_8:
0x7b: {  	[tilespmem:s28], [sflag:$0x4] =	stream.indirect.gather [hbm4b:s4+s25], $0x80, s7, s25, $0xb8;
	[tilespmem:$0x1D1A0] =	vst v63  }
0x7c: {  	s2 =	smov.u32 s8;
	s7 =	smov.u32 s9  }
0x7d: {  	p1 =	sne.s32 s8, $0xFFFFFFEC;
	s8 =	sadd.s32 $0x14, s8;
	_ =	swait.ge [sflag:s29], $0x50  }
0x7e: {  	[sflag:s29] =	ssyncset.done $0x0  }
0x7f: {  	[sflag:s29] =	ssyncadd.s32 $0xFFFFFFB0  }
0x80: {  	_ =	swait.ge [sflag:s30], $0x2800  }
0x81: {  	[sflag:s30] =	ssyncset.done $0x0  }
0x82: {  	[sflag:s30] =	ssyncadd.s32 $0xFFFFD800  }
0x83: {  	[spmem:s1] =	stream.indirect.scatter.add.f32 [tilespmem:s22], [sflag:$0x5], $0x80, s24, s25, $0xb8;
	[tilespmem:$0x1D1A0] =	vst v63  }
0x84: {  	_ =	swait.ge [sflag:s23], $0x2800  }
0x85: {  	s2 =	sadd.s32 s2, s21;
	[sflag:s23] =	ssyncset.done $0x0  }
0x86: {  	s10 =	sadd.s32 $0xA00, s2;
	[sflag:s23] =	ssyncadd.s32 $0xFFFFD800  }
0x87: {  	[tilespmem:s24], [sflag:$0x1] =	stream.linear.gather [hbm4b:s10+s3], $0x50, $0x38;
	[tilespmem:$0x1D1A0] =	vst v63  }
0x88: {  	s10 =	sadd.s32 $0xFFFFFFB0, s9  }
0x89: {  	[tilespmem:s22], [sflag:$0x3] =	stream.indirect.gather [hbm4b:s4+s25], $0x80, s10, s25, $0xb8;
	[tilespmem:$0x1D1A0] =	vst v63  }
0x8a: {  	_ =	swait.ge [sflag:s31], $0x50  }
0x8b: {  	[sflag:s31] =	ssyncset.done $0x0  }
0x8c: {  	[sflag:s31] =	ssyncadd.s32 $0xFFFFFFB0  }
0x8d: {  	_ =	swait.ge [sflag:s0], $0x2800  }
0x8e: {  	[sflag:s0] =	ssyncset.done $0x0  }
0x8f: {  	[sflag:s0] =	ssyncadd.s32 $0xFFFFD800  }
0x90: {  	[spmem:s1] =	stream.indirect.scatter.add.f32 [tilespmem:s28], [sflag:$0x5], $0x80, s26, s25, $0xb8;
	[tilespmem:$0x1D1A0] =	vst v63  }
.Ltmp4:
0x91: {  	_ =	swait.ge [sflag:s23], $0x2800;
	(pc) =	sbr.rel @p1 .LBB2_8-.Ltmp4, $4  }
0x92: {  	[sflag:s23] =	ssyncset.done $0x0  }
0x93: {  	s2 =	sadd.s32 $0xA0A, s2;
	[sflag:s23] =	ssyncadd.s32 $0xFFFFD800  }
0x94: {  	[tilespmem:s26], [sflag:$0x2] =	stream.linear.gather [hbm4b:s2+s3], $0x50, $0x38;
	[tilespmem:$0x1D1A0] =	vst v63  }
0x95: {  	s9 =	sadd.s32 $0xA0, s9  }
.Ltmp5:
0x96: {  	(pc) =	sbr.rel .LBB2_10-.Ltmp5, $2  }
0x97: {  	_ =	sdelay $0x2  }
0x98: {  	[tilespmem:s28], [sflag:$0x4] =	stream.indirect.gather [hbm4b:s4+s25], $0x80, s7, s25, $0xb8;
	[tilespmem:$0x1D1A0] =	vst v63  }
.LBB2_4:
0x99: {  	s2 =	rddreg [dreg:$0x4]  }
0x9a: {  	[tilespmem:s3], [sflag:$0x5] =	stream.linear.gather [hbm4b:s2+s3], $0x4100, $0x38;
	[tilespmem:$0x1D1A0] =	vst v63  }
0x9b: {  	_ =	swait.ge [sflag:s23], $0x4100  }
0x9c: {  	[sflag:s23] =	ssyncset.done $0x0  }
0x9d: {  	[sflag:s23] =	ssyncadd.s32 $0xFFFFBF00  }
0x9e: {  	[tilespmem:s24], [sflag:$0x1] =	stream.linear.gather [hbm4b:s5+s3], $0x50, $0x38;
	[tilespmem:$0x1D1A0] =	vst v63  }
0x9f: {  	_ = 	snop  }
0xa0: {  	[tilespmem:s22], [sflag:$0x3] =	stream.indirect.gather [hbm4b:s4+s25], $0x80, s3, s25, $0xb8;
	[tilespmem:$0x1D1A0] =	vst v63  }
0xa1: {  	s9 =	rddreg [dreg:$0x5]  }
0xa2: {  	[tilespmem:s26], [sflag:$0x2] =	stream.linear.gather [hbm4b:s9+s3], $0x50, $0x38;
	[tilespmem:$0x1D1A0] =	vst v63  }
0xa3: {  	_ = 	snop  }
0xa4: {  	[tilespmem:s28], [sflag:$0x4] =	stream.indirect.gather [hbm4b:s4+s25], $0x80, s25, s25, $0xb8;
	[tilespmem:$0x1D1A0] =	vst v63  }
0xa5: {  	_ =	swait.ge [sflag:s29], $0x50  }
0xa6: {  	[sflag:s29] =	ssyncset.done $0x0  }
0xa7: {  	[sflag:s29] =	ssyncadd.s32 $0xFFFFFFB0  }
0xa8: {  	_ =	swait.ge [sflag:s30], $0x2800  }
0xa9: {  	[sflag:s30] =	ssyncset.done $0x0  }
0xaa: {  	[sflag:s30] =	ssyncadd.s32 $0xFFFFD800  }
0xab: {  	[spmem:s1] =	stream.indirect.scatter.add.f32 [tilespmem:s22], [sflag:$0x5], $0x80, s24, s25, $0xb8;
	[tilespmem:$0x1D1A0] =	vst v63  }
0xac: {  	_ =	swait.ge [sflag:s23], $0x2800  }
0xad: {  	s7 =	sadd.s32 $0xFFFFF7F4, s21;
	[sflag:s23] =	ssyncset.done $0x0  }
0xae: {  	s8 =	sadd.s32 $0x820, s7;
	[sflag:s23] =	ssyncadd.s32 $0xFFFFD800  }
0xaf: {  	[tilespmem:s24], [sflag:$0x1] =	stream.linear.gather [hbm4b:s8+s3], $0x50, $0x38;
	[tilespmem:$0x1D1A0] =	vst v63  }
0xb0: {  	s10 =	simm.s32 $0xA0  }
0xb1: {  	[tilespmem:s22], [sflag:$0x3] =	stream.indirect.gather [hbm4b:s4+s25], $0x80, s10, s25, $0xb8;
	[tilespmem:$0x1D1A0] =	vst v63  }
0xb2: {  	_ =	swait.ge [sflag:s31], $0x50  }
0xb3: {  	[sflag:s31] =	ssyncset.done $0x0  }
0xb4: {  	[sflag:s31] =	ssyncadd.s32 $0xFFFFFFB0  }
0xb5: {  	_ =	swait.ge [sflag:s0], $0x2800  }
0xb6: {  	[sflag:s0] =	ssyncset.done $0x0  }
0xb7: {  	[sflag:s0] =	ssyncadd.s32 $0xFFFFD800  }
0xb8: {  	[spmem:s1] =	stream.indirect.scatter.add.f32 [tilespmem:s28], [sflag:$0x5], $0x80, s26, s25, $0xb8;
	[tilespmem:$0x1D1A0] =	vst v63  }
0xb9: {  	_ =	swait.ge [sflag:s23], $0x2800  }
0xba: {  	[sflag:s23] =	ssyncset.done $0x0  }
0xbb: {  	s7 =	sadd.s32 $0x82A, s7;
	[sflag:s23] =	ssyncadd.s32 $0xFFFFD800  }
0xbc: {  	[tilespmem:s26], [sflag:$0x2] =	stream.linear.gather [hbm4b:s7+s3], $0x50, $0x38;
	[tilespmem:$0x1D1A0] =	vst v63  }
0xbd: {  	s9 =	simm.s32 $0x190;
	s8 =	simm.s32 $0xFFFFF808;
	s7 =	simm.s32 $0xF0  }
.LBB2_5:
0xbe: {  	[tilespmem:s28], [sflag:$0x4] =	stream.indirect.gather [hbm4b:s4+s25], $0x80, s7, s25, $0xb8;
	[tilespmem:$0x1D1A0] =	vst v63  }
0xbf: {  	s10 =	smov.u32 s8;
	s7 =	smov.u32 s9  }
0xc0: {  	p1 =	seq.s32 s8, $0xFFFFFFEC;
	s8 =	sadd.s32 $0x14, s8;
	_ =	swait.ge [sflag:s29], $0x50  }
0xc1: {  	[sflag:s29] =	ssyncset.done $0x0  }
0xc2: {  	[sflag:s29] =	ssyncadd.s32 $0xFFFFFFB0  }
0xc3: {  	_ =	swait.ge [sflag:s30], $0x2800  }
0xc4: {  	[sflag:s30] =	ssyncset.done $0x0  }
0xc5: {  	[sflag:s30] =	ssyncadd.s32 $0xFFFFD800  }
0xc6: {  	[spmem:s1] =	stream.indirect.scatter.add.f32 [tilespmem:s22], [sflag:$0x5], $0x80, s24, s25, $0xb8;
	[tilespmem:$0x1D1A0] =	vst v63  }
0xc7: {  	_ =	swait.ge [sflag:s23], $0x2800  }
0xc8: {  	s10 =	sadd.s32 s10, s21;
	[sflag:s23] =	ssyncset.done $0x0  }
0xc9: {  	s2 =	sadd.s32 $0x820, s10;
	[sflag:s23] =	ssyncadd.s32 $0xFFFFD800  }
0xca: {  	[tilespmem:s24], [sflag:$0x1] =	stream.linear.gather [hbm4b:s2+s3], $0x50, $0x38;
	[tilespmem:$0x1D1A0] =	vst v63  }
0xcb: {  	s2 =	sadd.s32 $0xFFFFFFB0, s9  }
0xcc: {  	[tilespmem:s22], [sflag:$0x3] =	stream.indirect.gather [hbm4b:s4+s25], $0x80, s2, s25, $0xb8;
	[tilespmem:$0x1D1A0] =	vst v63  }
0xcd: {  	_ =	swait.ge [sflag:s31], $0x50  }
0xce: {  	[sflag:s31] =	ssyncset.done $0x0  }
0xcf: {  	[sflag:s31] =	ssyncadd.s32 $0xFFFFFFB0  }
0xd0: {  	_ =	swait.ge [sflag:s0], $0x2800  }
0xd1: {  	[sflag:s0] =	ssyncset.done $0x0  }
0xd2: {  	[sflag:s0] =	ssyncadd.s32 $0xFFFFD800  }
0xd3: {  	[spmem:s1] =	stream.indirect.scatter.add.f32 [tilespmem:s28], [sflag:$0x5], $0x80, s26, s25, $0xb8;
	[tilespmem:$0x1D1A0] =	vst v63  }
.Ltmp6:
0xd4: {  	_ =	swait.ge [sflag:s23], $0x2800;
	(pc) =	sbr.rel @!p1 .LBB2_5-.Ltmp6, $4  }
0xd5: {  	[sflag:s23] =	ssyncset.done $0x0  }
0xd6: {  	s2 =	sadd.s32 $0x82A, s10;
	[sflag:s23] =	ssyncadd.s32 $0xFFFFD800  }
0xd7: {  	[tilespmem:s26], [sflag:$0x2] =	stream.linear.gather [hbm4b:s2+s3], $0x50, $0x38;
	[tilespmem:$0x1D1A0] =	vst v63  }
0xd8: {  	s9 =	sadd.s32 $0xA0, s9  }
.Ltmp7:
0xd9: {  	_ = 	snop;
	(pc) =	sbr.rel .LBB2_6-.Ltmp7, $1  }
0xda: {  	_ =	sdelay $0x3  }
.LBB2_11:
0xdb: {  	_ =	sfence.sel $0x180000  }
0xdc: {  	[bflag:$0x0] =	sbarrier.arrive $0xFFFF  }
0xdd: {  	_ =	strace $0x9000004D  }
0xde: {  	s0 =	stileid.u32;
	[bflag:$0x2] =	sbarrier.arrive $0xFFFF  }
0xdf: {  	p0 =	sne.s32 s0, $0x0;
	s0 =	rddreg [dreg:$0x3]  }
0xe0: {  	s0 =	sadd.s32 @!p0 $0x100000, s0  }
0xe1: {  	[sflag:s0] =	ssyncadd.tile.s32 @!p0 $0x1;
	_ =	shalt  }
.Lfunc_end2:
_tile_overlayer_lowered:
.L_overlay_start_2:
0xe2: {  	(tag) =	ssettag $0x2  }
0xe3: {  	s0 =	rddreg [dreg:$0x0];
	s2 =	stileid.u32  }
0xe4: {  	s1 =	rddreg [dreg:$0x1];
	p0 =	sne.s32 s2, $0x0  }
0xe5: {  	s3 =	rddreg [dreg:$0x2];
	[bflag:$0x3] =	sbarrier.arrive $0xFFFF;
	s2 =	simm.s32 @!p0 $0x1C05  }
0xe6: {  	[timem:s3], [sflag:s2] =	dma.local @!p0 [hbm:s0], s1  }
0xe7: {  	s0 =	simm.s32 @!p0 $0x5  }
0xe8: {  	_ =	swait.ge @!p0 [sflag:s0], s1  }
0xe9: {  	s1 =	ssub.s32 @!p0 $0x0, s1;
	[sflag:s0] =	ssyncset.done @!p0 $0x0  }
0xea: {  	[sflag:s0] =	ssyncadd.s32 @!p0 s1  }
0xeb: {  	[bflag:$0x3] =	sbarrier.arrive $0xFFFF  }
0xec: {  	_ =	shalt  }

// kernel: kernel.8.cloned.1.call-start
scs
__scs_entry_jumppad:
0x0: {  	(pc) =	sbr.rel $0x88, $3  }
0x1: {  	(tag) =	ssettag $0x0;
	lr =	simm.s32 $0x1  }
0x2: {  	[smem:$0x3F99] =	sst lr;
	_ =	strace $0xD0000000  }
0x3: {  	_ = 	snop  }
0x4: {  	_ = 	snop  }
0x5: {  	_ = 	snop  }
0x6: {  	_ = 	snop  }
0x7: {  	_ = 	snop  }
__scs_overlays_trampoline_lowered:
0x8: {  	[smem:$0x3FA8] =	sst s0  }
0x9: {  	[smem:$0x3FA9] =	sst s1  }
0xa: {  	[smem:$0x3FAA] =	sst s2  }
0xb: {  	[smem:$0x3FAB] =	sst s3  }
0xc: {  	[smem:$0x3FAC] =	sst s4  }
0xd: {  	[smem:$0x3FAD] =	sst s5  }
0xe: {  	[smem:$0x3FAE] =	sst s6  }
0xf: {  	[smem:$0x3FAF] =	sst s7  }
0x10: {  	[smem:$0x3FB0] =	sst s8  }
0x11: {  	[smem:$0x3FB1] =	sst s9;
	s0 =	simm.s32 @!p0 $0x0  }
0x12: {  	s1 =	sld [smem:$0x3F97];
	s0 =	simm.s32 @p0 $0x1  }
0x13: {  	[smem:$0x3FB2] =	sst s0;
	s0 =	simm.s32 @!p1 $0x0  }
0x14: {  	s2 =	sld [smem:$0x3F96];
	s0 =	simm.s32 @p1 $0x1  }
0x15: {  	[smem:$0x3FB3] =	sst s0;
	s0 =	simm.s32 @!p2 $0x0  }
0x16: {  	s3 =	sld [smem:$0x3FDB];
	s0 =	simm.s32 @p2 $0x1  }
0x17: {  	s4 =	simm.s32 $0x1BF5;
	[smem:$0x3FB5] =	sst s0  }
0x18: {  	s0 =	sld [smem:$0x3F98];
	_ =	swait.ge [sflag:s4], $0x0  }
0x19: {  	s7 =	sld [smem:$0x3F99]  }
0x1a: {  	s8 =	sadd.s32 $0xFFFFE003, lr  }
0x1b: {  	s9 =	sadd.s32 $0xFFFFFEF7, lr;
	s5 =	simm.s32 $0xFFFFFFFF;
	p2 =	slt.u32 s8, $0xFFFFF086  }
0x1c: {  	p1 =	slt.u32 s9, $0xF7A;
	s5 =	simm.s32 @!p2 $0x0  }
0x1d: {  	s5 =	simm.s32 @p1 $0x1;
	p0 =	seq.s32 s7, s2  }
0x1e: {  	s7 =	smul.u32 @!p0 $0xF7A, s2;
	p2 =	seq.s32 @!p0 s5, $0x0  }
0x1f: {  	s9 =	smul.u32 $0xF7A, s1;
	s8 =	simm.s32 @!p0 $0x1BF5;
	p2 =	por !p2, p0  }
0x20: {  	[sflag:s8] =	ssyncset.s32 @!p0 $0xFFFFF086;
	s6 =	sadd.s32 @!p0 s3, s7;
	s7 =	simm.s32 @!p0 $0x108  }
0x21: {  	s3 =	sadd.s32 s3, s9;
	s6 =	sadd.s32 @!p0 $0x88, s6;
	s7 =	simm.s32 @p2 $0x1082  }
0x22: {  	[simem:s7], [sflag:s8] =	dma.local @!p0 [hbm:s6], $0xF7A  }
0x23: {  	s9 =	sor.u32 $0xD0000000, s2;
	s6 =	simm.s32 $0x108;
	_ =	swait.ge @!p0 [sflag:s8], $0x0  }
0x24: {  	s3 =	sadd.s32 $0x88, s3;
	s6 =	simm.s32 @!p1 $0x1082;
	[sflag:s4] =	ssyncset.s32 $0xFFFFF086  }
0x25: {  	[simem:s6], [sflag:s4] =	dma.local [hbm:s3], $0xF7A  }
0x26: {  	[smem:$0x3F99] =	sst s1;
	(tag) =	ssettag s2;
	_ =	strace s9  }
0x27: {  	s1 =	sld [smem:$0x3FA9]  }
0x28: {  	s2 =	sld [smem:$0x3FAA]  }
0x29: {  	s4 =	sld [smem:$0x3FAC]  }
0x2a: {  	p0 =	seq.s32 s5, $0x0;
	s5 =	sld [smem:$0x3FAD]  }
0x2b: {  	s6 =	sld [smem:$0x3FAE]  }
0x2c: {  	s7 =	sld [smem:$0x3FAF]  }
0x2d: {  	s3 =	simm.s32 $0x108;
	s8 =	sld [smem:$0x3FB0]  }
0x2e: {  	s3 =	simm.s32 @!p0 $0x1082;
	s9 =	sld [smem:$0x3FB1]  }
0x2f: {  	lr =	sadd.s32 s0, s3;
	s0 =	sld [smem:$0x3FA8]  }
0x30: {  	s3 =	sld [smem:$0x3FAB]  }
0x31: {  	[smem:$0x3FB4] =	sst s10  }
0x32: {  	s10 =	sld [smem:$0x3FB2];
	_ =	sdelay $0x3  }
0x33: {  	p0 =	seq.s32 s10, $0x1;
	s10 =	sld [smem:$0x3FB4];
	_ =	sdelay $0x3  }
0x34: {  	[smem:$0x3FB4] =	sst s10  }
0x35: {  	s10 =	sld [smem:$0x3FB3];
	_ =	sdelay $0x3  }
0x36: {  	p1 =	seq.s32 s10, $0x1;
	s10 =	sld [smem:$0x3FB4];
	_ =	sdelay $0x3  }
0x37: {  	[smem:$0x3FB4] =	sst s10  }
0x38: {  	s10 =	sld [smem:$0x3FB5]  }
0x39: {  	_ = 	snop;
	(pc) =	sbr.ind lr, $3  }
0x3a: {  	_ = 	snop  }
0x3b: {  	_ = 	snop  }
0x3c: {  	p2 =	seq.s32 s10, $0x1;
	s10 =	sld [smem:$0x3FB4]  }
0x3d: {  	_ =	shalt  }
0x3e: {  	_ =	shalt  }
0x3f: {  	_ =	shalt  }
0x40: {  	_ =	shalt  }
0x41: {  	_ =	shalt  }
0x42: {  	_ =	shalt  }
0x43: {  	_ =	shalt  }
0x44: {  	_ =	shalt  }
0x45: {  	_ =	shalt  }
0x46: {  	_ =	shalt  }
0x47: {  	_ =	shalt  }
0x48: {  	_ =	shalt  }
0x49: {  	_ =	shalt  }
0x4a: {  	_ =	shalt  }
0x4b: {  	_ =	shalt  }
0x4c: {  	_ =	shalt  }
0x4d: {  	_ =	shalt  }
0x4e: {  	_ =	shalt  }
0x4f: {  	_ =	shalt  }
0x50: {  	_ =	shalt  }
0x51: {  	_ =	shalt  }
0x52: {  	_ =	shalt  }
0x53: {  	_ =	shalt  }
0x54: {  	_ =	shalt  }
0x55: {  	_ =	shalt  }
0x56: {  	_ =	shalt  }
0x57: {  	_ =	shalt  }
0x58: {  	_ =	shalt  }
0x59: {  	_ =	shalt  }
0x5a: {  	_ =	shalt  }
0x5b: {  	_ =	shalt  }
0x5c: {  	_ =	shalt  }
0x5d: {  	_ =	shalt  }
0x5e: {  	_ =	shalt  }
0x5f: {  	_ =	shalt  }
0x60: {  	_ =	shalt  }
0x61: {  	_ =	shalt  }
0x62: {  	_ =	shalt  }
0x63: {  	_ =	shalt  }
0x64: {  	_ =	shalt  }
0x65: {  	_ =	shalt  }
0x66: {  	_ =	shalt  }
0x67: {  	_ =	shalt  }
0x68: {  	_ =	shalt  }
0x69: {  	_ =	shalt  }
0x6a: {  	_ =	shalt  }
0x6b: {  	_ =	shalt  }
0x6c: {  	_ =	shalt  }
0x6d: {  	_ =	shalt  }
0x6e: {  	_ =	shalt  }
0x6f: {  	_ =	shalt  }
0x70: {  	_ =	shalt  }
0x71: {  	_ =	shalt  }
0x72: {  	_ =	shalt  }
0x73: {  	_ =	shalt  }
0x74: {  	_ =	shalt  }
0x75: {  	_ =	shalt  }
0x76: {  	_ =	shalt  }
0x77: {  	_ =	shalt  }
0x78: {  	_ =	shalt  }
0x79: {  	_ =	shalt  }
0x7a: {  	_ =	shalt  }
0x7b: {  	_ =	shalt  }
0x7c: {  	_ =	shalt  }
0x7d: {  	_ =	shalt  }
0x7e: {  	_ =	shalt  }
0x7f: {  	_ =	shalt  }
0x80: {  	_ =	shalt  }
0x81: {  	_ =	shalt  }
0x82: {  	_ =	shalt  }
0x83: {  	_ =	shalt  }
0x84: {  	_ =	shalt  }
0x85: {  	_ =	shalt  }
0x86: {  	_ =	shalt  }
0x87: {  	_ =	shalt  }
.Lfunc_end0:
.L_simem_size_0:
called_computation_lowered:
.L_overlay_start_0:
0x88: {  	s2 =	sld [smem:$0x3FD9]  }
0x89: {  	s3 =	sld [smem:$0x3FFE];
	_ =	sdelay $0x1  }
0x8a: {  	s1 =	srdreg.scid  }
0x8b: {  	s0 =	sand.u32 $0x1, s1  }
0x8c: {  	s16 =	sshll.u32 s0, $0xA;
	s2 =	sadd.s32 s3, s2  }
0x8d: {  	s2 =	sadd.s32 s2, s16  }
0x8e: {  	[smem:$0x3FC0] =	sst s2  }
0x8f: {  	_ = 	snop  }
0x90: {  	(tm) =	ssettm $0x1  }
0x91: {  	s17 =	sld [smem:$0x3FFB];
	_ =	sdelay $0x3  }
0x92: {  	_ =	strace s17  }
0x93: {  	s2 =	sld [smem:$0x3FFC];
	_ =	sdelay $0x3  }
0x94: {  	_ =	strace s2  }
0x95: {  	s2 =	sld [smem:$0x3FFD];
	_ =	sdelay $0x3  }
0x96: {  	_ =	strace s2  }
0x97: {  	_ =	strace $0x8FFFFFFF  }
0x98: {  	s18 =	sld [smem:$0x3FDB];
	_ =	sdelay $0x1  }
0x99: {  	s19 =	simm.s32 $_scs_section_size  }
0x9a: {  	s4 =	simm.s32 $_size__tile_overlayer_lowered;
	s5 =	simm.s32 $_tile_overlayer_lowered  }
0x9b: {  	s22 =	simm.s32 $0x1BFF;
	s21 =	sshll.u32 s5, $0x1;
	s2 =	sadd.s32 s19, s18  }
0x9c: {  	s6 =	simm.s32 $0x0;
	s20 =	sshll.u32 s4, $0x1;
	s4 =	sadd.s32 s21, s2  }
0x9d: {  	[timem:s6], [sflag:s22] =	dma.local [hbm:s4], s20  }
0x9e: {  	_ =	swait.ge [sflag:s22], s20  }
0x9f: {  	s3 =	ssub.s32 $0x0, s20;
	[sflag:s22] =	ssyncset.done $0x0  }
0xa0: {  	[sflag:s22] =	ssyncadd.s32 s3;
	_ =	sdelay $0x1  }
0xa1: {  	s23 =	simm.s32 $0x1B8B  }
0xa2: {  	_ =	swait.ge [sflag:s23], $0x1  }
0xa3: {  	[sflag:s23] =	ssyncset.done $0x0  }
0xa4: {  	s25 =	simm.s32 $0x1B8E;
	s24 =	sld [smem:$0x3FFE];
	[sflag:s23] =	ssyncadd.s32 $0xFFFFFFFF  }
0xa5: {  	s26 =	simm.s32 $execute0_lowered;
	[smem:$0x3FD2] =	sst s25  }
0xa6: {  	s4 =	sshll.u32 s26, $0x1;
	_ =	strace $0x80000046;
	[dreg:$0x1] =	wrdreg $0xFFFFFFFF  }
0xa7: {  	s28 =	simm.s32 $_size_execute0_lowered;
	s2 =	sadd.s32 s2, s4;
	[dreg:$0x0] =	wrdreg $0x0  }
0xa8: {  	s4 =	sshll.u32 s28, $0x1;
	[dreg:$0x2] =	wrdreg s2  }
0xa9: {  	[dreg:$0x3] =	wrdreg s4  }
0xaa: {  	[dreg:$0x4] =	wrdreg $0xC0  }
0xab: {  	_ =	task [dreg:s6], $0x5FFFF  }
0xac: {  	[dreg:$0x1] =	wrdreg $0xFFFFFFFF  }
0xad: {  	[dreg:$0x0] =	wrdreg $0x60  }
0xae: {  	[dreg:$0x2] =	wrdreg s24  }
0xaf: {  	[dreg:$0x3] =	wrdreg $0x59800  }
0xb0: {  	[dreg:$0x4] =	wrdreg $0x9  }
0xb1: {  	_ =	task.clear_ibuf [dreg:s6], $0x5FFFF;
	_ =	strace $0x90000046  }
0xb2: {  	s29 =	simm.s32 $0x9;
	_ =	strace $0x80000048  }
0xb3: {  	_ =	swait.ge [sflag:s29], $0x1  }
0xb4: {  	[sflag:s29] =	ssyncadd.s32 $0xFFFFFFFF  }
0xb5: {  	_ =	strace $0x90000048  }
0xb6: {  	_ =	sfence  }
0xb7: {  	s30 =	sld [smem:$0x0];
	_ =	sdelay $0x2  }
0xb8: {  	s31 =	sshll.u32 s1, $0xD;
	s1 =	sshrl.u32 s1, $0x2  }
0xb9: {  	s3 =	sand.u32 $0x4000, s31;
	s1 =	sadd.s32 s1, s30  }
0xba: {  	s0 =	sor.u32 s3, s0;
	s1 =	sshll.u32 s1, $0x11  }
0xbb: {  	s0 =	sor.u32 s1, s0  }
0xbc: {  	s0 =	sadd.s32 $0x8F2B, s0  }
0xbd: {  	[sflag:s0] =	ssyncadd.remote.s32 $0x1  }
0xbe: {  	_ =	sfence.sel $0xFFFF  }
0xbf: {  	[dreg:$0x0] =	wrdreg $0xFFFFFFFF;
	(pc) =	sbr.abs _section_cstart, $3  }
0xc0: {  	[dreg:$0x1] =	wrdreg $0xFFFFFFFF  }
0xc1: {  	_ =	task.clear_ibuf [dreg:s6], $0x2FFFF;
	_ =	strace $0x9FFFFFFF  }
0xc2: {  	(tm) =	ssettm $0x7FFFFFFF  }
0xc3: {  	_ =	shalt  }
tec
execute0_lowered:
.L_overlay_start_1:
0x0: {  	(tag) =	ssettag $0x1  }
0x1: {  	s0 =	srdreg.scid  }
0x2: {  	s4 =	rddreg [dreg:$0x0];
	s8 =	stileid.u32  }
0x3: {  	s1 =	rddreg [dreg:$0x1];
	s9 =	simm.s32 $0x1;
	s10 =	simm.s32 $0x80  }
0x4: {  	s29 =	simm.s32 $0x2400;
	s30 =	simm.s32 $0x5480;
	s31 =	simm.s32 $0x2480  }
0x5: {  	s11 =	simm.s32 $0x2500;
	s12 =	simm.s32 $0x5580;
	s13 =	simm.s32 $0x2580  }
0x6: {  	s14 =	simm.s32 $0x5600;
	s15 =	simm.s32 $0x2600;
	s16 =	simm.s32 $0x5680  }
0x7: {  	s17 =	simm.s32 $0x2680;
	s18 =	simm.s32 $0x5700;
	s19 =	simm.s32 $0x2700  }
0x8: {  	s20 =	simm.s32 $0x5780;
	s21 =	simm.s32 $0x2780;
	s0 =	sand.u32 $0x1, s0  }
0x9: {  	s22 =	simm.s32 $0x5800;
	s23 =	simm.s32 $0x0;
	s2 =	sshll.u32 s0, $0x4  }
0xa: {  	p0 =	sne.s32 s8, $0x0;
	s0 =	ssub.s32 $0x2, s0;
	s3 =	sor.u32 s8, s2  }
0xb: {  	s2 =	simm.s32 $0x0;
	s7 =	sshrl.u32 s0, $0x1;
	s5 =	smul.u32 $0x140, s3  }
0xc: {  	[smem:$0x7FF] =	sst s2;
	s3 =	sadd.s32 $0x2800, s4;
	s0 =	ssub.s32 s0, s7  }
0xd: {  	_ =	strace $0x80000047;
	s7 =	smax.u32 s0, $0x1;
	s6 =	sshrl.u32 s5, $0x3  }
0xe: {  	s0 =	simm.s32 $0x5500;
	s5 =	sadd.s32 s5, s1;
	s6 =	sadd.s32 s6, s4  }
0xf: {  	v0 =	vimm.f32 $0.0e+00;
	v1 =	vlaneseq.u32;
	v2 =	vimm.f32 $1.000000000e+00;
	s4 =	smul.u32 $0x4E20, s8;
	s8 =	simm.s32 $0x2800;
	s6 =	sadd.s32 $0xC600, s6  }
.LBB2_1:
0x10: {  	s24 =	simm.s32 $0x0  }
.LBB2_2:
0x11: {  	p1 =	sne.s32 s24, $0x9FC0  }
.Ltmp0:
0x12: {  	_ = 	snop;
	(pc) =	sbr.rel @p1 .LBB2_2-.Ltmp0, $3  }
0x13: {  	_ =	sdelay $0x1  }
0x14: {  	s25 =	sshra.s32 s24, $0x2  }
0x15: {  	s24 =	sadd.s32 $0x40, s24;
	[tilespmem:s25+$0x0] =	vst v0  }
0x16: {  	s25 =	simm.s32 $0x0  }
0x17: {  	s24 =	simm.s32 $0x10;
	v3 =	vor.u32 s25, v1;
	s25 =	sand.u32 $0x3FF0, s25  }
.LBB2_4:
0x18: {  	p1 =	sne.s32 s24, $0x27F0;
	[tilespmem:s25+$0x3000] =	vst v3;
	s25 =	smov.u32 s24;
	s24 =	sadd.s32 $0x10, s24  }
.Ltmp1:
0x19: {  	(pc) =	sbr.rel @p1 .LBB2_4-.Ltmp1, $2  }
0x1a: {  	_ =	sdelay $0x2  }
0x1b: {  	v3 =	vor.u32 s25, v1;
	s25 =	sand.u32 $0x3FF0, s25  }
0x1c: {  	[tilespmem:s25+$0x3000] =	vst v3;
	s24 =	simm.s32 @!p0 $0x0  }
0x1d: {  	[spmem:s1] =	stream.linear.scatter @!p0 [tilespmem:s24], [sflag:$0x1], $0x2800, $0x38;
	[tilespmem:$0x5C00] =	vst v63  }
0x1e: {  	s24 =	simm.s32 @!p0 $0x1  }
0x1f: {  	_ =	swait.ge @!p0 [sflag:s24], $0x2800  }
0x20: {  	[sflag:s24] =	ssyncset.done @!p0 $0x0  }
0x21: {  	[sflag:s24] =	ssyncadd.s32 @!p0 $0xFFFFD800  }
0x22: {  	s25 =	simm.s32 $0x0;
	s24 =	simm.s32 $0x0;
	[bflag:$0x0] =	sbarrier.arrive $0xFFFF  }
.LBB2_6:
0x23: {  	s26 =	smul.u32 $0x7D0, s25;
	_ =	sdelay $0x1  }
0x24: {  	s26 =	sadd.s32 s4, s26  }
0x25: {  	s26 =	sshrl.u32 s26, $0x3  }
0x26: {  	s26 =	sadd.s32 s3, s26  }
0x27: {  	[tilespmem:s8], [sflag:$0x1] =	stream.linear.gather [hbm4b:s26+s24], $0x7D0, $0x38;
	[tilespmem:$0x5C00] =	vst v63  }
0x28: {  	_ =	swait.ge [sflag:s9], $0x7D0  }
0x29: {  	[sflag:s9] =	ssyncset.done $0x0  }
0x2a: {  	s28 =	simm.s32 $0x0;
	s26 =	simm.s32 $0x40;
	[sflag:s9] =	ssyncadd.s32 $0xFFFFF830  }
.LBB2_7:
0x2b: {  	p1 =	sne.s32 s26, $0x1F00;
	v3 =	vld [tilespmem:s28+$0x2800];
	_ =	sdelay $0x3  }
.Ltmp2:
0x2c: {  	(pc) =	sbr.rel @p1 .LBB2_7-.Ltmp2, $2  }
0x2d: {  	_ =	sdelay $0x2  }
0x2e: {  	s28 =	sshra.s32 s26, $0x2;
	s26 =	sadd.s32 $0x40, s26;
	[tilespmem:v3+s2+$0x0] =	vst.idx.add.f32.msk $0xffff, v2  }
0x2f: {  	v3 =	vld [tilespmem:s28+$0x2800];
	_ =	sdelay $0x1  }
0x30: {  	s25 =	sadd.s32 $0x1, s25  }
0x31: {  	p1 =	sne.s32 s25, $0xA  }
.Ltmp3:
0x32: {  	_ = 	snop;
	(pc) =	sbr.rel @p1 .LBB2_6-.Ltmp3, $2  }
0x33: {  	_ =	sdelay $0x2  }
0x34: {  	[tilespmem:v3+s2+$0x0] =	vst.idx.add.f32.msk $0xffff, v2  }
0x35: {  	s24 =	simm.s32 $0x0;
	s25 =	simm.s32 $0x3000  }
0x36: {  	[spmem:s1] =	stream.indirect.scatter.add.f32 [tilespmem:s24], [sflag:$0x1], $0x1, s25, s10, $0xb8;
	[tilespmem:$0x5C00] =	vst v63  }
0x37: {  	_ =	swait.ge [sflag:s9], $0x80  }
0x38: {  	[sflag:s9] =	ssyncset.done $0x0  }
0x39: {  	s25 =	simm.s32 $0x3080;
	[sflag:s9] =	ssyncadd.s32 $0xFFFFFF80  }
0x3a: {  	[spmem:s1] =	stream.indirect.scatter.add.f32 [tilespmem:s10], [sflag:$0x1], $0x1, s25, s10, $0xb8;
	[tilespmem:$0x5C00] =	vst v63  }
0x3b: {  	_ =	swait.ge [sflag:s9], $0x80  }
0x3c: {  	[sflag:s9] =	ssyncset.done $0x0  }
0x3d: {  	s26 =	simm.s32 $0x3100;
	s28 =	simm.s32 $0x100;
	[sflag:s9] =	ssyncadd.s32 $0xFFFFFF80  }
0x3e: {  	[spmem:s1] =	stream.indirect.scatter.add.f32 [tilespmem:s28], [sflag:$0x1], $0x1, s26, s10, $0xb8;
	[tilespmem:$0x5C00] =	vst v63  }
0x3f: {  	_ =	swait.ge [sflag:s9], $0x80  }
0x40: {  	[sflag:s9] =	ssyncset.done $0x0  }
0x41: {  	s26 =	simm.s32 $0x3180;
	s28 =	simm.s32 $0x180;
	[sflag:s9] =	ssyncadd.s32 $0xFFFFFF80  }
0x42: {  	[spmem:s1] =	stream.indirect.scatter.add.f32 [tilespmem:s28], [sflag:$0x1], $0x1, s26, s10, $0xb8;
	[tilespmem:$0x5C00] =	vst v63  }
0x43: {  	_ =	swait.ge [sflag:s9], $0x80  }
0x44: {  	[sflag:s9] =	ssyncset.done $0x0  }
0x45: {  	s26 =	simm.s32 $0x3200;
	s28 =	simm.s32 $0x200;
	[sflag:s9] =	ssyncadd.s32 $0xFFFFFF80  }
0x46: {  	[spmem:s1] =	stream.indirect.scatter.add.f32 [tilespmem:s28], [sflag:$0x1], $0x1, s26, s10, $0xb8;
	[tilespmem:$0x5C00] =	vst v63  }
0x47: {  	_ =	swait.ge [sflag:s9], $0x80  }
0x48: {  	[sflag:s9] =	ssyncset.done $0x0  }
0x49: {  	s26 =	simm.s32 $0x3280;
	s28 =	simm.s32 $0x280;
	[sflag:s9] =	ssyncadd.s32 $0xFFFFFF80  }
0x4a: {  	[spmem:s1] =	stream.indirect.scatter.add.f32 [tilespmem:s28], [sflag:$0x1], $0x1, s26, s10, $0xb8;
	[tilespmem:$0x5C00] =	vst v63  }
0x4b: {  	_ =	swait.ge [sflag:s9], $0x80  }
0x4c: {  	[sflag:s9] =	ssyncset.done $0x0  }
0x4d: {  	s26 =	simm.s32 $0x3300;
	s28 =	simm.s32 $0x300;
	[sflag:s9] =	ssyncadd.s32 $0xFFFFFF80  }
0x4e: {  	[spmem:s1] =	stream.indirect.scatter.add.f32 [tilespmem:s28], [sflag:$0x1], $0x1, s26, s10, $0xb8;
	[tilespmem:$0x5C00] =	vst v63  }
0x4f: {  	_ =	swait.ge [sflag:s9], $0x80  }
0x50: {  	[sflag:s9] =	ssyncset.done $0x0  }
0x51: {  	s26 =	simm.s32 $0x3380;
	s28 =	simm.s32 $0x380;
	[sflag:s9] =	ssyncadd.s32 $0xFFFFFF80  }
0x52: {  	[spmem:s1] =	stream.indirect.scatter.add.f32 [tilespmem:s28], [sflag:$0x1], $0x1, s26, s10, $0xb8;
	[tilespmem:$0x5C00] =	vst v63  }
0x53: {  	_ =	swait.ge [sflag:s9], $0x80  }
0x54: {  	[sflag:s9] =	ssyncset.done $0x0  }
0x55: {  	s26 =	simm.s32 $0x3400;
	s28 =	simm.s32 $0x400;
	[sflag:s9] =	ssyncadd.s32 $0xFFFFFF80  }
0x56: {  	[spmem:s1] =	stream.indirect.scatter.add.f32 [tilespmem:s28], [sflag:$0x1], $0x1, s26, s10, $0xb8;
	[tilespmem:$0x5C00] =	vst v63  }
0x57: {  	_ =	swait.ge [sflag:s9], $0x80  }
0x58: {  	[sflag:s9] =	ssyncset.done $0x0  }
0x59: {  	s26 =	simm.s32 $0x3480;
	s28 =	simm.s32 $0x480;
	[sflag:s9] =	ssyncadd.s32 $0xFFFFFF80  }
0x5a: {  	[spmem:s1] =	stream.indirect.scatter.add.f32 [tilespmem:s28], [sflag:$0x1], $0x1, s26, s10, $0xb8;
	[tilespmem:$0x5C00] =	vst v63  }
0x5b: {  	_ =	swait.ge [sflag:s9], $0x80  }
0x5c: {  	[sflag:s9] =	ssyncset.done $0x0  }
0x5d: {  	s26 =	simm.s32 $0x3500;
	s28 =	simm.s32 $0x500;
	[sflag:s9] =	ssyncadd.s32 $0xFFFFFF80  }
0x5e: {  	[spmem:s1] =	stream.indirect.scatter.add.f32 [tilespmem:s28], [sflag:$0x1], $0x1, s26, s10, $0xb8;
	[tilespmem:$0x5C00] =	vst v63  }
0x5f: {  	_ =	swait.ge [sflag:s9], $0x80  }
0x60: {  	[sflag:s9] =	ssyncset.done $0x0  }
0x61: {  	s26 =	simm.s32 $0x3580;
	s28 =	simm.s32 $0x580;
	[sflag:s9] =	ssyncadd.s32 $0xFFFFFF80  }
0x62: {  	[spmem:s1] =	stream.indirect.scatter.add.f32 [tilespmem:s28], [sflag:$0x1], $0x1, s26, s10, $0xb8;
	[tilespmem:$0x5C00] =	vst v63  }
0x63: {  	_ =	swait.ge [sflag:s9], $0x80  }
0x64: {  	[sflag:s9] =	ssyncset.done $0x0  }
0x65: {  	s26 =	simm.s32 $0x3600;
	s28 =	simm.s32 $0x600;
	[sflag:s9] =	ssyncadd.s32 $0xFFFFFF80  }
0x66: {  	[spmem:s1] =	stream.indirect.scatter.add.f32 [tilespmem:s28], [sflag:$0x1], $0x1, s26, s10, $0xb8;
	[tilespmem:$0x5C00] =	vst v63  }
0x67: {  	_ =	swait.ge [sflag:s9], $0x80  }
0x68: {  	[sflag:s9] =	ssyncset.done $0x0  }
0x69: {  	s26 =	simm.s32 $0x3680;
	s28 =	simm.s32 $0x680;
	[sflag:s9] =	ssyncadd.s32 $0xFFFFFF80  }
0x6a: {  	[spmem:s1] =	stream.indirect.scatter.add.f32 [tilespmem:s28], [sflag:$0x1], $0x1, s26, s10, $0xb8;
	[tilespmem:$0x5C00] =	vst v63  }
0x6b: {  	_ =	swait.ge [sflag:s9], $0x80  }
0x6c: {  	[sflag:s9] =	ssyncset.done $0x0  }
0x6d: {  	s26 =	simm.s32 $0x3700;
	s28 =	simm.s32 $0x700;
	[sflag:s9] =	ssyncadd.s32 $0xFFFFFF80  }
0x6e: {  	[spmem:s1] =	stream.indirect.scatter.add.f32 [tilespmem:s28], [sflag:$0x1], $0x1, s26, s10, $0xb8;
	[tilespmem:$0x5C00] =	vst v63  }
0x6f: {  	_ =	swait.ge [sflag:s9], $0x80  }
0x70: {  	[sflag:s9] =	ssyncset.done $0x0  }
0x71: {  	s26 =	simm.s32 $0x3780;
	s28 =	simm.s32 $0x780;
	[sflag:s9] =	ssyncadd.s32 $0xFFFFFF80  }
0x72: {  	[spmem:s1] =	stream.indirect.scatter.add.f32 [tilespmem:s28], [sflag:$0x1], $0x1, s26, s10, $0xb8;
	[tilespmem:$0x5C00] =	vst v63  }
0x73: {  	_ =	swait.ge [sflag:s9], $0x80  }
0x74: {  	[sflag:s9] =	ssyncset.done $0x0  }
0x75: {  	s26 =	simm.s32 $0x3800;
	s28 =	simm.s32 $0x800;
	[sflag:s9] =	ssyncadd.s32 $0xFFFFFF80  }
0x76: {  	[spmem:s1] =	stream.indirect.scatter.add.f32 [tilespmem:s28], [sflag:$0x1], $0x1, s26, s10, $0xb8;
	[tilespmem:$0x5C00] =	vst v63  }
0x77: {  	_ =	swait.ge [sflag:s9], $0x80  }
0x78: {  	[sflag:s9] =	ssyncset.done $0x0  }
0x79: {  	s26 =	simm.s32 $0x3880;
	s28 =	simm.s32 $0x880;
	[sflag:s9] =	ssyncadd.s32 $0xFFFFFF80  }
0x7a: {  	[spmem:s1] =	stream.indirect.scatter.add.f32 [tilespmem:s28], [sflag:$0x1], $0x1, s26, s10, $0xb8;
	[tilespmem:$0x5C00] =	vst v63  }
0x7b: {  	_ =	swait.ge [sflag:s9], $0x80  }
0x7c: {  	[sflag:s9] =	ssyncset.done $0x0  }
0x7d: {  	s26 =	simm.s32 $0x3900;
	s28 =	simm.s32 $0x900;
	[sflag:s9] =	ssyncadd.s32 $0xFFFFFF80  }
0x7e: {  	[spmem:s1] =	stream.indirect.scatter.add.f32 [tilespmem:s28], [sflag:$0x1], $0x1, s26, s10, $0xb8;
	[tilespmem:$0x5C00] =	vst v63  }
0x7f: {  	_ =	swait.ge [sflag:s9], $0x80  }
0x80: {  	[sflag:s9] =	ssyncset.done $0x0  }
0x81: {  	s26 =	simm.s32 $0x3980;
	s28 =	simm.s32 $0x980;
	[sflag:s9] =	ssyncadd.s32 $0xFFFFFF80  }
0x82: {  	[spmem:s1] =	stream.indirect.scatter.add.f32 [tilespmem:s28], [sflag:$0x1], $0x1, s26, s10, $0xb8;
	[tilespmem:$0x5C00] =	vst v63  }
0x83: {  	_ =	swait.ge [sflag:s9], $0x80  }
0x84: {  	[sflag:s9] =	ssyncset.done $0x0  }
0x85: {  	s26 =	simm.s32 $0x3A00;
	s28 =	simm.s32 $0xA00;
	[sflag:s9] =	ssyncadd.s32 $0xFFFFFF80  }
0x86: {  	[spmem:s1] =	stream.indirect.scatter.add.f32 [tilespmem:s28], [sflag:$0x1], $0x1, s26, s10, $0xb8;
	[tilespmem:$0x5C00] =	vst v63  }
0x87: {  	_ =	swait.ge [sflag:s9], $0x80  }
0x88: {  	[sflag:s9] =	ssyncset.done $0x0  }
0x89: {  	s26 =	simm.s32 $0x3A80;
	s28 =	simm.s32 $0xA80;
	[sflag:s9] =	ssyncadd.s32 $0xFFFFFF80  }
0x8a: {  	[spmem:s1] =	stream.indirect.scatter.add.f32 [tilespmem:s28], [sflag:$0x1], $0x1, s26, s10, $0xb8;
	[tilespmem:$0x5C00] =	vst v63  }
0x8b: {  	_ =	swait.ge [sflag:s9], $0x80  }
0x8c: {  	[sflag:s9] =	ssyncset.done $0x0  }
0x8d: {  	s26 =	simm.s32 $0x3B00;
	s28 =	simm.s32 $0xB00;
	[sflag:s9] =	ssyncadd.s32 $0xFFFFFF80  }
0x8e: {  	[spmem:s1] =	stream.indirect.scatter.add.f32 [tilespmem:s28], [sflag:$0x1], $0x1, s26, s10, $0xb8;
	[tilespmem:$0x5C00] =	vst v63  }
0x8f: {  	_ =	swait.ge [sflag:s9], $0x80  }
0x90: {  	[sflag:s9] =	ssyncset.done $0x0  }
0x91: {  	s26 =	simm.s32 $0x3B80;
	s28 =	simm.s32 $0xB80;
	[sflag:s9] =	ssyncadd.s32 $0xFFFFFF80  }
0x92: {  	[spmem:s1] =	stream.indirect.scatter.add.f32 [tilespmem:s28], [sflag:$0x1], $0x1, s26, s10, $0xb8;
	[tilespmem:$0x5C00] =	vst v63  }
0x93: {  	_ =	swait.ge [sflag:s9], $0x80  }
0x94: {  	[sflag:s9] =	ssyncset.done $0x0  }
0x95: {  	s26 =	simm.s32 $0x3C00;
	s28 =	simm.s32 $0xC00;
	[sflag:s9] =	ssyncadd.s32 $0xFFFFFF80  }
0x96: {  	[spmem:s1] =	stream.indirect.scatter.add.f32 [tilespmem:s28], [sflag:$0x1], $0x1, s26, s10, $0xb8;
	[tilespmem:$0x5C00] =	vst v63  }
0x97: {  	_ =	swait.ge [sflag:s9], $0x80  }
0x98: {  	[sflag:s9] =	ssyncset.done $0x0  }
0x99: {  	s26 =	simm.s32 $0x3C80;
	s28 =	simm.s32 $0xC80;
	[sflag:s9] =	ssyncadd.s32 $0xFFFFFF80  }
0x9a: {  	[spmem:s1] =	stream.indirect.scatter.add.f32 [tilespmem:s28], [sflag:$0x1], $0x1, s26, s10, $0xb8;
	[tilespmem:$0x5C00] =	vst v63  }
0x9b: {  	_ =	swait.ge [sflag:s9], $0x80  }
0x9c: {  	[sflag:s9] =	ssyncset.done $0x0  }
0x9d: {  	s26 =	simm.s32 $0x3D00;
	s28 =	simm.s32 $0xD00;
	[sflag:s9] =	ssyncadd.s32 $0xFFFFFF80  }
0x9e: {  	[spmem:s1] =	stream.indirect.scatter.add.f32 [tilespmem:s28], [sflag:$0x1], $0x1, s26, s10, $0xb8;
	[tilespmem:$0x5C00] =	vst v63  }
0x9f: {  	_ =	swait.ge [sflag:s9], $0x80  }
0xa0: {  	[sflag:s9] =	ssyncset.done $0x0  }
0xa1: {  	s26 =	simm.s32 $0x3D80;
	s28 =	simm.s32 $0xD80;
	[sflag:s9] =	ssyncadd.s32 $0xFFFFFF80  }
0xa2: {  	[spmem:s1] =	stream.indirect.scatter.add.f32 [tilespmem:s28], [sflag:$0x1], $0x1, s26, s10, $0xb8;
	[tilespmem:$0x5C00] =	vst v63  }
0xa3: {  	_ =	swait.ge [sflag:s9], $0x80  }
0xa4: {  	[sflag:s9] =	ssyncset.done $0x0  }
0xa5: {  	s26 =	simm.s32 $0x3E00;
	s28 =	simm.s32 $0xE00;
	[sflag:s9] =	ssyncadd.s32 $0xFFFFFF80  }
0xa6: {  	[spmem:s1] =	stream.indirect.scatter.add.f32 [tilespmem:s28], [sflag:$0x1], $0x1, s26, s10, $0xb8;
	[tilespmem:$0x5C00] =	vst v63  }
0xa7: {  	_ =	swait.ge [sflag:s9], $0x80  }
0xa8: {  	[sflag:s9] =	ssyncset.done $0x0  }
0xa9: {  	s26 =	simm.s32 $0x3E80;
	s28 =	simm.s32 $0xE80;
	[sflag:s9] =	ssyncadd.s32 $0xFFFFFF80  }
0xaa: {  	[spmem:s1] =	stream.indirect.scatter.add.f32 [tilespmem:s28], [sflag:$0x1], $0x1, s26, s10, $0xb8;
	[tilespmem:$0x5C00] =	vst v63  }
0xab: {  	_ =	swait.ge [sflag:s9], $0x80  }
0xac: {  	[sflag:s9] =	ssyncset.done $0x0  }
0xad: {  	s26 =	simm.s32 $0x3F00;
	s28 =	simm.s32 $0xF00;
	[sflag:s9] =	ssyncadd.s32 $0xFFFFFF80  }
0xae: {  	[spmem:s1] =	stream.indirect.scatter.add.f32 [tilespmem:s28], [sflag:$0x1], $0x1, s26, s10, $0xb8;
	[tilespmem:$0x5C00] =	vst v63  }
0xaf: {  	_ =	swait.ge [sflag:s9], $0x80  }
0xb0: {  	[sflag:s9] =	ssyncset.done $0x0  }
0xb1: {  	s26 =	simm.s32 $0x3F80;
	s28 =	simm.s32 $0xF80;
	[sflag:s9] =	ssyncadd.s32 $0xFFFFFF80  }
0xb2: {  	[spmem:s1] =	stream.indirect.scatter.add.f32 [tilespmem:s28], [sflag:$0x1], $0x1, s26, s10, $0xb8;
	[tilespmem:$0x5C00] =	vst v63  }
0xb3: {  	_ =	swait.ge [sflag:s9], $0x80  }
0xb4: {  	[sflag:s9] =	ssyncset.done $0x0  }
0xb5: {  	s26 =	simm.s32 $0x4000;
	s28 =	simm.s32 $0x1000;
	[sflag:s9] =	ssyncadd.s32 $0xFFFFFF80  }
0xb6: {  	[spmem:s1] =	stream.indirect.scatter.add.f32 [tilespmem:s28], [sflag:$0x1], $0x1, s26, s10, $0xb8;
	[tilespmem:$0x5C00] =	vst v63  }
0xb7: {  	_ =	swait.ge [sflag:s9], $0x80  }
0xb8: {  	[sflag:s9] =	ssyncset.done $0x0  }
0xb9: {  	s26 =	simm.s32 $0x4080;
	s28 =	simm.s32 $0x1080;
	[sflag:s9] =	ssyncadd.s32 $0xFFFFFF80  }
0xba: {  	[spmem:s1] =	stream.indirect.scatter.add.f32 [tilespmem:s28], [sflag:$0x1], $0x1, s26, s10, $0xb8;
	[tilespmem:$0x5C00] =	vst v63  }
0xbb: {  	_ =	swait.ge [sflag:s9], $0x80  }
0xbc: {  	[sflag:s9] =	ssyncset.done $0x0  }
0xbd: {  	s26 =	simm.s32 $0x4100;
	s28 =	simm.s32 $0x1100;
	[sflag:s9] =	ssyncadd.s32 $0xFFFFFF80  }
0xbe: {  	[spmem:s1] =	stream.indirect.scatter.add.f32 [tilespmem:s28], [sflag:$0x1], $0x1, s26, s10, $0xb8;
	[tilespmem:$0x5C00] =	vst v63  }
0xbf: {  	_ =	swait.ge [sflag:s9], $0x80  }
0xc0: {  	[sflag:s9] =	ssyncset.done $0x0  }
0xc1: {  	s26 =	simm.s32 $0x4180;
	s28 =	simm.s32 $0x1180;
	[sflag:s9] =	ssyncadd.s32 $0xFFFFFF80  }
0xc2: {  	[spmem:s1] =	stream.indirect.scatter.add.f32 [tilespmem:s28], [sflag:$0x1], $0x1, s26, s10, $0xb8;
	[tilespmem:$0x5C00] =	vst v63  }
0xc3: {  	_ =	swait.ge [sflag:s9], $0x80  }
0xc4: {  	[sflag:s9] =	ssyncset.done $0x0  }
0xc5: {  	s26 =	simm.s32 $0x4200;
	s28 =	simm.s32 $0x1200;
	[sflag:s9] =	ssyncadd.s32 $0xFFFFFF80  }
0xc6: {  	[spmem:s1] =	stream.indirect.scatter.add.f32 [tilespmem:s28], [sflag:$0x1], $0x1, s26, s10, $0xb8;
	[tilespmem:$0x5C00] =	vst v63  }
0xc7: {  	_ =	swait.ge [sflag:s9], $0x80  }
0xc8: {  	[sflag:s9] =	ssyncset.done $0x0  }
0xc9: {  	s26 =	simm.s32 $0x4280;
	s28 =	simm.s32 $0x1280;
	[sflag:s9] =	ssyncadd.s32 $0xFFFFFF80  }
0xca: {  	[spmem:s1] =	stream.indirect.scatter.add.f32 [tilespmem:s28], [sflag:$0x1], $0x1, s26, s10, $0xb8;
	[tilespmem:$0x5C00] =	vst v63  }
0xcb: {  	_ =	swait.ge [sflag:s9], $0x80  }
0xcc: {  	[sflag:s9] =	ssyncset.done $0x0  }
0xcd: {  	s26 =	simm.s32 $0x4300;
	s28 =	simm.s32 $0x1300;
	[sflag:s9] =	ssyncadd.s32 $0xFFFFFF80  }
0xce: {  	[spmem:s1] =	stream.indirect.scatter.add.f32 [tilespmem:s28], [sflag:$0x1], $0x1, s26, s10, $0xb8;
	[tilespmem:$0x5C00] =	vst v63  }
0xcf: {  	_ =	swait.ge [sflag:s9], $0x80  }
0xd0: {  	[sflag:s9] =	ssyncset.done $0x0  }
0xd1: {  	s26 =	simm.s32 $0x4380;
	s28 =	simm.s32 $0x1380;
	[sflag:s9] =	ssyncadd.s32 $0xFFFFFF80  }
0xd2: {  	[spmem:s1] =	stream.indirect.scatter.add.f32 [tilespmem:s28], [sflag:$0x1], $0x1, s26, s10, $0xb8;
	[tilespmem:$0x5C00] =	vst v63  }
0xd3: {  	_ =	swait.ge [sflag:s9], $0x80  }
0xd4: {  	[sflag:s9] =	ssyncset.done $0x0  }
0xd5: {  	s26 =	simm.s32 $0x4400;
	s28 =	simm.s32 $0x1400;
	[sflag:s9] =	ssyncadd.s32 $0xFFFFFF80  }
0xd6: {  	[spmem:s1] =	stream.indirect.scatter.add.f32 [tilespmem:s28], [sflag:$0x1], $0x1, s26, s10, $0xb8;
	[tilespmem:$0x5C00] =	vst v63  }
0xd7: {  	_ =	swait.ge [sflag:s9], $0x80  }
0xd8: {  	[sflag:s9] =	ssyncset.done $0x0  }
0xd9: {  	s26 =	simm.s32 $0x4480;
	s28 =	simm.s32 $0x1480;
	[sflag:s9] =	ssyncadd.s32 $0xFFFFFF80  }
0xda: {  	[spmem:s1] =	stream.indirect.scatter.add.f32 [tilespmem:s28], [sflag:$0x1], $0x1, s26, s10, $0xb8;
	[tilespmem:$0x5C00] =	vst v63  }
0xdb: {  	_ =	swait.ge [sflag:s9], $0x80  }
0xdc: {  	[sflag:s9] =	ssyncset.done $0x0  }
0xdd: {  	s26 =	simm.s32 $0x4500;
	s28 =	simm.s32 $0x1500;
	[sflag:s9] =	ssyncadd.s32 $0xFFFFFF80  }
0xde: {  	[spmem:s1] =	stream.indirect.scatter.add.f32 [tilespmem:s28], [sflag:$0x1], $0x1, s26, s10, $0xb8;
	[tilespmem:$0x5C00] =	vst v63  }
0xdf: {  	_ =	swait.ge [sflag:s9], $0x80  }
0xe0: {  	[sflag:s9] =	ssyncset.done $0x0  }
0xe1: {  	s26 =	simm.s32 $0x4580;
	s28 =	simm.s32 $0x1580;
	[sflag:s9] =	ssyncadd.s32 $0xFFFFFF80  }
0xe2: {  	[spmem:s1] =	stream.indirect.scatter.add.f32 [tilespmem:s28], [sflag:$0x1], $0x1, s26, s10, $0xb8;
	[tilespmem:$0x5C00] =	vst v63  }
0xe3: {  	_ =	swait.ge [sflag:s9], $0x80  }
0xe4: {  	[sflag:s9] =	ssyncset.done $0x0  }
0xe5: {  	s26 =	simm.s32 $0x4600;
	s28 =	simm.s32 $0x1600;
	[sflag:s9] =	ssyncadd.s32 $0xFFFFFF80  }
0xe6: {  	[spmem:s1] =	stream.indirect.scatter.add.f32 [tilespmem:s28], [sflag:$0x1], $0x1, s26, s10, $0xb8;
	[tilespmem:$0x5C00] =	vst v63  }
0xe7: {  	_ =	swait.ge [sflag:s9], $0x80  }
0xe8: {  	[sflag:s9] =	ssyncset.done $0x0  }
0xe9: {  	s26 =	simm.s32 $0x4680;
	s28 =	simm.s32 $0x1680;
	[sflag:s9] =	ssyncadd.s32 $0xFFFFFF80  }
0xea: {  	[spmem:s1] =	stream.indirect.scatter.add.f32 [tilespmem:s28], [sflag:$0x1], $0x1, s26, s10, $0xb8;
	[tilespmem:$0x5C00] =	vst v63  }
0xeb: {  	_ =	swait.ge [sflag:s9], $0x80  }
0xec: {  	[sflag:s9] =	ssyncset.done $0x0  }
0xed: {  	s26 =	simm.s32 $0x4700;
	s28 =	simm.s32 $0x1700;
	[sflag:s9] =	ssyncadd.s32 $0xFFFFFF80  }
0xee: {  	[spmem:s1] =	stream.indirect.scatter.add.f32 [tilespmem:s28], [sflag:$0x1], $0x1, s26, s10, $0xb8;
	[tilespmem:$0x5C00] =	vst v63  }
0xef: {  	_ =	swait.ge [sflag:s9], $0x80  }
0xf0: {  	[sflag:s9] =	ssyncset.done $0x0  }
0xf1: {  	s26 =	simm.s32 $0x4780;
	s28 =	simm.s32 $0x1780;
	[sflag:s9] =	ssyncadd.s32 $0xFFFFFF80  }
0xf2: {  	[spmem:s1] =	stream.indirect.scatter.add.f32 [tilespmem:s28], [sflag:$0x1], $0x1, s26, s10, $0xb8;
	[tilespmem:$0x5C00] =	vst v63  }
0xf3: {  	_ =	swait.ge [sflag:s9], $0x80  }
0xf4: {  	[sflag:s9] =	ssyncset.done $0x0  }
0xf5: {  	s26 =	simm.s32 $0x4800;
	s28 =	simm.s32 $0x1800;
	[sflag:s9] =	ssyncadd.s32 $0xFFFFFF80  }
0xf6: {  	[spmem:s1] =	stream.indirect.scatter.add.f32 [tilespmem:s28], [sflag:$0x1], $0x1, s26, s10, $0xb8;
	[tilespmem:$0x5C00] =	vst v63  }
0xf7: {  	_ =	swait.ge [sflag:s9], $0x80  }
0xf8: {  	[sflag:s9] =	ssyncset.done $0x0  }
0xf9: {  	s26 =	simm.s32 $0x4880;
	s28 =	simm.s32 $0x1880;
	[sflag:s9] =	ssyncadd.s32 $0xFFFFFF80  }
0xfa: {  	[spmem:s1] =	stream.indirect.scatter.add.f32 [tilespmem:s28], [sflag:$0x1], $0x1, s26, s10, $0xb8;
	[tilespmem:$0x5C00] =	vst v63  }
0xfb: {  	_ =	swait.ge [sflag:s9], $0x80  }
0xfc: {  	[sflag:s9] =	ssyncset.done $0x0  }
0xfd: {  	s26 =	simm.s32 $0x4900;
	s28 =	simm.s32 $0x1900;
	[sflag:s9] =	ssyncadd.s32 $0xFFFFFF80  }
0xfe: {  	[spmem:s1] =	stream.indirect.scatter.add.f32 [tilespmem:s28], [sflag:$0x1], $0x1, s26, s10, $0xb8;
	[tilespmem:$0x5C00] =	vst v63  }
0xff: {  	_ =	swait.ge [sflag:s9], $0x80  }
0x100: {  	[sflag:s9] =	ssyncset.done $0x0  }
0x101: {  	s26 =	simm.s32 $0x4980;
	s28 =	simm.s32 $0x1980;
	[sflag:s9] =	ssyncadd.s32 $0xFFFFFF80  }
0x102: {  	[spmem:s1] =	stream.indirect.scatter.add.f32 [tilespmem:s28], [sflag:$0x1], $0x1, s26, s10, $0xb8;
	[tilespmem:$0x5C00] =	vst v63  }
0x103: {  	_ =	swait.ge [sflag:s9], $0x80  }
0x104: {  	[sflag:s9] =	ssyncset.done $0x0  }
0x105: {  	s26 =	simm.s32 $0x4A00;
	s28 =	simm.s32 $0x1A00;
	[sflag:s9] =	ssyncadd.s32 $0xFFFFFF80  }
0x106: {  	[spmem:s1] =	stream.indirect.scatter.add.f32 [tilespmem:s28], [sflag:$0x1], $0x1, s26, s10, $0xb8;
	[tilespmem:$0x5C00] =	vst v63  }
0x107: {  	_ =	swait.ge [sflag:s9], $0x80  }
0x108: {  	[sflag:s9] =	ssyncset.done $0x0  }
0x109: {  	s26 =	simm.s32 $0x4A80;
	s28 =	simm.s32 $0x1A80;
	[sflag:s9] =	ssyncadd.s32 $0xFFFFFF80  }
0x10a: {  	[spmem:s1] =	stream.indirect.scatter.add.f32 [tilespmem:s28], [sflag:$0x1], $0x1, s26, s10, $0xb8;
	[tilespmem:$0x5C00] =	vst v63  }
0x10b: {  	_ =	swait.ge [sflag:s9], $0x80  }
0x10c: {  	[sflag:s9] =	ssyncset.done $0x0  }
0x10d: {  	s26 =	simm.s32 $0x4B00;
	s28 =	simm.s32 $0x1B00;
	[sflag:s9] =	ssyncadd.s32 $0xFFFFFF80  }
0x10e: {  	[spmem:s1] =	stream.indirect.scatter.add.f32 [tilespmem:s28], [sflag:$0x1], $0x1, s26, s10, $0xb8;
	[tilespmem:$0x5C00] =	vst v63  }
0x10f: {  	_ =	swait.ge [sflag:s9], $0x80  }
0x110: {  	[sflag:s9] =	ssyncset.done $0x0  }
0x111: {  	s26 =	simm.s32 $0x4B80;
	s28 =	simm.s32 $0x1B80;
	[sflag:s9] =	ssyncadd.s32 $0xFFFFFF80  }
0x112: {  	[spmem:s1] =	stream.indirect.scatter.add.f32 [tilespmem:s28], [sflag:$0x1], $0x1, s26, s10, $0xb8;
	[tilespmem:$0x5C00] =	vst v63  }
0x113: {  	_ =	swait.ge [sflag:s9], $0x80  }
0x114: {  	[sflag:s9] =	ssyncset.done $0x0  }
0x115: {  	s26 =	simm.s32 $0x4C00;
	s28 =	simm.s32 $0x1C00;
	[sflag:s9] =	ssyncadd.s32 $0xFFFFFF80  }
0x116: {  	[spmem:s1] =	stream.indirect.scatter.add.f32 [tilespmem:s28], [sflag:$0x1], $0x1, s26, s10, $0xb8;
	[tilespmem:$0x5C00] =	vst v63  }
0x117: {  	_ =	swait.ge [sflag:s9], $0x80  }
0x118: {  	[sflag:s9] =	ssyncset.done $0x0  }
0x119: {  	s26 =	simm.s32 $0x4C80;
	s28 =	simm.s32 $0x1C80;
	[sflag:s9] =	ssyncadd.s32 $0xFFFFFF80  }
0x11a: {  	[spmem:s1] =	stream.indirect.scatter.add.f32 [tilespmem:s28], [sflag:$0x1], $0x1, s26, s10, $0xb8;
	[tilespmem:$0x5C00] =	vst v63  }
0x11b: {  	_ =	swait.ge [sflag:s9], $0x80  }
0x11c: {  	[sflag:s9] =	ssyncset.done $0x0  }
0x11d: {  	s26 =	simm.s32 $0x4D00;
	s28 =	simm.s32 $0x1D00;
	[sflag:s9] =	ssyncadd.s32 $0xFFFFFF80  }
0x11e: {  	[spmem:s1] =	stream.indirect.scatter.add.f32 [tilespmem:s28], [sflag:$0x1], $0x1, s26, s10, $0xb8;
	[tilespmem:$0x5C00] =	vst v63  }
0x11f: {  	_ =	swait.ge [sflag:s9], $0x80  }
0x120: {  	[sflag:s9] =	ssyncset.done $0x0  }
0x121: {  	s26 =	simm.s32 $0x4D80;
	s28 =	simm.s32 $0x1D80;
	[sflag:s9] =	ssyncadd.s32 $0xFFFFFF80  }
0x122: {  	[spmem:s1] =	stream.indirect.scatter.add.f32 [tilespmem:s28], [sflag:$0x1], $0x1, s26, s10, $0xb8;
	[tilespmem:$0x5C00] =	vst v63  }
0x123: {  	_ =	swait.ge [sflag:s9], $0x80  }
0x124: {  	[sflag:s9] =	ssyncset.done $0x0  }
0x125: {  	s26 =	simm.s32 $0x4E00;
	s28 =	simm.s32 $0x1E00;
	[sflag:s9] =	ssyncadd.s32 $0xFFFFFF80  }
0x126: {  	[spmem:s1] =	stream.indirect.scatter.add.f32 [tilespmem:s28], [sflag:$0x1], $0x1, s26, s10, $0xb8;
	[tilespmem:$0x5C00] =	vst v63  }
0x127: {  	_ =	swait.ge [sflag:s9], $0x80  }
0x128: {  	[sflag:s9] =	ssyncset.done $0x0  }
0x129: {  	s26 =	simm.s32 $0x4E80;
	s28 =	simm.s32 $0x1E80;
	[sflag:s9] =	ssyncadd.s32 $0xFFFFFF80  }
0x12a: {  	[spmem:s1] =	stream.indirect.scatter.add.f32 [tilespmem:s28], [sflag:$0x1], $0x1, s26, s10, $0xb8;
	[tilespmem:$0x5C00] =	vst v63  }
0x12b: {  	_ =	swait.ge [sflag:s9], $0x80  }
0x12c: {  	[sflag:s9] =	ssyncset.done $0x0  }
0x12d: {  	s26 =	simm.s32 $0x4F00;
	s28 =	simm.s32 $0x1F00;
	[sflag:s9] =	ssyncadd.s32 $0xFFFFFF80  }
0x12e: {  	[spmem:s1] =	stream.indirect.scatter.add.f32 [tilespmem:s28], [sflag:$0x1], $0x1, s26, s10, $0xb8;
	[tilespmem:$0x5C00] =	vst v63  }
0x12f: {  	_ =	swait.ge [sflag:s9], $0x80  }
0x130: {  	[sflag:s9] =	ssyncset.done $0x0  }
0x131: {  	s26 =	simm.s32 $0x4F80;
	s28 =	simm.s32 $0x1F80;
	[sflag:s9] =	ssyncadd.s32 $0xFFFFFF80  }
0x132: {  	[spmem:s1] =	stream.indirect.scatter.add.f32 [tilespmem:s28], [sflag:$0x1], $0x1, s26, s10, $0xb8;
	[tilespmem:$0x5C00] =	vst v63  }
0x133: {  	_ =	swait.ge [sflag:s9], $0x80  }
0x134: {  	[sflag:s9] =	ssyncset.done $0x0  }
0x135: {  	s26 =	simm.s32 $0x5000;
	s28 =	simm.s32 $0x2000;
	[sflag:s9] =	ssyncadd.s32 $0xFFFFFF80  }
0x136: {  	[spmem:s1] =	stream.indirect.scatter.add.f32 [tilespmem:s28], [sflag:$0x1], $0x1, s26, s10, $0xb8;
	[tilespmem:$0x5C00] =	vst v63  }
0x137: {  	_ =	swait.ge [sflag:s9], $0x80  }
0x138: {  	[sflag:s9] =	ssyncset.done $0x0  }
0x139: {  	s26 =	simm.s32 $0x5080;
	s28 =	simm.s32 $0x2080;
	[sflag:s9] =	ssyncadd.s32 $0xFFFFFF80  }
0x13a: {  	[spmem:s1] =	stream.indirect.scatter.add.f32 [tilespmem:s28], [sflag:$0x1], $0x1, s26, s10, $0xb8;
	[tilespmem:$0x5C00] =	vst v63  }
0x13b: {  	_ =	swait.ge [sflag:s9], $0x80  }
0x13c: {  	[sflag:s9] =	ssyncset.done $0x0  }
0x13d: {  	s26 =	simm.s32 $0x5100;
	s28 =	simm.s32 $0x2100;
	[sflag:s9] =	ssyncadd.s32 $0xFFFFFF80  }
0x13e: {  	[spmem:s1] =	stream.indirect.scatter.add.f32 [tilespmem:s28], [sflag:$0x1], $0x1, s26, s10, $0xb8;
	[tilespmem:$0x5C00] =	vst v63  }
0x13f: {  	_ =	swait.ge [sflag:s9], $0x80  }
0x140: {  	[sflag:s9] =	ssyncset.done $0x0  }
0x141: {  	s26 =	simm.s32 $0x5180;
	s28 =	simm.s32 $0x2180;
	[sflag:s9] =	ssyncadd.s32 $0xFFFFFF80  }
0x142: {  	[spmem:s1] =	stream.indirect.scatter.add.f32 [tilespmem:s28], [sflag:$0x1], $0x1, s26, s10, $0xb8;
	[tilespmem:$0x5C00] =	vst v63  }
0x143: {  	_ =	swait.ge [sflag:s9], $0x80  }
0x144: {  	[sflag:s9] =	ssyncset.done $0x0  }
0x145: {  	s26 =	simm.s32 $0x5200;
	s28 =	simm.s32 $0x2200;
	[sflag:s9] =	ssyncadd.s32 $0xFFFFFF80  }
0x146: {  	[spmem:s1] =	stream.indirect.scatter.add.f32 [tilespmem:s28], [sflag:$0x1], $0x1, s26, s10, $0xb8;
	[tilespmem:$0x5C00] =	vst v63  }
0x147: {  	_ =	swait.ge [sflag:s9], $0x80  }
0x148: {  	[sflag:s9] =	ssyncset.done $0x0  }
0x149: {  	s26 =	simm.s32 $0x5280;
	s28 =	simm.s32 $0x2280;
	[sflag:s9] =	ssyncadd.s32 $0xFFFFFF80  }
0x14a: {  	[spmem:s1] =	stream.indirect.scatter.add.f32 [tilespmem:s28], [sflag:$0x1], $0x1, s26, s10, $0xb8;
	[tilespmem:$0x5C00] =	vst v63  }
0x14b: {  	_ =	swait.ge [sflag:s9], $0x80  }
0x14c: {  	[sflag:s9] =	ssyncset.done $0x0  }
0x14d: {  	s26 =	simm.s32 $0x5300;
	s28 =	simm.s32 $0x2300;
	[sflag:s9] =	ssyncadd.s32 $0xFFFFFF80  }
0x14e: {  	[spmem:s1] =	stream.indirect.scatter.add.f32 [tilespmem:s28], [sflag:$0x1], $0x1, s26, s10, $0xb8;
	[tilespmem:$0x5C00] =	vst v63  }
0x14f: {  	_ =	swait.ge [sflag:s9], $0x80  }
0x150: {  	[sflag:s9] =	ssyncset.done $0x0  }
0x151: {  	s25 =	simm.s32 $0x5380;
	s26 =	simm.s32 $0x2380;
	[sflag:s9] =	ssyncadd.s32 $0xFFFFFF80  }
0x152: {  	[spmem:s1] =	stream.indirect.scatter.add.f32 [tilespmem:s26], [sflag:$0x1], $0x1, s25, s10, $0xb8;
	[tilespmem:$0x5C00] =	vst v63  }
0x153: {  	_ =	swait.ge [sflag:s9], $0x80  }
0x154: {  	[sflag:s9] =	ssyncset.done $0x0  }
0x155: {  	s28 =	simm.s32 $0x5400;
	[sflag:s9] =	ssyncadd.s32 $0xFFFFFF80  }
0x156: {  	[spmem:s1] =	stream.indirect.scatter.add.f32 [tilespmem:s29], [sflag:$0x1], $0x1, s28, s10, $0xb8;
	[tilespmem:$0x5C00] =	vst v63  }
0x157: {  	_ =	swait.ge [sflag:s9], $0x80  }
0x158: {  	[sflag:s9] =	ssyncset.done $0x0  }
0x159: {  	[sflag:s9] =	ssyncadd.s32 $0xFFFFFF80  }
0x15a: {  	[spmem:s1] =	stream.indirect.scatter.add.f32 [tilespmem:s31], [sflag:$0x1], $0x1, s30, s10, $0xb8;
	[tilespmem:$0x5C00] =	vst v63  }
0x15b: {  	_ =	swait.ge [sflag:s9], $0x80  }
0x15c: {  	[sflag:s9] =	ssyncset.done $0x0  }
0x15d: {  	[sflag:s9] =	ssyncadd.s32 $0xFFFFFF80  }
0x15e: {  	[spmem:s1] =	stream.indirect.scatter.add.f32 [tilespmem:s11], [sflag:$0x1], $0x1, s0, s10, $0xb8;
	[tilespmem:$0x5C00] =	vst v63  }
0x15f: {  	_ =	swait.ge [sflag:s9], $0x80  }
0x160: {  	[sflag:s9] =	ssyncset.done $0x0  }
0x161: {  	[sflag:s9] =	ssyncadd.s32 $0xFFFFFF80  }
0x162: {  	[spmem:s1] =	stream.indirect.scatter.add.f32 [tilespmem:s13], [sflag:$0x1], $0x1, s12, s10, $0xb8;
	[tilespmem:$0x5C00] =	vst v63  }
0x163: {  	_ =	swait.ge [sflag:s9], $0x80  }
0x164: {  	[sflag:s9] =	ssyncset.done $0x0  }
0x165: {  	[sflag:s9] =	ssyncadd.s32 $0xFFFFFF80  }
0x166: {  	[spmem:s1] =	stream.indirect.scatter.add.f32 [tilespmem:s15], [sflag:$0x1], $0x1, s14, s10, $0xb8;
	[tilespmem:$0x5C00] =	vst v63  }
0x167: {  	_ =	swait.ge [sflag:s9], $0x80  }
0x168: {  	[sflag:s9] =	ssyncset.done $0x0  }
0x169: {  	[sflag:s9] =	ssyncadd.s32 $0xFFFFFF80  }
0x16a: {  	[spmem:s1] =	stream.indirect.scatter.add.f32 [tilespmem:s17], [sflag:$0x1], $0x1, s16, s10, $0xb8;
	[tilespmem:$0x5C00] =	vst v63  }
0x16b: {  	_ =	swait.ge [sflag:s9], $0x80  }
0x16c: {  	[sflag:s9] =	ssyncset.done $0x0  }
0x16d: {  	[sflag:s9] =	ssyncadd.s32 $0xFFFFFF80  }
0x16e: {  	[spmem:s1] =	stream.indirect.scatter.add.f32 [tilespmem:s19], [sflag:$0x1], $0x1, s18, s10, $0xb8;
	[tilespmem:$0x5C00] =	vst v63  }
0x16f: {  	_ =	swait.ge [sflag:s9], $0x80  }
0x170: {  	[sflag:s9] =	ssyncset.done $0x0  }
0x171: {  	[sflag:s9] =	ssyncadd.s32 $0xFFFFFF80  }
0x172: {  	[spmem:s1] =	stream.indirect.scatter.add.f32 [tilespmem:s21], [sflag:$0x1], $0x1, s20, s10, $0xb8;
	[tilespmem:$0x5C00] =	vst v63  }
0x173: {  	_ =	swait.ge [sflag:s9], $0x80  }
0x174: {  	[sflag:s9] =	ssyncset.done $0x0  }
0x175: {  	[sflag:s9] =	ssyncadd.s32 $0xFFFFFF80  }
0x176: {  	[bflag:$0x0] =	sbarrier.arrive $0xFFFF  }
0x177: {  	[tilespmem:s22], [sflag:$0x1] =	stream.linear.gather [spmem:s5], $0x140, $0x38;
	[tilespmem:$0x5C00] =	vst v63  }
0x178: {  	_ =	swait.ge [sflag:s9], $0x140  }
0x179: {  	[sflag:s9] =	ssyncset.done $0x0  }
0x17a: {  	s24 =	simm.s32 $0x0;
	s25 =	simm.s32 $0x40;
	[sflag:s9] =	ssyncadd.s32 $0xFFFFFEC0  }
.LBB2_10:
0x17b: {  	p1 =	sne.s32 s25, $0x4C0;
	v3 =	vld [tilespmem:s24+$0x5800];
	_ =	sdelay $0x4  }
0x17c: {  	v3 =	vadd.f32 $1.000000000e+00, v3;
	_ =	sdelay $0x1  }
0x17d: {  	v4 =	vshrl.u32 v3, $0x1;
	v3 =	vmul.f32 $5.000000000e-01, v3  }
0x17e: {  	v4 =	vsub.s32 $0x5F3759DF, v4  }
0x17f: {  	v5 =	vmul.f32 v4, v3;
	_ =	sdelay $0x1  }
0x180: {  	v5 =	vmul.f32 v4, v5;
	_ =	sdelay $0x1  }
0x181: {  	v5 =	vsub.f32 $1.500000000e+00, v5;
	_ =	sdelay $0x1  }
0x182: {  	v4 =	vmul.f32 v4, v5;
	_ =	sdelay $0x1  }
0x183: {  	v5 =	vmul.f32 v4, v3;
	_ =	sdelay $0x1  }
0x184: {  	v5 =	vmul.f32 v5, v4;
	_ =	sdelay $0x1  }
0x185: {  	v5 =	vsub.f32 $1.500000000e+00, v5;
	_ =	sdelay $0x1  }
0x186: {  	v4 =	vmul.f32 v5, v4;
	_ =	sdelay $0x1  }
0x187: {  	v5 =	vmul.f32 v4, v3;
	_ =	sdelay $0x1  }
0x188: {  	v5 =	vmul.f32 v5, v4;
	_ =	sdelay $0x1  }
0x189: {  	v5 =	vsub.f32 $1.500000000e+00, v5;
	_ =	sdelay $0x1  }
0x18a: {  	v4 =	vmul.f32 v5, v4;
	_ =	sdelay $0x1  }
0x18b: {  	v3 =	vmul.f32 v4, v3;
	_ =	sdelay $0x1  }
0x18c: {  	v3 =	vmul.f32 v3, v4;
	_ =	sdelay $0x1  }
.Ltmp4:
0x18d: {  	v3 =	vsub.f32 $1.500000000e+00, v3;
	(pc) =	sbr.rel @p1 .LBB2_10-.Ltmp4, $3  }
0x18e: {  	_ = 	snop  }
0x18f: {  	v3 =	vmul.f32 v3, v4;
	_ =	sdelay $0x1  }
0x190: {  	[tilespmem:s24+$0x5800] =	vst v3;
	s24 =	sshra.s32 s25, $0x2;
	s25 =	sadd.s32 $0x40, s25  }
0x191: {  	v3 =	vld [tilespmem:s24+$0x5800];
	_ =	sdelay $0x4  }
0x192: {  	v3 =	vadd.f32 $1.000000000e+00, v3;
	_ =	sdelay $0x1  }
0x193: {  	v4 =	vshrl.u32 v3, $0x1;
	v3 =	vmul.f32 $5.000000000e-01, v3  }
0x194: {  	v4 =	vsub.s32 $0x5F3759DF, v4  }
0x195: {  	v5 =	vmul.f32 v4, v3;
	_ =	sdelay $0x1  }
0x196: {  	v5 =	vmul.f32 v4, v5;
	_ =	sdelay $0x1  }
0x197: {  	v5 =	vsub.f32 $1.500000000e+00, v5;
	_ =	sdelay $0x1  }
0x198: {  	v4 =	vmul.f32 v4, v5;
	_ =	sdelay $0x1  }
0x199: {  	v5 =	vmul.f32 v4, v3;
	_ =	sdelay $0x1  }
0x19a: {  	v5 =	vmul.f32 v5, v4;
	_ =	sdelay $0x1  }
0x19b: {  	v5 =	vsub.f32 $1.500000000e+00, v5;
	_ =	sdelay $0x1  }
0x19c: {  	v4 =	vmul.f32 v5, v4;
	_ =	sdelay $0x1  }
0x19d: {  	v5 =	vmul.f32 v4, v3;
	_ =	sdelay $0x1  }
0x19e: {  	v5 =	vmul.f32 v5, v4;
	_ =	sdelay $0x1  }
0x19f: {  	v5 =	vsub.f32 $1.500000000e+00, v5;
	_ =	sdelay $0x1  }
0x1a0: {  	v4 =	vmul.f32 v5, v4;
	_ =	sdelay $0x1  }
0x1a1: {  	v3 =	vmul.f32 v4, v3;
	_ =	sdelay $0x1  }
0x1a2: {  	v3 =	vmul.f32 v3, v4;
	_ =	sdelay $0x1  }
0x1a3: {  	v3 =	vsub.f32 $1.500000000e+00, v3;
	_ =	sdelay $0x1  }
0x1a4: {  	s23 =	sadd.s32 $0x1, s23;
	v3 =	vmul.f32 v3, v4  }
0x1a5: {  	p1 =	sne.s32 s23, s7  }
.Ltmp5:
0x1a6: {  	[tilespmem:s24+$0x5800] =	vst v3;
	(pc) =	sbr.rel @p1 .LBB2_1-.Ltmp5, $4  }
0x1a7: {  	[hbm4b:s6+s2] =	stream.linear.scatter [tilespmem:s22], [sflag:$0x1], $0x140, $0x38;
	[tilespmem:$0x5C00] =	vst v63  }
0x1a8: {  	_ =	swait.ge [sflag:s9], $0x140  }
0x1a9: {  	[sflag:s9] =	ssyncset.done $0x0  }
0x1aa: {  	[sflag:s9] =	ssyncadd.s32 $0xFFFFFEC0  }
0x1ab: {  	_ =	sfence.sel $0x180000  }
0x1ac: {  	[bflag:$0x0] =	sbarrier.arrive $0xFFFF  }
0x1ad: {  	_ =	strace $0x90000047  }
0x1ae: {  	[bflag:$0x2] =	sbarrier.arrive $0xFFFF  }
0x1af: {  	s0 =	rddreg [dreg:$0x2]  }
0x1b0: {  	s0 =	sadd.s32 @!p0 $0x100000, s0  }
0x1b1: {  	[sflag:s0] =	ssyncadd.tile.s32 @!p0 $0x1;
	_ =	shalt  }
.Lfunc_end2:
_tile_overlayer_lowered:
.L_overlay_start_2:
0x1b2: {  	(tag) =	ssettag $0x2  }
0x1b3: {  	s0 =	rddreg [dreg:$0x0];
	s2 =	stileid.u32  }
0x1b4: {  	s1 =	rddreg [dreg:$0x1];
	p0 =	sne.s32 s2, $0x0  }
0x1b5: {  	s3 =	rddreg [dreg:$0x2];
	[bflag:$0x3] =	sbarrier.arrive $0xFFFF;
	s2 =	simm.s32 @!p0 $0x1C01  }
0x1b6: {  	[timem:s3], [sflag:s2] =	dma.local @!p0 [hbm:s0], s1  }
0x1b7: {  	s0 =	simm.s32 @!p0 $0x1  }
0x1b8: {  	_ =	swait.ge @!p0 [sflag:s0], s1  }
0x1b9: {  	s1 =	ssub.s32 @!p0 $0x0, s1;
	[sflag:s0] =	ssyncset.done @!p0 $0x0  }
0x1ba: {  	[sflag:s0] =	ssyncadd.s32 @!p0 s1  }
0x1bb: {  	[bflag:$0x3] =	sbarrier.arrive $0xFFFF  }
0x1bc: {  	_ =	shalt  }

</sc_bundles>
